<compile_context>
chip_gen: v7x
topology: tpu7x:2x2x1
jax: 0.10.2.dev20260603
libtpu: 0.0.44.dev20260713+nightly
codegen_flags: <defaults>
</compile_context>

<pallas_src>
import functools

import jax
import jax.numpy as jnp
from jax import lax
from jax.experimental import pallas as pl
from jax.experimental.pallas import tpu as pltpu
from jax.experimental.pallas import tpu_sc as plsc

N = 10000
R = 10240
E = 320000
DF = 128
NW = 32
CH = 128
NCH = 79
EW = NCH * CH
EP = NW * EW
NCHC = 2 * NCH
EWC = NCHC * CH
STR = R // 16
BR = 256
NBLK = R // BR

NB = 6
LA = 5


def _sc_mesh():
    return plsc.VectorSubcoreMesh(core_axis_name="c", subcore_axis_name="s")


def _run_chunk_loop(nch, g_start, g_wait, scatter):

    def step(b, j, do_gstart):
        g_wait(b, j)
        scatter(b, j)
        if do_gstart:
            g_start((b + LA) % NB, j + LA)

    for b in range(LA):
        g_start(b, b)
    for j in range(NB):
        step(j % NB, j, do_gstart=j + LA < nch)

    def block(q, carry):
        j0 = q * NB
        for b in range(NB):
            j = j0 + b
            g_wait(b, j)
            scatter(b, j)

            @pl.when(j + LA < nch)
            def _():
                g_start((b + LA) % NB, j + LA)
        return carry

    lax.fori_loop(1, nch // NB, block, 0)
    for j in range(NB * (nch // NB), nch):
        step(j % NB, j, do_gstart=j + LA < nch)


def _make_deg_kernel():

    @functools.partial(
        pl.kernel,
        mesh=_sc_mesh(),
        out_type=jax.ShapeDtypeStruct((2, R, 16), jnp.float32),
        scratch_types=[
            pltpu.VMEM((NCH, CH), jnp.int32),
            pltpu.VMEM((CH, 16), jnp.float32),
            pltpu.VMEM_SHARED((R, 16), jnp.float32),
        ],
        compiler_params=pltpu.CompilerParams(use_tc_tiling_on_sc=False),
    )
    def deg_kernel(dst_hbm, z_hbm, ones_hbm, out_hbm, dst_v, ones_v, acc):
        c = lax.axis_index("c")
        s = lax.axis_index("s")
        w = s * 2 + c
        pltpu.sync_copy(z_hbm.at[pl.ds(s * STR, STR)], acc.at[pl.ds(s * STR, STR)])
        pltpu.sync_copy(dst_hbm.at[w], dst_v)
        pltpu.sync_copy(ones_hbm, ones_v)
        plsc.subcore_barrier()

        def body(j, carry):
            pltpu.sync_copy(ones_v, acc.at[dst_v.at[j]], add=True)
            return carry

        lax.fori_loop(0, NCH, body, 0)
        plsc.subcore_barrier()
        pltpu.sync_copy(acc.at[pl.ds(s * STR, STR)],
                        out_hbm.at[c, pl.ds(s * STR, STR)])

    return deg_kernel


def _make_aggr_col_kernel(d2):

    @functools.partial(
        pl.kernel,
        mesh=_sc_mesh(),
        out_type=[jax.ShapeDtypeStruct((R, d2), jnp.float32),
                  jax.ShapeDtypeStruct((R, d2), jnp.float32)],
        scratch_types=[
            pltpu.VMEM((EWC,), jnp.int32),
            pltpu.VMEM((NCHC, CH), jnp.int32),
            [pltpu.VMEM((CH, d2), jnp.float32)] * NB,
            [pltpu.SemaphoreType.DMA] * NB,
            pltpu.VMEM_SHARED((R, d2), jnp.float32),
            pltpu.VMEM_SHARED((R, d2), jnp.float32),
        ],
        compiler_params=pltpu.CompilerParams(use_tc_tiling_on_sc=False),
    )
    def aggr_kernel(lo_hbm, hi_hbm, src_hbm, dst_hbm, z_hbm, out_lo, out_hi,
                    src_v, dst_v, rings, gsems, acc, hs_sh):
        c = lax.axis_index("c")
        s = lax.axis_index("s")

        @pl.when(c == 0)
        def _():
            pltpu.sync_copy(lo_hbm.at[pl.ds(s * STR, STR)],
                            hs_sh.at[pl.ds(s * STR, STR)])

        @pl.when(c == 1)
        def _():
            pltpu.sync_copy(hi_hbm.at[pl.ds(s * STR, STR)],
                            hs_sh.at[pl.ds(s * STR, STR)])

        pltpu.sync_copy(z_hbm.at[pl.ds(s * STR, STR)], acc.at[pl.ds(s * STR, STR)])
        pltpu.sync_copy(src_hbm.at[pl.ds(s * EWC, EWC)], src_v)
        pltpu.sync_copy(dst_hbm.at[s], dst_v)
        plsc.subcore_barrier()

        def g_start(b, j):
            pltpu.async_copy(hs_sh.at[src_v.at[pl.ds(j * CH, CH)]],
                             rings[b], gsems[b])

        def g_wait(b, j):
            pltpu.make_async_copy(hs_sh.at[src_v.at[pl.ds(j * CH, CH)]],
                                  rings[b], gsems[b]).wait()

        def scatter(b, j):
            pltpu.sync_copy(rings[b], acc.at[dst_v.at[j]], add=True)

        _run_chunk_loop(NCHC, g_start, g_wait, scatter)
        plsc.subcore_barrier()

        @pl.when(c == 0)
        def _():
            pltpu.sync_copy(acc.at[pl.ds(s * STR, STR)],
                            out_lo.at[pl.ds(s * STR, STR)])

        @pl.when(c == 1)
        def _():
            pltpu.sync_copy(acc.at[pl.ds(s * STR, STR)],
                            out_hi.at[pl.ds(s * STR, STR)])

    return aggr_kernel


def _make_aggr_edge_kernel(d):

    @functools.partial(
        pl.kernel,
        mesh=_sc_mesh(),
        out_type=jax.ShapeDtypeStruct((2, R, d), jnp.float32),
        scratch_types=[
            pltpu.VMEM((EW,), jnp.int32),
            pltpu.VMEM((NCH, CH), jnp.int32),
            [pltpu.VMEM((CH, d), jnp.float32)] * NB,
            [pltpu.SemaphoreType.DMA] * NB,
            pltpu.VMEM_SHARED((R, d), jnp.float32),
            pltpu.VMEM_SHARED((R, d), jnp.float32),
        ],
        compiler_params=pltpu.CompilerParams(use_tc_tiling_on_sc=False),
    )
    def aggr_kernel(hs_hbm, src_hbm, dst_hbm, z_hbm, out_hbm,
                    src_v, dst_v, rings, gsems, acc, hs_sh):
        c = lax.axis_index("c")
        s = lax.axis_index("s")
        w = s * 2 + c
        pltpu.sync_copy(hs_hbm.at[pl.ds(s * STR, STR)],
                        hs_sh.at[pl.ds(s * STR, STR)])
        pltpu.sync_copy(z_hbm.at[pl.ds(s * STR, STR)], acc.at[pl.ds(s * STR, STR)])
        pltpu.sync_copy(src_hbm.at[pl.ds(w * EW, EW)], src_v)
        pltpu.sync_copy(dst_hbm.at[w], dst_v)
        plsc.subcore_barrier()

        def g_start(b, j):
            pltpu.async_copy(hs_sh.at[src_v.at[pl.ds(j * CH, CH)]],
                             rings[b], gsems[b])

        def g_wait(b, j):
            pltpu.make_async_copy(hs_sh.at[src_v.at[pl.ds(j * CH, CH)]],
                                  rings[b], gsems[b]).wait()

        def scatter(b, j):
            pltpu.sync_copy(rings[b], acc.at[dst_v.at[j]], add=True)

        _run_chunk_loop(NCH, g_start, g_wait, scatter)
        plsc.subcore_barrier()
        pltpu.sync_copy(acc.at[pl.ds(s * STR, STR)],
                        out_hbm.at[c, pl.ds(s * STR, STR)])

    return aggr_kernel


def _tc_first(x_pad, w1, deg_parts):

    def body(d0_ref, d1_ref, x_ref, w_ref, lo_ref, hi_ref, dinv_ref):
        deg = d0_ref[:, 0:1] + d1_ref[:, 0:1] + 1.0
        dinv = lax.rsqrt(deg)
        h = jnp.dot(x_ref[...], w_ref[...], preferred_element_type=jnp.float32)
        hs = h * dinv
        lo_ref[...] = hs[:, :32]
        hi_ref[...] = hs[:, 32:]
        dinv_ref[...] = dinv

    return pl.pallas_call(
        body,
        grid=(NBLK,),
        in_specs=[
            pl.BlockSpec((BR, 16), lambda i: (i, 0)),
            pl.BlockSpec((BR, 16), lambda i: (i, 0)),
            pl.BlockSpec((BR, DF), lambda i: (i, 0)),
            pl.BlockSpec((DF, 64), lambda i: (0, 0)),
        ],
        out_specs=[
            pl.BlockSpec((BR, 32), lambda i: (i, 0)),
            pl.BlockSpec((BR, 32), lambda i: (i, 0)),
            pl.BlockSpec((BR, 1), lambda i: (i, 0)),
        ],
        out_shape=[
            jax.ShapeDtypeStruct((R, 32), jnp.float32),
            jax.ShapeDtypeStruct((R, 32), jnp.float32),
            jax.ShapeDtypeStruct((R, 1), jnp.float32),
        ],
    )(deg_parts[0], deg_parts[1], x_pad, w1)


def _tc_mid(alo, ahi, hlo, hhi, dinv, b, w_next, d, d_next, split_next):
    dh = d // 2
    dn2 = d_next // 2

    def body(alo_ref, ahi_ref, hlo_ref, hhi_ref, dinv_ref, b_ref, w_ref,
             f_ref, *hsn_refs):
        dinv = dinv_ref[...]
        f = jnp.concatenate(
            [alo_ref[...] + hlo_ref[...], ahi_ref[...] + hhi_ref[...]], axis=1)
        f = jnp.maximum(f * dinv + b_ref[...], 0.0)
        f_ref[...] = f
        hsn = jnp.dot(f, w_ref[...], preferred_element_type=jnp.float32) * dinv
        if split_next:
            hsn_refs[0][...] = hsn[:, :dn2]
            hsn_refs[1][...] = hsn[:, dn2:]
        else:
            hsn_refs[0][...] = hsn

    nout = [jax.ShapeDtypeStruct((R, dn2), jnp.float32)] * 2 if split_next \
        else [jax.ShapeDtypeStruct((R, d_next), jnp.float32)]
    nspec = [pl.BlockSpec((BR, dn2), lambda i: (i, 0))] * 2 if split_next \
        else [pl.BlockSpec((BR, d_next), lambda i: (i, 0))]

    return pl.pallas_call(
        body,
        grid=(NBLK,),
        in_specs=[
            pl.BlockSpec((BR, dh), lambda i: (i, 0)),
            pl.BlockSpec((BR, dh), lambda i: (i, 0)),
            pl.BlockSpec((BR, dh), lambda i: (i, 0)),
            pl.BlockSpec((BR, dh), lambda i: (i, 0)),
            pl.BlockSpec((BR, 1), lambda i: (i, 0)),
            pl.BlockSpec((1, d), lambda i: (0, 0)),
            pl.BlockSpec((d, d_next), lambda i: (0, 0)),
        ],
        out_specs=[pl.BlockSpec((BR, d), lambda i: (i, 0))] + nspec,
        out_shape=[jax.ShapeDtypeStruct((R, d), jnp.float32)] + nout,
    )(alo, ahi, hlo, hhi, dinv, b, w_next)


def _tc_last(parts, hs3, dinv, b3, f1, f2, wfc1, wfc2, wfc3, bfc):

    def body(p0_ref, p1_ref, hs_ref, dinv_ref, b3_ref, f1_ref, f2_ref,
             w1_ref, w2_ref, w3_ref, bfc_ref, out_ref):
        f3 = (p0_ref[...] + p1_ref[...] + hs_ref[...]) * dinv_ref[...] + b3_ref[...]
        f3 = jnp.maximum(f3, 0.0)
        acc = jnp.dot(f1_ref[...], w1_ref[...], preferred_element_type=jnp.float32)
        acc += jnp.dot(f2_ref[...], w2_ref[...], preferred_element_type=jnp.float32)
        acc += jnp.dot(f3, w3_ref[...], preferred_element_type=jnp.float32)
        out_ref[...] = jnp.maximum(acc + bfc_ref[...], 0.0)

    return pl.pallas_call(
        body,
        grid=(NBLK,),
        in_specs=[
            pl.BlockSpec((BR, 16), lambda i: (i, 0)),
            pl.BlockSpec((BR, 16), lambda i: (i, 0)),
            pl.BlockSpec((BR, 16), lambda i: (i, 0)),
            pl.BlockSpec((BR, 1), lambda i: (i, 0)),
            pl.BlockSpec((1, 16), lambda i: (0, 0)),
            pl.BlockSpec((BR, 64), lambda i: (i, 0)),
            pl.BlockSpec((BR, 32), lambda i: (i, 0)),
            pl.BlockSpec((64, 16), lambda i: (0, 0)),
            pl.BlockSpec((32, 16), lambda i: (0, 0)),
            pl.BlockSpec((16, 16), lambda i: (0, 0)),
            pl.BlockSpec((1, 16), lambda i: (0, 0)),
        ],
        out_specs=pl.BlockSpec((BR, 16), lambda i: (i, 0)),
        out_shape=jax.ShapeDtypeStruct((R, 16), jnp.float32),
    )(parts[0], parts[1], hs3, dinv, b3, f1, f2, wfc1, wfc2, wfc3, bfc)


_deg_kernel = _make_deg_kernel()
_aggr64 = _make_aggr_col_kernel(32)
_aggr32 = _make_aggr_col_kernel(16)
_aggr16 = _make_aggr_edge_kernel(16)


def kernel(edges, features, W1, b1, W2, b2, W3, b3, Wfc, bfc):
    edges = edges.astype(jnp.int32)
    pad = jnp.full((EP - E,), N, jnp.int32)
    src = jnp.concatenate([edges[0], pad])
    dst = jnp.concatenate([edges[1], pad])
    dst32 = dst.reshape(NW, NCH, CH)
    dst16 = dst.reshape(16, NCHC, CH)

    x_pad = jnp.zeros((R, DF), jnp.float32).at[:N].set(features)
    z32 = jnp.zeros((R, 32), jnp.float32)
    z16 = jnp.zeros((R, 16), jnp.float32)
    ones128 = jnp.ones((CH, 16), jnp.float32)

    deg_parts = _deg_kernel(dst32, z16, ones128)
    h1lo, h1hi, dinv = _tc_first(x_pad, W1, deg_parts)

    a1lo, a1hi = _aggr64(h1lo, h1hi, src, dst16, z32)
    f1, h2lo, h2hi = _tc_mid(a1lo, a1hi, h1lo, h1hi, dinv,
                             b1.reshape(1, 64), W2, 64, 32, split_next=True)

    a2lo, a2hi = _aggr32(h2lo, h2hi, src, dst16, z16)
    f2, hs3 = _tc_mid(a2lo, a2hi, h2lo, h2hi, dinv,
                      b2.reshape(1, 32), W3, 32, 16, split_next=False)

    parts3 = _aggr16(hs3, src, dst32, z16)
    out = _tc_last(parts3, hs3, dinv, b3.reshape(1, 16), f1, f2,
                   Wfc[:64], Wfc[64:96], Wfc[96:112], bfc.reshape(1, 16))
    return out[:N]

# --- scband reference (transcript-rebuilt; emitter-appended) ---
"""Pipeline reference for scband-dense-gcn-11793980195110 (READ-ONLY COPY).

The authoritative reference and input builder live on the scoring server;
editing this copy changes nothing except your own understanding.
"""

import jax, jax.numpy as jnp
import numpy as np

N_NODES = 10000
N_EDGES = 320000
D_FEAT = 128


def kaiming(key, shape):
    fan_in = shape[0]
    return jax.random.normal(key, shape, dtype=jnp.float32) * jnp.sqrt(2.0 / fan_in)


def setup_inputs(seed: int = 0) -> dict:
    key = jax.random.key(seed)
    ks = [jax.random.fold_in(key, i) for i in range(10)]
    edges = jax.random.randint(ks[0], (2, N_EDGES), 0, N_NODES, dtype=jnp.int64)
    features = jax.random.normal(ks[1], (N_NODES, D_FEAT), dtype=jnp.float32)
    W1 = kaiming(ks[2], (D_FEAT, 64)); b1 = jnp.zeros((64,), jnp.float32)
    W2 = kaiming(ks[3], (64, 32));     b2 = jnp.zeros((32,), jnp.float32)
    W3 = kaiming(ks[4], (32, 16));     b3 = jnp.zeros((16,), jnp.float32)
    Wfc = kaiming(ks[5], (64 + 32 + 16, 16)); bfc = jnp.zeros((16,), jnp.float32)
    return {"edges": edges, "features": features, "W1": W1, "b1": b1,
            "W2": W2, "b2": b2, "W3": W3, "b3": b3, "Wfc": Wfc, "bfc": bfc}


def gcn_conv(x, edge_index, W, b, n):
    # PyG GCNConv: add self-loops, symmetric normalization D^-1/2 (A+I) D^-1/2, then XW + b
    loop = jnp.arange(n, dtype=edge_index.dtype)
    src = jnp.concatenate([edge_index[0], loop])
    dst = jnp.concatenate([edge_index[1], loop])
    deg = jnp.zeros((n,), x.dtype).at[dst].add(1.0)
    dinv = jnp.where(deg > 0, 1.0 / jnp.sqrt(deg), 0.0)
    norm = dinv[src] * dinv[dst]
    h = x @ W
    msg = h[src] * norm[:, None]
    out = jnp.zeros((n, W.shape[1]), x.dtype).at[dst].add(msg)
    return out + b


def reference(edges, features, W1, b1, W2, b2, W3, b3, Wfc, bfc):
    n = features.shape[0]
    f1 = jax.nn.relu(gcn_conv(features, edges, W1, b1, n))
    # dropout(p=0.3) identity in eval mode
    f2 = jax.nn.relu(gcn_conv(f1, edges, W2, b2, n))
    # dropout(p=0.4) identity in eval mode
    f3 = jax.nn.relu(gcn_conv(f2, edges, W3, b3, n))
    cat = jnp.concatenate([f1, f2, f3], axis=1)
    return jax.nn.relu(cat @ Wfc + bfc)

if __name__ == "__main__":
    import jax
    _d = setup_inputs()
    print(jax.jit(kernel)(*tuple(_d.values())))

</pallas_src>

<mosaic_0001>
#map = affine_map<(d0, d1) -> (0, 0, 0)>
#map1 = affine_map<(d0, d1) -> (0, 0)>
module attributes {stable_mosaic.version = 14 : i64} {
  func.func @deg_kernel(%arg0: i32, %arg1: i32, %arg2: memref<32x79x128xi32, #tpu.memory_space<hbm>>, %arg3: memref<10240x16xf32, #tpu.memory_space<hbm>>, %arg4: memref<128x16xf32, #tpu.memory_space<hbm>>, %arg5: memref<2x10240x16xf32, #tpu.memory_space<hbm>>, %arg6: memref<79x128xi32, #tpu.memory_space<vmem>>, %arg7: memref<128x16xf32, #tpu.memory_space<vmem>>, %arg8: memref<10240x16xf32, #tpu.memory_space<vmem_shared>>) attributes {dimension_semantics = [#tpu.dimension_semantics<core_parallel>, #tpu.dimension_semantics<subcore_parallel>], iteration_bounds = array<i64: 2, 16>, scalar_prefetch = 0 : i64, scratch_operands = 3 : i64, tpu.core_type = #tpu.core_type<sc_vector_subcore>, window_params = [{transform_indices = #map}, {transform_indices = #map1}, {transform_indices = #map1}, {transform_indices = #map}]} {
    %mul3A = arith.constant 2 : i32
    %mul3A_0 = arith.muli %arg1, %mul3A : i32
    %add3A = arith.addi %mul3A_0, %arg0 : i32
    %mul3A_1 = arith.constant 640 : i32
    %mul3A_2 = arith.muli %arg1, %mul3A_1 : i32
    %mul3A_3 = arith.constant 640 : i32
    %mul3A_4 = arith.muli %arg1, %mul3A_3 : i32
    "tpu.region"() ({
      %run_scoped3A = tpu.sem_alloc : memref<!tpu.dma_semaphore, #tpu.memory_space<semaphore_mem>>
      %dma_start3A = arith.constant 0 : i32
      %dma_start3A_15 = tpu.memref_slice %arg8[%mul3A_4, %dma_start3A] : memref<10240x16xf32, #tpu.memory_space<vmem_shared>> -> memref<640x16xf32, #tpu.memory_space<vmem_shared>>
      %dma_start3A_16 = arith.constant 0 : i32
      %dma_start3A_17 = tpu.memref_slice %arg3[%mul3A_2, %dma_start3A_16] : memref<10240x16xf32, #tpu.memory_space<hbm>> -> memref<640x16xf32, #tpu.memory_space<hbm>>
      tpu.enqueue_dma source(%dma_start3A_17 : memref<640x16xf32, #tpu.memory_space<hbm>>) target(%dma_start3A_15 : memref<640x16xf32, #tpu.memory_space<vmem_shared>>) target_semaphore(%run_scoped3A : memref<!tpu.dma_semaphore, #tpu.memory_space<semaphore_mem>>)
      %dma_wait3A = arith.constant 0 : i32
      %dma_wait3A_18 = tpu.memref_slice %arg8[%mul3A_4, %dma_wait3A] : memref<10240x16xf32, #tpu.memory_space<vmem_shared>> -> memref<640x16xf32, #tpu.memory_space<vmem_shared>>
      %dma_wait3A_19 = arith.constant 0 : i32
      %dma_wait3A_20 = tpu.memref_slice %arg3[%mul3A_2, %dma_wait3A_19] : memref<10240x16xf32, #tpu.memory_space<hbm>> -> memref<640x16xf32, #tpu.memory_space<hbm>>
      tpu.wait_dma2 semaphore(%run_scoped3A : memref<!tpu.dma_semaphore, #tpu.memory_space<semaphore_mem>>) src(%dma_wait3A_20 : memref<640x16xf32, #tpu.memory_space<hbm>>) dst(%dma_wait3A_18 : memref<640x16xf32, #tpu.memory_space<vmem_shared>>)
      tpu.yield
    }) : () -> ()
    "tpu.region"() ({
      %run_scoped3A = tpu.sem_alloc : memref<!tpu.dma_semaphore, #tpu.memory_space<semaphore_mem>>
      %dma_start3A = arith.constant 0 : i32
      %dma_start3A_15 = arith.constant 0 : i32
      %dma_start3A_16 = tpu.memref_slice %arg2[%add3A, %dma_start3A, %dma_start3A_15] : memref<32x79x128xi32, #tpu.memory_space<hbm>> -> memref<1x79x128xi32, #tpu.memory_space<hbm>>
      %dma_start3A_17 = tpu.memref_squeeze %dma_start3A_16 : memref<1x79x128xi32, #tpu.memory_space<hbm>> -> memref<79x128xi32, #tpu.memory_space<hbm>>
      %dma_start3A_18 = arith.constant 0 : i32
      %dma_start3A_19 = arith.constant 0 : i32
      %dma_start3A_20 = tpu.memref_slice %arg2[%add3A, %dma_start3A_18, %dma_start3A_19] : memref<32x79x128xi32, #tpu.memory_space<hbm>> -> memref<1x79x128xi32, #tpu.memory_space<hbm>>
      %dma_start3A_21 = tpu.memref_squeeze %dma_start3A_20 : memref<1x79x128xi32, #tpu.memory_space<hbm>> -> memref<79x128xi32, #tpu.memory_space<hbm>>
      tpu.enqueue_dma source(%dma_start3A_21 : memref<79x128xi32, #tpu.memory_space<hbm>>) target(%arg6 : memref<79x128xi32, #tpu.memory_space<vmem>>) target_semaphore(%run_scoped3A : memref<!tpu.dma_semaphore, #tpu.memory_space<semaphore_mem>>)
      %dma_wait3A = arith.constant 0 : i32
      %dma_wait3A_22 = arith.constant 0 : i32
      %dma_wait3A_23 = tpu.memref_slice %arg2[%add3A, %dma_wait3A, %dma_wait3A_22] : memref<32x79x128xi32, #tpu.memory_space<hbm>> -> memref<1x79x128xi32, #tpu.memory_space<hbm>>
      %dma_wait3A_24 = tpu.memref_squeeze %dma_wait3A_23 : memref<1x79x128xi32, #tpu.memory_space<hbm>> -> memref<79x128xi32, #tpu.memory_space<hbm>>
      %dma_wait3A_25 = arith.constant 0 : i32
      %dma_wait3A_26 = arith.constant 0 : i32
      %dma_wait3A_27 = tpu.memref_slice %arg2[%add3A, %dma_wait3A_25, %dma_wait3A_26] : memref<32x79x128xi32, #tpu.memory_space<hbm>> -> memref<1x79x128xi32, #tpu.memory_space<hbm>>
      %dma_wait3A_28 = tpu.memref_squeeze %dma_wait3A_27 : memref<1x79x128xi32, #tpu.memory_space<hbm>> -> memref<79x128xi32, #tpu.memory_space<hbm>>
      tpu.wait_dma2 semaphore(%run_scoped3A : memref<!tpu.dma_semaphore, #tpu.memory_space<semaphore_mem>>) src(%dma_wait3A_28 : memref<79x128xi32, #tpu.memory_space<hbm>>) dst(%arg6 : memref<79x128xi32, #tpu.memory_space<vmem>>)
      tpu.yield
    }) : () -> ()
    "tpu.region"() ({
      %run_scoped3A = tpu.sem_alloc : memref<!tpu.dma_semaphore, #tpu.memory_space<semaphore_mem>>
      tpu.enqueue_dma source(%arg4 : memref<128x16xf32, #tpu.memory_space<hbm>>) target(%arg7 : memref<128x16xf32, #tpu.memory_space<vmem>>) target_semaphore(%run_scoped3A : memref<!tpu.dma_semaphore, #tpu.memory_space<semaphore_mem>>)
      tpu.wait_dma2 semaphore(%run_scoped3A : memref<!tpu.dma_semaphore, #tpu.memory_space<semaphore_mem>>) src(%arg4 : memref<128x16xf32, #tpu.memory_space<hbm>>) dst(%arg7 : memref<128x16xf32, #tpu.memory_space<vmem>>)
      tpu.yield
    }) : () -> ()
    %barrier3A = arith.constant 0 : index
    tpu.barrier barrier_id(%barrier3A)
    %scan3A = arith.constant 0 : i32
    %scan3A_5 = arith.constant 0 : i32
    %scan3A_6 = arith.constant 79 : i32
    %scan3A_7 = arith.addi %scan3A_5, %scan3A_6 : i32
    %scan3A_8 = arith.constant 1 : i32
    scf.for %scan3A_15 = %scan3A_5 to %scan3A_7 step %scan3A_8  : i32 {
      "tpu.region"() ({
        %run_scoped3A = tpu.sem_alloc : memref<!tpu.dma_semaphore, #tpu.memory_space<semaphore_mem>>
        %dma_start3A = arith.constant 0 : i32
        %dma_start3A_16 = tpu.memref_slice %arg6[%scan3A_15, %dma_start3A] : memref<79x128xi32, #tpu.memory_space<vmem>> -> memref<1x128xi32, #tpu.memory_space<vmem>>
        %dma_start3A_17 = tpu.memref_squeeze %dma_start3A_16 : memref<1x128xi32, #tpu.memory_space<vmem>> -> memref<128xi32, #tpu.memory_space<vmem>>
        %dma_start3A_18 = arith.constant 0 : i32
        %dma_start3A_19 = arith.constant 0 : i32
        %dma_start3A_20 = tpu.memref_slice %arg8[%dma_start3A_18, %dma_start3A_19] : memref<10240x16xf32, #tpu.memory_space<vmem_shared>> -> memref<10240x16xf32, #tpu.memory_space<vmem_shared>>
        tpu.enqueue_indirect_dma source(%arg7 : memref<128x16xf32, #tpu.memory_space<vmem>>) target(%dma_start3A_20 : memref<10240x16xf32, #tpu.memory_space<vmem_shared>>) offsets(%dma_start3A_17 : memref<128xi32, #tpu.memory_space<vmem>>) semaphore(%run_scoped3A : memref<!tpu.dma_semaphore, #tpu.memory_space<semaphore_mem>>) {add = true}
        %dma_wait3A = arith.constant 0 : i32
        %dma_wait3A_21 = tpu.memref_slice %arg6[%scan3A_15, %dma_wait3A] : memref<79x128xi32, #tpu.memory_space<vmem>> -> memref<1x128xi32, #tpu.memory_space<vmem>>
        %dma_wait3A_22 = tpu.memref_squeeze %dma_wait3A_21 : memref<1x128xi32, #tpu.memory_space<vmem>> -> memref<128xi32, #tpu.memory_space<vmem>>
        %dma_wait3A_23 = arith.constant 0 : i32
        %dma_wait3A_24 = arith.constant 0 : i32
        %dma_wait3A_25 = tpu.memref_slice %arg8[%dma_wait3A_23, %dma_wait3A_24] : memref<10240x16xf32, #tpu.memory_space<vmem_shared>> -> memref<10240x16xf32, #tpu.memory_space<vmem_shared>>
        tpu.wait_indirect_dma semaphore(%run_scoped3A : memref<!tpu.dma_semaphore, #tpu.memory_space<semaphore_mem>>) src(%arg7 : memref<128x16xf32, #tpu.memory_space<vmem>>) dst(%dma_wait3A_25 : memref<10240x16xf32, #tpu.memory_space<vmem_shared>>)
        tpu.yield
      }) : () -> ()
    }
    %scan3A_9 = arith.constant 79 : i32
    %barrier3A_10 = arith.constant 0 : index
    tpu.barrier barrier_id(%barrier3A_10)
    %mul3A_11 = arith.constant 640 : i32
    %mul3A_12 = arith.muli %arg1, %mul3A_11 : i32
    %mul3A_13 = arith.constant 640 : i32
    %mul3A_14 = arith.muli %arg1, %mul3A_13 : i32
    "tpu.region"() ({
      %run_scoped3A = tpu.sem_alloc : memref<!tpu.dma_semaphore, #tpu.memory_space<semaphore_mem>>
      %dma_start3A = arith.constant 0 : i32
      %dma_start3A_15 = tpu.memref_slice %arg5[%arg0, %mul3A_14, %dma_start3A] : memref<2x10240x16xf32, #tpu.memory_space<hbm>> -> memref<1x640x16xf32, #tpu.memory_space<hbm>>
      %dma_start3A_16 = tpu.memref_squeeze %dma_start3A_15 : memref<1x640x16xf32, #tpu.memory_space<hbm>> -> memref<640x16xf32, #tpu.memory_space<hbm>>
      %dma_start3A_17 = arith.constant 0 : i32
      %dma_start3A_18 = tpu.memref_slice %arg8[%mul3A_12, %dma_start3A_17] : memref<10240x16xf32, #tpu.memory_space<vmem_shared>> -> memref<640x16xf32, #tpu.memory_space<vmem_shared>>
      tpu.enqueue_dma source(%dma_start3A_18 : memref<640x16xf32, #tpu.memory_space<vmem_shared>>) target(%dma_start3A_16 : memref<640x16xf32, #tpu.memory_space<hbm>>) target_semaphore(%run_scoped3A : memref<!tpu.dma_semaphore, #tpu.memory_space<semaphore_mem>>)
      %dma_wait3A = arith.constant 0 : i32
      %dma_wait3A_19 = tpu.memref_slice %arg5[%arg0, %mul3A_14, %dma_wait3A] : memref<2x10240x16xf32, #tpu.memory_space<hbm>> -> memref<1x640x16xf32, #tpu.memory_space<hbm>>
      %dma_wait3A_20 = tpu.memref_squeeze %dma_wait3A_19 : memref<1x640x16xf32, #tpu.memory_space<hbm>> -> memref<640x16xf32, #tpu.memory_space<hbm>>
      %dma_wait3A_21 = arith.constant 0 : i32
      %dma_wait3A_22 = tpu.memref_slice %arg8[%mul3A_12, %dma_wait3A_21] : memref<10240x16xf32, #tpu.memory_space<vmem_shared>> -> memref<640x16xf32, #tpu.memory_space<vmem_shared>>
      tpu.wait_dma2 semaphore(%run_scoped3A : memref<!tpu.dma_semaphore, #tpu.memory_space<semaphore_mem>>) src(%dma_wait3A_22 : memref<640x16xf32, #tpu.memory_space<vmem_shared>>) dst(%dma_wait3A_20 : memref<640x16xf32, #tpu.memory_space<hbm>>)
      tpu.yield
    }) : () -> ()
    return
  }
}

#map = affine_map<(d0, d1) -> (0, 0)>
#map1 = affine_map<(d0, d1) -> (0)>
#map2 = affine_map<(d0, d1) -> (0, 0, 0)>
module attributes {stable_mosaic.version = 14 : i64} {
  func.func @aggr_kernel(%arg0: i32, %arg1: i32, %arg2: memref<10240x16xf32, #tpu.memory_space<hbm>>, %arg3: memref<10240x16xf32, #tpu.memory_space<hbm>>, %arg4: memref<323584xi32, #tpu.memory_space<hbm>>, %arg5: memref<16x158x128xi32, #tpu.memory_space<hbm>>, %arg6: memref<10240x16xf32, #tpu.memory_space<hbm>>, %arg7: memref<10240x16xf32, #tpu.memory_space<hbm>>, %arg8: memref<10240x16xf32, #tpu.memory_space<hbm>>, %arg9: memref<20224xi32, #tpu.memory_space<vmem>>, %arg10: memref<158x128xi32, #tpu.memory_space<vmem>>, %arg11: memref<128x16xf32, #tpu.memory_space<vmem>>, %arg12: memref<128x16xf32, #tpu.memory_space<vmem>>, %arg13: memref<128x16xf32, #tpu.memory_space<vmem>>, %arg14: memref<128x16xf32, #tpu.memory_space<vmem>>, %arg15: memref<128x16xf32, #tpu.memory_space<vmem>>, %arg16: memref<128x16xf32, #tpu.memory_space<vmem>>, %arg17: memref<!tpu.dma_semaphore, #tpu.memory_space<semaphore_mem>>, %arg18: memref<!tpu.dma_semaphore, #tpu.memory_space<semaphore_mem>>, %arg19: memref<!tpu.dma_semaphore, #tpu.memory_space<semaphore_mem>>, %arg20: memref<!tpu.dma_semaphore, #tpu.memory_space<semaphore_mem>>, %arg21: memref<!tpu.dma_semaphore, #tpu.memory_space<semaphore_mem>>, %arg22: memref<!tpu.dma_semaphore, #tpu.memory_space<semaphore_mem>>, %arg23: memref<10240x16xf32, #tpu.memory_space<vmem_shared>>, %arg24: memref<10240x16xf32, #tpu.memory_space<vmem_shared>>) attributes {dimension_semantics = [#tpu.dimension_semantics<core_parallel>, #tpu.dimension_semantics<subcore_parallel>], iteration_bounds = array<i64: 2, 16>, scalar_prefetch = 0 : i64, scratch_operands = 16 : i64, tpu.core_type = #tpu.core_type<sc_vector_subcore>, window_params = [{transform_indices = #map}, {transform_indices = #map}, {transform_indices = #map1}, {transform_indices = #map2}, {transform_indices = #map}, {transform_indices = #map}, {transform_indices = #map}]} {
    %eq3A = arith.constant 0 : i32
    %eq3A_0 = arith.cmpi eq, %arg0, %eq3A : i32
    %convert_element_type3A = arith.extui %eq3A_0 : i1 to i32
    %cond3A = arith.constant 0 : i32
    %cond3A_1 = arith.cmpi ne, %convert_element_type3A, %cond3A : i32
    scf.if %cond3A_1 {
      %mul3A_128 = arith.constant 640 : i32
      %mul3A_129 = arith.muli %arg1, %mul3A_128 : i32
      %mul3A_130 = arith.constant 640 : i32
      %mul3A_131 = arith.muli %arg1, %mul3A_130 : i32
      "tpu.region"() ({
        %run_scoped3A_132 = tpu.sem_alloc : memref<!tpu.dma_semaphore, #tpu.memory_space<semaphore_mem>>
        %dma_start3A_133 = arith.constant 0 : i32
        %dma_start3A_134 = tpu.memref_slice %arg24[%mul3A_131, %dma_start3A_133] : memref<10240x16xf32, #tpu.memory_space<vmem_shared>> -> memref<640x16xf32, #tpu.memory_space<vmem_shared>>
        %dma_start3A_135 = arith.constant 0 : i32
        %dma_start3A_136 = tpu.memref_slice %arg2[%mul3A_129, %dma_start3A_135] : memref<10240x16xf32, #tpu.memory_space<hbm>> -> memref<640x16xf32, #tpu.memory_space<hbm>>
        tpu.enqueue_dma source(%dma_start3A_136 : memref<640x16xf32, #tpu.memory_space<hbm>>) target(%dma_start3A_134 : memref<640x16xf32, #tpu.memory_space<vmem_shared>>) target_semaphore(%run_scoped3A_132 : memref<!tpu.dma_semaphore, #tpu.memory_space<semaphore_mem>>)
        %dma_wait3A_137 = arith.constant 0 : i32
        %dma_wait3A_138 = tpu.memref_slice %arg24[%mul3A_131, %dma_wait3A_137] : memref<10240x16xf32, #tpu.memory_space<vmem_shared>> -> memref<640x16xf32, #tpu.memory_space<vmem_shared>>
        %dma_wait3A_139 = arith.constant 0 : i32
        %dma_wait3A_140 = tpu.memref_slice %arg2[%mul3A_129, %dma_wait3A_139] : memref<10240x16xf32, #tpu.memory_space<hbm>> -> memref<640x16xf32, #tpu.memory_space<hbm>>
        tpu.wait_dma2 semaphore(%run_scoped3A_132 : memref<!tpu.dma_semaphore, #tpu.memory_space<semaphore_mem>>) src(%dma_wait3A_140 : memref<640x16xf32, #tpu.memory_space<hbm>>) dst(%dma_wait3A_138 : memref<640x16xf32, #tpu.memory_space<vmem_shared>>)
        tpu.yield
      }) : () -> ()
    } else {
    }
    %eq3A_2 = arith.constant 1 : i32
    %eq3A_3 = arith.cmpi eq, %arg0, %eq3A_2 : i32
    %convert_element_type3A_4 = arith.extui %eq3A_3 : i1 to i32
    %cond3A_5 = arith.constant 0 : i32
    %cond3A_6 = arith.cmpi ne, %convert_element_type3A_4, %cond3A_5 : i32
    scf.if %cond3A_6 {
      %mul3A_128 = arith.constant 640 : i32
      %mul3A_129 = arith.muli %arg1, %mul3A_128 : i32
      %mul3A_130 = arith.constant 640 : i32
      %mul3A_131 = arith.muli %arg1, %mul3A_130 : i32
      "tpu.region"() ({
        %run_scoped3A_132 = tpu.sem_alloc : memref<!tpu.dma_semaphore, #tpu.memory_space<semaphore_mem>>
        %dma_start3A_133 = arith.constant 0 : i32
        %dma_start3A_134 = tpu.memref_slice %arg24[%mul3A_131, %dma_start3A_133] : memref<10240x16xf32, #tpu.memory_space<vmem_shared>> -> memref<640x16xf32, #tpu.memory_space<vmem_shared>>
        %dma_start3A_135 = arith.constant 0 : i32
        %dma_start3A_136 = tpu.memref_slice %arg3[%mul3A_129, %dma_start3A_135] : memref<10240x16xf32, #tpu.memory_space<hbm>> -> memref<640x16xf32, #tpu.memory_space<hbm>>
        tpu.enqueue_dma source(%dma_start3A_136 : memref<640x16xf32, #tpu.memory_space<hbm>>) target(%dma_start3A_134 : memref<640x16xf32, #tpu.memory_space<vmem_shared>>) target_semaphore(%run_scoped3A_132 : memref<!tpu.dma_semaphore, #tpu.memory_space<semaphore_mem>>)
        %dma_wait3A_137 = arith.constant 0 : i32
        %dma_wait3A_138 = tpu.memref_slice %arg24[%mul3A_131, %dma_wait3A_137] : memref<10240x16xf32, #tpu.memory_space<vmem_shared>> -> memref<640x16xf32, #tpu.memory_space<vmem_shared>>
        %dma_wait3A_139 = arith.constant 0 : i32
        %dma_wait3A_140 = tpu.memref_slice %arg3[%mul3A_129, %dma_wait3A_139] : memref<10240x16xf32, #tpu.memory_space<hbm>> -> memref<640x16xf32, #tpu.memory_space<hbm>>
        tpu.wait_dma2 semaphore(%run_scoped3A_132 : memref<!tpu.dma_semaphore, #tpu.memory_space<semaphore_mem>>) src(%dma_wait3A_140 : memref<640x16xf32, #tpu.memory_space<hbm>>) dst(%dma_wait3A_138 : memref<640x16xf32, #tpu.memory_space<vmem_shared>>)
        tpu.yield
      }) : () -> ()
    } else {
    }
    %mul3A = arith.constant 640 : i32
    %mul3A_7 = arith.muli %arg1, %mul3A : i32
    %mul3A_8 = arith.constant 640 : i32
    %mul3A_9 = arith.muli %arg1, %mul3A_8 : i32
    "tpu.region"() ({
      %run_scoped3A_128 = tpu.sem_alloc : memref<!tpu.dma_semaphore, #tpu.memory_space<semaphore_mem>>
      %dma_start3A_129 = arith.constant 0 : i32
      %dma_start3A_130 = tpu.memref_slice %arg23[%mul3A_9, %dma_start3A_129] : memref<10240x16xf32, #tpu.memory_space<vmem_shared>> -> memref<640x16xf32, #tpu.memory_space<vmem_shared>>
      %dma_start3A_131 = arith.constant 0 : i32
      %dma_start3A_132 = tpu.memref_slice %arg6[%mul3A_7, %dma_start3A_131] : memref<10240x16xf32, #tpu.memory_space<hbm>> -> memref<640x16xf32, #tpu.memory_space<hbm>>
      tpu.enqueue_dma source(%dma_start3A_132 : memref<640x16xf32, #tpu.memory_space<hbm>>) target(%dma_start3A_130 : memref<640x16xf32, #tpu.memory_space<vmem_shared>>) target_semaphore(%run_scoped3A_128 : memref<!tpu.dma_semaphore, #tpu.memory_space<semaphore_mem>>)
      %dma_wait3A_133 = arith.constant 0 : i32
      %dma_wait3A_134 = tpu.memref_slice %arg23[%mul3A_9, %dma_wait3A_133] : memref<10240x16xf32, #tpu.memory_space<vmem_shared>> -> memref<640x16xf32, #tpu.memory_space<vmem_shared>>
      %dma_wait3A_135 = arith.constant 0 : i32
      %dma_wait3A_136 = tpu.memref_slice %arg6[%mul3A_7, %dma_wait3A_135] : memref<10240x16xf32, #tpu.memory_space<hbm>> -> memref<640x16xf32, #tpu.memory_space<hbm>>
      tpu.wait_dma2 semaphore(%run_scoped3A_128 : memref<!tpu.dma_semaphore, #tpu.memory_space<semaphore_mem>>) src(%dma_wait3A_136 : memref<640x16xf32, #tpu.memory_space<hbm>>) dst(%dma_wait3A_134 : memref<640x16xf32, #tpu.memory_space<vmem_shared>>)
      tpu.yield
    }) : () -> ()
    %mul3A_10 = arith.constant 20224 : i32
    %mul3A_11 = arith.muli %arg1, %mul3A_10 : i32
    "tpu.region"() ({
      %run_scoped3A_128 = tpu.sem_alloc : memref<!tpu.dma_semaphore, #tpu.memory_space<semaphore_mem>>
      %dma_start3A_129 = tpu.memref_slice %arg4[%mul3A_11] : memref<323584xi32, #tpu.memory_space<hbm>> -> memref<20224xi32, #tpu.memory_space<hbm>>
      %dma_start3A_130 = tpu.memref_slice %arg4[%mul3A_11] : memref<323584xi32, #tpu.memory_space<hbm>> -> memref<20224xi32, #tpu.memory_space<hbm>>
      tpu.enqueue_dma source(%dma_start3A_130 : memref<20224xi32, #tpu.memory_space<hbm>>) target(%arg9 : memref<20224xi32, #tpu.memory_space<vmem>>) target_semaphore(%run_scoped3A_128 : memref<!tpu.dma_semaphore, #tpu.memory_space<semaphore_mem>>)
      %dma_wait3A_131 = tpu.memref_slice %arg4[%mul3A_11] : memref<323584xi32, #tpu.memory_space<hbm>> -> memref<20224xi32, #tpu.memory_space<hbm>>
      %dma_wait3A_132 = tpu.memref_slice %arg4[%mul3A_11] : memref<323584xi32, #tpu.memory_space<hbm>> -> memref<20224xi32, #tpu.memory_space<hbm>>
      tpu.wait_dma2 semaphore(%run_scoped3A_128 : memref<!tpu.dma_semaphore, #tpu.memory_space<semaphore_mem>>) src(%dma_wait3A_132 : memref<20224xi32, #tpu.memory_space<hbm>>) dst(%arg9 : memref<20224xi32, #tpu.memory_space<vmem>>)
      tpu.yield
    }) : () -> ()
    "tpu.region"() ({
      %run_scoped3A_128 = tpu.sem_alloc : memref<!tpu.dma_semaphore, #tpu.memory_space<semaphore_mem>>
      %dma_start3A_129 = arith.constant 0 : i32
      %dma_start3A_130 = arith.constant 0 : i32
      %dma_start3A_131 = tpu.memref_slice %arg5[%arg1, %dma_start3A_129, %dma_start3A_130] : memref<16x158x128xi32, #tpu.memory_space<hbm>> -> memref<1x158x128xi32, #tpu.memory_space<hbm>>
      %dma_start3A_132 = tpu.memref_squeeze %dma_start3A_131 : memref<1x158x128xi32, #tpu.memory_space<hbm>> -> memref<158x128xi32, #tpu.memory_space<hbm>>
      %dma_start3A_133 = arith.constant 0 : i32
      %dma_start3A_134 = arith.constant 0 : i32
      %dma_start3A_135 = tpu.memref_slice %arg5[%arg1, %dma_start3A_133, %dma_start3A_134] : memref<16x158x128xi32, #tpu.memory_space<hbm>> -> memref<1x158x128xi32, #tpu.memory_space<hbm>>
      %dma_start3A_136 = tpu.memref_squeeze %dma_start3A_135 : memref<1x158x128xi32, #tpu.memory_space<hbm>> -> memref<158x128xi32, #tpu.memory_space<hbm>>
      tpu.enqueue_dma source(%dma_start3A_136 : memref<158x128xi32, #tpu.memory_space<hbm>>) target(%arg10 : memref<158x128xi32, #tpu.memory_space<vmem>>) target_semaphore(%run_scoped3A_128 : memref<!tpu.dma_semaphore, #tpu.memory_space<semaphore_mem>>)
      %dma_wait3A_137 = arith.constant 0 : i32
      %dma_wait3A_138 = arith.constant 0 : i32
      %dma_wait3A_139 = tpu.memref_slice %arg5[%arg1, %dma_wait3A_137, %dma_wait3A_138] : memref<16x158x128xi32, #tpu.memory_space<hbm>> -> memref<1x158x128xi32, #tpu.memory_space<hbm>>
      %dma_wait3A_140 = tpu.memref_squeeze %dma_wait3A_139 : memref<1x158x128xi32, #tpu.memory_space<hbm>> -> memref<158x128xi32, #tpu.memory_space<hbm>>
      %dma_wait3A_141 = arith.constant 0 : i32
      %dma_wait3A_142 = arith.constant 0 : i32
      %dma_wait3A_143 = tpu.memref_slice %arg5[%arg1, %dma_wait3A_141, %dma_wait3A_142] : memref<16x158x128xi32, #tpu.memory_space<hbm>> -> memref<1x158x128xi32, #tpu.memory_space<hbm>>
      %dma_wait3A_144 = tpu.memref_squeeze %dma_wait3A_143 : memref<1x158x128xi32, #tpu.memory_space<hbm>> -> memref<158x128xi32, #tpu.memory_space<hbm>>
      tpu.wait_dma2 semaphore(%run_scoped3A_128 : memref<!tpu.dma_semaphore, #tpu.memory_space<semaphore_mem>>) src(%dma_wait3A_144 : memref<158x128xi32, #tpu.memory_space<hbm>>) dst(%arg10 : memref<158x128xi32, #tpu.memory_space<vmem>>)
      tpu.yield
    }) : () -> ()
    %barrier3A = arith.constant 0 : index
    tpu.barrier barrier_id(%barrier3A)
    %dma_start3A = arith.constant 0 : i32
    %dma_start3A_12 = tpu.memref_slice %arg9[%dma_start3A] : memref<20224xi32, #tpu.memory_space<vmem>> -> memref<128xi32, #tpu.memory_space<vmem>>
    %dma_start3A_13 = arith.constant 0 : i32
    %dma_start3A_14 = arith.constant 0 : i32
    %dma_start3A_15 = tpu.memref_slice %arg24[%dma_start3A_13, %dma_start3A_14] : memref<10240x16xf32, #tpu.memory_space<vmem_shared>> -> memref<10240x16xf32, #tpu.memory_space<vmem_shared>>
    tpu.enqueue_indirect_dma source(%dma_start3A_15 : memref<10240x16xf32, #tpu.memory_space<vmem_shared>>) target(%arg11 : memref<128x16xf32, #tpu.memory_space<vmem>>) offsets(%dma_start3A_12 : memref<128xi32, #tpu.memory_space<vmem>>) semaphore(%arg17 : memref<!tpu.dma_semaphore, #tpu.memory_space<semaphore_mem>>)
    %dma_start3A_16 = arith.constant 128 : i32
    %dma_start3A_17 = tpu.memref_slice %arg9[%dma_start3A_16] : memref<20224xi32, #tpu.memory_space<vmem>> -> memref<128xi32, #tpu.memory_space<vmem>>
    %dma_start3A_18 = arith.constant 0 : i32
    %dma_start3A_19 = arith.constant 0 : i32
    %dma_start3A_20 = tpu.memref_slice %arg24[%dma_start3A_18, %dma_start3A_19] : memref<10240x16xf32, #tpu.memory_space<vmem_shared>> -> memref<10240x16xf32, #tpu.memory_space<vmem_shared>>
    tpu.enqueue_indirect_dma source(%dma_start3A_20 : memref<10240x16xf32, #tpu.memory_space<vmem_shared>>) target(%arg12 : memref<128x16xf32, #tpu.memory_space<vmem>>) offsets(%dma_start3A_17 : memref<128xi32, #tpu.memory_space<vmem>>) semaphore(%arg18 : memref<!tpu.dma_semaphore, #tpu.memory_space<semaphore_mem>>)
    %dma_start3A_21 = arith.constant 256 : i32
    %dma_start3A_22 = tpu.memref_slice %arg9[%dma_start3A_21] : memref<20224xi32, #tpu.memory_space<vmem>> -> memref<128xi32, #tpu.memory_space<vmem>>
    %dma_start3A_23 = arith.constant 0 : i32
    %dma_start3A_24 = arith.constant 0 : i32
    %dma_start3A_25 = tpu.memref_slice %arg24[%dma_start3A_23, %dma_start3A_24] : memref<10240x16xf32, #tpu.memory_space<vmem_shared>> -> memref<10240x16xf32, #tpu.memory_space<vmem_shared>>
    tpu.enqueue_indirect_dma source(%dma_start3A_25 : memref<10240x16xf32, #tpu.memory_space<vmem_shared>>) target(%arg13 : memref<128x16xf32, #tpu.memory_space<vmem>>) offsets(%dma_start3A_22 : memref<128xi32, #tpu.memory_space<vmem>>) semaphore(%arg19 : memref<!tpu.dma_semaphore, #tpu.memory_space<semaphore_mem>>)
    %dma_start3A_26 = arith.constant 384 : i32
    %dma_start3A_27 = tpu.memref_slice %arg9[%dma_start3A_26] : memref<20224xi32, #tpu.memory_space<vmem>> -> memref<128xi32, #tpu.memory_space<vmem>>
    %dma_start3A_28 = arith.constant 0 : i32
    %dma_start3A_29 = arith.constant 0 : i32
    %dma_start3A_30 = tpu.memref_slice %arg24[%dma_start3A_28, %dma_start3A_29] : memref<10240x16xf32, #tpu.memory_space<vmem_shared>> -> memref<10240x16xf32, #tpu.memory_space<vmem_shared>>
    tpu.enqueue_indirect_dma source(%dma_start3A_30 : memref<10240x16xf32, #tpu.memory_space<vmem_shared>>) target(%arg14 : memref<128x16xf32, #tpu.memory_space<vmem>>) offsets(%dma_start3A_27 : memref<128xi32, #tpu.memory_space<vmem>>) semaphore(%arg20 : memref<!tpu.dma_semaphore, #tpu.memory_space<semaphore_mem>>)
    %dma_start3A_31 = arith.constant 512 : i32
    %dma_start3A_32 = tpu.memref_slice %arg9[%dma_start3A_31] : memref<20224xi32, #tpu.memory_space<vmem>> -> memref<128xi32, #tpu.memory_space<vmem>>
    %dma_start3A_33 = arith.constant 0 : i32
    %dma_start3A_34 = arith.constant 0 : i32
    %dma_start3A_35 = tpu.memref_slice %arg24[%dma_start3A_33, %dma_start3A_34] : memref<10240x16xf32, #tpu.memory_space<vmem_shared>> -> memref<10240x16xf32, #tpu.memory_space<vmem_shared>>
    tpu.enqueue_indirect_dma source(%dma_start3A_35 : memref<10240x16xf32, #tpu.memory_space<vmem_shared>>) target(%arg15 : memref<128x16xf32, #tpu.memory_space<vmem>>) offsets(%dma_start3A_32 : memref<128xi32, #tpu.memory_space<vmem>>) semaphore(%arg21 : memref<!tpu.dma_semaphore, #tpu.memory_space<semaphore_mem>>)
    %dma_wait3A = arith.constant 0 : i32
    %dma_wait3A_36 = tpu.memref_slice %arg9[%dma_wait3A] : memref<20224xi32, #tpu.memory_space<vmem>> -> memref<128xi32, #tpu.memory_space<vmem>>
    %dma_wait3A_37 = arith.constant 0 : i32
    %dma_wait3A_38 = arith.constant 0 : i32
    %dma_wait3A_39 = tpu.memref_slice %arg24[%dma_wait3A_37, %dma_wait3A_38] : memref<10240x16xf32, #tpu.memory_space<vmem_shared>> -> memref<10240x16xf32, #tpu.memory_space<vmem_shared>>
    tpu.wait_indirect_dma semaphore(%arg17 : memref<!tpu.dma_semaphore, #tpu.memory_space<semaphore_mem>>) src(%dma_wait3A_39 : memref<10240x16xf32, #tpu.memory_space<vmem_shared>>) dst(%arg11 : memref<128x16xf32, #tpu.memory_space<vmem>>)
    %run_scoped3A = arith.constant 0 : i32
    "tpu.region"() ({
      %run_scoped3A_128 = tpu.sem_alloc : memref<!tpu.dma_semaphore, #tpu.memory_space<semaphore_mem>>
      %dma_start3A_129 = arith.constant 0 : i32
      %dma_start3A_130 = tpu.memref_slice %arg10[%run_scoped3A, %dma_start3A_129] : memref<158x128xi32, #tpu.memory_space<vmem>> -> memref<1x128xi32, #tpu.memory_space<vmem>>
      %dma_start3A_131 = tpu.memref_squeeze %dma_start3A_130 : memref<1x128xi32, #tpu.memory_space<vmem>> -> memref<128xi32, #tpu.memory_space<vmem>>
      %dma_start3A_132 = arith.constant 0 : i32
      %dma_start3A_133 = arith.constant 0 : i32
      %dma_start3A_134 = tpu.memref_slice %arg23[%dma_start3A_132, %dma_start3A_133] : memref<10240x16xf32, #tpu.memory_space<vmem_shared>> -> memref<10240x16xf32, #tpu.memory_space<vmem_shared>>
      tpu.enqueue_indirect_dma source(%arg11 : memref<128x16xf32, #tpu.memory_space<vmem>>) target(%dma_start3A_134 : memref<10240x16xf32, #tpu.memory_space<vmem_shared>>) offsets(%dma_start3A_131 : memref<128xi32, #tpu.memory_space<vmem>>) semaphore(%run_scoped3A_128 : memref<!tpu.dma_semaphore, #tpu.memory_space<semaphore_mem>>) {add = true}
      %dma_wait3A_135 = arith.constant 0 : i32
      %dma_wait3A_136 = tpu.memref_slice %arg10[%run_scoped3A, %dma_wait3A_135] : memref<158x128xi32, #tpu.memory_space<vmem>> -> memref<1x128xi32, #tpu.memory_space<vmem>>
      %dma_wait3A_137 = tpu.memref_squeeze %dma_wait3A_136 : memref<1x128xi32, #tpu.memory_space<vmem>> -> memref<128xi32, #tpu.memory_space<vmem>>
      %dma_wait3A_138 = arith.constant 0 : i32
      %dma_wait3A_139 = arith.constant 0 : i32
      %dma_wait3A_140 = tpu.memref_slice %arg23[%dma_wait3A_138, %dma_wait3A_139] : memref<10240x16xf32, #tpu.memory_space<vmem_shared>> -> memref<10240x16xf32, #tpu.memory_space<vmem_shared>>
      tpu.wait_indirect_dma semaphore(%run_scoped3A_128 : memref<!tpu.dma_semaphore, #tpu.memory_space<semaphore_mem>>) src(%arg11 : memref<128x16xf32, #tpu.memory_space<vmem>>) dst(%dma_wait3A_140 : memref<10240x16xf32, #tpu.memory_space<vmem_shared>>)
      tpu.yield
    }) : () -> ()
    %dma_start3A_40 = arith.constant 640 : i32
    %dma_start3A_41 = tpu.memref_slice %arg9[%dma_start3A_40] : memref<20224xi32, #tpu.memory_space<vmem>> -> memref<128xi32, #tpu.memory_space<vmem>>
    %dma_start3A_42 = arith.constant 0 : i32
    %dma_start3A_43 = arith.constant 0 : i32
    %dma_start3A_44 = tpu.memref_slice %arg24[%dma_start3A_42, %dma_start3A_43] : memref<10240x16xf32, #tpu.memory_space<vmem_shared>> -> memref<10240x16xf32, #tpu.memory_space<vmem_shared>>
    tpu.enqueue_indirect_dma source(%dma_start3A_44 : memref<10240x16xf32, #tpu.memory_space<vmem_shared>>) target(%arg16 : memref<128x16xf32, #tpu.memory_space<vmem>>) offsets(%dma_start3A_41 : memref<128xi32, #tpu.memory_space<vmem>>) semaphore(%arg22 : memref<!tpu.dma_semaphore, #tpu.memory_space<semaphore_mem>>)
    %dma_wait3A_45 = arith.constant 128 : i32
    %dma_wait3A_46 = tpu.memref_slice %arg9[%dma_wait3A_45] : memref<20224xi32, #tpu.memory_space<vmem>> -> memref<128xi32, #tpu.memory_space<vmem>>
    %dma_wait3A_47 = arith.constant 0 : i32
    %dma_wait3A_48 = arith.constant 0 : i32
    %dma_wait3A_49 = tpu.memref_slice %arg24[%dma_wait3A_47, %dma_wait3A_48] : memref<10240x16xf32, #tpu.memory_space<vmem_shared>> -> memref<10240x16xf32, #tpu.memory_space<vmem_shared>>
    tpu.wait_indirect_dma semaphore(%arg18 : memref<!tpu.dma_semaphore, #tpu.memory_space<semaphore_mem>>) src(%dma_wait3A_49 : memref<10240x16xf32, #tpu.memory_space<vmem_shared>>) dst(%arg12 : memref<128x16xf32, #tpu.memory_space<vmem>>)
    %run_scoped3A_50 = arith.constant 1 : i32
    "tpu.region"() ({
      %run_scoped3A_128 = tpu.sem_alloc : memref<!tpu.dma_semaphore, #tpu.memory_space<semaphore_mem>>
      %dma_start3A_129 = arith.constant 0 : i32
      %dma_start3A_130 = tpu.memref_slice %arg10[%run_scoped3A_50, %dma_start3A_129] : memref<158x128xi32, #tpu.memory_space<vmem>> -> memref<1x128xi32, #tpu.memory_space<vmem>>
      %dma_start3A_131 = tpu.memref_squeeze %dma_start3A_130 : memref<1x128xi32, #tpu.memory_space<vmem>> -> memref<128xi32, #tpu.memory_space<vmem>>
      %dma_start3A_132 = arith.constant 0 : i32
      %dma_start3A_133 = arith.constant 0 : i32
      %dma_start3A_134 = tpu.memref_slice %arg23[%dma_start3A_132, %dma_start3A_133] : memref<10240x16xf32, #tpu.memory_space<vmem_shared>> -> memref<10240x16xf32, #tpu.memory_space<vmem_shared>>
      tpu.enqueue_indirect_dma source(%arg12 : memref<128x16xf32, #tpu.memory_space<vmem>>) target(%dma_start3A_134 : memref<10240x16xf32, #tpu.memory_space<vmem_shared>>) offsets(%dma_start3A_131 : memref<128xi32, #tpu.memory_space<vmem>>) semaphore(%run_scoped3A_128 : memref<!tpu.dma_semaphore, #tpu.memory_space<semaphore_mem>>) {add = true}
      %dma_wait3A_135 = arith.constant 0 : i32
      %dma_wait3A_136 = tpu.memref_slice %arg10[%run_scoped3A_50, %dma_wait3A_135] : memref<158x128xi32, #tpu.memory_space<vmem>> -> memref<1x128xi32, #tpu.memory_space<vmem>>
      %dma_wait3A_137 = tpu.memref_squeeze %dma_wait3A_136 : memref<1x128xi32, #tpu.memory_space<vmem>> -> memref<128xi32, #tpu.memory_space<vmem>>
      %dma_wait3A_138 = arith.constant 0 : i32
      %dma_wait3A_139 = arith.constant 0 : i32
      %dma_wait3A_140 = tpu.memref_slice %arg23[%dma_wait3A_138, %dma_wait3A_139] : memref<10240x16xf32, #tpu.memory_space<vmem_shared>> -> memref<10240x16xf32, #tpu.memory_space<vmem_shared>>
      tpu.wait_indirect_dma semaphore(%run_scoped3A_128 : memref<!tpu.dma_semaphore, #tpu.memory_space<semaphore_mem>>) src(%arg12 : memref<128x16xf32, #tpu.memory_space<vmem>>) dst(%dma_wait3A_140 : memref<10240x16xf32, #tpu.memory_space<vmem_shared>>)
      tpu.yield
    }) : () -> ()
    %dma_start3A_51 = arith.constant 768 : i32
    %dma_start3A_52 = tpu.memref_slice %arg9[%dma_start3A_51] : memref<20224xi32, #tpu.memory_space<vmem>> -> memref<128xi32, #tpu.memory_space<vmem>>
    %dma_start3A_53 = arith.constant 0 : i32
    %dma_start3A_54 = arith.constant 0 : i32
    %dma_start3A_55 = tpu.memref_slice %arg24[%dma_start3A_53, %dma_start3A_54] : memref<10240x16xf32, #tpu.memory_space<vmem_shared>> -> memref<10240x16xf32, #tpu.memory_space<vmem_shared>>
    tpu.enqueue_indirect_dma source(%dma_start3A_55 : memref<10240x16xf32, #tpu.memory_space<vmem_shared>>) target(%arg11 : memref<128x16xf32, #tpu.memory_space<vmem>>) offsets(%dma_start3A_52 : memref<128xi32, #tpu.memory_space<vmem>>) semaphore(%arg17 : memref<!tpu.dma_semaphore, #tpu.memory_space<semaphore_mem>>)
    %dma_wait3A_56 = arith.constant 256 : i32
    %dma_wait3A_57 = tpu.memref_slice %arg9[%dma_wait3A_56] : memref<20224xi32, #tpu.memory_space<vmem>> -> memref<128xi32, #tpu.memory_space<vmem>>
    %dma_wait3A_58 = arith.constant 0 : i32
    %dma_wait3A_59 = arith.constant 0 : i32
    %dma_wait3A_60 = tpu.memref_slice %arg24[%dma_wait3A_58, %dma_wait3A_59] : memref<10240x16xf32, #tpu.memory_space<vmem_shared>> -> memref<10240x16xf32, #tpu.memory_space<vmem_shared>>
    tpu.wait_indirect_dma semaphore(%arg19 : memref<!tpu.dma_semaphore, #tpu.memory_space<semaphore_mem>>) src(%dma_wait3A_60 : memref<10240x16xf32, #tpu.memory_space<vmem_shared>>) dst(%arg13 : memref<128x16xf32, #tpu.memory_space<vmem>>)
    %run_scoped3A_61 = arith.constant 2 : i32
    "tpu.region"() ({
      %run_scoped3A_128 = tpu.sem_alloc : memref<!tpu.dma_semaphore, #tpu.memory_space<semaphore_mem>>
      %dma_start3A_129 = arith.constant 0 : i32
      %dma_start3A_130 = tpu.memref_slice %arg10[%run_scoped3A_61, %dma_start3A_129] : memref<158x128xi32, #tpu.memory_space<vmem>> -> memref<1x128xi32, #tpu.memory_space<vmem>>
      %dma_start3A_131 = tpu.memref_squeeze %dma_start3A_130 : memref<1x128xi32, #tpu.memory_space<vmem>> -> memref<128xi32, #tpu.memory_space<vmem>>
      %dma_start3A_132 = arith.constant 0 : i32
      %dma_start3A_133 = arith.constant 0 : i32
      %dma_start3A_134 = tpu.memref_slice %arg23[%dma_start3A_132, %dma_start3A_133] : memref<10240x16xf32, #tpu.memory_space<vmem_shared>> -> memref<10240x16xf32, #tpu.memory_space<vmem_shared>>
      tpu.enqueue_indirect_dma source(%arg13 : memref<128x16xf32, #tpu.memory_space<vmem>>) target(%dma_start3A_134 : memref<10240x16xf32, #tpu.memory_space<vmem_shared>>) offsets(%dma_start3A_131 : memref<128xi32, #tpu.memory_space<vmem>>) semaphore(%run_scoped3A_128 : memref<!tpu.dma_semaphore, #tpu.memory_space<semaphore_mem>>) {add = true}
      %dma_wait3A_135 = arith.constant 0 : i32
      %dma_wait3A_136 = tpu.memref_slice %arg10[%run_scoped3A_61, %dma_wait3A_135] : memref<158x128xi32, #tpu.memory_space<vmem>> -> memref<1x128xi32, #tpu.memory_space<vmem>>
      %dma_wait3A_137 = tpu.memref_squeeze %dma_wait3A_136 : memref<1x128xi32, #tpu.memory_space<vmem>> -> memref<128xi32, #tpu.memory_space<vmem>>
      %dma_wait3A_138 = arith.constant 0 : i32
      %dma_wait3A_139 = arith.constant 0 : i32
      %dma_wait3A_140 = tpu.memref_slice %arg23[%dma_wait3A_138, %dma_wait3A_139] : memref<10240x16xf32, #tpu.memory_space<vmem_shared>> -> memref<10240x16xf32, #tpu.memory_space<vmem_shared>>
      tpu.wait_indirect_dma semaphore(%run_scoped3A_128 : memref<!tpu.dma_semaphore, #tpu.memory_space<semaphore_mem>>) src(%arg13 : memref<128x16xf32, #tpu.memory_space<vmem>>) dst(%dma_wait3A_140 : memref<10240x16xf32, #tpu.memory_space<vmem_shared>>)
      tpu.yield
    }) : () -> ()
    %dma_start3A_62 = arith.constant 896 : i32
    %dma_start3A_63 = tpu.memref_slice %arg9[%dma_start3A_62] : memref<20224xi32, #tpu.memory_space<vmem>> -> memref<128xi32, #tpu.memory_space<vmem>>
    %dma_start3A_64 = arith.constant 0 : i32
    %dma_start3A_65 = arith.constant 0 : i32
    %dma_start3A_66 = tpu.memref_slice %arg24[%dma_start3A_64, %dma_start3A_65] : memref<10240x16xf32, #tpu.memory_space<vmem_shared>> -> memref<10240x16xf32, #tpu.memory_space<vmem_shared>>
    tpu.enqueue_indirect_dma source(%dma_start3A_66 : memref<10240x16xf32, #tpu.memory_space<vmem_shared>>) target(%arg12 : memref<128x16xf32, #tpu.memory_space<vmem>>) offsets(%dma_start3A_63 : memref<128xi32, #tpu.memory_space<vmem>>) semaphore(%arg18 : memref<!tpu.dma_semaphore, #tpu.memory_space<semaphore_mem>>)
    %dma_wait3A_67 = arith.constant 384 : i32
    %dma_wait3A_68 = tpu.memref_slice %arg9[%dma_wait3A_67] : memref<20224xi32, #tpu.memory_space<vmem>> -> memref<128xi32, #tpu.memory_space<vmem>>
    %dma_wait3A_69 = arith.constant 0 : i32
    %dma_wait3A_70 = arith.constant 0 : i32
    %dma_wait3A_71 = tpu.memref_slice %arg24[%dma_wait3A_69, %dma_wait3A_70] : memref<10240x16xf32, #tpu.memory_space<vmem_shared>> -> memref<10240x16xf32, #tpu.memory_space<vmem_shared>>
    tpu.wait_indirect_dma semaphore(%arg20 : memref<!tpu.dma_semaphore, #tpu.memory_space<semaphore_mem>>) src(%dma_wait3A_71 : memref<10240x16xf32, #tpu.memory_space<vmem_shared>>) dst(%arg14 : memref<128x16xf32, #tpu.memory_space<vmem>>)
    %run_scoped3A_72 = arith.constant 3 : i32
    "tpu.region"() ({
      %run_scoped3A_128 = tpu.sem_alloc : memref<!tpu.dma_semaphore, #tpu.memory_space<semaphore_mem>>
      %dma_start3A_129 = arith.constant 0 : i32
      %dma_start3A_130 = tpu.memref_slice %arg10[%run_scoped3A_72, %dma_start3A_129] : memref<158x128xi32, #tpu.memory_space<vmem>> -> memref<1x128xi32, #tpu.memory_space<vmem>>
      %dma_start3A_131 = tpu.memref_squeeze %dma_start3A_130 : memref<1x128xi32, #tpu.memory_space<vmem>> -> memref<128xi32, #tpu.memory_space<vmem>>
      %dma_start3A_132 = arith.constant 0 : i32
      %dma_start3A_133 = arith.constant 0 : i32
      %dma_start3A_134 = tpu.memref_slice %arg23[%dma_start3A_132, %dma_start3A_133] : memref<10240x16xf32, #tpu.memory_space<vmem_shared>> -> memref<10240x16xf32, #tpu.memory_space<vmem_shared>>
      tpu.enqueue_indirect_dma source(%arg14 : memref<128x16xf32, #tpu.memory_space<vmem>>) target(%dma_start3A_134 : memref<10240x16xf32, #tpu.memory_space<vmem_shared>>) offsets(%dma_start3A_131 : memref<128xi32, #tpu.memory_space<vmem>>) semaphore(%run_scoped3A_128 : memref<!tpu.dma_semaphore, #tpu.memory_space<semaphore_mem>>) {add = true}
      %dma_wait3A_135 = arith.constant 0 : i32
      %dma_wait3A_136 = tpu.memref_slice %arg10[%run_scoped3A_72, %dma_wait3A_135] : memref<158x128xi32, #tpu.memory_space<vmem>> -> memref<1x128xi32, #tpu.memory_space<vmem>>
      %dma_wait3A_137 = tpu.memref_squeeze %dma_wait3A_136 : memref<1x128xi32, #tpu.memory_space<vmem>> -> memref<128xi32, #tpu.memory_space<vmem>>
      %dma_wait3A_138 = arith.constant 0 : i32
      %dma_wait3A_139 = arith.constant 0 : i32
      %dma_wait3A_140 = tpu.memref_slice %arg23[%dma_wait3A_138, %dma_wait3A_139] : memref<10240x16xf32, #tpu.memory_space<vmem_shared>> -> memref<10240x16xf32, #tpu.memory_space<vmem_shared>>
      tpu.wait_indirect_dma semaphore(%run_scoped3A_128 : memref<!tpu.dma_semaphore, #tpu.memory_space<semaphore_mem>>) src(%arg14 : memref<128x16xf32, #tpu.memory_space<vmem>>) dst(%dma_wait3A_140 : memref<10240x16xf32, #tpu.memory_space<vmem_shared>>)
      tpu.yield
    }) : () -> ()
    %dma_start3A_73 = arith.constant 1024 : i32
    %dma_start3A_74 = tpu.memref_slice %arg9[%dma_start3A_73] : memref<20224xi32, #tpu.memory_space<vmem>> -> memref<128xi32, #tpu.memory_space<vmem>>
    %dma_start3A_75 = arith.constant 0 : i32
    %dma_start3A_76 = arith.constant 0 : i32
    %dma_start3A_77 = tpu.memref_slice %arg24[%dma_start3A_75, %dma_start3A_76] : memref<10240x16xf32, #tpu.memory_space<vmem_shared>> -> memref<10240x16xf32, #tpu.memory_space<vmem_shared>>
    tpu.enqueue_indirect_dma source(%dma_start3A_77 : memref<10240x16xf32, #tpu.memory_space<vmem_shared>>) target(%arg13 : memref<128x16xf32, #tpu.memory_space<vmem>>) offsets(%dma_start3A_74 : memref<128xi32, #tpu.memory_space<vmem>>) semaphore(%arg19 : memref<!tpu.dma_semaphore, #tpu.memory_space<semaphore_mem>>)
    %dma_wait3A_78 = arith.constant 512 : i32
    %dma_wait3A_79 = tpu.memref_slice %arg9[%dma_wait3A_78] : memref<20224xi32, #tpu.memory_space<vmem>> -> memref<128xi32, #tpu.memory_space<vmem>>
    %dma_wait3A_80 = arith.constant 0 : i32
    %dma_wait3A_81 = arith.constant 0 : i32
    %dma_wait3A_82 = tpu.memref_slice %arg24[%dma_wait3A_80, %dma_wait3A_81] : memref<10240x16xf32, #tpu.memory_space<vmem_shared>> -> memref<10240x16xf32, #tpu.memory_space<vmem_shared>>
    tpu.wait_indirect_dma semaphore(%arg21 : memref<!tpu.dma_semaphore, #tpu.memory_space<semaphore_mem>>) src(%dma_wait3A_82 : memref<10240x16xf32, #tpu.memory_space<vmem_shared>>) dst(%arg15 : memref<128x16xf32, #tpu.memory_space<vmem>>)
    %run_scoped3A_83 = arith.constant 4 : i32
    "tpu.region"() ({
      %run_scoped3A_128 = tpu.sem_alloc : memref<!tpu.dma_semaphore, #tpu.memory_space<semaphore_mem>>
      %dma_start3A_129 = arith.constant 0 : i32
      %dma_start3A_130 = tpu.memref_slice %arg10[%run_scoped3A_83, %dma_start3A_129] : memref<158x128xi32, #tpu.memory_space<vmem>> -> memref<1x128xi32, #tpu.memory_space<vmem>>
      %dma_start3A_131 = tpu.memref_squeeze %dma_start3A_130 : memref<1x128xi32, #tpu.memory_space<vmem>> -> memref<128xi32, #tpu.memory_space<vmem>>
      %dma_start3A_132 = arith.constant 0 : i32
      %dma_start3A_133 = arith.constant 0 : i32
      %dma_start3A_134 = tpu.memref_slice %arg23[%dma_start3A_132, %dma_start3A_133] : memref<10240x16xf32, #tpu.memory_space<vmem_shared>> -> memref<10240x16xf32, #tpu.memory_space<vmem_shared>>
      tpu.enqueue_indirect_dma source(%arg15 : memref<128x16xf32, #tpu.memory_space<vmem>>) target(%dma_start3A_134 : memref<10240x16xf32, #tpu.memory_space<vmem_shared>>) offsets(%dma_start3A_131 : memref<128xi32, #tpu.memory_space<vmem>>) semaphore(%run_scoped3A_128 : memref<!tpu.dma_semaphore, #tpu.memory_space<semaphore_mem>>) {add = true}
      %dma_wait3A_135 = arith.constant 0 : i32
      %dma_wait3A_136 = tpu.memref_slice %arg10[%run_scoped3A_83, %dma_wait3A_135] : memref<158x128xi32, #tpu.memory_space<vmem>> -> memref<1x128xi32, #tpu.memory_space<vmem>>
      %dma_wait3A_137 = tpu.memref_squeeze %dma_wait3A_136 : memref<1x128xi32, #tpu.memory_space<vmem>> -> memref<128xi32, #tpu.memory_space<vmem>>
      %dma_wait3A_138 = arith.constant 0 : i32
      %dma_wait3A_139 = arith.constant 0 : i32
      %dma_wait3A_140 = tpu.memref_slice %arg23[%dma_wait3A_138, %dma_wait3A_139] : memref<10240x16xf32, #tpu.memory_space<vmem_shared>> -> memref<10240x16xf32, #tpu.memory_space<vmem_shared>>
      tpu.wait_indirect_dma semaphore(%run_scoped3A_128 : memref<!tpu.dma_semaphore, #tpu.memory_space<semaphore_mem>>) src(%arg15 : memref<128x16xf32, #tpu.memory_space<vmem>>) dst(%dma_wait3A_140 : memref<10240x16xf32, #tpu.memory_space<vmem_shared>>)
      tpu.yield
    }) : () -> ()
    %dma_start3A_84 = arith.constant 1152 : i32
    %dma_start3A_85 = tpu.memref_slice %arg9[%dma_start3A_84] : memref<20224xi32, #tpu.memory_space<vmem>> -> memref<128xi32, #tpu.memory_space<vmem>>
    %dma_start3A_86 = arith.constant 0 : i32
    %dma_start3A_87 = arith.constant 0 : i32
    %dma_start3A_88 = tpu.memref_slice %arg24[%dma_start3A_86, %dma_start3A_87] : memref<10240x16xf32, #tpu.memory_space<vmem_shared>> -> memref<10240x16xf32, #tpu.memory_space<vmem_shared>>
    tpu.enqueue_indirect_dma source(%dma_start3A_88 : memref<10240x16xf32, #tpu.memory_space<vmem_shared>>) target(%arg14 : memref<128x16xf32, #tpu.memory_space<vmem>>) offsets(%dma_start3A_85 : memref<128xi32, #tpu.memory_space<vmem>>) semaphore(%arg20 : memref<!tpu.dma_semaphore, #tpu.memory_space<semaphore_mem>>)
    %dma_wait3A_89 = arith.constant 640 : i32
    %dma_wait3A_90 = tpu.memref_slice %arg9[%dma_wait3A_89] : memref<20224xi32, #tpu.memory_space<vmem>> -> memref<128xi32, #tpu.memory_space<vmem>>
    %dma_wait3A_91 = arith.constant 0 : i32
    %dma_wait3A_92 = arith.constant 0 : i32
    %dma_wait3A_93 = tpu.memref_slice %arg24[%dma_wait3A_91, %dma_wait3A_92] : memref<10240x16xf32, #tpu.memory_space<vmem_shared>> -> memref<10240x16xf32, #tpu.memory_space<vmem_shared>>
    tpu.wait_indirect_dma semaphore(%arg22 : memref<!tpu.dma_semaphore, #tpu.memory_space<semaphore_mem>>) src(%dma_wait3A_93 : memref<10240x16xf32, #tpu.memory_space<vmem_shared>>) dst(%arg16 : memref<128x16xf32, #tpu.memory_space<vmem>>)
    %run_scoped3A_94 = arith.constant 5 : i32
    "tpu.region"() ({
      %run_scoped3A_128 = tpu.sem_alloc : memref<!tpu.dma_semaphore, #tpu.memory_space<semaphore_mem>>
      %dma_start3A_129 = arith.constant 0 : i32
      %dma_start3A_130 = tpu.memref_slice %arg10[%run_scoped3A_94, %dma_start3A_129] : memref<158x128xi32, #tpu.memory_space<vmem>> -> memref<1x128xi32, #tpu.memory_space<vmem>>
      %dma_start3A_131 = tpu.memref_squeeze %dma_start3A_130 : memref<1x128xi32, #tpu.memory_space<vmem>> -> memref<128xi32, #tpu.memory_space<vmem>>
      %dma_start3A_132 = arith.constant 0 : i32
      %dma_start3A_133 = arith.constant 0 : i32
      %dma_start3A_134 = tpu.memref_slice %arg23[%dma_start3A_132, %dma_start3A_133] : memref<10240x16xf32, #tpu.memory_space<vmem_shared>> -> memref<10240x16xf32, #tpu.memory_space<vmem_shared>>
      tpu.enqueue_indirect_dma source(%arg16 : memref<128x16xf32, #tpu.memory_space<vmem>>) target(%dma_start3A_134 : memref<10240x16xf32, #tpu.memory_space<vmem_shared>>) offsets(%dma_start3A_131 : memref<128xi32, #tpu.memory_space<vmem>>) semaphore(%run_scoped3A_128 : memref<!tpu.dma_semaphore, #tpu.memory_space<semaphore_mem>>) {add = true}
      %dma_wait3A_135 = arith.constant 0 : i32
      %dma_wait3A_136 = tpu.memref_slice %arg10[%run_scoped3A_94, %dma_wait3A_135] : memref<158x128xi32, #tpu.memory_space<vmem>> -> memref<1x128xi32, #tpu.memory_space<vmem>>
      %dma_wait3A_137 = tpu.memref_squeeze %dma_wait3A_136 : memref<1x128xi32, #tpu.memory_space<vmem>> -> memref<128xi32, #tpu.memory_space<vmem>>
      %dma_wait3A_138 = arith.constant 0 : i32
      %dma_wait3A_139 = arith.constant 0 : i32
      %dma_wait3A_140 = tpu.memref_slice %arg23[%dma_wait3A_138, %dma_wait3A_139] : memref<10240x16xf32, #tpu.memory_space<vmem_shared>> -> memref<10240x16xf32, #tpu.memory_space<vmem_shared>>
      tpu.wait_indirect_dma semaphore(%run_scoped3A_128 : memref<!tpu.dma_semaphore, #tpu.memory_space<semaphore_mem>>) src(%arg16 : memref<128x16xf32, #tpu.memory_space<vmem>>) dst(%dma_wait3A_140 : memref<10240x16xf32, #tpu.memory_space<vmem_shared>>)
      tpu.yield
    }) : () -> ()
    %dma_start3A_95 = arith.constant 1280 : i32
    %dma_start3A_96 = tpu.memref_slice %arg9[%dma_start3A_95] : memref<20224xi32, #tpu.memory_space<vmem>> -> memref<128xi32, #tpu.memory_space<vmem>>
    %dma_start3A_97 = arith.constant 0 : i32
    %dma_start3A_98 = arith.constant 0 : i32
    %dma_start3A_99 = tpu.memref_slice %arg24[%dma_start3A_97, %dma_start3A_98] : memref<10240x16xf32, #tpu.memory_space<vmem_shared>> -> memref<10240x16xf32, #tpu.memory_space<vmem_shared>>
    tpu.enqueue_indirect_dma source(%dma_start3A_99 : memref<10240x16xf32, #tpu.memory_space<vmem_shared>>) target(%arg15 : memref<128x16xf32, #tpu.memory_space<vmem>>) offsets(%dma_start3A_96 : memref<128xi32, #tpu.memory_space<vmem>>) semaphore(%arg21 : memref<!tpu.dma_semaphore, #tpu.memory_space<semaphore_mem>>)
    %scan3A = arith.constant 0 : i32
    %scan3A_100 = arith.constant 1 : i32
    %scan3A_101 = arith.constant 25 : i32
    %scan3A_102 = arith.addi %scan3A_100, %scan3A_101 : i32
    %scan3A_103 = arith.constant 1 : i32
    scf.for %scan3A_128 = %scan3A_100 to %scan3A_102 step %scan3A_103  : i32 {
      %mul3A_129 = arith.constant 6 : i32
      %mul3A_130 = arith.muli %scan3A_128, %mul3A_129 : i32
      %add3A = arith.constant 0 : i32
      %add3A_131 = arith.addi %mul3A_130, %add3A : i32
      %mul3A_132 = arith.constant 128 : i32
      %mul3A_133 = arith.muli %add3A_131, %mul3A_132 : i32
      %dma_wait3A_134 = tpu.memref_slice %arg9[%mul3A_133] : memref<20224xi32, #tpu.memory_space<vmem>> -> memref<128xi32, #tpu.memory_space<vmem>>
      %dma_wait3A_135 = arith.constant 0 : i32
      %dma_wait3A_136 = arith.constant 0 : i32
      %dma_wait3A_137 = tpu.memref_slice %arg24[%dma_wait3A_135, %dma_wait3A_136] : memref<10240x16xf32, #tpu.memory_space<vmem_shared>> -> memref<10240x16xf32, #tpu.memory_space<vmem_shared>>
      tpu.wait_indirect_dma semaphore(%arg17 : memref<!tpu.dma_semaphore, #tpu.memory_space<semaphore_mem>>) src(%dma_wait3A_137 : memref<10240x16xf32, #tpu.memory_space<vmem_shared>>) dst(%arg11 : memref<128x16xf32, #tpu.memory_space<vmem>>)
      "tpu.region"() ({
        %run_scoped3A_219 = tpu.sem_alloc : memref<!tpu.dma_semaphore, #tpu.memory_space<semaphore_mem>>
        %dma_start3A_220 = arith.constant 0 : i32
        %dma_start3A_221 = tpu.memref_slice %arg10[%add3A_131, %dma_start3A_220] : memref<158x128xi32, #tpu.memory_space<vmem>> -> memref<1x128xi32, #tpu.memory_space<vmem>>
        %dma_start3A_222 = tpu.memref_squeeze %dma_start3A_221 : memref<1x128xi32, #tpu.memory_space<vmem>> -> memref<128xi32, #tpu.memory_space<vmem>>
        %dma_start3A_223 = arith.constant 0 : i32
        %dma_start3A_224 = arith.constant 0 : i32
        %dma_start3A_225 = tpu.memref_slice %arg23[%dma_start3A_223, %dma_start3A_224] : memref<10240x16xf32, #tpu.memory_space<vmem_shared>> -> memref<10240x16xf32, #tpu.memory_space<vmem_shared>>
        tpu.enqueue_indirect_dma source(%arg11 : memref<128x16xf32, #tpu.memory_space<vmem>>) target(%dma_start3A_225 : memref<10240x16xf32, #tpu.memory_space<vmem_shared>>) offsets(%dma_start3A_222 : memref<128xi32, #tpu.memory_space<vmem>>) semaphore(%run_scoped3A_219 : memref<!tpu.dma_semaphore, #tpu.memory_space<semaphore_mem>>) {add = true}
        %dma_wait3A_226 = arith.constant 0 : i32
        %dma_wait3A_227 = tpu.memref_slice %arg10[%add3A_131, %dma_wait3A_226] : memref<158x128xi32, #tpu.memory_space<vmem>> -> memref<1x128xi32, #tpu.memory_space<vmem>>
        %dma_wait3A_228 = tpu.memref_squeeze %dma_wait3A_227 : memref<1x128xi32, #tpu.memory_space<vmem>> -> memref<128xi32, #tpu.memory_space<vmem>>
        %dma_wait3A_229 = arith.constant 0 : i32
        %dma_wait3A_230 = arith.constant 0 : i32
        %dma_wait3A_231 = tpu.memref_slice %arg23[%dma_wait3A_229, %dma_wait3A_230] : memref<10240x16xf32, #tpu.memory_space<vmem_shared>> -> memref<10240x16xf32, #tpu.memory_space<vmem_shared>>
        tpu.wait_indirect_dma semaphore(%run_scoped3A_219 : memref<!tpu.dma_semaphore, #tpu.memory_space<semaphore_mem>>) src(%arg11 : memref<128x16xf32, #tpu.memory_space<vmem>>) dst(%dma_wait3A_231 : memref<10240x16xf32, #tpu.memory_space<vmem_shared>>)
        tpu.yield
      }) : () -> ()
      %add3A_138 = arith.constant 5 : i32
      %add3A_139 = arith.addi %add3A_131, %add3A_138 : i32
      %lt3A = arith.constant 158 : i32
      %lt3A_140 = arith.cmpi slt, %add3A_139, %lt3A : i32
      %convert_element_type3A_141 = arith.extui %lt3A_140 : i1 to i32
      %cond3A_142 = arith.constant 0 : i32
      %cond3A_143 = arith.cmpi ne, %convert_element_type3A_141, %cond3A_142 : i32
      scf.if %cond3A_143 {
        %add3A_219 = arith.constant 5 : i32
        %add3A_220 = arith.addi %add3A_131, %add3A_219 : i32
        %mul3A_221 = arith.constant 128 : i32
        %mul3A_222 = arith.muli %add3A_220, %mul3A_221 : i32
        %dma_start3A_223 = tpu.memref_slice %arg9[%mul3A_222] : memref<20224xi32, #tpu.memory_space<vmem>> -> memref<128xi32, #tpu.memory_space<vmem>>
        %dma_start3A_224 = arith.constant 0 : i32
        %dma_start3A_225 = arith.constant 0 : i32
        %dma_start3A_226 = tpu.memref_slice %arg24[%dma_start3A_224, %dma_start3A_225] : memref<10240x16xf32, #tpu.memory_space<vmem_shared>> -> memref<10240x16xf32, #tpu.memory_space<vmem_shared>>
        tpu.enqueue_indirect_dma source(%dma_start3A_226 : memref<10240x16xf32, #tpu.memory_space<vmem_shared>>) target(%arg16 : memref<128x16xf32, #tpu.memory_space<vmem>>) offsets(%dma_start3A_223 : memref<128xi32, #tpu.memory_space<vmem>>) semaphore(%arg22 : memref<!tpu.dma_semaphore, #tpu.memory_space<semaphore_mem>>)
      } else {
      }
      %add3A_144 = arith.constant 1 : i32
      %add3A_145 = arith.addi %mul3A_130, %add3A_144 : i32
      %mul3A_146 = arith.constant 128 : i32
      %mul3A_147 = arith.muli %add3A_145, %mul3A_146 : i32
      %dma_wait3A_148 = tpu.memref_slice %arg9[%mul3A_147] : memref<20224xi32, #tpu.memory_space<vmem>> -> memref<128xi32, #tpu.memory_space<vmem>>
      %dma_wait3A_149 = arith.constant 0 : i32
      %dma_wait3A_150 = arith.constant 0 : i32
      %dma_wait3A_151 = tpu.memref_slice %arg24[%dma_wait3A_149, %dma_wait3A_150] : memref<10240x16xf32, #tpu.memory_space<vmem_shared>> -> memref<10240x16xf32, #tpu.memory_space<vmem_shared>>
      tpu.wait_indirect_dma semaphore(%arg18 : memref<!tpu.dma_semaphore, #tpu.memory_space<semaphore_mem>>) src(%dma_wait3A_151 : memref<10240x16xf32, #tpu.memory_space<vmem_shared>>) dst(%arg12 : memref<128x16xf32, #tpu.memory_space<vmem>>)
      "tpu.region"() ({
        %run_scoped3A_219 = tpu.sem_alloc : memref<!tpu.dma_semaphore, #tpu.memory_space<semaphore_mem>>
        %dma_start3A_220 = arith.constant 0 : i32
        %dma_start3A_221 = tpu.memref_slice %arg10[%add3A_145, %dma_start3A_220] : memref<158x128xi32, #tpu.memory_space<vmem>> -> memref<1x128xi32, #tpu.memory_space<vmem>>
        %dma_start3A_222 = tpu.memref_squeeze %dma_start3A_221 : memref<1x128xi32, #tpu.memory_space<vmem>> -> memref<128xi32, #tpu.memory_space<vmem>>
        %dma_start3A_223 = arith.constant 0 : i32
        %dma_start3A_224 = arith.constant 0 : i32
        %dma_start3A_225 = tpu.memref_slice %arg23[%dma_start3A_223, %dma_start3A_224] : memref<10240x16xf32, #tpu.memory_space<vmem_shared>> -> memref<10240x16xf32, #tpu.memory_space<vmem_shared>>
        tpu.enqueue_indirect_dma source(%arg12 : memref<128x16xf32, #tpu.memory_space<vmem>>) target(%dma_start3A_225 : memref<10240x16xf32, #tpu.memory_space<vmem_shared>>) offsets(%dma_start3A_222 : memref<128xi32, #tpu.memory_space<vmem>>) semaphore(%run_scoped3A_219 : memref<!tpu.dma_semaphore, #tpu.memory_space<semaphore_mem>>) {add = true}
        %dma_wait3A_226 = arith.constant 0 : i32
        %dma_wait3A_227 = tpu.memref_slice %arg10[%add3A_145, %dma_wait3A_226] : memref<158x128xi32, #tpu.memory_space<vmem>> -> memref<1x128xi32, #tpu.memory_space<vmem>>
        %dma_wait3A_228 = tpu.memref_squeeze %dma_wait3A_227 : memref<1x128xi32, #tpu.memory_space<vmem>> -> memref<128xi32, #tpu.memory_space<vmem>>
        %dma_wait3A_229 = arith.constant 0 : i32
        %dma_wait3A_230 = arith.constant 0 : i32
        %dma_wait3A_231 = tpu.memref_slice %arg23[%dma_wait3A_229, %dma_wait3A_230] : memref<10240x16xf32, #tpu.memory_space<vmem_shared>> -> memref<10240x16xf32, #tpu.memory_space<vmem_shared>>
        tpu.wait_indirect_dma semaphore(%run_scoped3A_219 : memref<!tpu.dma_semaphore, #tpu.memory_space<semaphore_mem>>) src(%arg12 : memref<128x16xf32, #tpu.memory_space<vmem>>) dst(%dma_wait3A_231 : memref<10240x16xf32, #tpu.memory_space<vmem_shared>>)
        tpu.yield
      }) : () -> ()
      %add3A_152 = arith.constant 5 : i32
      %add3A_153 = arith.addi %add3A_145, %add3A_152 : i32
      %lt3A_154 = arith.constant 158 : i32
      %lt3A_155 = arith.cmpi slt, %add3A_153, %lt3A_154 : i32
      %convert_element_type3A_156 = arith.extui %lt3A_155 : i1 to i32
      %cond3A_157 = arith.constant 0 : i32
      %cond3A_158 = arith.cmpi ne, %convert_element_type3A_156, %cond3A_157 : i32
      scf.if %cond3A_158 {
        %add3A_219 = arith.constant 5 : i32
        %add3A_220 = arith.addi %add3A_145, %add3A_219 : i32
        %mul3A_221 = arith.constant 128 : i32
        %mul3A_222 = arith.muli %add3A_220, %mul3A_221 : i32
        %dma_start3A_223 = tpu.memref_slice %arg9[%mul3A_222] : memref<20224xi32, #tpu.memory_space<vmem>> -> memref<128xi32, #tpu.memory_space<vmem>>
        %dma_start3A_224 = arith.constant 0 : i32
        %dma_start3A_225 = arith.constant 0 : i32
        %dma_start3A_226 = tpu.memref_slice %arg24[%dma_start3A_224, %dma_start3A_225] : memref<10240x16xf32, #tpu.memory_space<vmem_shared>> -> memref<10240x16xf32, #tpu.memory_space<vmem_shared>>
        tpu.enqueue_indirect_dma source(%dma_start3A_226 : memref<10240x16xf32, #tpu.memory_space<vmem_shared>>) target(%arg11 : memref<128x16xf32, #tpu.memory_space<vmem>>) offsets(%dma_start3A_223 : memref<128xi32, #tpu.memory_space<vmem>>) semaphore(%arg17 : memref<!tpu.dma_semaphore, #tpu.memory_space<semaphore_mem>>)
      } else {
      }
      %add3A_159 = arith.constant 2 : i32
      %add3A_160 = arith.addi %mul3A_130, %add3A_159 : i32
      %mul3A_161 = arith.constant 128 : i32
      %mul3A_162 = arith.muli %add3A_160, %mul3A_161 : i32
      %dma_wait3A_163 = tpu.memref_slice %arg9[%mul3A_162] : memref<20224xi32, #tpu.memory_space<vmem>> -> memref<128xi32, #tpu.memory_space<vmem>>
      %dma_wait3A_164 = arith.constant 0 : i32
      %dma_wait3A_165 = arith.constant 0 : i32
      %dma_wait3A_166 = tpu.memref_slice %arg24[%dma_wait3A_164, %dma_wait3A_165] : memref<10240x16xf32, #tpu.memory_space<vmem_shared>> -> memref<10240x16xf32, #tpu.memory_space<vmem_shared>>
      tpu.wait_indirect_dma semaphore(%arg19 : memref<!tpu.dma_semaphore, #tpu.memory_space<semaphore_mem>>) src(%dma_wait3A_166 : memref<10240x16xf32, #tpu.memory_space<vmem_shared>>) dst(%arg13 : memref<128x16xf32, #tpu.memory_space<vmem>>)
      "tpu.region"() ({
        %run_scoped3A_219 = tpu.sem_alloc : memref<!tpu.dma_semaphore, #tpu.memory_space<semaphore_mem>>
        %dma_start3A_220 = arith.constant 0 : i32
        %dma_start3A_221 = tpu.memref_slice %arg10[%add3A_160, %dma_start3A_220] : memref<158x128xi32, #tpu.memory_space<vmem>> -> memref<1x128xi32, #tpu.memory_space<vmem>>
        %dma_start3A_222 = tpu.memref_squeeze %dma_start3A_221 : memref<1x128xi32, #tpu.memory_space<vmem>> -> memref<128xi32, #tpu.memory_space<vmem>>
        %dma_start3A_223 = arith.constant 0 : i32
        %dma_start3A_224 = arith.constant 0 : i32
        %dma_start3A_225 = tpu.memref_slice %arg23[%dma_start3A_223, %dma_start3A_224] : memref<10240x16xf32, #tpu.memory_space<vmem_shared>> -> memref<10240x16xf32, #tpu.memory_space<vmem_shared>>
        tpu.enqueue_indirect_dma source(%arg13 : memref<128x16xf32, #tpu.memory_space<vmem>>) target(%dma_start3A_225 : memref<10240x16xf32, #tpu.memory_space<vmem_shared>>) offsets(%dma_start3A_222 : memref<128xi32, #tpu.memory_space<vmem>>) semaphore(%run_scoped3A_219 : memref<!tpu.dma_semaphore, #tpu.memory_space<semaphore_mem>>) {add = true}
        %dma_wait3A_226 = arith.constant 0 : i32
        %dma_wait3A_227 = tpu.memref_slice %arg10[%add3A_160, %dma_wait3A_226] : memref<158x128xi32, #tpu.memory_space<vmem>> -> memref<1x128xi32, #tpu.memory_space<vmem>>
        %dma_wait3A_228 = tpu.memref_squeeze %dma_wait3A_227 : memref<1x128xi32, #tpu.memory_space<vmem>> -> memref<128xi32, #tpu.memory_space<vmem>>
        %dma_wait3A_229 = arith.constant 0 : i32
        %dma_wait3A_230 = arith.constant 0 : i32
        %dma_wait3A_231 = tpu.memref_slice %arg23[%dma_wait3A_229, %dma_wait3A_230] : memref<10240x16xf32, #tpu.memory_space<vmem_shared>> -> memref<10240x16xf32, #tpu.memory_space<vmem_shared>>
        tpu.wait_indirect_dma semaphore(%run_scoped3A_219 : memref<!tpu.dma_semaphore, #tpu.memory_space<semaphore_mem>>) src(%arg13 : memref<128x16xf32, #tpu.memory_space<vmem>>) dst(%dma_wait3A_231 : memref<10240x16xf32, #tpu.memory_space<vmem_shared>>)
        tpu.yield
      }) : () -> ()
      %add3A_167 = arith.constant 5 : i32
      %add3A_168 = arith.addi %add3A_160, %add3A_167 : i32
      %lt3A_169 = arith.constant 158 : i32
      %lt3A_170 = arith.cmpi slt, %add3A_168, %lt3A_169 : i32
      %convert_element_type3A_171 = arith.extui %lt3A_170 : i1 to i32
      %cond3A_172 = arith.constant 0 : i32
      %cond3A_173 = arith.cmpi ne, %convert_element_type3A_171, %cond3A_172 : i32
      scf.if %cond3A_173 {
        %add3A_219 = arith.constant 5 : i32
        %add3A_220 = arith.addi %add3A_160, %add3A_219 : i32
        %mul3A_221 = arith.constant 128 : i32
        %mul3A_222 = arith.muli %add3A_220, %mul3A_221 : i32
        %dma_start3A_223 = tpu.memref_slice %arg9[%mul3A_222] : memref<20224xi32, #tpu.memory_space<vmem>> -> memref<128xi32, #tpu.memory_space<vmem>>
        %dma_start3A_224 = arith.constant 0 : i32
        %dma_start3A_225 = arith.constant 0 : i32
        %dma_start3A_226 = tpu.memref_slice %arg24[%dma_start3A_224, %dma_start3A_225] : memref<10240x16xf32, #tpu.memory_space<vmem_shared>> -> memref<10240x16xf32, #tpu.memory_space<vmem_shared>>
        tpu.enqueue_indirect_dma source(%dma_start3A_226 : memref<10240x16xf32, #tpu.memory_space<vmem_shared>>) target(%arg12 : memref<128x16xf32, #tpu.memory_space<vmem>>) offsets(%dma_start3A_223 : memref<128xi32, #tpu.memory_space<vmem>>) semaphore(%arg18 : memref<!tpu.dma_semaphore, #tpu.memory_space<semaphore_mem>>)
      } else {
      }
      %add3A_174 = arith.constant 3 : i32
      %add3A_175 = arith.addi %mul3A_130, %add3A_174 : i32
      %mul3A_176 = arith.constant 128 : i32
      %mul3A_177 = arith.muli %add3A_175, %mul3A_176 : i32
      %dma_wait3A_178 = tpu.memref_slice %arg9[%mul3A_177] : memref<20224xi32, #tpu.memory_space<vmem>> -> memref<128xi32, #tpu.memory_space<vmem>>
      %dma_wait3A_179 = arith.constant 0 : i32
      %dma_wait3A_180 = arith.constant 0 : i32
      %dma_wait3A_181 = tpu.memref_slice %arg24[%dma_wait3A_179, %dma_wait3A_180] : memref<10240x16xf32, #tpu.memory_space<vmem_shared>> -> memref<10240x16xf32, #tpu.memory_space<vmem_shared>>
      tpu.wait_indirect_dma semaphore(%arg20 : memref<!tpu.dma_semaphore, #tpu.memory_space<semaphore_mem>>) src(%dma_wait3A_181 : memref<10240x16xf32, #tpu.memory_space<vmem_shared>>) dst(%arg14 : memref<128x16xf32, #tpu.memory_space<vmem>>)
      "tpu.region"() ({
        %run_scoped3A_219 = tpu.sem_alloc : memref<!tpu.dma_semaphore, #tpu.memory_space<semaphore_mem>>
        %dma_start3A_220 = arith.constant 0 : i32
        %dma_start3A_221 = tpu.memref_slice %arg10[%add3A_175, %dma_start3A_220] : memref<158x128xi32, #tpu.memory_space<vmem>> -> memref<1x128xi32, #tpu.memory_space<vmem>>
        %dma_start3A_222 = tpu.memref_squeeze %dma_start3A_221 : memref<1x128xi32, #tpu.memory_space<vmem>> -> memref<128xi32, #tpu.memory_space<vmem>>
        %dma_start3A_223 = arith.constant 0 : i32
        %dma_start3A_224 = arith.constant 0 : i32
        %dma_start3A_225 = tpu.memref_slice %arg23[%dma_start3A_223, %dma_start3A_224] : memref<10240x16xf32, #tpu.memory_space<vmem_shared>> -> memref<10240x16xf32, #tpu.memory_space<vmem_shared>>
        tpu.enqueue_indirect_dma source(%arg14 : memref<128x16xf32, #tpu.memory_space<vmem>>) target(%dma_start3A_225 : memref<10240x16xf32, #tpu.memory_space<vmem_shared>>) offsets(%dma_start3A_222 : memref<128xi32, #tpu.memory_space<vmem>>) semaphore(%run_scoped3A_219 : memref<!tpu.dma_semaphore, #tpu.memory_space<semaphore_mem>>) {add = true}
        %dma_wait3A_226 = arith.constant 0 : i32
        %dma_wait3A_227 = tpu.memref_slice %arg10[%add3A_175, %dma_wait3A_226] : memref<158x128xi32, #tpu.memory_space<vmem>> -> memref<1x128xi32, #tpu.memory_space<vmem>>
        %dma_wait3A_228 = tpu.memref_squeeze %dma_wait3A_227 : memref<1x128xi32, #tpu.memory_space<vmem>> -> memref<128xi32, #tpu.memory_space<vmem>>
        %dma_wait3A_229 = arith.constant 0 : i32
        %dma_wait3A_230 = arith.constant 0 : i32
        %dma_wait3A_231 = tpu.memref_slice %arg23[%dma_wait3A_229, %dma_wait3A_230] : memref<10240x16xf32, #tpu.memory_space<vmem_shared>> -> memref<10240x16xf32, #tpu.memory_space<vmem_shared>>
        tpu.wait_indirect_dma semaphore(%run_scoped3A_219 : memref<!tpu.dma_semaphore, #tpu.memory_space<semaphore_mem>>) src(%arg14 : memref<128x16xf32, #tpu.memory_space<vmem>>) dst(%dma_wait3A_231 : memref<10240x16xf32, #tpu.memory_space<vmem_shared>>)
        tpu.yield
      }) : () -> ()
      %add3A_182 = arith.constant 5 : i32
      %add3A_183 = arith.addi %add3A_175, %add3A_182 : i32
      %lt3A_184 = arith.constant 158 : i32
      %lt3A_185 = arith.cmpi slt, %add3A_183, %lt3A_184 : i32
      %convert_element_type3A_186 = arith.extui %lt3A_185 : i1 to i32
      %cond3A_187 = arith.constant 0 : i32
      %cond3A_188 = arith.cmpi ne, %convert_element_type3A_186, %cond3A_187 : i32
      scf.if %cond3A_188 {
        %add3A_219 = arith.constant 5 : i32
        %add3A_220 = arith.addi %add3A_175, %add3A_219 : i32
        %mul3A_221 = arith.constant 128 : i32
        %mul3A_222 = arith.muli %add3A_220, %mul3A_221 : i32
        %dma_start3A_223 = tpu.memref_slice %arg9[%mul3A_222] : memref<20224xi32, #tpu.memory_space<vmem>> -> memref<128xi32, #tpu.memory_space<vmem>>
        %dma_start3A_224 = arith.constant 0 : i32
        %dma_start3A_225 = arith.constant 0 : i32
        %dma_start3A_226 = tpu.memref_slice %arg24[%dma_start3A_224, %dma_start3A_225] : memref<10240x16xf32, #tpu.memory_space<vmem_shared>> -> memref<10240x16xf32, #tpu.memory_space<vmem_shared>>
        tpu.enqueue_indirect_dma source(%dma_start3A_226 : memref<10240x16xf32, #tpu.memory_space<vmem_shared>>) target(%arg13 : memref<128x16xf32, #tpu.memory_space<vmem>>) offsets(%dma_start3A_223 : memref<128xi32, #tpu.memory_space<vmem>>) semaphore(%arg19 : memref<!tpu.dma_semaphore, #tpu.memory_space<semaphore_mem>>)
      } else {
      }
      %add3A_189 = arith.constant 4 : i32
      %add3A_190 = arith.addi %mul3A_130, %add3A_189 : i32
      %mul3A_191 = arith.constant 128 : i32
      %mul3A_192 = arith.muli %add3A_190, %mul3A_191 : i32
      %dma_wait3A_193 = tpu.memref_slice %arg9[%mul3A_192] : memref<20224xi32, #tpu.memory_space<vmem>> -> memref<128xi32, #tpu.memory_space<vmem>>
      %dma_wait3A_194 = arith.constant 0 : i32
      %dma_wait3A_195 = arith.constant 0 : i32
      %dma_wait3A_196 = tpu.memref_slice %arg24[%dma_wait3A_194, %dma_wait3A_195] : memref<10240x16xf32, #tpu.memory_space<vmem_shared>> -> memref<10240x16xf32, #tpu.memory_space<vmem_shared>>
      tpu.wait_indirect_dma semaphore(%arg21 : memref<!tpu.dma_semaphore, #tpu.memory_space<semaphore_mem>>) src(%dma_wait3A_196 : memref<10240x16xf32, #tpu.memory_space<vmem_shared>>) dst(%arg15 : memref<128x16xf32, #tpu.memory_space<vmem>>)
      "tpu.region"() ({
        %run_scoped3A_219 = tpu.sem_alloc : memref<!tpu.dma_semaphore, #tpu.memory_space<semaphore_mem>>
        %dma_start3A_220 = arith.constant 0 : i32
        %dma_start3A_221 = tpu.memref_slice %arg10[%add3A_190, %dma_start3A_220] : memref<158x128xi32, #tpu.memory_space<vmem>> -> memref<1x128xi32, #tpu.memory_space<vmem>>
        %dma_start3A_222 = tpu.memref_squeeze %dma_start3A_221 : memref<1x128xi32, #tpu.memory_space<vmem>> -> memref<128xi32, #tpu.memory_space<vmem>>
        %dma_start3A_223 = arith.constant 0 : i32
        %dma_start3A_224 = arith.constant 0 : i32
        %dma_start3A_225 = tpu.memref_slice %arg23[%dma_start3A_223, %dma_start3A_224] : memref<10240x16xf32, #tpu.memory_space<vmem_shared>> -> memref<10240x16xf32, #tpu.memory_space<vmem_shared>>
        tpu.enqueue_indirect_dma source(%arg15 : memref<128x16xf32, #tpu.memory_space<vmem>>) target(%dma_start3A_225 : memref<10240x16xf32, #tpu.memory_space<vmem_shared>>) offsets(%dma_start3A_222 : memref<128xi32, #tpu.memory_space<vmem>>) semaphore(%run_scoped3A_219 : memref<!tpu.dma_semaphore, #tpu.memory_space<semaphore_mem>>) {add = true}
        %dma_wait3A_226 = arith.constant 0 : i32
        %dma_wait3A_227 = tpu.memref_slice %arg10[%add3A_190, %dma_wait3A_226] : memref<158x128xi32, #tpu.memory_space<vmem>> -> memref<1x128xi32, #tpu.memory_space<vmem>>
        %dma_wait3A_228 = tpu.memref_squeeze %dma_wait3A_227 : memref<1x128xi32, #tpu.memory_space<vmem>> -> memref<128xi32, #tpu.memory_space<vmem>>
        %dma_wait3A_229 = arith.constant 0 : i32
        %dma_wait3A_230 = arith.constant 0 : i32
        %dma_wait3A_231 = tpu.memref_slice %arg23[%dma_wait3A_229, %dma_wait3A_230] : memref<10240x16xf32, #tpu.memory_space<vmem_shared>> -> memref<10240x16xf32, #tpu.memory_space<vmem_shared>>
        tpu.wait_indirect_dma semaphore(%run_scoped3A_219 : memref<!tpu.dma_semaphore, #tpu.memory_space<semaphore_mem>>) src(%arg15 : memref<128x16xf32, #tpu.memory_space<vmem>>) dst(%dma_wait3A_231 : memref<10240x16xf32, #tpu.memory_space<vmem_shared>>)
        tpu.yield
      }) : () -> ()
      %add3A_197 = arith.constant 5 : i32
      %add3A_198 = arith.addi %add3A_190, %add3A_197 : i32
      %lt3A_199 = arith.constant 158 : i32
      %lt3A_200 = arith.cmpi slt, %add3A_198, %lt3A_199 : i32
      %convert_element_type3A_201 = arith.extui %lt3A_200 : i1 to i32
      %cond3A_202 = arith.constant 0 : i32
      %cond3A_203 = arith.cmpi ne, %convert_element_type3A_201, %cond3A_202 : i32
      scf.if %cond3A_203 {
        %add3A_219 = arith.constant 5 : i32
        %add3A_220 = arith.addi %add3A_190, %add3A_219 : i32
        %mul3A_221 = arith.constant 128 : i32
        %mul3A_222 = arith.muli %add3A_220, %mul3A_221 : i32
        %dma_start3A_223 = tpu.memref_slice %arg9[%mul3A_222] : memref<20224xi32, #tpu.memory_space<vmem>> -> memref<128xi32, #tpu.memory_space<vmem>>
        %dma_start3A_224 = arith.constant 0 : i32
        %dma_start3A_225 = arith.constant 0 : i32
        %dma_start3A_226 = tpu.memref_slice %arg24[%dma_start3A_224, %dma_start3A_225] : memref<10240x16xf32, #tpu.memory_space<vmem_shared>> -> memref<10240x16xf32, #tpu.memory_space<vmem_shared>>
        tpu.enqueue_indirect_dma source(%dma_start3A_226 : memref<10240x16xf32, #tpu.memory_space<vmem_shared>>) target(%arg14 : memref<128x16xf32, #tpu.memory_space<vmem>>) offsets(%dma_start3A_223 : memref<128xi32, #tpu.memory_space<vmem>>) semaphore(%arg20 : memref<!tpu.dma_semaphore, #tpu.memory_space<semaphore_mem>>)
      } else {
      }
      %add3A_204 = arith.constant 5 : i32
      %add3A_205 = arith.addi %mul3A_130, %add3A_204 : i32
      %mul3A_206 = arith.constant 128 : i32
      %mul3A_207 = arith.muli %add3A_205, %mul3A_206 : i32
      %dma_wait3A_208 = tpu.memref_slice %arg9[%mul3A_207] : memref<20224xi32, #tpu.memory_space<vmem>> -> memref<128xi32, #tpu.memory_space<vmem>>
      %dma_wait3A_209 = arith.constant 0 : i32
      %dma_wait3A_210 = arith.constant 0 : i32
      %dma_wait3A_211 = tpu.memref_slice %arg24[%dma_wait3A_209, %dma_wait3A_210] : memref<10240x16xf32, #tpu.memory_space<vmem_shared>> -> memref<10240x16xf32, #tpu.memory_space<vmem_shared>>
      tpu.wait_indirect_dma semaphore(%arg22 : memref<!tpu.dma_semaphore, #tpu.memory_space<semaphore_mem>>) src(%dma_wait3A_211 : memref<10240x16xf32, #tpu.memory_space<vmem_shared>>) dst(%arg16 : memref<128x16xf32, #tpu.memory_space<vmem>>)
      "tpu.region"() ({
        %run_scoped3A_219 = tpu.sem_alloc : memref<!tpu.dma_semaphore, #tpu.memory_space<semaphore_mem>>
        %dma_start3A_220 = arith.constant 0 : i32
        %dma_start3A_221 = tpu.memref_slice %arg10[%add3A_205, %dma_start3A_220] : memref<158x128xi32, #tpu.memory_space<vmem>> -> memref<1x128xi32, #tpu.memory_space<vmem>>
        %dma_start3A_222 = tpu.memref_squeeze %dma_start3A_221 : memref<1x128xi32, #tpu.memory_space<vmem>> -> memref<128xi32, #tpu.memory_space<vmem>>
        %dma_start3A_223 = arith.constant 0 : i32
        %dma_start3A_224 = arith.constant 0 : i32
        %dma_start3A_225 = tpu.memref_slice %arg23[%dma_start3A_223, %dma_start3A_224] : memref<10240x16xf32, #tpu.memory_space<vmem_shared>> -> memref<10240x16xf32, #tpu.memory_space<vmem_shared>>
        tpu.enqueue_indirect_dma source(%arg16 : memref<128x16xf32, #tpu.memory_space<vmem>>) target(%dma_start3A_225 : memref<10240x16xf32, #tpu.memory_space<vmem_shared>>) offsets(%dma_start3A_222 : memref<128xi32, #tpu.memory_space<vmem>>) semaphore(%run_scoped3A_219 : memref<!tpu.dma_semaphore, #tpu.memory_space<semaphore_mem>>) {add = true}
        %dma_wait3A_226 = arith.constant 0 : i32
        %dma_wait3A_227 = tpu.memref_slice %arg10[%add3A_205, %dma_wait3A_226] : memref<158x128xi32, #tpu.memory_space<vmem>> -> memref<1x128xi32, #tpu.memory_space<vmem>>
        %dma_wait3A_228 = tpu.memref_squeeze %dma_wait3A_227 : memref<1x128xi32, #tpu.memory_space<vmem>> -> memref<128xi32, #tpu.memory_space<vmem>>
        %dma_wait3A_229 = arith.constant 0 : i32
        %dma_wait3A_230 = arith.constant 0 : i32
        %dma_wait3A_231 = tpu.memref_slice %arg23[%dma_wait3A_229, %dma_wait3A_230] : memref<10240x16xf32, #tpu.memory_space<vmem_shared>> -> memref<10240x16xf32, #tpu.memory_space<vmem_shared>>
        tpu.wait_indirect_dma semaphore(%run_scoped3A_219 : memref<!tpu.dma_semaphore, #tpu.memory_space<semaphore_mem>>) src(%arg16 : memref<128x16xf32, #tpu.memory_space<vmem>>) dst(%dma_wait3A_231 : memref<10240x16xf32, #tpu.memory_space<vmem_shared>>)
        tpu.yield
      }) : () -> ()
      %add3A_212 = arith.constant 5 : i32
      %add3A_213 = arith.addi %add3A_205, %add3A_212 : i32
      %lt3A_214 = arith.constant 158 : i32
      %lt3A_215 = arith.cmpi slt, %add3A_213, %lt3A_214 : i32
      %convert_element_type3A_216 = arith.extui %lt3A_215 : i1 to i32
      %cond3A_217 = arith.constant 0 : i32
      %cond3A_218 = arith.cmpi ne, %convert_element_type3A_216, %cond3A_217 : i32
      scf.if %cond3A_218 {
        %add3A_219 = arith.constant 5 : i32
        %add3A_220 = arith.addi %add3A_205, %add3A_219 : i32
        %mul3A_221 = arith.constant 128 : i32
        %mul3A_222 = arith.muli %add3A_220, %mul3A_221 : i32
        %dma_start3A_223 = tpu.memref_slice %arg9[%mul3A_222] : memref<20224xi32, #tpu.memory_space<vmem>> -> memref<128xi32, #tpu.memory_space<vmem>>
        %dma_start3A_224 = arith.constant 0 : i32
        %dma_start3A_225 = arith.constant 0 : i32
        %dma_start3A_226 = tpu.memref_slice %arg24[%dma_start3A_224, %dma_start3A_225] : memref<10240x16xf32, #tpu.memory_space<vmem_shared>> -> memref<10240x16xf32, #tpu.memory_space<vmem_shared>>
        tpu.enqueue_indirect_dma source(%dma_start3A_226 : memref<10240x16xf32, #tpu.memory_space<vmem_shared>>) target(%arg15 : memref<128x16xf32, #tpu.memory_space<vmem>>) offsets(%dma_start3A_223 : memref<128xi32, #tpu.memory_space<vmem>>) semaphore(%arg21 : memref<!tpu.dma_semaphore, #tpu.memory_space<semaphore_mem>>)
      } else {
      }
    }
    %scan3A_104 = arith.constant 25 : i32
    %dma_wait3A_105 = arith.constant 19968 : i32
    %dma_wait3A_106 = tpu.memref_slice %arg9[%dma_wait3A_105] : memref<20224xi32, #tpu.memory_space<vmem>> -> memref<128xi32, #tpu.memory_space<vmem>>
    %dma_wait3A_107 = arith.constant 0 : i32
    %dma_wait3A_108 = arith.constant 0 : i32
    %dma_wait3A_109 = tpu.memref_slice %arg24[%dma_wait3A_107, %dma_wait3A_108] : memref<10240x16xf32, #tpu.memory_space<vmem_shared>> -> memref<10240x16xf32, #tpu.memory_space<vmem_shared>>
    tpu.wait_indirect_dma semaphore(%arg17 : memref<!tpu.dma_semaphore, #tpu.memory_space<semaphore_mem>>) src(%dma_wait3A_109 : memref<10240x16xf32, #tpu.memory_space<vmem_shared>>) dst(%arg11 : memref<128x16xf32, #tpu.memory_space<vmem>>)
    %run_scoped3A_110 = arith.constant 156 : i32
    "tpu.region"() ({
      %run_scoped3A_128 = tpu.sem_alloc : memref<!tpu.dma_semaphore, #tpu.memory_space<semaphore_mem>>
      %dma_start3A_129 = arith.constant 0 : i32
      %dma_start3A_130 = tpu.memref_slice %arg10[%run_scoped3A_110, %dma_start3A_129] : memref<158x128xi32, #tpu.memory_space<vmem>> -> memref<1x128xi32, #tpu.memory_space<vmem>>
      %dma_start3A_131 = tpu.memref_squeeze %dma_start3A_130 : memref<1x128xi32, #tpu.memory_space<vmem>> -> memref<128xi32, #tpu.memory_space<vmem>>
      %dma_start3A_132 = arith.constant 0 : i32
      %dma_start3A_133 = arith.constant 0 : i32
      %dma_start3A_134 = tpu.memref_slice %arg23[%dma_start3A_132, %dma_start3A_133] : memref<10240x16xf32, #tpu.memory_space<vmem_shared>> -> memref<10240x16xf32, #tpu.memory_space<vmem_shared>>
      tpu.enqueue_indirect_dma source(%arg11 : memref<128x16xf32, #tpu.memory_space<vmem>>) target(%dma_start3A_134 : memref<10240x16xf32, #tpu.memory_space<vmem_shared>>) offsets(%dma_start3A_131 : memref<128xi32, #tpu.memory_space<vmem>>) semaphore(%run_scoped3A_128 : memref<!tpu.dma_semaphore, #tpu.memory_space<semaphore_mem>>) {add = true}
      %dma_wait3A_135 = arith.constant 0 : i32
      %dma_wait3A_136 = tpu.memref_slice %arg10[%run_scoped3A_110, %dma_wait3A_135] : memref<158x128xi32, #tpu.memory_space<vmem>> -> memref<1x128xi32, #tpu.memory_space<vmem>>
      %dma_wait3A_137 = tpu.memref_squeeze %dma_wait3A_136 : memref<1x128xi32, #tpu.memory_space<vmem>> -> memref<128xi32, #tpu.memory_space<vmem>>
      %dma_wait3A_138 = arith.constant 0 : i32
      %dma_wait3A_139 = arith.constant 0 : i32
      %dma_wait3A_140 = tpu.memref_slice %arg23[%dma_wait3A_138, %dma_wait3A_139] : memref<10240x16xf32, #tpu.memory_space<vmem_shared>> -> memref<10240x16xf32, #tpu.memory_space<vmem_shared>>
      tpu.wait_indirect_dma semaphore(%run_scoped3A_128 : memref<!tpu.dma_semaphore, #tpu.memory_space<semaphore_mem>>) src(%arg11 : memref<128x16xf32, #tpu.memory_space<vmem>>) dst(%dma_wait3A_140 : memref<10240x16xf32, #tpu.memory_space<vmem_shared>>)
      tpu.yield
    }) : () -> ()
    %dma_wait3A_111 = arith.constant 20096 : i32
    %dma_wait3A_112 = tpu.memref_slice %arg9[%dma_wait3A_111] : memref<20224xi32, #tpu.memory_space<vmem>> -> memref<128xi32, #tpu.memory_space<vmem>>
    %dma_wait3A_113 = arith.constant 0 : i32
    %dma_wait3A_114 = arith.constant 0 : i32
    %dma_wait3A_115 = tpu.memref_slice %arg24[%dma_wait3A_113, %dma_wait3A_114] : memref<10240x16xf32, #tpu.memory_space<vmem_shared>> -> memref<10240x16xf32, #tpu.memory_space<vmem_shared>>
    tpu.wait_indirect_dma semaphore(%arg18 : memref<!tpu.dma_semaphore, #tpu.memory_space<semaphore_mem>>) src(%dma_wait3A_115 : memref<10240x16xf32, #tpu.memory_space<vmem_shared>>) dst(%arg12 : memref<128x16xf32, #tpu.memory_space<vmem>>)
    %run_scoped3A_116 = arith.constant 157 : i32
    "tpu.region"() ({
      %run_scoped3A_128 = tpu.sem_alloc : memref<!tpu.dma_semaphore, #tpu.memory_space<semaphore_mem>>
      %dma_start3A_129 = arith.constant 0 : i32
      %dma_start3A_130 = tpu.memref_slice %arg10[%run_scoped3A_116, %dma_start3A_129] : memref<158x128xi32, #tpu.memory_space<vmem>> -> memref<1x128xi32, #tpu.memory_space<vmem>>
      %dma_start3A_131 = tpu.memref_squeeze %dma_start3A_130 : memref<1x128xi32, #tpu.memory_space<vmem>> -> memref<128xi32, #tpu.memory_space<vmem>>
      %dma_start3A_132 = arith.constant 0 : i32
      %dma_start3A_133 = arith.constant 0 : i32
      %dma_start3A_134 = tpu.memref_slice %arg23[%dma_start3A_132, %dma_start3A_133] : memref<10240x16xf32, #tpu.memory_space<vmem_shared>> -> memref<10240x16xf32, #tpu.memory_space<vmem_shared>>
      tpu.enqueue_indirect_dma source(%arg12 : memref<128x16xf32, #tpu.memory_space<vmem>>) target(%dma_start3A_134 : memref<10240x16xf32, #tpu.memory_space<vmem_shared>>) offsets(%dma_start3A_131 : memref<128xi32, #tpu.memory_space<vmem>>) semaphore(%run_scoped3A_128 : memref<!tpu.dma_semaphore, #tpu.memory_space<semaphore_mem>>) {add = true}
      %dma_wait3A_135 = arith.constant 0 : i32
      %dma_wait3A_136 = tpu.memref_slice %arg10[%run_scoped3A_116, %dma_wait3A_135] : memref<158x128xi32, #tpu.memory_space<vmem>> -> memref<1x128xi32, #tpu.memory_space<vmem>>
      %dma_wait3A_137 = tpu.memref_squeeze %dma_wait3A_136 : memref<1x128xi32, #tpu.memory_space<vmem>> -> memref<128xi32, #tpu.memory_space<vmem>>
      %dma_wait3A_138 = arith.constant 0 : i32
      %dma_wait3A_139 = arith.constant 0 : i32
      %dma_wait3A_140 = tpu.memref_slice %arg23[%dma_wait3A_138, %dma_wait3A_139] : memref<10240x16xf32, #tpu.memory_space<vmem_shared>> -> memref<10240x16xf32, #tpu.memory_space<vmem_shared>>
      tpu.wait_indirect_dma semaphore(%run_scoped3A_128 : memref<!tpu.dma_semaphore, #tpu.memory_space<semaphore_mem>>) src(%arg12 : memref<128x16xf32, #tpu.memory_space<vmem>>) dst(%dma_wait3A_140 : memref<10240x16xf32, #tpu.memory_space<vmem_shared>>)
      tpu.yield
    }) : () -> ()
    %barrier3A_117 = arith.constant 0 : index
    tpu.barrier barrier_id(%barrier3A_117)
    %eq3A_118 = arith.constant 0 : i32
    %eq3A_119 = arith.cmpi eq, %arg0, %eq3A_118 : i32
    %convert_element_type3A_120 = arith.extui %eq3A_119 : i1 to i32
    %cond3A_121 = arith.constant 0 : i32
    %cond3A_122 = arith.cmpi ne, %convert_element_type3A_120, %cond3A_121 : i32
    scf.if %cond3A_122 {
      %mul3A_128 = arith.constant 640 : i32
      %mul3A_129 = arith.muli %arg1, %mul3A_128 : i32
      %mul3A_130 = arith.constant 640 : i32
      %mul3A_131 = arith.muli %arg1, %mul3A_130 : i32
      "tpu.region"() ({
        %run_scoped3A_132 = tpu.sem_alloc : memref<!tpu.dma_semaphore, #tpu.memory_space<semaphore_mem>>
        %dma_start3A_133 = arith.constant 0 : i32
        %dma_start3A_134 = tpu.memref_slice %arg7[%mul3A_131, %dma_start3A_133] : memref<10240x16xf32, #tpu.memory_space<hbm>> -> memref<640x16xf32, #tpu.memory_space<hbm>>
        %dma_start3A_135 = arith.constant 0 : i32
        %dma_start3A_136 = tpu.memref_slice %arg23[%mul3A_129, %dma_start3A_135] : memref<10240x16xf32, #tpu.memory_space<vmem_shared>> -> memref<640x16xf32, #tpu.memory_space<vmem_shared>>
        tpu.enqueue_dma source(%dma_start3A_136 : memref<640x16xf32, #tpu.memory_space<vmem_shared>>) target(%dma_start3A_134 : memref<640x16xf32, #tpu.memory_space<hbm>>) target_semaphore(%run_scoped3A_132 : memref<!tpu.dma_semaphore, #tpu.memory_space<semaphore_mem>>)
        %dma_wait3A_137 = arith.constant 0 : i32
        %dma_wait3A_138 = tpu.memref_slice %arg7[%mul3A_131, %dma_wait3A_137] : memref<10240x16xf32, #tpu.memory_space<hbm>> -> memref<640x16xf32, #tpu.memory_space<hbm>>
        %dma_wait3A_139 = arith.constant 0 : i32
        %dma_wait3A_140 = tpu.memref_slice %arg23[%mul3A_129, %dma_wait3A_139] : memref<10240x16xf32, #tpu.memory_space<vmem_shared>> -> memref<640x16xf32, #tpu.memory_space<vmem_shared>>
        tpu.wait_dma2 semaphore(%run_scoped3A_132 : memref<!tpu.dma_semaphore, #tpu.memory_space<semaphore_mem>>) src(%dma_wait3A_140 : memref<640x16xf32, #tpu.memory_space<vmem_shared>>) dst(%dma_wait3A_138 : memref<640x16xf32, #tpu.memory_space<hbm>>)
        tpu.yield
      }) : () -> ()
    } else {
    }
    %eq3A_123 = arith.constant 1 : i32
    %eq3A_124 = arith.cmpi eq, %arg0, %eq3A_123 : i32
    %convert_element_type3A_125 = arith.extui %eq3A_124 : i1 to i32
    %cond3A_126 = arith.constant 0 : i32
    %cond3A_127 = arith.cmpi ne, %convert_element_type3A_125, %cond3A_126 : i32
    scf.if %cond3A_127 {
      %mul3A_128 = arith.constant 640 : i32
      %mul3A_129 = arith.muli %arg1, %mul3A_128 : i32
      %mul3A_130 = arith.constant 640 : i32
      %mul3A_131 = arith.muli %arg1, %mul3A_130 : i32
      "tpu.region"() ({
        %run_scoped3A_132 = tpu.sem_alloc : memref<!tpu.dma_semaphore, #tpu.memory_space<semaphore_mem>>
        %dma_start3A_133 = arith.constant 0 : i32
        %dma_start3A_134 = tpu.memref_slice %arg8[%mul3A_131, %dma_start3A_133] : memref<10240x16xf32, #tpu.memory_space<hbm>> -> memref<640x16xf32, #tpu.memory_space<hbm>>
        %dma_start3A_135 = arith.constant 0 : i32
        %dma_start3A_136 = tpu.memref_slice %arg23[%mul3A_129, %dma_start3A_135] : memref<10240x16xf32, #tpu.memory_space<vmem_shared>> -> memref<640x16xf32, #tpu.memory_space<vmem_shared>>
        tpu.enqueue_dma source(%dma_start3A_136 : memref<640x16xf32, #tpu.memory_space<vmem_shared>>) target(%dma_start3A_134 : memref<640x16xf32, #tpu.memory_space<hbm>>) target_semaphore(%run_scoped3A_132 : memref<!tpu.dma_semaphore, #tpu.memory_space<semaphore_mem>>)
        %dma_wait3A_137 = arith.constant 0 : i32
        %dma_wait3A_138 = tpu.memref_slice %arg8[%mul3A_131, %dma_wait3A_137] : memref<10240x16xf32, #tpu.memory_space<hbm>> -> memref<640x16xf32, #tpu.memory_space<hbm>>
        %dma_wait3A_139 = arith.constant 0 : i32
        %dma_wait3A_140 = tpu.memref_slice %arg23[%mul3A_129, %dma_wait3A_139] : memref<10240x16xf32, #tpu.memory_space<vmem_shared>> -> memref<640x16xf32, #tpu.memory_space<vmem_shared>>
        tpu.wait_dma2 semaphore(%run_scoped3A_132 : memref<!tpu.dma_semaphore, #tpu.memory_space<semaphore_mem>>) src(%dma_wait3A_140 : memref<640x16xf32, #tpu.memory_space<vmem_shared>>) dst(%dma_wait3A_138 : memref<640x16xf32, #tpu.memory_space<hbm>>)
        tpu.yield
      }) : () -> ()
    } else {
    }
    return
  }
}

#map = affine_map<(d0, d1) -> (0, 0)>
#map1 = affine_map<(d0, d1) -> (0)>
#map2 = affine_map<(d0, d1) -> (0, 0, 0)>
module attributes {stable_mosaic.version = 14 : i64} {
  func.func @aggr_kernel(%arg0: i32, %arg1: i32, %arg2: memref<10240x32xf32, #tpu.memory_space<hbm>>, %arg3: memref<10240x32xf32, #tpu.memory_space<hbm>>, %arg4: memref<323584xi32, #tpu.memory_space<hbm>>, %arg5: memref<16x158x128xi32, #tpu.memory_space<hbm>>, %arg6: memref<10240x32xf32, #tpu.memory_space<hbm>>, %arg7: memref<10240x32xf32, #tpu.memory_space<hbm>>, %arg8: memref<10240x32xf32, #tpu.memory_space<hbm>>, %arg9: memref<20224xi32, #tpu.memory_space<vmem>>, %arg10: memref<158x128xi32, #tpu.memory_space<vmem>>, %arg11: memref<128x32xf32, #tpu.memory_space<vmem>>, %arg12: memref<128x32xf32, #tpu.memory_space<vmem>>, %arg13: memref<128x32xf32, #tpu.memory_space<vmem>>, %arg14: memref<128x32xf32, #tpu.memory_space<vmem>>, %arg15: memref<128x32xf32, #tpu.memory_space<vmem>>, %arg16: memref<128x32xf32, #tpu.memory_space<vmem>>, %arg17: memref<!tpu.dma_semaphore, #tpu.memory_space<semaphore_mem>>, %arg18: memref<!tpu.dma_semaphore, #tpu.memory_space<semaphore_mem>>, %arg19: memref<!tpu.dma_semaphore, #tpu.memory_space<semaphore_mem>>, %arg20: memref<!tpu.dma_semaphore, #tpu.memory_space<semaphore_mem>>, %arg21: memref<!tpu.dma_semaphore, #tpu.memory_space<semaphore_mem>>, %arg22: memref<!tpu.dma_semaphore, #tpu.memory_space<semaphore_mem>>, %arg23: memref<10240x32xf32, #tpu.memory_space<vmem_shared>>, %arg24: memref<10240x32xf32, #tpu.memory_space<vmem_shared>>) attributes {dimension_semantics = [#tpu.dimension_semantics<core_parallel>, #tpu.dimension_semantics<subcore_parallel>], iteration_bounds = array<i64: 2, 16>, scalar_prefetch = 0 : i64, scratch_operands = 16 : i64, tpu.core_type = #tpu.core_type<sc_vector_subcore>, window_params = [{transform_indices = #map}, {transform_indices = #map}, {transform_indices = #map1}, {transform_indices = #map2}, {transform_indices = #map}, {transform_indices = #map}, {transform_indices = #map}]} {
    %eq3A = arith.constant 0 : i32
    %eq3A_0 = arith.cmpi eq, %arg0, %eq3A : i32
    %convert_element_type3A = arith.extui %eq3A_0 : i1 to i32
    %cond3A = arith.constant 0 : i32
    %cond3A_1 = arith.cmpi ne, %convert_element_type3A, %cond3A : i32
    scf.if %cond3A_1 {
      %mul3A_128 = arith.constant 640 : i32
      %mul3A_129 = arith.muli %arg1, %mul3A_128 : i32
      %mul3A_130 = arith.constant 640 : i32
      %mul3A_131 = arith.muli %arg1, %mul3A_130 : i32
      "tpu.region"() ({
        %run_scoped3A_132 = tpu.sem_alloc : memref<!tpu.dma_semaphore, #tpu.memory_space<semaphore_mem>>
        %dma_start3A_133 = arith.constant 0 : i32
        %dma_start3A_134 = tpu.memref_slice %arg24[%mul3A_131, %dma_start3A_133] : memref<10240x32xf32, #tpu.memory_space<vmem_shared>> -> memref<640x32xf32, #tpu.memory_space<vmem_shared>>
        %dma_start3A_135 = arith.constant 0 : i32
        %dma_start3A_136 = tpu.memref_slice %arg2[%mul3A_129, %dma_start3A_135] : memref<10240x32xf32, #tpu.memory_space<hbm>> -> memref<640x32xf32, #tpu.memory_space<hbm>>
        tpu.enqueue_dma source(%dma_start3A_136 : memref<640x32xf32, #tpu.memory_space<hbm>>) target(%dma_start3A_134 : memref<640x32xf32, #tpu.memory_space<vmem_shared>>) target_semaphore(%run_scoped3A_132 : memref<!tpu.dma_semaphore, #tpu.memory_space<semaphore_mem>>)
        %dma_wait3A_137 = arith.constant 0 : i32
        %dma_wait3A_138 = tpu.memref_slice %arg24[%mul3A_131, %dma_wait3A_137] : memref<10240x32xf32, #tpu.memory_space<vmem_shared>> -> memref<640x32xf32, #tpu.memory_space<vmem_shared>>
        %dma_wait3A_139 = arith.constant 0 : i32
        %dma_wait3A_140 = tpu.memref_slice %arg2[%mul3A_129, %dma_wait3A_139] : memref<10240x32xf32, #tpu.memory_space<hbm>> -> memref<640x32xf32, #tpu.memory_space<hbm>>
        tpu.wait_dma2 semaphore(%run_scoped3A_132 : memref<!tpu.dma_semaphore, #tpu.memory_space<semaphore_mem>>) src(%dma_wait3A_140 : memref<640x32xf32, #tpu.memory_space<hbm>>) dst(%dma_wait3A_138 : memref<640x32xf32, #tpu.memory_space<vmem_shared>>)
        tpu.yield
      }) : () -> ()
    } else {
    }
    %eq3A_2 = arith.constant 1 : i32
    %eq3A_3 = arith.cmpi eq, %arg0, %eq3A_2 : i32
    %convert_element_type3A_4 = arith.extui %eq3A_3 : i1 to i32
    %cond3A_5 = arith.constant 0 : i32
    %cond3A_6 = arith.cmpi ne, %convert_element_type3A_4, %cond3A_5 : i32
    scf.if %cond3A_6 {
      %mul3A_128 = arith.constant 640 : i32
      %mul3A_129 = arith.muli %arg1, %mul3A_128 : i32
      %mul3A_130 = arith.constant 640 : i32
      %mul3A_131 = arith.muli %arg1, %mul3A_130 : i32
      "tpu.region"() ({
        %run_scoped3A_132 = tpu.sem_alloc : memref<!tpu.dma_semaphore, #tpu.memory_space<semaphore_mem>>
        %dma_start3A_133 = arith.constant 0 : i32
        %dma_start3A_134 = tpu.memref_slice %arg24[%mul3A_131, %dma_start3A_133] : memref<10240x32xf32, #tpu.memory_space<vmem_shared>> -> memref<640x32xf32, #tpu.memory_space<vmem_shared>>
        %dma_start3A_135 = arith.constant 0 : i32
        %dma_start3A_136 = tpu.memref_slice %arg3[%mul3A_129, %dma_start3A_135] : memref<10240x32xf32, #tpu.memory_space<hbm>> -> memref<640x32xf32, #tpu.memory_space<hbm>>
        tpu.enqueue_dma source(%dma_start3A_136 : memref<640x32xf32, #tpu.memory_space<hbm>>) target(%dma_start3A_134 : memref<640x32xf32, #tpu.memory_space<vmem_shared>>) target_semaphore(%run_scoped3A_132 : memref<!tpu.dma_semaphore, #tpu.memory_space<semaphore_mem>>)
        %dma_wait3A_137 = arith.constant 0 : i32
        %dma_wait3A_138 = tpu.memref_slice %arg24[%mul3A_131, %dma_wait3A_137] : memref<10240x32xf32, #tpu.memory_space<vmem_shared>> -> memref<640x32xf32, #tpu.memory_space<vmem_shared>>
        %dma_wait3A_139 = arith.constant 0 : i32
        %dma_wait3A_140 = tpu.memref_slice %arg3[%mul3A_129, %dma_wait3A_139] : memref<10240x32xf32, #tpu.memory_space<hbm>> -> memref<640x32xf32, #tpu.memory_space<hbm>>
        tpu.wait_dma2 semaphore(%run_scoped3A_132 : memref<!tpu.dma_semaphore, #tpu.memory_space<semaphore_mem>>) src(%dma_wait3A_140 : memref<640x32xf32, #tpu.memory_space<hbm>>) dst(%dma_wait3A_138 : memref<640x32xf32, #tpu.memory_space<vmem_shared>>)
        tpu.yield
      }) : () -> ()
    } else {
    }
    %mul3A = arith.constant 640 : i32
    %mul3A_7 = arith.muli %arg1, %mul3A : i32
    %mul3A_8 = arith.constant 640 : i32
    %mul3A_9 = arith.muli %arg1, %mul3A_8 : i32
    "tpu.region"() ({
      %run_scoped3A_128 = tpu.sem_alloc : memref<!tpu.dma_semaphore, #tpu.memory_space<semaphore_mem>>
      %dma_start3A_129 = arith.constant 0 : i32
      %dma_start3A_130 = tpu.memref_slice %arg23[%mul3A_9, %dma_start3A_129] : memref<10240x32xf32, #tpu.memory_space<vmem_shared>> -> memref<640x32xf32, #tpu.memory_space<vmem_shared>>
      %dma_start3A_131 = arith.constant 0 : i32
      %dma_start3A_132 = tpu.memref_slice %arg6[%mul3A_7, %dma_start3A_131] : memref<10240x32xf32, #tpu.memory_space<hbm>> -> memref<640x32xf32, #tpu.memory_space<hbm>>
      tpu.enqueue_dma source(%dma_start3A_132 : memref<640x32xf32, #tpu.memory_space<hbm>>) target(%dma_start3A_130 : memref<640x32xf32, #tpu.memory_space<vmem_shared>>) target_semaphore(%run_scoped3A_128 : memref<!tpu.dma_semaphore, #tpu.memory_space<semaphore_mem>>)
      %dma_wait3A_133 = arith.constant 0 : i32
      %dma_wait3A_134 = tpu.memref_slice %arg23[%mul3A_9, %dma_wait3A_133] : memref<10240x32xf32, #tpu.memory_space<vmem_shared>> -> memref<640x32xf32, #tpu.memory_space<vmem_shared>>
      %dma_wait3A_135 = arith.constant 0 : i32
      %dma_wait3A_136 = tpu.memref_slice %arg6[%mul3A_7, %dma_wait3A_135] : memref<10240x32xf32, #tpu.memory_space<hbm>> -> memref<640x32xf32, #tpu.memory_space<hbm>>
      tpu.wait_dma2 semaphore(%run_scoped3A_128 : memref<!tpu.dma_semaphore, #tpu.memory_space<semaphore_mem>>) src(%dma_wait3A_136 : memref<640x32xf32, #tpu.memory_space<hbm>>) dst(%dma_wait3A_134 : memref<640x32xf32, #tpu.memory_space<vmem_shared>>)
      tpu.yield
    }) : () -> ()
    %mul3A_10 = arith.constant 20224 : i32
    %mul3A_11 = arith.muli %arg1, %mul3A_10 : i32
    "tpu.region"() ({
      %run_scoped3A_128 = tpu.sem_alloc : memref<!tpu.dma_semaphore, #tpu.memory_space<semaphore_mem>>
      %dma_start3A_129 = tpu.memref_slice %arg4[%mul3A_11] : memref<323584xi32, #tpu.memory_space<hbm>> -> memref<20224xi32, #tpu.memory_space<hbm>>
      %dma_start3A_130 = tpu.memref_slice %arg4[%mul3A_11] : memref<323584xi32, #tpu.memory_space<hbm>> -> memref<20224xi32, #tpu.memory_space<hbm>>
      tpu.enqueue_dma source(%dma_start3A_130 : memref<20224xi32, #tpu.memory_space<hbm>>) target(%arg9 : memref<20224xi32, #tpu.memory_space<vmem>>) target_semaphore(%run_scoped3A_128 : memref<!tpu.dma_semaphore, #tpu.memory_space<semaphore_mem>>)
      %dma_wait3A_131 = tpu.memref_slice %arg4[%mul3A_11] : memref<323584xi32, #tpu.memory_space<hbm>> -> memref<20224xi32, #tpu.memory_space<hbm>>
      %dma_wait3A_132 = tpu.memref_slice %arg4[%mul3A_11] : memref<323584xi32, #tpu.memory_space<hbm>> -> memref<20224xi32, #tpu.memory_space<hbm>>
      tpu.wait_dma2 semaphore(%run_scoped3A_128 : memref<!tpu.dma_semaphore, #tpu.memory_space<semaphore_mem>>) src(%dma_wait3A_132 : memref<20224xi32, #tpu.memory_space<hbm>>) dst(%arg9 : memref<20224xi32, #tpu.memory_space<vmem>>)
      tpu.yield
    }) : () -> ()
    "tpu.region"() ({
      %run_scoped3A_128 = tpu.sem_alloc : memref<!tpu.dma_semaphore, #tpu.memory_space<semaphore_mem>>
      %dma_start3A_129 = arith.constant 0 : i32
      %dma_start3A_130 = arith.constant 0 : i32
      %dma_start3A_131 = tpu.memref_slice %arg5[%arg1, %dma_start3A_129, %dma_start3A_130] : memref<16x158x128xi32, #tpu.memory_space<hbm>> -> memref<1x158x128xi32, #tpu.memory_space<hbm>>
      %dma_start3A_132 = tpu.memref_squeeze %dma_start3A_131 : memref<1x158x128xi32, #tpu.memory_space<hbm>> -> memref<158x128xi32, #tpu.memory_space<hbm>>
      %dma_start3A_133 = arith.constant 0 : i32
      %dma_start3A_134 = arith.constant 0 : i32
      %dma_start3A_135 = tpu.memref_slice %arg5[%arg1, %dma_start3A_133, %dma_start3A_134] : memref<16x158x128xi32, #tpu.memory_space<hbm>> -> memref<1x158x128xi32, #tpu.memory_space<hbm>>
      %dma_start3A_136 = tpu.memref_squeeze %dma_start3A_135 : memref<1x158x128xi32, #tpu.memory_space<hbm>> -> memref<158x128xi32, #tpu.memory_space<hbm>>
      tpu.enqueue_dma source(%dma_start3A_136 : memref<158x128xi32, #tpu.memory_space<hbm>>) target(%arg10 : memref<158x128xi32, #tpu.memory_space<vmem>>) target_semaphore(%run_scoped3A_128 : memref<!tpu.dma_semaphore, #tpu.memory_space<semaphore_mem>>)
      %dma_wait3A_137 = arith.constant 0 : i32
      %dma_wait3A_138 = arith.constant 0 : i32
      %dma_wait3A_139 = tpu.memref_slice %arg5[%arg1, %dma_wait3A_137, %dma_wait3A_138] : memref<16x158x128xi32, #tpu.memory_space<hbm>> -> memref<1x158x128xi32, #tpu.memory_space<hbm>>
      %dma_wait3A_140 = tpu.memref_squeeze %dma_wait3A_139 : memref<1x158x128xi32, #tpu.memory_space<hbm>> -> memref<158x128xi32, #tpu.memory_space<hbm>>
      %dma_wait3A_141 = arith.constant 0 : i32
      %dma_wait3A_142 = arith.constant 0 : i32
      %dma_wait3A_143 = tpu.memref_slice %arg5[%arg1, %dma_wait3A_141, %dma_wait3A_142] : memref<16x158x128xi32, #tpu.memory_space<hbm>> -> memref<1x158x128xi32, #tpu.memory_space<hbm>>
      %dma_wait3A_144 = tpu.memref_squeeze %dma_wait3A_143 : memref<1x158x128xi32, #tpu.memory_space<hbm>> -> memref<158x128xi32, #tpu.memory_space<hbm>>
      tpu.wait_dma2 semaphore(%run_scoped3A_128 : memref<!tpu.dma_semaphore, #tpu.memory_space<semaphore_mem>>) src(%dma_wait3A_144 : memref<158x128xi32, #tpu.memory_space<hbm>>) dst(%arg10 : memref<158x128xi32, #tpu.memory_space<vmem>>)
      tpu.yield
    }) : () -> ()
    %barrier3A = arith.constant 0 : index
    tpu.barrier barrier_id(%barrier3A)
    %dma_start3A = arith.constant 0 : i32
    %dma_start3A_12 = tpu.memref_slice %arg9[%dma_start3A] : memref<20224xi32, #tpu.memory_space<vmem>> -> memref<128xi32, #tpu.memory_space<vmem>>
    %dma_start3A_13 = arith.constant 0 : i32
    %dma_start3A_14 = arith.constant 0 : i32
    %dma_start3A_15 = tpu.memref_slice %arg24[%dma_start3A_13, %dma_start3A_14] : memref<10240x32xf32, #tpu.memory_space<vmem_shared>> -> memref<10240x32xf32, #tpu.memory_space<vmem_shared>>
    tpu.enqueue_indirect_dma source(%dma_start3A_15 : memref<10240x32xf32, #tpu.memory_space<vmem_shared>>) target(%arg11 : memref<128x32xf32, #tpu.memory_space<vmem>>) offsets(%dma_start3A_12 : memref<128xi32, #tpu.memory_space<vmem>>) semaphore(%arg17 : memref<!tpu.dma_semaphore, #tpu.memory_space<semaphore_mem>>)
    %dma_start3A_16 = arith.constant 128 : i32
    %dma_start3A_17 = tpu.memref_slice %arg9[%dma_start3A_16] : memref<20224xi32, #tpu.memory_space<vmem>> -> memref<128xi32, #tpu.memory_space<vmem>>
    %dma_start3A_18 = arith.constant 0 : i32
    %dma_start3A_19 = arith.constant 0 : i32
    %dma_start3A_20 = tpu.memref_slice %arg24[%dma_start3A_18, %dma_start3A_19] : memref<10240x32xf32, #tpu.memory_space<vmem_shared>> -> memref<10240x32xf32, #tpu.memory_space<vmem_shared>>
    tpu.enqueue_indirect_dma source(%dma_start3A_20 : memref<10240x32xf32, #tpu.memory_space<vmem_shared>>) target(%arg12 : memref<128x32xf32, #tpu.memory_space<vmem>>) offsets(%dma_start3A_17 : memref<128xi32, #tpu.memory_space<vmem>>) semaphore(%arg18 : memref<!tpu.dma_semaphore, #tpu.memory_space<semaphore_mem>>)
    %dma_start3A_21 = arith.constant 256 : i32
    %dma_start3A_22 = tpu.memref_slice %arg9[%dma_start3A_21] : memref<20224xi32, #tpu.memory_space<vmem>> -> memref<128xi32, #tpu.memory_space<vmem>>
    %dma_start3A_23 = arith.constant 0 : i32
    %dma_start3A_24 = arith.constant 0 : i32
    %dma_start3A_25 = tpu.memref_slice %arg24[%dma_start3A_23, %dma_start3A_24] : memref<10240x32xf32, #tpu.memory_space<vmem_shared>> -> memref<10240x32xf32, #tpu.memory_space<vmem_shared>>
    tpu.enqueue_indirect_dma source(%dma_start3A_25 : memref<10240x32xf32, #tpu.memory_space<vmem_shared>>) target(%arg13 : memref<128x32xf32, #tpu.memory_space<vmem>>) offsets(%dma_start3A_22 : memref<128xi32, #tpu.memory_space<vmem>>) semaphore(%arg19 : memref<!tpu.dma_semaphore, #tpu.memory_space<semaphore_mem>>)
    %dma_start3A_26 = arith.constant 384 : i32
    %dma_start3A_27 = tpu.memref_slice %arg9[%dma_start3A_26] : memref<20224xi32, #tpu.memory_space<vmem>> -> memref<128xi32, #tpu.memory_space<vmem>>
    %dma_start3A_28 = arith.constant 0 : i32
    %dma_start3A_29 = arith.constant 0 : i32
    %dma_start3A_30 = tpu.memref_slice %arg24[%dma_start3A_28, %dma_start3A_29] : memref<10240x32xf32, #tpu.memory_space<vmem_shared>> -> memref<10240x32xf32, #tpu.memory_space<vmem_shared>>
    tpu.enqueue_indirect_dma source(%dma_start3A_30 : memref<10240x32xf32, #tpu.memory_space<vmem_shared>>) target(%arg14 : memref<128x32xf32, #tpu.memory_space<vmem>>) offsets(%dma_start3A_27 : memref<128xi32, #tpu.memory_space<vmem>>) semaphore(%arg20 : memref<!tpu.dma_semaphore, #tpu.memory_space<semaphore_mem>>)
    %dma_start3A_31 = arith.constant 512 : i32
    %dma_start3A_32 = tpu.memref_slice %arg9[%dma_start3A_31] : memref<20224xi32, #tpu.memory_space<vmem>> -> memref<128xi32, #tpu.memory_space<vmem>>
    %dma_start3A_33 = arith.constant 0 : i32
    %dma_start3A_34 = arith.constant 0 : i32
    %dma_start3A_35 = tpu.memref_slice %arg24[%dma_start3A_33, %dma_start3A_34] : memref<10240x32xf32, #tpu.memory_space<vmem_shared>> -> memref<10240x32xf32, #tpu.memory_space<vmem_shared>>
    tpu.enqueue_indirect_dma source(%dma_start3A_35 : memref<10240x32xf32, #tpu.memory_space<vmem_shared>>) target(%arg15 : memref<128x32xf32, #tpu.memory_space<vmem>>) offsets(%dma_start3A_32 : memref<128xi32, #tpu.memory_space<vmem>>) semaphore(%arg21 : memref<!tpu.dma_semaphore, #tpu.memory_space<semaphore_mem>>)
    %dma_wait3A = arith.constant 0 : i32
    %dma_wait3A_36 = tpu.memref_slice %arg9[%dma_wait3A] : memref<20224xi32, #tpu.memory_space<vmem>> -> memref<128xi32, #tpu.memory_space<vmem>>
    %dma_wait3A_37 = arith.constant 0 : i32
    %dma_wait3A_38 = arith.constant 0 : i32
    %dma_wait3A_39 = tpu.memref_slice %arg24[%dma_wait3A_37, %dma_wait3A_38] : memref<10240x32xf32, #tpu.memory_space<vmem_shared>> -> memref<10240x32xf32, #tpu.memory_space<vmem_shared>>
    tpu.wait_indirect_dma semaphore(%arg17 : memref<!tpu.dma_semaphore, #tpu.memory_space<semaphore_mem>>) src(%dma_wait3A_39 : memref<10240x32xf32, #tpu.memory_space<vmem_shared>>) dst(%arg11 : memref<128x32xf32, #tpu.memory_space<vmem>>)
    %run_scoped3A = arith.constant 0 : i32
    "tpu.region"() ({
      %run_scoped3A_128 = tpu.sem_alloc : memref<!tpu.dma_semaphore, #tpu.memory_space<semaphore_mem>>
      %dma_start3A_129 = arith.constant 0 : i32
      %dma_start3A_130 = tpu.memref_slice %arg10[%run_scoped3A, %dma_start3A_129] : memref<158x128xi32, #tpu.memory_space<vmem>> -> memref<1x128xi32, #tpu.memory_space<vmem>>
      %dma_start3A_131 = tpu.memref_squeeze %dma_start3A_130 : memref<1x128xi32, #tpu.memory_space<vmem>> -> memref<128xi32, #tpu.memory_space<vmem>>
      %dma_start3A_132 = arith.constant 0 : i32
      %dma_start3A_133 = arith.constant 0 : i32
      %dma_start3A_134 = tpu.memref_slice %arg23[%dma_start3A_132, %dma_start3A_133] : memref<10240x32xf32, #tpu.memory_space<vmem_shared>> -> memref<10240x32xf32, #tpu.memory_space<vmem_shared>>
      tpu.enqueue_indirect_dma source(%arg11 : memref<128x32xf32, #tpu.memory_space<vmem>>) target(%dma_start3A_134 : memref<10240x32xf32, #tpu.memory_space<vmem_shared>>) offsets(%dma_start3A_131 : memref<128xi32, #tpu.memory_space<vmem>>) semaphore(%run_scoped3A_128 : memref<!tpu.dma_semaphore, #tpu.memory_space<semaphore_mem>>) {add = true}
      %dma_wait3A_135 = arith.constant 0 : i32
      %dma_wait3A_136 = tpu.memref_slice %arg10[%run_scoped3A, %dma_wait3A_135] : memref<158x128xi32, #tpu.memory_space<vmem>> -> memref<1x128xi32, #tpu.memory_space<vmem>>
      %dma_wait3A_137 = tpu.memref_squeeze %dma_wait3A_136 : memref<1x128xi32, #tpu.memory_space<vmem>> -> memref<128xi32, #tpu.memory_space<vmem>>
      %dma_wait3A_138 = arith.constant 0 : i32
      %dma_wait3A_139 = arith.constant 0 : i32
      %dma_wait3A_140 = tpu.memref_slice %arg23[%dma_wait3A_138, %dma_wait3A_139] : memref<10240x32xf32, #tpu.memory_space<vmem_shared>> -> memref<10240x32xf32, #tpu.memory_space<vmem_shared>>
      tpu.wait_indirect_dma semaphore(%run_scoped3A_128 : memref<!tpu.dma_semaphore, #tpu.memory_space<semaphore_mem>>) src(%arg11 : memref<128x32xf32, #tpu.memory_space<vmem>>) dst(%dma_wait3A_140 : memref<10240x32xf32, #tpu.memory_space<vmem_shared>>)
      tpu.yield
    }) : () -> ()
    %dma_start3A_40 = arith.constant 640 : i32
    %dma_start3A_41 = tpu.memref_slice %arg9[%dma_start3A_40] : memref<20224xi32, #tpu.memory_space<vmem>> -> memref<128xi32, #tpu.memory_space<vmem>>
    %dma_start3A_42 = arith.constant 0 : i32
    %dma_start3A_43 = arith.constant 0 : i32
    %dma_start3A_44 = tpu.memref_slice %arg24[%dma_start3A_42, %dma_start3A_43] : memref<10240x32xf32, #tpu.memory_space<vmem_shared>> -> memref<10240x32xf32, #tpu.memory_space<vmem_shared>>
    tpu.enqueue_indirect_dma source(%dma_start3A_44 : memref<10240x32xf32, #tpu.memory_space<vmem_shared>>) target(%arg16 : memref<128x32xf32, #tpu.memory_space<vmem>>) offsets(%dma_start3A_41 : memref<128xi32, #tpu.memory_space<vmem>>) semaphore(%arg22 : memref<!tpu.dma_semaphore, #tpu.memory_space<semaphore_mem>>)
    %dma_wait3A_45 = arith.constant 128 : i32
    %dma_wait3A_46 = tpu.memref_slice %arg9[%dma_wait3A_45] : memref<20224xi32, #tpu.memory_space<vmem>> -> memref<128xi32, #tpu.memory_space<vmem>>
    %dma_wait3A_47 = arith.constant 0 : i32
    %dma_wait3A_48 = arith.constant 0 : i32
    %dma_wait3A_49 = tpu.memref_slice %arg24[%dma_wait3A_47, %dma_wait3A_48] : memref<10240x32xf32, #tpu.memory_space<vmem_shared>> -> memref<10240x32xf32, #tpu.memory_space<vmem_shared>>
    tpu.wait_indirect_dma semaphore(%arg18 : memref<!tpu.dma_semaphore, #tpu.memory_space<semaphore_mem>>) src(%dma_wait3A_49 : memref<10240x32xf32, #tpu.memory_space<vmem_shared>>) dst(%arg12 : memref<128x32xf32, #tpu.memory_space<vmem>>)
    %run_scoped3A_50 = arith.constant 1 : i32
    "tpu.region"() ({
      %run_scoped3A_128 = tpu.sem_alloc : memref<!tpu.dma_semaphore, #tpu.memory_space<semaphore_mem>>
      %dma_start3A_129 = arith.constant 0 : i32
      %dma_start3A_130 = tpu.memref_slice %arg10[%run_scoped3A_50, %dma_start3A_129] : memref<158x128xi32, #tpu.memory_space<vmem>> -> memref<1x128xi32, #tpu.memory_space<vmem>>
      %dma_start3A_131 = tpu.memref_squeeze %dma_start3A_130 : memref<1x128xi32, #tpu.memory_space<vmem>> -> memref<128xi32, #tpu.memory_space<vmem>>
      %dma_start3A_132 = arith.constant 0 : i32
      %dma_start3A_133 = arith.constant 0 : i32
      %dma_start3A_134 = tpu.memref_slice %arg23[%dma_start3A_132, %dma_start3A_133] : memref<10240x32xf32, #tpu.memory_space<vmem_shared>> -> memref<10240x32xf32, #tpu.memory_space<vmem_shared>>
      tpu.enqueue_indirect_dma source(%arg12 : memref<128x32xf32, #tpu.memory_space<vmem>>) target(%dma_start3A_134 : memref<10240x32xf32, #tpu.memory_space<vmem_shared>>) offsets(%dma_start3A_131 : memref<128xi32, #tpu.memory_space<vmem>>) semaphore(%run_scoped3A_128 : memref<!tpu.dma_semaphore, #tpu.memory_space<semaphore_mem>>) {add = true}
      %dma_wait3A_135 = arith.constant 0 : i32
      %dma_wait3A_136 = tpu.memref_slice %arg10[%run_scoped3A_50, %dma_wait3A_135] : memref<158x128xi32, #tpu.memory_space<vmem>> -> memref<1x128xi32, #tpu.memory_space<vmem>>
      %dma_wait3A_137 = tpu.memref_squeeze %dma_wait3A_136 : memref<1x128xi32, #tpu.memory_space<vmem>> -> memref<128xi32, #tpu.memory_space<vmem>>
      %dma_wait3A_138 = arith.constant 0 : i32
      %dma_wait3A_139 = arith.constant 0 : i32
      %dma_wait3A_140 = tpu.memref_slice %arg23[%dma_wait3A_138, %dma_wait3A_139] : memref<10240x32xf32, #tpu.memory_space<vmem_shared>> -> memref<10240x32xf32, #tpu.memory_space<vmem_shared>>
      tpu.wait_indirect_dma semaphore(%run_scoped3A_128 : memref<!tpu.dma_semaphore, #tpu.memory_space<semaphore_mem>>) src(%arg12 : memref<128x32xf32, #tpu.memory_space<vmem>>) dst(%dma_wait3A_140 : memref<10240x32xf32, #tpu.memory_space<vmem_shared>>)
      tpu.yield
    }) : () -> ()
    %dma_start3A_51 = arith.constant 768 : i32
    %dma_start3A_52 = tpu.memref_slice %arg9[%dma_start3A_51] : memref<20224xi32, #tpu.memory_space<vmem>> -> memref<128xi32, #tpu.memory_space<vmem>>
    %dma_start3A_53 = arith.constant 0 : i32
    %dma_start3A_54 = arith.constant 0 : i32
    %dma_start3A_55 = tpu.memref_slice %arg24[%dma_start3A_53, %dma_start3A_54] : memref<10240x32xf32, #tpu.memory_space<vmem_shared>> -> memref<10240x32xf32, #tpu.memory_space<vmem_shared>>
    tpu.enqueue_indirect_dma source(%dma_start3A_55 : memref<10240x32xf32, #tpu.memory_space<vmem_shared>>) target(%arg11 : memref<128x32xf32, #tpu.memory_space<vmem>>) offsets(%dma_start3A_52 : memref<128xi32, #tpu.memory_space<vmem>>) semaphore(%arg17 : memref<!tpu.dma_semaphore, #tpu.memory_space<semaphore_mem>>)
    %dma_wait3A_56 = arith.constant 256 : i32
    %dma_wait3A_57 = tpu.memref_slice %arg9[%dma_wait3A_56] : memref<20224xi32, #tpu.memory_space<vmem>> -> memref<128xi32, #tpu.memory_space<vmem>>
    %dma_wait3A_58 = arith.constant 0 : i32
    %dma_wait3A_59 = arith.constant 0 : i32
    %dma_wait3A_60 = tpu.memref_slice %arg24[%dma_wait3A_58, %dma_wait3A_59] : memref<10240x32xf32, #tpu.memory_space<vmem_shared>> -> memref<10240x32xf32, #tpu.memory_space<vmem_shared>>
    tpu.wait_indirect_dma semaphore(%arg19 : memref<!tpu.dma_semaphore, #tpu.memory_space<semaphore_mem>>) src(%dma_wait3A_60 : memref<10240x32xf32, #tpu.memory_space<vmem_shared>>) dst(%arg13 : memref<128x32xf32, #tpu.memory_space<vmem>>)
    %run_scoped3A_61 = arith.constant 2 : i32
    "tpu.region"() ({
      %run_scoped3A_128 = tpu.sem_alloc : memref<!tpu.dma_semaphore, #tpu.memory_space<semaphore_mem>>
      %dma_start3A_129 = arith.constant 0 : i32
      %dma_start3A_130 = tpu.memref_slice %arg10[%run_scoped3A_61, %dma_start3A_129] : memref<158x128xi32, #tpu.memory_space<vmem>> -> memref<1x128xi32, #tpu.memory_space<vmem>>
      %dma_start3A_131 = tpu.memref_squeeze %dma_start3A_130 : memref<1x128xi32, #tpu.memory_space<vmem>> -> memref<128xi32, #tpu.memory_space<vmem>>
      %dma_start3A_132 = arith.constant 0 : i32
      %dma_start3A_133 = arith.constant 0 : i32
      %dma_start3A_134 = tpu.memref_slice %arg23[%dma_start3A_132, %dma_start3A_133] : memref<10240x32xf32, #tpu.memory_space<vmem_shared>> -> memref<10240x32xf32, #tpu.memory_space<vmem_shared>>
      tpu.enqueue_indirect_dma source(%arg13 : memref<128x32xf32, #tpu.memory_space<vmem>>) target(%dma_start3A_134 : memref<10240x32xf32, #tpu.memory_space<vmem_shared>>) offsets(%dma_start3A_131 : memref<128xi32, #tpu.memory_space<vmem>>) semaphore(%run_scoped3A_128 : memref<!tpu.dma_semaphore, #tpu.memory_space<semaphore_mem>>) {add = true}
      %dma_wait3A_135 = arith.constant 0 : i32
      %dma_wait3A_136 = tpu.memref_slice %arg10[%run_scoped3A_61, %dma_wait3A_135] : memref<158x128xi32, #tpu.memory_space<vmem>> -> memref<1x128xi32, #tpu.memory_space<vmem>>
      %dma_wait3A_137 = tpu.memref_squeeze %dma_wait3A_136 : memref<1x128xi32, #tpu.memory_space<vmem>> -> memref<128xi32, #tpu.memory_space<vmem>>
      %dma_wait3A_138 = arith.constant 0 : i32
      %dma_wait3A_139 = arith.constant 0 : i32
      %dma_wait3A_140 = tpu.memref_slice %arg23[%dma_wait3A_138, %dma_wait3A_139] : memref<10240x32xf32, #tpu.memory_space<vmem_shared>> -> memref<10240x32xf32, #tpu.memory_space<vmem_shared>>
      tpu.wait_indirect_dma semaphore(%run_scoped3A_128 : memref<!tpu.dma_semaphore, #tpu.memory_space<semaphore_mem>>) src(%arg13 : memref<128x32xf32, #tpu.memory_space<vmem>>) dst(%dma_wait3A_140 : memref<10240x32xf32, #tpu.memory_space<vmem_shared>>)
      tpu.yield
    }) : () -> ()
    %dma_start3A_62 = arith.constant 896 : i32
    %dma_start3A_63 = tpu.memref_slice %arg9[%dma_start3A_62] : memref<20224xi32, #tpu.memory_space<vmem>> -> memref<128xi32, #tpu.memory_space<vmem>>
    %dma_start3A_64 = arith.constant 0 : i32
    %dma_start3A_65 = arith.constant 0 : i32
    %dma_start3A_66 = tpu.memref_slice %arg24[%dma_start3A_64, %dma_start3A_65] : memref<10240x32xf32, #tpu.memory_space<vmem_shared>> -> memref<10240x32xf32, #tpu.memory_space<vmem_shared>>
    tpu.enqueue_indirect_dma source(%dma_start3A_66 : memref<10240x32xf32, #tpu.memory_space<vmem_shared>>) target(%arg12 : memref<128x32xf32, #tpu.memory_space<vmem>>) offsets(%dma_start3A_63 : memref<128xi32, #tpu.memory_space<vmem>>) semaphore(%arg18 : memref<!tpu.dma_semaphore, #tpu.memory_space<semaphore_mem>>)
    %dma_wait3A_67 = arith.constant 384 : i32
    %dma_wait3A_68 = tpu.memref_slice %arg9[%dma_wait3A_67] : memref<20224xi32, #tpu.memory_space<vmem>> -> memref<128xi32, #tpu.memory_space<vmem>>
    %dma_wait3A_69 = arith.constant 0 : i32
    %dma_wait3A_70 = arith.constant 0 : i32
    %dma_wait3A_71 = tpu.memref_slice %arg24[%dma_wait3A_69, %dma_wait3A_70] : memref<10240x32xf32, #tpu.memory_space<vmem_shared>> -> memref<10240x32xf32, #tpu.memory_space<vmem_shared>>
    tpu.wait_indirect_dma semaphore(%arg20 : memref<!tpu.dma_semaphore, #tpu.memory_space<semaphore_mem>>) src(%dma_wait3A_71 : memref<10240x32xf32, #tpu.memory_space<vmem_shared>>) dst(%arg14 : memref<128x32xf32, #tpu.memory_space<vmem>>)
    %run_scoped3A_72 = arith.constant 3 : i32
    "tpu.region"() ({
      %run_scoped3A_128 = tpu.sem_alloc : memref<!tpu.dma_semaphore, #tpu.memory_space<semaphore_mem>>
      %dma_start3A_129 = arith.constant 0 : i32
      %dma_start3A_130 = tpu.memref_slice %arg10[%run_scoped3A_72, %dma_start3A_129] : memref<158x128xi32, #tpu.memory_space<vmem>> -> memref<1x128xi32, #tpu.memory_space<vmem>>
      %dma_start3A_131 = tpu.memref_squeeze %dma_start3A_130 : memref<1x128xi32, #tpu.memory_space<vmem>> -> memref<128xi32, #tpu.memory_space<vmem>>
      %dma_start3A_132 = arith.constant 0 : i32
      %dma_start3A_133 = arith.constant 0 : i32
      %dma_start3A_134 = tpu.memref_slice %arg23[%dma_start3A_132, %dma_start3A_133] : memref<10240x32xf32, #tpu.memory_space<vmem_shared>> -> memref<10240x32xf32, #tpu.memory_space<vmem_shared>>
      tpu.enqueue_indirect_dma source(%arg14 : memref<128x32xf32, #tpu.memory_space<vmem>>) target(%dma_start3A_134 : memref<10240x32xf32, #tpu.memory_space<vmem_shared>>) offsets(%dma_start3A_131 : memref<128xi32, #tpu.memory_space<vmem>>) semaphore(%run_scoped3A_128 : memref<!tpu.dma_semaphore, #tpu.memory_space<semaphore_mem>>) {add = true}
      %dma_wait3A_135 = arith.constant 0 : i32
      %dma_wait3A_136 = tpu.memref_slice %arg10[%run_scoped3A_72, %dma_wait3A_135] : memref<158x128xi32, #tpu.memory_space<vmem>> -> memref<1x128xi32, #tpu.memory_space<vmem>>
      %dma_wait3A_137 = tpu.memref_squeeze %dma_wait3A_136 : memref<1x128xi32, #tpu.memory_space<vmem>> -> memref<128xi32, #tpu.memory_space<vmem>>
      %dma_wait3A_138 = arith.constant 0 : i32
      %dma_wait3A_139 = arith.constant 0 : i32
      %dma_wait3A_140 = tpu.memref_slice %arg23[%dma_wait3A_138, %dma_wait3A_139] : memref<10240x32xf32, #tpu.memory_space<vmem_shared>> -> memref<10240x32xf32, #tpu.memory_space<vmem_shared>>
      tpu.wait_indirect_dma semaphore(%run_scoped3A_128 : memref<!tpu.dma_semaphore, #tpu.memory_space<semaphore_mem>>) src(%arg14 : memref<128x32xf32, #tpu.memory_space<vmem>>) dst(%dma_wait3A_140 : memref<10240x32xf32, #tpu.memory_space<vmem_shared>>)
      tpu.yield
    }) : () -> ()
    %dma_start3A_73 = arith.constant 1024 : i32
    %dma_start3A_74 = tpu.memref_slice %arg9[%dma_start3A_73] : memref<20224xi32, #tpu.memory_space<vmem>> -> memref<128xi32, #tpu.memory_space<vmem>>
    %dma_start3A_75 = arith.constant 0 : i32
    %dma_start3A_76 = arith.constant 0 : i32
    %dma_start3A_77 = tpu.memref_slice %arg24[%dma_start3A_75, %dma_start3A_76] : memref<10240x32xf32, #tpu.memory_space<vmem_shared>> -> memref<10240x32xf32, #tpu.memory_space<vmem_shared>>
    tpu.enqueue_indirect_dma source(%dma_start3A_77 : memref<10240x32xf32, #tpu.memory_space<vmem_shared>>) target(%arg13 : memref<128x32xf32, #tpu.memory_space<vmem>>) offsets(%dma_start3A_74 : memref<128xi32, #tpu.memory_space<vmem>>) semaphore(%arg19 : memref<!tpu.dma_semaphore, #tpu.memory_space<semaphore_mem>>)
    %dma_wait3A_78 = arith.constant 512 : i32
    %dma_wait3A_79 = tpu.memref_slice %arg9[%dma_wait3A_78] : memref<20224xi32, #tpu.memory_space<vmem>> -> memref<128xi32, #tpu.memory_space<vmem>>
    %dma_wait3A_80 = arith.constant 0 : i32
    %dma_wait3A_81 = arith.constant 0 : i32
    %dma_wait3A_82 = tpu.memref_slice %arg24[%dma_wait3A_80, %dma_wait3A_81] : memref<10240x32xf32, #tpu.memory_space<vmem_shared>> -> memref<10240x32xf32, #tpu.memory_space<vmem_shared>>
    tpu.wait_indirect_dma semaphore(%arg21 : memref<!tpu.dma_semaphore, #tpu.memory_space<semaphore_mem>>) src(%dma_wait3A_82 : memref<10240x32xf32, #tpu.memory_space<vmem_shared>>) dst(%arg15 : memref<128x32xf32, #tpu.memory_space<vmem>>)
    %run_scoped3A_83 = arith.constant 4 : i32
    "tpu.region"() ({
      %run_scoped3A_128 = tpu.sem_alloc : memref<!tpu.dma_semaphore, #tpu.memory_space<semaphore_mem>>
      %dma_start3A_129 = arith.constant 0 : i32
      %dma_start3A_130 = tpu.memref_slice %arg10[%run_scoped3A_83, %dma_start3A_129] : memref<158x128xi32, #tpu.memory_space<vmem>> -> memref<1x128xi32, #tpu.memory_space<vmem>>
      %dma_start3A_131 = tpu.memref_squeeze %dma_start3A_130 : memref<1x128xi32, #tpu.memory_space<vmem>> -> memref<128xi32, #tpu.memory_space<vmem>>
      %dma_start3A_132 = arith.constant 0 : i32
      %dma_start3A_133 = arith.constant 0 : i32
      %dma_start3A_134 = tpu.memref_slice %arg23[%dma_start3A_132, %dma_start3A_133] : memref<10240x32xf32, #tpu.memory_space<vmem_shared>> -> memref<10240x32xf32, #tpu.memory_space<vmem_shared>>
      tpu.enqueue_indirect_dma source(%arg15 : memref<128x32xf32, #tpu.memory_space<vmem>>) target(%dma_start3A_134 : memref<10240x32xf32, #tpu.memory_space<vmem_shared>>) offsets(%dma_start3A_131 : memref<128xi32, #tpu.memory_space<vmem>>) semaphore(%run_scoped3A_128 : memref<!tpu.dma_semaphore, #tpu.memory_space<semaphore_mem>>) {add = true}
      %dma_wait3A_135 = arith.constant 0 : i32
      %dma_wait3A_136 = tpu.memref_slice %arg10[%run_scoped3A_83, %dma_wait3A_135] : memref<158x128xi32, #tpu.memory_space<vmem>> -> memref<1x128xi32, #tpu.memory_space<vmem>>
      %dma_wait3A_137 = tpu.memref_squeeze %dma_wait3A_136 : memref<1x128xi32, #tpu.memory_space<vmem>> -> memref<128xi32, #tpu.memory_space<vmem>>
      %dma_wait3A_138 = arith.constant 0 : i32
      %dma_wait3A_139 = arith.constant 0 : i32
      %dma_wait3A_140 = tpu.memref_slice %arg23[%dma_wait3A_138, %dma_wait3A_139] : memref<10240x32xf32, #tpu.memory_space<vmem_shared>> -> memref<10240x32xf32, #tpu.memory_space<vmem_shared>>
      tpu.wait_indirect_dma semaphore(%run_scoped3A_128 : memref<!tpu.dma_semaphore, #tpu.memory_space<semaphore_mem>>) src(%arg15 : memref<128x32xf32, #tpu.memory_space<vmem>>) dst(%dma_wait3A_140 : memref<10240x32xf32, #tpu.memory_space<vmem_shared>>)
      tpu.yield
    }) : () -> ()
    %dma_start3A_84 = arith.constant 1152 : i32
    %dma_start3A_85 = tpu.memref_slice %arg9[%dma_start3A_84] : memref<20224xi32, #tpu.memory_space<vmem>> -> memref<128xi32, #tpu.memory_space<vmem>>
    %dma_start3A_86 = arith.constant 0 : i32
    %dma_start3A_87 = arith.constant 0 : i32
    %dma_start3A_88 = tpu.memref_slice %arg24[%dma_start3A_86, %dma_start3A_87] : memref<10240x32xf32, #tpu.memory_space<vmem_shared>> -> memref<10240x32xf32, #tpu.memory_space<vmem_shared>>
    tpu.enqueue_indirect_dma source(%dma_start3A_88 : memref<10240x32xf32, #tpu.memory_space<vmem_shared>>) target(%arg14 : memref<128x32xf32, #tpu.memory_space<vmem>>) offsets(%dma_start3A_85 : memref<128xi32, #tpu.memory_space<vmem>>) semaphore(%arg20 : memref<!tpu.dma_semaphore, #tpu.memory_space<semaphore_mem>>)
    %dma_wait3A_89 = arith.constant 640 : i32
    %dma_wait3A_90 = tpu.memref_slice %arg9[%dma_wait3A_89] : memref<20224xi32, #tpu.memory_space<vmem>> -> memref<128xi32, #tpu.memory_space<vmem>>
    %dma_wait3A_91 = arith.constant 0 : i32
    %dma_wait3A_92 = arith.constant 0 : i32
    %dma_wait3A_93 = tpu.memref_slice %arg24[%dma_wait3A_91, %dma_wait3A_92] : memref<10240x32xf32, #tpu.memory_space<vmem_shared>> -> memref<10240x32xf32, #tpu.memory_space<vmem_shared>>
    tpu.wait_indirect_dma semaphore(%arg22 : memref<!tpu.dma_semaphore, #tpu.memory_space<semaphore_mem>>) src(%dma_wait3A_93 : memref<10240x32xf32, #tpu.memory_space<vmem_shared>>) dst(%arg16 : memref<128x32xf32, #tpu.memory_space<vmem>>)
    %run_scoped3A_94 = arith.constant 5 : i32
    "tpu.region"() ({
      %run_scoped3A_128 = tpu.sem_alloc : memref<!tpu.dma_semaphore, #tpu.memory_space<semaphore_mem>>
      %dma_start3A_129 = arith.constant 0 : i32
      %dma_start3A_130 = tpu.memref_slice %arg10[%run_scoped3A_94, %dma_start3A_129] : memref<158x128xi32, #tpu.memory_space<vmem>> -> memref<1x128xi32, #tpu.memory_space<vmem>>
      %dma_start3A_131 = tpu.memref_squeeze %dma_start3A_130 : memref<1x128xi32, #tpu.memory_space<vmem>> -> memref<128xi32, #tpu.memory_space<vmem>>
      %dma_start3A_132 = arith.constant 0 : i32
      %dma_start3A_133 = arith.constant 0 : i32
      %dma_start3A_134 = tpu.memref_slice %arg23[%dma_start3A_132, %dma_start3A_133] : memref<10240x32xf32, #tpu.memory_space<vmem_shared>> -> memref<10240x32xf32, #tpu.memory_space<vmem_shared>>
      tpu.enqueue_indirect_dma source(%arg16 : memref<128x32xf32, #tpu.memory_space<vmem>>) target(%dma_start3A_134 : memref<10240x32xf32, #tpu.memory_space<vmem_shared>>) offsets(%dma_start3A_131 : memref<128xi32, #tpu.memory_space<vmem>>) semaphore(%run_scoped3A_128 : memref<!tpu.dma_semaphore, #tpu.memory_space<semaphore_mem>>) {add = true}
      %dma_wait3A_135 = arith.constant 0 : i32
      %dma_wait3A_136 = tpu.memref_slice %arg10[%run_scoped3A_94, %dma_wait3A_135] : memref<158x128xi32, #tpu.memory_space<vmem>> -> memref<1x128xi32, #tpu.memory_space<vmem>>
      %dma_wait3A_137 = tpu.memref_squeeze %dma_wait3A_136 : memref<1x128xi32, #tpu.memory_space<vmem>> -> memref<128xi32, #tpu.memory_space<vmem>>
      %dma_wait3A_138 = arith.constant 0 : i32
      %dma_wait3A_139 = arith.constant 0 : i32
      %dma_wait3A_140 = tpu.memref_slice %arg23[%dma_wait3A_138, %dma_wait3A_139] : memref<10240x32xf32, #tpu.memory_space<vmem_shared>> -> memref<10240x32xf32, #tpu.memory_space<vmem_shared>>
      tpu.wait_indirect_dma semaphore(%run_scoped3A_128 : memref<!tpu.dma_semaphore, #tpu.memory_space<semaphore_mem>>) src(%arg16 : memref<128x32xf32, #tpu.memory_space<vmem>>) dst(%dma_wait3A_140 : memref<10240x32xf32, #tpu.memory_space<vmem_shared>>)
      tpu.yield
    }) : () -> ()
    %dma_start3A_95 = arith.constant 1280 : i32
    %dma_start3A_96 = tpu.memref_slice %arg9[%dma_start3A_95] : memref<20224xi32, #tpu.memory_space<vmem>> -> memref<128xi32, #tpu.memory_space<vmem>>
    %dma_start3A_97 = arith.constant 0 : i32
    %dma_start3A_98 = arith.constant 0 : i32
    %dma_start3A_99 = tpu.memref_slice %arg24[%dma_start3A_97, %dma_start3A_98] : memref<10240x32xf32, #tpu.memory_space<vmem_shared>> -> memref<10240x32xf32, #tpu.memory_space<vmem_shared>>
    tpu.enqueue_indirect_dma source(%dma_start3A_99 : memref<10240x32xf32, #tpu.memory_space<vmem_shared>>) target(%arg15 : memref<128x32xf32, #tpu.memory_space<vmem>>) offsets(%dma_start3A_96 : memref<128xi32, #tpu.memory_space<vmem>>) semaphore(%arg21 : memref<!tpu.dma_semaphore, #tpu.memory_space<semaphore_mem>>)
    %scan3A = arith.constant 0 : i32
    %scan3A_100 = arith.constant 1 : i32
    %scan3A_101 = arith.constant 25 : i32
    %scan3A_102 = arith.addi %scan3A_100, %scan3A_101 : i32
    %scan3A_103 = arith.constant 1 : i32
    scf.for %scan3A_128 = %scan3A_100 to %scan3A_102 step %scan3A_103  : i32 {
      %mul3A_129 = arith.constant 6 : i32
      %mul3A_130 = arith.muli %scan3A_128, %mul3A_129 : i32
      %add3A = arith.constant 0 : i32
      %add3A_131 = arith.addi %mul3A_130, %add3A : i32
      %mul3A_132 = arith.constant 128 : i32
      %mul3A_133 = arith.muli %add3A_131, %mul3A_132 : i32
      %dma_wait3A_134 = tpu.memref_slice %arg9[%mul3A_133] : memref<20224xi32, #tpu.memory_space<vmem>> -> memref<128xi32, #tpu.memory_space<vmem>>
      %dma_wait3A_135 = arith.constant 0 : i32
      %dma_wait3A_136 = arith.constant 0 : i32
      %dma_wait3A_137 = tpu.memref_slice %arg24[%dma_wait3A_135, %dma_wait3A_136] : memref<10240x32xf32, #tpu.memory_space<vmem_shared>> -> memref<10240x32xf32, #tpu.memory_space<vmem_shared>>
      tpu.wait_indirect_dma semaphore(%arg17 : memref<!tpu.dma_semaphore, #tpu.memory_space<semaphore_mem>>) src(%dma_wait3A_137 : memref<10240x32xf32, #tpu.memory_space<vmem_shared>>) dst(%arg11 : memref<128x32xf32, #tpu.memory_space<vmem>>)
      "tpu.region"() ({
        %run_scoped3A_219 = tpu.sem_alloc : memref<!tpu.dma_semaphore, #tpu.memory_space<semaphore_mem>>
        %dma_start3A_220 = arith.constant 0 : i32
        %dma_start3A_221 = tpu.memref_slice %arg10[%add3A_131, %dma_start3A_220] : memref<158x128xi32, #tpu.memory_space<vmem>> -> memref<1x128xi32, #tpu.memory_space<vmem>>
        %dma_start3A_222 = tpu.memref_squeeze %dma_start3A_221 : memref<1x128xi32, #tpu.memory_space<vmem>> -> memref<128xi32, #tpu.memory_space<vmem>>
        %dma_start3A_223 = arith.constant 0 : i32
        %dma_start3A_224 = arith.constant 0 : i32
        %dma_start3A_225 = tpu.memref_slice %arg23[%dma_start3A_223, %dma_start3A_224] : memref<10240x32xf32, #tpu.memory_space<vmem_shared>> -> memref<10240x32xf32, #tpu.memory_space<vmem_shared>>
        tpu.enqueue_indirect_dma source(%arg11 : memref<128x32xf32, #tpu.memory_space<vmem>>) target(%dma_start3A_225 : memref<10240x32xf32, #tpu.memory_space<vmem_shared>>) offsets(%dma_start3A_222 : memref<128xi32, #tpu.memory_space<vmem>>) semaphore(%run_scoped3A_219 : memref<!tpu.dma_semaphore, #tpu.memory_space<semaphore_mem>>) {add = true}
        %dma_wait3A_226 = arith.constant 0 : i32
        %dma_wait3A_227 = tpu.memref_slice %arg10[%add3A_131, %dma_wait3A_226] : memref<158x128xi32, #tpu.memory_space<vmem>> -> memref<1x128xi32, #tpu.memory_space<vmem>>
        %dma_wait3A_228 = tpu.memref_squeeze %dma_wait3A_227 : memref<1x128xi32, #tpu.memory_space<vmem>> -> memref<128xi32, #tpu.memory_space<vmem>>
        %dma_wait3A_229 = arith.constant 0 : i32
        %dma_wait3A_230 = arith.constant 0 : i32
        %dma_wait3A_231 = tpu.memref_slice %arg23[%dma_wait3A_229, %dma_wait3A_230] : memref<10240x32xf32, #tpu.memory_space<vmem_shared>> -> memref<10240x32xf32, #tpu.memory_space<vmem_shared>>
        tpu.wait_indirect_dma semaphore(%run_scoped3A_219 : memref<!tpu.dma_semaphore, #tpu.memory_space<semaphore_mem>>) src(%arg11 : memref<128x32xf32, #tpu.memory_space<vmem>>) dst(%dma_wait3A_231 : memref<10240x32xf32, #tpu.memory_space<vmem_shared>>)
        tpu.yield
      }) : () -> ()
      %add3A_138 = arith.constant 5 : i32
      %add3A_139 = arith.addi %add3A_131, %add3A_138 : i32
      %lt3A = arith.constant 158 : i32
      %lt3A_140 = arith.cmpi slt, %add3A_139, %lt3A : i32
      %convert_element_type3A_141 = arith.extui %lt3A_140 : i1 to i32
      %cond3A_142 = arith.constant 0 : i32
      %cond3A_143 = arith.cmpi ne, %convert_element_type3A_141, %cond3A_142 : i32
      scf.if %cond3A_143 {
        %add3A_219 = arith.constant 5 : i32
        %add3A_220 = arith.addi %add3A_131, %add3A_219 : i32
        %mul3A_221 = arith.constant 128 : i32
        %mul3A_222 = arith.muli %add3A_220, %mul3A_221 : i32
        %dma_start3A_223 = tpu.memref_slice %arg9[%mul3A_222] : memref<20224xi32, #tpu.memory_space<vmem>> -> memref<128xi32, #tpu.memory_space<vmem>>
        %dma_start3A_224 = arith.constant 0 : i32
        %dma_start3A_225 = arith.constant 0 : i32
        %dma_start3A_226 = tpu.memref_slice %arg24[%dma_start3A_224, %dma_start3A_225] : memref<10240x32xf32, #tpu.memory_space<vmem_shared>> -> memref<10240x32xf32, #tpu.memory_space<vmem_shared>>
        tpu.enqueue_indirect_dma source(%dma_start3A_226 : memref<10240x32xf32, #tpu.memory_space<vmem_shared>>) target(%arg16 : memref<128x32xf32, #tpu.memory_space<vmem>>) offsets(%dma_start3A_223 : memref<128xi32, #tpu.memory_space<vmem>>) semaphore(%arg22 : memref<!tpu.dma_semaphore, #tpu.memory_space<semaphore_mem>>)
      } else {
      }
      %add3A_144 = arith.constant 1 : i32
      %add3A_145 = arith.addi %mul3A_130, %add3A_144 : i32
      %mul3A_146 = arith.constant 128 : i32
      %mul3A_147 = arith.muli %add3A_145, %mul3A_146 : i32
      %dma_wait3A_148 = tpu.memref_slice %arg9[%mul3A_147] : memref<20224xi32, #tpu.memory_space<vmem>> -> memref<128xi32, #tpu.memory_space<vmem>>
      %dma_wait3A_149 = arith.constant 0 : i32
      %dma_wait3A_150 = arith.constant 0 : i32
      %dma_wait3A_151 = tpu.memref_slice %arg24[%dma_wait3A_149, %dma_wait3A_150] : memref<10240x32xf32, #tpu.memory_space<vmem_shared>> -> memref<10240x32xf32, #tpu.memory_space<vmem_shared>>
      tpu.wait_indirect_dma semaphore(%arg18 : memref<!tpu.dma_semaphore, #tpu.memory_space<semaphore_mem>>) src(%dma_wait3A_151 : memref<10240x32xf32, #tpu.memory_space<vmem_shared>>) dst(%arg12 : memref<128x32xf32, #tpu.memory_space<vmem>>)
      "tpu.region"() ({
        %run_scoped3A_219 = tpu.sem_alloc : memref<!tpu.dma_semaphore, #tpu.memory_space<semaphore_mem>>
        %dma_start3A_220 = arith.constant 0 : i32
        %dma_start3A_221 = tpu.memref_slice %arg10[%add3A_145, %dma_start3A_220] : memref<158x128xi32, #tpu.memory_space<vmem>> -> memref<1x128xi32, #tpu.memory_space<vmem>>
        %dma_start3A_222 = tpu.memref_squeeze %dma_start3A_221 : memref<1x128xi32, #tpu.memory_space<vmem>> -> memref<128xi32, #tpu.memory_space<vmem>>
        %dma_start3A_223 = arith.constant 0 : i32
        %dma_start3A_224 = arith.constant 0 : i32
        %dma_start3A_225 = tpu.memref_slice %arg23[%dma_start3A_223, %dma_start3A_224] : memref<10240x32xf32, #tpu.memory_space<vmem_shared>> -> memref<10240x32xf32, #tpu.memory_space<vmem_shared>>
        tpu.enqueue_indirect_dma source(%arg12 : memref<128x32xf32, #tpu.memory_space<vmem>>) target(%dma_start3A_225 : memref<10240x32xf32, #tpu.memory_space<vmem_shared>>) offsets(%dma_start3A_222 : memref<128xi32, #tpu.memory_space<vmem>>) semaphore(%run_scoped3A_219 : memref<!tpu.dma_semaphore, #tpu.memory_space<semaphore_mem>>) {add = true}
        %dma_wait3A_226 = arith.constant 0 : i32
        %dma_wait3A_227 = tpu.memref_slice %arg10[%add3A_145, %dma_wait3A_226] : memref<158x128xi32, #tpu.memory_space<vmem>> -> memref<1x128xi32, #tpu.memory_space<vmem>>
        %dma_wait3A_228 = tpu.memref_squeeze %dma_wait3A_227 : memref<1x128xi32, #tpu.memory_space<vmem>> -> memref<128xi32, #tpu.memory_space<vmem>>
        %dma_wait3A_229 = arith.constant 0 : i32
        %dma_wait3A_230 = arith.constant 0 : i32
        %dma_wait3A_231 = tpu.memref_slice %arg23[%dma_wait3A_229, %dma_wait3A_230] : memref<10240x32xf32, #tpu.memory_space<vmem_shared>> -> memref<10240x32xf32, #tpu.memory_space<vmem_shared>>
        tpu.wait_indirect_dma semaphore(%run_scoped3A_219 : memref<!tpu.dma_semaphore, #tpu.memory_space<semaphore_mem>>) src(%arg12 : memref<128x32xf32, #tpu.memory_space<vmem>>) dst(%dma_wait3A_231 : memref<10240x32xf32, #tpu.memory_space<vmem_shared>>)
        tpu.yield
      }) : () -> ()
      %add3A_152 = arith.constant 5 : i32
      %add3A_153 = arith.addi %add3A_145, %add3A_152 : i32
      %lt3A_154 = arith.constant 158 : i32
      %lt3A_155 = arith.cmpi slt, %add3A_153, %lt3A_154 : i32
      %convert_element_type3A_156 = arith.extui %lt3A_155 : i1 to i32
      %cond3A_157 = arith.constant 0 : i32
      %cond3A_158 = arith.cmpi ne, %convert_element_type3A_156, %cond3A_157 : i32
      scf.if %cond3A_158 {
        %add3A_219 = arith.constant 5 : i32
        %add3A_220 = arith.addi %add3A_145, %add3A_219 : i32
        %mul3A_221 = arith.constant 128 : i32
        %mul3A_222 = arith.muli %add3A_220, %mul3A_221 : i32
        %dma_start3A_223 = tpu.memref_slice %arg9[%mul3A_222] : memref<20224xi32, #tpu.memory_space<vmem>> -> memref<128xi32, #tpu.memory_space<vmem>>
        %dma_start3A_224 = arith.constant 0 : i32
        %dma_start3A_225 = arith.constant 0 : i32
        %dma_start3A_226 = tpu.memref_slice %arg24[%dma_start3A_224, %dma_start3A_225] : memref<10240x32xf32, #tpu.memory_space<vmem_shared>> -> memref<10240x32xf32, #tpu.memory_space<vmem_shared>>
        tpu.enqueue_indirect_dma source(%dma_start3A_226 : memref<10240x32xf32, #tpu.memory_space<vmem_shared>>) target(%arg11 : memref<128x32xf32, #tpu.memory_space<vmem>>) offsets(%dma_start3A_223 : memref<128xi32, #tpu.memory_space<vmem>>) semaphore(%arg17 : memref<!tpu.dma_semaphore, #tpu.memory_space<semaphore_mem>>)
      } else {
      }
      %add3A_159 = arith.constant 2 : i32
      %add3A_160 = arith.addi %mul3A_130, %add3A_159 : i32
      %mul3A_161 = arith.constant 128 : i32
      %mul3A_162 = arith.muli %add3A_160, %mul3A_161 : i32
      %dma_wait3A_163 = tpu.memref_slice %arg9[%mul3A_162] : memref<20224xi32, #tpu.memory_space<vmem>> -> memref<128xi32, #tpu.memory_space<vmem>>
      %dma_wait3A_164 = arith.constant 0 : i32
      %dma_wait3A_165 = arith.constant 0 : i32
      %dma_wait3A_166 = tpu.memref_slice %arg24[%dma_wait3A_164, %dma_wait3A_165] : memref<10240x32xf32, #tpu.memory_space<vmem_shared>> -> memref<10240x32xf32, #tpu.memory_space<vmem_shared>>
      tpu.wait_indirect_dma semaphore(%arg19 : memref<!tpu.dma_semaphore, #tpu.memory_space<semaphore_mem>>) src(%dma_wait3A_166 : memref<10240x32xf32, #tpu.memory_space<vmem_shared>>) dst(%arg13 : memref<128x32xf32, #tpu.memory_space<vmem>>)
      "tpu.region"() ({
        %run_scoped3A_219 = tpu.sem_alloc : memref<!tpu.dma_semaphore, #tpu.memory_space<semaphore_mem>>
        %dma_start3A_220 = arith.constant 0 : i32
        %dma_start3A_221 = tpu.memref_slice %arg10[%add3A_160, %dma_start3A_220] : memref<158x128xi32, #tpu.memory_space<vmem>> -> memref<1x128xi32, #tpu.memory_space<vmem>>
        %dma_start3A_222 = tpu.memref_squeeze %dma_start3A_221 : memref<1x128xi32, #tpu.memory_space<vmem>> -> memref<128xi32, #tpu.memory_space<vmem>>
        %dma_start3A_223 = arith.constant 0 : i32
        %dma_start3A_224 = arith.constant 0 : i32
        %dma_start3A_225 = tpu.memref_slice %arg23[%dma_start3A_223, %dma_start3A_224] : memref<10240x32xf32, #tpu.memory_space<vmem_shared>> -> memref<10240x32xf32, #tpu.memory_space<vmem_shared>>
        tpu.enqueue_indirect_dma source(%arg13 : memref<128x32xf32, #tpu.memory_space<vmem>>) target(%dma_start3A_225 : memref<10240x32xf32, #tpu.memory_space<vmem_shared>>) offsets(%dma_start3A_222 : memref<128xi32, #tpu.memory_space<vmem>>) semaphore(%run_scoped3A_219 : memref<!tpu.dma_semaphore, #tpu.memory_space<semaphore_mem>>) {add = true}
        %dma_wait3A_226 = arith.constant 0 : i32
        %dma_wait3A_227 = tpu.memref_slice %arg10[%add3A_160, %dma_wait3A_226] : memref<158x128xi32, #tpu.memory_space<vmem>> -> memref<1x128xi32, #tpu.memory_space<vmem>>
        %dma_wait3A_228 = tpu.memref_squeeze %dma_wait3A_227 : memref<1x128xi32, #tpu.memory_space<vmem>> -> memref<128xi32, #tpu.memory_space<vmem>>
        %dma_wait3A_229 = arith.constant 0 : i32
        %dma_wait3A_230 = arith.constant 0 : i32
        %dma_wait3A_231 = tpu.memref_slice %arg23[%dma_wait3A_229, %dma_wait3A_230] : memref<10240x32xf32, #tpu.memory_space<vmem_shared>> -> memref<10240x32xf32, #tpu.memory_space<vmem_shared>>
        tpu.wait_indirect_dma semaphore(%run_scoped3A_219 : memref<!tpu.dma_semaphore, #tpu.memory_space<semaphore_mem>>) src(%arg13 : memref<128x32xf32, #tpu.memory_space<vmem>>) dst(%dma_wait3A_231 : memref<10240x32xf32, #tpu.memory_space<vmem_shared>>)
        tpu.yield
      }) : () -> ()
      %add3A_167 = arith.constant 5 : i32
      %add3A_168 = arith.addi %add3A_160, %add3A_167 : i32
      %lt3A_169 = arith.constant 158 : i32
      %lt3A_170 = arith.cmpi slt, %add3A_168, %lt3A_169 : i32
      %convert_element_type3A_171 = arith.extui %lt3A_170 : i1 to i32
      %cond3A_172 = arith.constant 0 : i32
      %cond3A_173 = arith.cmpi ne, %convert_element_type3A_171, %cond3A_172 : i32
      scf.if %cond3A_173 {
        %add3A_219 = arith.constant 5 : i32
        %add3A_220 = arith.addi %add3A_160, %add3A_219 : i32
        %mul3A_221 = arith.constant 128 : i32
        %mul3A_222 = arith.muli %add3A_220, %mul3A_221 : i32
        %dma_start3A_223 = tpu.memref_slice %arg9[%mul3A_222] : memref<20224xi32, #tpu.memory_space<vmem>> -> memref<128xi32, #tpu.memory_space<vmem>>
        %dma_start3A_224 = arith.constant 0 : i32
        %dma_start3A_225 = arith.constant 0 : i32
        %dma_start3A_226 = tpu.memref_slice %arg24[%dma_start3A_224, %dma_start3A_225] : memref<10240x32xf32, #tpu.memory_space<vmem_shared>> -> memref<10240x32xf32, #tpu.memory_space<vmem_shared>>
        tpu.enqueue_indirect_dma source(%dma_start3A_226 : memref<10240x32xf32, #tpu.memory_space<vmem_shared>>) target(%arg12 : memref<128x32xf32, #tpu.memory_space<vmem>>) offsets(%dma_start3A_223 : memref<128xi32, #tpu.memory_space<vmem>>) semaphore(%arg18 : memref<!tpu.dma_semaphore, #tpu.memory_space<semaphore_mem>>)
      } else {
      }
      %add3A_174 = arith.constant 3 : i32
      %add3A_175 = arith.addi %mul3A_130, %add3A_174 : i32
      %mul3A_176 = arith.constant 128 : i32
      %mul3A_177 = arith.muli %add3A_175, %mul3A_176 : i32
      %dma_wait3A_178 = tpu.memref_slice %arg9[%mul3A_177] : memref<20224xi32, #tpu.memory_space<vmem>> -> memref<128xi32, #tpu.memory_space<vmem>>
      %dma_wait3A_179 = arith.constant 0 : i32
      %dma_wait3A_180 = arith.constant 0 : i32
      %dma_wait3A_181 = tpu.memref_slice %arg24[%dma_wait3A_179, %dma_wait3A_180] : memref<10240x32xf32, #tpu.memory_space<vmem_shared>> -> memref<10240x32xf32, #tpu.memory_space<vmem_shared>>
      tpu.wait_indirect_dma semaphore(%arg20 : memref<!tpu.dma_semaphore, #tpu.memory_space<semaphore_mem>>) src(%dma_wait3A_181 : memref<10240x32xf32, #tpu.memory_space<vmem_shared>>) dst(%arg14 : memref<128x32xf32, #tpu.memory_space<vmem>>)
      "tpu.region"() ({
        %run_scoped3A_219 = tpu.sem_alloc : memref<!tpu.dma_semaphore, #tpu.memory_space<semaphore_mem>>
        %dma_start3A_220 = arith.constant 0 : i32
        %dma_start3A_221 = tpu.memref_slice %arg10[%add3A_175, %dma_start3A_220] : memref<158x128xi32, #tpu.memory_space<vmem>> -> memref<1x128xi32, #tpu.memory_space<vmem>>
        %dma_start3A_222 = tpu.memref_squeeze %dma_start3A_221 : memref<1x128xi32, #tpu.memory_space<vmem>> -> memref<128xi32, #tpu.memory_space<vmem>>
        %dma_start3A_223 = arith.constant 0 : i32
        %dma_start3A_224 = arith.constant 0 : i32
        %dma_start3A_225 = tpu.memref_slice %arg23[%dma_start3A_223, %dma_start3A_224] : memref<10240x32xf32, #tpu.memory_space<vmem_shared>> -> memref<10240x32xf32, #tpu.memory_space<vmem_shared>>
        tpu.enqueue_indirect_dma source(%arg14 : memref<128x32xf32, #tpu.memory_space<vmem>>) target(%dma_start3A_225 : memref<10240x32xf32, #tpu.memory_space<vmem_shared>>) offsets(%dma_start3A_222 : memref<128xi32, #tpu.memory_space<vmem>>) semaphore(%run_scoped3A_219 : memref<!tpu.dma_semaphore, #tpu.memory_space<semaphore_mem>>) {add = true}
        %dma_wait3A_226 = arith.constant 0 : i32
        %dma_wait3A_227 = tpu.memref_slice %arg10[%add3A_175, %dma_wait3A_226] : memref<158x128xi32, #tpu.memory_space<vmem>> -> memref<1x128xi32, #tpu.memory_space<vmem>>
        %dma_wait3A_228 = tpu.memref_squeeze %dma_wait3A_227 : memref<1x128xi32, #tpu.memory_space<vmem>> -> memref<128xi32, #tpu.memory_space<vmem>>
        %dma_wait3A_229 = arith.constant 0 : i32
        %dma_wait3A_230 = arith.constant 0 : i32
        %dma_wait3A_231 = tpu.memref_slice %arg23[%dma_wait3A_229, %dma_wait3A_230] : memref<10240x32xf32, #tpu.memory_space<vmem_shared>> -> memref<10240x32xf32, #tpu.memory_space<vmem_shared>>
        tpu.wait_indirect_dma semaphore(%run_scoped3A_219 : memref<!tpu.dma_semaphore, #tpu.memory_space<semaphore_mem>>) src(%arg14 : memref<128x32xf32, #tpu.memory_space<vmem>>) dst(%dma_wait3A_231 : memref<10240x32xf32, #tpu.memory_space<vmem_shared>>)
        tpu.yield
      }) : () -> ()
      %add3A_182 = arith.constant 5 : i32
      %add3A_183 = arith.addi %add3A_175, %add3A_182 : i32
      %lt3A_184 = arith.constant 158 : i32
      %lt3A_185 = arith.cmpi slt, %add3A_183, %lt3A_184 : i32
      %convert_element_type3A_186 = arith.extui %lt3A_185 : i1 to i32
      %cond3A_187 = arith.constant 0 : i32
      %cond3A_188 = arith.cmpi ne, %convert_element_type3A_186, %cond3A_187 : i32
      scf.if %cond3A_188 {
        %add3A_219 = arith.constant 5 : i32
        %add3A_220 = arith.addi %add3A_175, %add3A_219 : i32
        %mul3A_221 = arith.constant 128 : i32
        %mul3A_222 = arith.muli %add3A_220, %mul3A_221 : i32
        %dma_start3A_223 = tpu.memref_slice %arg9[%mul3A_222] : memref<20224xi32, #tpu.memory_space<vmem>> -> memref<128xi32, #tpu.memory_space<vmem>>
        %dma_start3A_224 = arith.constant 0 : i32
        %dma_start3A_225 = arith.constant 0 : i32
        %dma_start3A_226 = tpu.memref_slice %arg24[%dma_start3A_224, %dma_start3A_225] : memref<10240x32xf32, #tpu.memory_space<vmem_shared>> -> memref<10240x32xf32, #tpu.memory_space<vmem_shared>>
        tpu.enqueue_indirect_dma source(%dma_start3A_226 : memref<10240x32xf32, #tpu.memory_space<vmem_shared>>) target(%arg13 : memref<128x32xf32, #tpu.memory_space<vmem>>) offsets(%dma_start3A_223 : memref<128xi32, #tpu.memory_space<vmem>>) semaphore(%arg19 : memref<!tpu.dma_semaphore, #tpu.memory_space<semaphore_mem>>)
      } else {
      }
      %add3A_189 = arith.constant 4 : i32
      %add3A_190 = arith.addi %mul3A_130, %add3A_189 : i32
      %mul3A_191 = arith.constant 128 : i32
      %mul3A_192 = arith.muli %add3A_190, %mul3A_191 : i32
      %dma_wait3A_193 = tpu.memref_slice %arg9[%mul3A_192] : memref<20224xi32, #tpu.memory_space<vmem>> -> memref<128xi32, #tpu.memory_space<vmem>>
      %dma_wait3A_194 = arith.constant 0 : i32
      %dma_wait3A_195 = arith.constant 0 : i32
      %dma_wait3A_196 = tpu.memref_slice %arg24[%dma_wait3A_194, %dma_wait3A_195] : memref<10240x32xf32, #tpu.memory_space<vmem_shared>> -> memref<10240x32xf32, #tpu.memory_space<vmem_shared>>
      tpu.wait_indirect_dma semaphore(%arg21 : memref<!tpu.dma_semaphore, #tpu.memory_space<semaphore_mem>>) src(%dma_wait3A_196 : memref<10240x32xf32, #tpu.memory_space<vmem_shared>>) dst(%arg15 : memref<128x32xf32, #tpu.memory_space<vmem>>)
      "tpu.region"() ({
        %run_scoped3A_219 = tpu.sem_alloc : memref<!tpu.dma_semaphore, #tpu.memory_space<semaphore_mem>>
        %dma_start3A_220 = arith.constant 0 : i32
        %dma_start3A_221 = tpu.memref_slice %arg10[%add3A_190, %dma_start3A_220] : memref<158x128xi32, #tpu.memory_space<vmem>> -> memref<1x128xi32, #tpu.memory_space<vmem>>
        %dma_start3A_222 = tpu.memref_squeeze %dma_start3A_221 : memref<1x128xi32, #tpu.memory_space<vmem>> -> memref<128xi32, #tpu.memory_space<vmem>>
        %dma_start3A_223 = arith.constant 0 : i32
        %dma_start3A_224 = arith.constant 0 : i32
        %dma_start3A_225 = tpu.memref_slice %arg23[%dma_start3A_223, %dma_start3A_224] : memref<10240x32xf32, #tpu.memory_space<vmem_shared>> -> memref<10240x32xf32, #tpu.memory_space<vmem_shared>>
        tpu.enqueue_indirect_dma source(%arg15 : memref<128x32xf32, #tpu.memory_space<vmem>>) target(%dma_start3A_225 : memref<10240x32xf32, #tpu.memory_space<vmem_shared>>) offsets(%dma_start3A_222 : memref<128xi32, #tpu.memory_space<vmem>>) semaphore(%run_scoped3A_219 : memref<!tpu.dma_semaphore, #tpu.memory_space<semaphore_mem>>) {add = true}
        %dma_wait3A_226 = arith.constant 0 : i32
        %dma_wait3A_227 = tpu.memref_slice %arg10[%add3A_190, %dma_wait3A_226] : memref<158x128xi32, #tpu.memory_space<vmem>> -> memref<1x128xi32, #tpu.memory_space<vmem>>
        %dma_wait3A_228 = tpu.memref_squeeze %dma_wait3A_227 : memref<1x128xi32, #tpu.memory_space<vmem>> -> memref<128xi32, #tpu.memory_space<vmem>>
        %dma_wait3A_229 = arith.constant 0 : i32
        %dma_wait3A_230 = arith.constant 0 : i32
        %dma_wait3A_231 = tpu.memref_slice %arg23[%dma_wait3A_229, %dma_wait3A_230] : memref<10240x32xf32, #tpu.memory_space<vmem_shared>> -> memref<10240x32xf32, #tpu.memory_space<vmem_shared>>
        tpu.wait_indirect_dma semaphore(%run_scoped3A_219 : memref<!tpu.dma_semaphore, #tpu.memory_space<semaphore_mem>>) src(%arg15 : memref<128x32xf32, #tpu.memory_space<vmem>>) dst(%dma_wait3A_231 : memref<10240x32xf32, #tpu.memory_space<vmem_shared>>)
        tpu.yield
      }) : () -> ()
      %add3A_197 = arith.constant 5 : i32
      %add3A_198 = arith.addi %add3A_190, %add3A_197 : i32
      %lt3A_199 = arith.constant 158 : i32
      %lt3A_200 = arith.cmpi slt, %add3A_198, %lt3A_199 : i32
      %convert_element_type3A_201 = arith.extui %lt3A_200 : i1 to i32
      %cond3A_202 = arith.constant 0 : i32
      %cond3A_203 = arith.cmpi ne, %convert_element_type3A_201, %cond3A_202 : i32
      scf.if %cond3A_203 {
        %add3A_219 = arith.constant 5 : i32
        %add3A_220 = arith.addi %add3A_190, %add3A_219 : i32
        %mul3A_221 = arith.constant 128 : i32
        %mul3A_222 = arith.muli %add3A_220, %mul3A_221 : i32
        %dma_start3A_223 = tpu.memref_slice %arg9[%mul3A_222] : memref<20224xi32, #tpu.memory_space<vmem>> -> memref<128xi32, #tpu.memory_space<vmem>>
        %dma_start3A_224 = arith.constant 0 : i32
        %dma_start3A_225 = arith.constant 0 : i32
        %dma_start3A_226 = tpu.memref_slice %arg24[%dma_start3A_224, %dma_start3A_225] : memref<10240x32xf32, #tpu.memory_space<vmem_shared>> -> memref<10240x32xf32, #tpu.memory_space<vmem_shared>>
        tpu.enqueue_indirect_dma source(%dma_start3A_226 : memref<10240x32xf32, #tpu.memory_space<vmem_shared>>) target(%arg14 : memref<128x32xf32, #tpu.memory_space<vmem>>) offsets(%dma_start3A_223 : memref<128xi32, #tpu.memory_space<vmem>>) semaphore(%arg20 : memref<!tpu.dma_semaphore, #tpu.memory_space<semaphore_mem>>)
      } else {
      }
      %add3A_204 = arith.constant 5 : i32
      %add3A_205 = arith.addi %mul3A_130, %add3A_204 : i32
      %mul3A_206 = arith.constant 128 : i32
      %mul3A_207 = arith.muli %add3A_205, %mul3A_206 : i32
      %dma_wait3A_208 = tpu.memref_slice %arg9[%mul3A_207] : memref<20224xi32, #tpu.memory_space<vmem>> -> memref<128xi32, #tpu.memory_space<vmem>>
      %dma_wait3A_209 = arith.constant 0 : i32
      %dma_wait3A_210 = arith.constant 0 : i32
      %dma_wait3A_211 = tpu.memref_slice %arg24[%dma_wait3A_209, %dma_wait3A_210] : memref<10240x32xf32, #tpu.memory_space<vmem_shared>> -> memref<10240x32xf32, #tpu.memory_space<vmem_shared>>
      tpu.wait_indirect_dma semaphore(%arg22 : memref<!tpu.dma_semaphore, #tpu.memory_space<semaphore_mem>>) src(%dma_wait3A_211 : memref<10240x32xf32, #tpu.memory_space<vmem_shared>>) dst(%arg16 : memref<128x32xf32, #tpu.memory_space<vmem>>)
      "tpu.region"() ({
        %run_scoped3A_219 = tpu.sem_alloc : memref<!tpu.dma_semaphore, #tpu.memory_space<semaphore_mem>>
        %dma_start3A_220 = arith.constant 0 : i32
        %dma_start3A_221 = tpu.memref_slice %arg10[%add3A_205, %dma_start3A_220] : memref<158x128xi32, #tpu.memory_space<vmem>> -> memref<1x128xi32, #tpu.memory_space<vmem>>
        %dma_start3A_222 = tpu.memref_squeeze %dma_start3A_221 : memref<1x128xi32, #tpu.memory_space<vmem>> -> memref<128xi32, #tpu.memory_space<vmem>>
        %dma_start3A_223 = arith.constant 0 : i32
        %dma_start3A_224 = arith.constant 0 : i32
        %dma_start3A_225 = tpu.memref_slice %arg23[%dma_start3A_223, %dma_start3A_224] : memref<10240x32xf32, #tpu.memory_space<vmem_shared>> -> memref<10240x32xf32, #tpu.memory_space<vmem_shared>>
        tpu.enqueue_indirect_dma source(%arg16 : memref<128x32xf32, #tpu.memory_space<vmem>>) target(%dma_start3A_225 : memref<10240x32xf32, #tpu.memory_space<vmem_shared>>) offsets(%dma_start3A_222 : memref<128xi32, #tpu.memory_space<vmem>>) semaphore(%run_scoped3A_219 : memref<!tpu.dma_semaphore, #tpu.memory_space<semaphore_mem>>) {add = true}
        %dma_wait3A_226 = arith.constant 0 : i32
        %dma_wait3A_227 = tpu.memref_slice %arg10[%add3A_205, %dma_wait3A_226] : memref<158x128xi32, #tpu.memory_space<vmem>> -> memref<1x128xi32, #tpu.memory_space<vmem>>
        %dma_wait3A_228 = tpu.memref_squeeze %dma_wait3A_227 : memref<1x128xi32, #tpu.memory_space<vmem>> -> memref<128xi32, #tpu.memory_space<vmem>>
        %dma_wait3A_229 = arith.constant 0 : i32
        %dma_wait3A_230 = arith.constant 0 : i32
        %dma_wait3A_231 = tpu.memref_slice %arg23[%dma_wait3A_229, %dma_wait3A_230] : memref<10240x32xf32, #tpu.memory_space<vmem_shared>> -> memref<10240x32xf32, #tpu.memory_space<vmem_shared>>
        tpu.wait_indirect_dma semaphore(%run_scoped3A_219 : memref<!tpu.dma_semaphore, #tpu.memory_space<semaphore_mem>>) src(%arg16 : memref<128x32xf32, #tpu.memory_space<vmem>>) dst(%dma_wait3A_231 : memref<10240x32xf32, #tpu.memory_space<vmem_shared>>)
        tpu.yield
      }) : () -> ()
      %add3A_212 = arith.constant 5 : i32
      %add3A_213 = arith.addi %add3A_205, %add3A_212 : i32
      %lt3A_214 = arith.constant 158 : i32
      %lt3A_215 = arith.cmpi slt, %add3A_213, %lt3A_214 : i32
      %convert_element_type3A_216 = arith.extui %lt3A_215 : i1 to i32
      %cond3A_217 = arith.constant 0 : i32
      %cond3A_218 = arith.cmpi ne, %convert_element_type3A_216, %cond3A_217 : i32
      scf.if %cond3A_218 {
        %add3A_219 = arith.constant 5 : i32
        %add3A_220 = arith.addi %add3A_205, %add3A_219 : i32
        %mul3A_221 = arith.constant 128 : i32
        %mul3A_222 = arith.muli %add3A_220, %mul3A_221 : i32
        %dma_start3A_223 = tpu.memref_slice %arg9[%mul3A_222] : memref<20224xi32, #tpu.memory_space<vmem>> -> memref<128xi32, #tpu.memory_space<vmem>>
        %dma_start3A_224 = arith.constant 0 : i32
        %dma_start3A_225 = arith.constant 0 : i32
        %dma_start3A_226 = tpu.memref_slice %arg24[%dma_start3A_224, %dma_start3A_225] : memref<10240x32xf32, #tpu.memory_space<vmem_shared>> -> memref<10240x32xf32, #tpu.memory_space<vmem_shared>>
        tpu.enqueue_indirect_dma source(%dma_start3A_226 : memref<10240x32xf32, #tpu.memory_space<vmem_shared>>) target(%arg15 : memref<128x32xf32, #tpu.memory_space<vmem>>) offsets(%dma_start3A_223 : memref<128xi32, #tpu.memory_space<vmem>>) semaphore(%arg21 : memref<!tpu.dma_semaphore, #tpu.memory_space<semaphore_mem>>)
      } else {
      }
    }
    %scan3A_104 = arith.constant 25 : i32
    %dma_wait3A_105 = arith.constant 19968 : i32
    %dma_wait3A_106 = tpu.memref_slice %arg9[%dma_wait3A_105] : memref<20224xi32, #tpu.memory_space<vmem>> -> memref<128xi32, #tpu.memory_space<vmem>>
    %dma_wait3A_107 = arith.constant 0 : i32
    %dma_wait3A_108 = arith.constant 0 : i32
    %dma_wait3A_109 = tpu.memref_slice %arg24[%dma_wait3A_107, %dma_wait3A_108] : memref<10240x32xf32, #tpu.memory_space<vmem_shared>> -> memref<10240x32xf32, #tpu.memory_space<vmem_shared>>
    tpu.wait_indirect_dma semaphore(%arg17 : memref<!tpu.dma_semaphore, #tpu.memory_space<semaphore_mem>>) src(%dma_wait3A_109 : memref<10240x32xf32, #tpu.memory_space<vmem_shared>>) dst(%arg11 : memref<128x32xf32, #tpu.memory_space<vmem>>)
    %run_scoped3A_110 = arith.constant 156 : i32
    "tpu.region"() ({
      %run_scoped3A_128 = tpu.sem_alloc : memref<!tpu.dma_semaphore, #tpu.memory_space<semaphore_mem>>
      %dma_start3A_129 = arith.constant 0 : i32
      %dma_start3A_130 = tpu.memref_slice %arg10[%run_scoped3A_110, %dma_start3A_129] : memref<158x128xi32, #tpu.memory_space<vmem>> -> memref<1x128xi32, #tpu.memory_space<vmem>>
      %dma_start3A_131 = tpu.memref_squeeze %dma_start3A_130 : memref<1x128xi32, #tpu.memory_space<vmem>> -> memref<128xi32, #tpu.memory_space<vmem>>
      %dma_start3A_132 = arith.constant 0 : i32
      %dma_start3A_133 = arith.constant 0 : i32
      %dma_start3A_134 = tpu.memref_slice %arg23[%dma_start3A_132, %dma_start3A_133] : memref<10240x32xf32, #tpu.memory_space<vmem_shared>> -> memref<10240x32xf32, #tpu.memory_space<vmem_shared>>
      tpu.enqueue_indirect_dma source(%arg11 : memref<128x32xf32, #tpu.memory_space<vmem>>) target(%dma_start3A_134 : memref<10240x32xf32, #tpu.memory_space<vmem_shared>>) offsets(%dma_start3A_131 : memref<128xi32, #tpu.memory_space<vmem>>) semaphore(%run_scoped3A_128 : memref<!tpu.dma_semaphore, #tpu.memory_space<semaphore_mem>>) {add = true}
      %dma_wait3A_135 = arith.constant 0 : i32
      %dma_wait3A_136 = tpu.memref_slice %arg10[%run_scoped3A_110, %dma_wait3A_135] : memref<158x128xi32, #tpu.memory_space<vmem>> -> memref<1x128xi32, #tpu.memory_space<vmem>>
      %dma_wait3A_137 = tpu.memref_squeeze %dma_wait3A_136 : memref<1x128xi32, #tpu.memory_space<vmem>> -> memref<128xi32, #tpu.memory_space<vmem>>
      %dma_wait3A_138 = arith.constant 0 : i32
      %dma_wait3A_139 = arith.constant 0 : i32
      %dma_wait3A_140 = tpu.memref_slice %arg23[%dma_wait3A_138, %dma_wait3A_139] : memref<10240x32xf32, #tpu.memory_space<vmem_shared>> -> memref<10240x32xf32, #tpu.memory_space<vmem_shared>>
      tpu.wait_indirect_dma semaphore(%run_scoped3A_128 : memref<!tpu.dma_semaphore, #tpu.memory_space<semaphore_mem>>) src(%arg11 : memref<128x32xf32, #tpu.memory_space<vmem>>) dst(%dma_wait3A_140 : memref<10240x32xf32, #tpu.memory_space<vmem_shared>>)
      tpu.yield
    }) : () -> ()
    %dma_wait3A_111 = arith.constant 20096 : i32
    %dma_wait3A_112 = tpu.memref_slice %arg9[%dma_wait3A_111] : memref<20224xi32, #tpu.memory_space<vmem>> -> memref<128xi32, #tpu.memory_space<vmem>>
    %dma_wait3A_113 = arith.constant 0 : i32
    %dma_wait3A_114 = arith.constant 0 : i32
    %dma_wait3A_115 = tpu.memref_slice %arg24[%dma_wait3A_113, %dma_wait3A_114] : memref<10240x32xf32, #tpu.memory_space<vmem_shared>> -> memref<10240x32xf32, #tpu.memory_space<vmem_shared>>
    tpu.wait_indirect_dma semaphore(%arg18 : memref<!tpu.dma_semaphore, #tpu.memory_space<semaphore_mem>>) src(%dma_wait3A_115 : memref<10240x32xf32, #tpu.memory_space<vmem_shared>>) dst(%arg12 : memref<128x32xf32, #tpu.memory_space<vmem>>)
    %run_scoped3A_116 = arith.constant 157 : i32
    "tpu.region"() ({
      %run_scoped3A_128 = tpu.sem_alloc : memref<!tpu.dma_semaphore, #tpu.memory_space<semaphore_mem>>
      %dma_start3A_129 = arith.constant 0 : i32
      %dma_start3A_130 = tpu.memref_slice %arg10[%run_scoped3A_116, %dma_start3A_129] : memref<158x128xi32, #tpu.memory_space<vmem>> -> memref<1x128xi32, #tpu.memory_space<vmem>>
      %dma_start3A_131 = tpu.memref_squeeze %dma_start3A_130 : memref<1x128xi32, #tpu.memory_space<vmem>> -> memref<128xi32, #tpu.memory_space<vmem>>
      %dma_start3A_132 = arith.constant 0 : i32
      %dma_start3A_133 = arith.constant 0 : i32
      %dma_start3A_134 = tpu.memref_slice %arg23[%dma_start3A_132, %dma_start3A_133] : memref<10240x32xf32, #tpu.memory_space<vmem_shared>> -> memref<10240x32xf32, #tpu.memory_space<vmem_shared>>
      tpu.enqueue_indirect_dma source(%arg12 : memref<128x32xf32, #tpu.memory_space<vmem>>) target(%dma_start3A_134 : memref<10240x32xf32, #tpu.memory_space<vmem_shared>>) offsets(%dma_start3A_131 : memref<128xi32, #tpu.memory_space<vmem>>) semaphore(%run_scoped3A_128 : memref<!tpu.dma_semaphore, #tpu.memory_space<semaphore_mem>>) {add = true}
      %dma_wait3A_135 = arith.constant 0 : i32
      %dma_wait3A_136 = tpu.memref_slice %arg10[%run_scoped3A_116, %dma_wait3A_135] : memref<158x128xi32, #tpu.memory_space<vmem>> -> memref<1x128xi32, #tpu.memory_space<vmem>>
      %dma_wait3A_137 = tpu.memref_squeeze %dma_wait3A_136 : memref<1x128xi32, #tpu.memory_space<vmem>> -> memref<128xi32, #tpu.memory_space<vmem>>
      %dma_wait3A_138 = arith.constant 0 : i32
      %dma_wait3A_139 = arith.constant 0 : i32
      %dma_wait3A_140 = tpu.memref_slice %arg23[%dma_wait3A_138, %dma_wait3A_139] : memref<10240x32xf32, #tpu.memory_space<vmem_shared>> -> memref<10240x32xf32, #tpu.memory_space<vmem_shared>>
      tpu.wait_indirect_dma semaphore(%run_scoped3A_128 : memref<!tpu.dma_semaphore, #tpu.memory_space<semaphore_mem>>) src(%arg12 : memref<128x32xf32, #tpu.memory_space<vmem>>) dst(%dma_wait3A_140 : memref<10240x32xf32, #tpu.memory_space<vmem_shared>>)
      tpu.yield
    }) : () -> ()
    %barrier3A_117 = arith.constant 0 : index
    tpu.barrier barrier_id(%barrier3A_117)
    %eq3A_118 = arith.constant 0 : i32
    %eq3A_119 = arith.cmpi eq, %arg0, %eq3A_118 : i32
    %convert_element_type3A_120 = arith.extui %eq3A_119 : i1 to i32
    %cond3A_121 = arith.constant 0 : i32
    %cond3A_122 = arith.cmpi ne, %convert_element_type3A_120, %cond3A_121 : i32
    scf.if %cond3A_122 {
      %mul3A_128 = arith.constant 640 : i32
      %mul3A_129 = arith.muli %arg1, %mul3A_128 : i32
      %mul3A_130 = arith.constant 640 : i32
      %mul3A_131 = arith.muli %arg1, %mul3A_130 : i32
      "tpu.region"() ({
        %run_scoped3A_132 = tpu.sem_alloc : memref<!tpu.dma_semaphore, #tpu.memory_space<semaphore_mem>>
        %dma_start3A_133 = arith.constant 0 : i32
        %dma_start3A_134 = tpu.memref_slice %arg7[%mul3A_131, %dma_start3A_133] : memref<10240x32xf32, #tpu.memory_space<hbm>> -> memref<640x32xf32, #tpu.memory_space<hbm>>
        %dma_start3A_135 = arith.constant 0 : i32
        %dma_start3A_136 = tpu.memref_slice %arg23[%mul3A_129, %dma_start3A_135] : memref<10240x32xf32, #tpu.memory_space<vmem_shared>> -> memref<640x32xf32, #tpu.memory_space<vmem_shared>>
        tpu.enqueue_dma source(%dma_start3A_136 : memref<640x32xf32, #tpu.memory_space<vmem_shared>>) target(%dma_start3A_134 : memref<640x32xf32, #tpu.memory_space<hbm>>) target_semaphore(%run_scoped3A_132 : memref<!tpu.dma_semaphore, #tpu.memory_space<semaphore_mem>>)
        %dma_wait3A_137 = arith.constant 0 : i32
        %dma_wait3A_138 = tpu.memref_slice %arg7[%mul3A_131, %dma_wait3A_137] : memref<10240x32xf32, #tpu.memory_space<hbm>> -> memref<640x32xf32, #tpu.memory_space<hbm>>
        %dma_wait3A_139 = arith.constant 0 : i32
        %dma_wait3A_140 = tpu.memref_slice %arg23[%mul3A_129, %dma_wait3A_139] : memref<10240x32xf32, #tpu.memory_space<vmem_shared>> -> memref<640x32xf32, #tpu.memory_space<vmem_shared>>
        tpu.wait_dma2 semaphore(%run_scoped3A_132 : memref<!tpu.dma_semaphore, #tpu.memory_space<semaphore_mem>>) src(%dma_wait3A_140 : memref<640x32xf32, #tpu.memory_space<vmem_shared>>) dst(%dma_wait3A_138 : memref<640x32xf32, #tpu.memory_space<hbm>>)
        tpu.yield
      }) : () -> ()
    } else {
    }
    %eq3A_123 = arith.constant 1 : i32
    %eq3A_124 = arith.cmpi eq, %arg0, %eq3A_123 : i32
    %convert_element_type3A_125 = arith.extui %eq3A_124 : i1 to i32
    %cond3A_126 = arith.constant 0 : i32
    %cond3A_127 = arith.cmpi ne, %convert_element_type3A_125, %cond3A_126 : i32
    scf.if %cond3A_127 {
      %mul3A_128 = arith.constant 640 : i32
      %mul3A_129 = arith.muli %arg1, %mul3A_128 : i32
      %mul3A_130 = arith.constant 640 : i32
      %mul3A_131 = arith.muli %arg1, %mul3A_130 : i32
      "tpu.region"() ({
        %run_scoped3A_132 = tpu.sem_alloc : memref<!tpu.dma_semaphore, #tpu.memory_space<semaphore_mem>>
        %dma_start3A_133 = arith.constant 0 : i32
        %dma_start3A_134 = tpu.memref_slice %arg8[%mul3A_131, %dma_start3A_133] : memref<10240x32xf32, #tpu.memory_space<hbm>> -> memref<640x32xf32, #tpu.memory_space<hbm>>
        %dma_start3A_135 = arith.constant 0 : i32
        %dma_start3A_136 = tpu.memref_slice %arg23[%mul3A_129, %dma_start3A_135] : memref<10240x32xf32, #tpu.memory_space<vmem_shared>> -> memref<640x32xf32, #tpu.memory_space<vmem_shared>>
        tpu.enqueue_dma source(%dma_start3A_136 : memref<640x32xf32, #tpu.memory_space<vmem_shared>>) target(%dma_start3A_134 : memref<640x32xf32, #tpu.memory_space<hbm>>) target_semaphore(%run_scoped3A_132 : memref<!tpu.dma_semaphore, #tpu.memory_space<semaphore_mem>>)
        %dma_wait3A_137 = arith.constant 0 : i32
        %dma_wait3A_138 = tpu.memref_slice %arg8[%mul3A_131, %dma_wait3A_137] : memref<10240x32xf32, #tpu.memory_space<hbm>> -> memref<640x32xf32, #tpu.memory_space<hbm>>
        %dma_wait3A_139 = arith.constant 0 : i32
        %dma_wait3A_140 = tpu.memref_slice %arg23[%mul3A_129, %dma_wait3A_139] : memref<10240x32xf32, #tpu.memory_space<vmem_shared>> -> memref<640x32xf32, #tpu.memory_space<vmem_shared>>
        tpu.wait_dma2 semaphore(%run_scoped3A_132 : memref<!tpu.dma_semaphore, #tpu.memory_space<semaphore_mem>>) src(%dma_wait3A_140 : memref<640x32xf32, #tpu.memory_space<vmem_shared>>) dst(%dma_wait3A_138 : memref<640x32xf32, #tpu.memory_space<hbm>>)
        tpu.yield
      }) : () -> ()
    } else {
    }
    return
  }
}

#map = affine_map<(d0, d1) -> (0, 0)>
#map1 = affine_map<(d0, d1) -> (0)>
#map2 = affine_map<(d0, d1) -> (0, 0, 0)>
module attributes {stable_mosaic.version = 14 : i64} {
  func.func @aggr_kernel(%arg0: i32, %arg1: i32, %arg2: memref<10240x16xf32, #tpu.memory_space<hbm>>, %arg3: memref<323584xi32, #tpu.memory_space<hbm>>, %arg4: memref<32x79x128xi32, #tpu.memory_space<hbm>>, %arg5: memref<10240x16xf32, #tpu.memory_space<hbm>>, %arg6: memref<2x10240x16xf32, #tpu.memory_space<hbm>>, %arg7: memref<10112xi32, #tpu.memory_space<vmem>>, %arg8: memref<79x128xi32, #tpu.memory_space<vmem>>, %arg9: memref<128x16xf32, #tpu.memory_space<vmem>>, %arg10: memref<128x16xf32, #tpu.memory_space<vmem>>, %arg11: memref<128x16xf32, #tpu.memory_space<vmem>>, %arg12: memref<128x16xf32, #tpu.memory_space<vmem>>, %arg13: memref<128x16xf32, #tpu.memory_space<vmem>>, %arg14: memref<128x16xf32, #tpu.memory_space<vmem>>, %arg15: memref<!tpu.dma_semaphore, #tpu.memory_space<semaphore_mem>>, %arg16: memref<!tpu.dma_semaphore, #tpu.memory_space<semaphore_mem>>, %arg17: memref<!tpu.dma_semaphore, #tpu.memory_space<semaphore_mem>>, %arg18: memref<!tpu.dma_semaphore, #tpu.memory_space<semaphore_mem>>, %arg19: memref<!tpu.dma_semaphore, #tpu.memory_space<semaphore_mem>>, %arg20: memref<!tpu.dma_semaphore, #tpu.memory_space<semaphore_mem>>, %arg21: memref<10240x16xf32, #tpu.memory_space<vmem_shared>>, %arg22: memref<10240x16xf32, #tpu.memory_space<vmem_shared>>) attributes {dimension_semantics = [#tpu.dimension_semantics<core_parallel>, #tpu.dimension_semantics<subcore_parallel>], iteration_bounds = array<i64: 2, 16>, scalar_prefetch = 0 : i64, scratch_operands = 16 : i64, tpu.core_type = #tpu.core_type<sc_vector_subcore>, window_params = [{transform_indices = #map}, {transform_indices = #map1}, {transform_indices = #map2}, {transform_indices = #map}, {transform_indices = #map2}]} {
    %mul3A = arith.constant 2 : i32
    %mul3A_0 = arith.muli %arg1, %mul3A : i32
    %add3A = arith.addi %mul3A_0, %arg0 : i32
    %mul3A_1 = arith.constant 640 : i32
    %mul3A_2 = arith.muli %arg1, %mul3A_1 : i32
    %mul3A_3 = arith.constant 640 : i32
    %mul3A_4 = arith.muli %arg1, %mul3A_3 : i32
    "tpu.region"() ({
      %run_scoped3A_115 = tpu.sem_alloc : memref<!tpu.dma_semaphore, #tpu.memory_space<semaphore_mem>>
      %dma_start3A_116 = arith.constant 0 : i32
      %dma_start3A_117 = tpu.memref_slice %arg22[%mul3A_4, %dma_start3A_116] : memref<10240x16xf32, #tpu.memory_space<vmem_shared>> -> memref<640x16xf32, #tpu.memory_space<vmem_shared>>
      %dma_start3A_118 = arith.constant 0 : i32
      %dma_start3A_119 = tpu.memref_slice %arg2[%mul3A_2, %dma_start3A_118] : memref<10240x16xf32, #tpu.memory_space<hbm>> -> memref<640x16xf32, #tpu.memory_space<hbm>>
      tpu.enqueue_dma source(%dma_start3A_119 : memref<640x16xf32, #tpu.memory_space<hbm>>) target(%dma_start3A_117 : memref<640x16xf32, #tpu.memory_space<vmem_shared>>) target_semaphore(%run_scoped3A_115 : memref<!tpu.dma_semaphore, #tpu.memory_space<semaphore_mem>>)
      %dma_wait3A_120 = arith.constant 0 : i32
      %dma_wait3A_121 = tpu.memref_slice %arg22[%mul3A_4, %dma_wait3A_120] : memref<10240x16xf32, #tpu.memory_space<vmem_shared>> -> memref<640x16xf32, #tpu.memory_space<vmem_shared>>
      %dma_wait3A_122 = arith.constant 0 : i32
      %dma_wait3A_123 = tpu.memref_slice %arg2[%mul3A_2, %dma_wait3A_122] : memref<10240x16xf32, #tpu.memory_space<hbm>> -> memref<640x16xf32, #tpu.memory_space<hbm>>
      tpu.wait_dma2 semaphore(%run_scoped3A_115 : memref<!tpu.dma_semaphore, #tpu.memory_space<semaphore_mem>>) src(%dma_wait3A_123 : memref<640x16xf32, #tpu.memory_space<hbm>>) dst(%dma_wait3A_121 : memref<640x16xf32, #tpu.memory_space<vmem_shared>>)
      tpu.yield
    }) : () -> ()
    %mul3A_5 = arith.constant 640 : i32
    %mul3A_6 = arith.muli %arg1, %mul3A_5 : i32
    %mul3A_7 = arith.constant 640 : i32
    %mul3A_8 = arith.muli %arg1, %mul3A_7 : i32
    "tpu.region"() ({
      %run_scoped3A_115 = tpu.sem_alloc : memref<!tpu.dma_semaphore, #tpu.memory_space<semaphore_mem>>
      %dma_start3A_116 = arith.constant 0 : i32
      %dma_start3A_117 = tpu.memref_slice %arg21[%mul3A_8, %dma_start3A_116] : memref<10240x16xf32, #tpu.memory_space<vmem_shared>> -> memref<640x16xf32, #tpu.memory_space<vmem_shared>>
      %dma_start3A_118 = arith.constant 0 : i32
      %dma_start3A_119 = tpu.memref_slice %arg5[%mul3A_6, %dma_start3A_118] : memref<10240x16xf32, #tpu.memory_space<hbm>> -> memref<640x16xf32, #tpu.memory_space<hbm>>
      tpu.enqueue_dma source(%dma_start3A_119 : memref<640x16xf32, #tpu.memory_space<hbm>>) target(%dma_start3A_117 : memref<640x16xf32, #tpu.memory_space<vmem_shared>>) target_semaphore(%run_scoped3A_115 : memref<!tpu.dma_semaphore, #tpu.memory_space<semaphore_mem>>)
      %dma_wait3A_120 = arith.constant 0 : i32
      %dma_wait3A_121 = tpu.memref_slice %arg21[%mul3A_8, %dma_wait3A_120] : memref<10240x16xf32, #tpu.memory_space<vmem_shared>> -> memref<640x16xf32, #tpu.memory_space<vmem_shared>>
      %dma_wait3A_122 = arith.constant 0 : i32
      %dma_wait3A_123 = tpu.memref_slice %arg5[%mul3A_6, %dma_wait3A_122] : memref<10240x16xf32, #tpu.memory_space<hbm>> -> memref<640x16xf32, #tpu.memory_space<hbm>>
      tpu.wait_dma2 semaphore(%run_scoped3A_115 : memref<!tpu.dma_semaphore, #tpu.memory_space<semaphore_mem>>) src(%dma_wait3A_123 : memref<640x16xf32, #tpu.memory_space<hbm>>) dst(%dma_wait3A_121 : memref<640x16xf32, #tpu.memory_space<vmem_shared>>)
      tpu.yield
    }) : () -> ()
    %mul3A_9 = arith.constant 10112 : i32
    %mul3A_10 = arith.muli %add3A, %mul3A_9 : i32
    "tpu.region"() ({
      %run_scoped3A_115 = tpu.sem_alloc : memref<!tpu.dma_semaphore, #tpu.memory_space<semaphore_mem>>
      %dma_start3A_116 = tpu.memref_slice %arg3[%mul3A_10] : memref<323584xi32, #tpu.memory_space<hbm>> -> memref<10112xi32, #tpu.memory_space<hbm>>
      %dma_start3A_117 = tpu.memref_slice %arg3[%mul3A_10] : memref<323584xi32, #tpu.memory_space<hbm>> -> memref<10112xi32, #tpu.memory_space<hbm>>
      tpu.enqueue_dma source(%dma_start3A_117 : memref<10112xi32, #tpu.memory_space<hbm>>) target(%arg7 : memref<10112xi32, #tpu.memory_space<vmem>>) target_semaphore(%run_scoped3A_115 : memref<!tpu.dma_semaphore, #tpu.memory_space<semaphore_mem>>)
      %dma_wait3A_118 = tpu.memref_slice %arg3[%mul3A_10] : memref<323584xi32, #tpu.memory_space<hbm>> -> memref<10112xi32, #tpu.memory_space<hbm>>
      %dma_wait3A_119 = tpu.memref_slice %arg3[%mul3A_10] : memref<323584xi32, #tpu.memory_space<hbm>> -> memref<10112xi32, #tpu.memory_space<hbm>>
      tpu.wait_dma2 semaphore(%run_scoped3A_115 : memref<!tpu.dma_semaphore, #tpu.memory_space<semaphore_mem>>) src(%dma_wait3A_119 : memref<10112xi32, #tpu.memory_space<hbm>>) dst(%arg7 : memref<10112xi32, #tpu.memory_space<vmem>>)
      tpu.yield
    }) : () -> ()
    "tpu.region"() ({
      %run_scoped3A_115 = tpu.sem_alloc : memref<!tpu.dma_semaphore, #tpu.memory_space<semaphore_mem>>
      %dma_start3A_116 = arith.constant 0 : i32
      %dma_start3A_117 = arith.constant 0 : i32
      %dma_start3A_118 = tpu.memref_slice %arg4[%add3A, %dma_start3A_116, %dma_start3A_117] : memref<32x79x128xi32, #tpu.memory_space<hbm>> -> memref<1x79x128xi32, #tpu.memory_space<hbm>>
      %dma_start3A_119 = tpu.memref_squeeze %dma_start3A_118 : memref<1x79x128xi32, #tpu.memory_space<hbm>> -> memref<79x128xi32, #tpu.memory_space<hbm>>
      %dma_start3A_120 = arith.constant 0 : i32
      %dma_start3A_121 = arith.constant 0 : i32
      %dma_start3A_122 = tpu.memref_slice %arg4[%add3A, %dma_start3A_120, %dma_start3A_121] : memref<32x79x128xi32, #tpu.memory_space<hbm>> -> memref<1x79x128xi32, #tpu.memory_space<hbm>>
      %dma_start3A_123 = tpu.memref_squeeze %dma_start3A_122 : memref<1x79x128xi32, #tpu.memory_space<hbm>> -> memref<79x128xi32, #tpu.memory_space<hbm>>
      tpu.enqueue_dma source(%dma_start3A_123 : memref<79x128xi32, #tpu.memory_space<hbm>>) target(%arg8 : memref<79x128xi32, #tpu.memory_space<vmem>>) target_semaphore(%run_scoped3A_115 : memref<!tpu.dma_semaphore, #tpu.memory_space<semaphore_mem>>)
      %dma_wait3A_124 = arith.constant 0 : i32
      %dma_wait3A_125 = arith.constant 0 : i32
      %dma_wait3A_126 = tpu.memref_slice %arg4[%add3A, %dma_wait3A_124, %dma_wait3A_125] : memref<32x79x128xi32, #tpu.memory_space<hbm>> -> memref<1x79x128xi32, #tpu.memory_space<hbm>>
      %dma_wait3A_127 = tpu.memref_squeeze %dma_wait3A_126 : memref<1x79x128xi32, #tpu.memory_space<hbm>> -> memref<79x128xi32, #tpu.memory_space<hbm>>
      %dma_wait3A_128 = arith.constant 0 : i32
      %dma_wait3A_129 = arith.constant 0 : i32
      %dma_wait3A_130 = tpu.memref_slice %arg4[%add3A, %dma_wait3A_128, %dma_wait3A_129] : memref<32x79x128xi32, #tpu.memory_space<hbm>> -> memref<1x79x128xi32, #tpu.memory_space<hbm>>
      %dma_wait3A_131 = tpu.memref_squeeze %dma_wait3A_130 : memref<1x79x128xi32, #tpu.memory_space<hbm>> -> memref<79x128xi32, #tpu.memory_space<hbm>>
      tpu.wait_dma2 semaphore(%run_scoped3A_115 : memref<!tpu.dma_semaphore, #tpu.memory_space<semaphore_mem>>) src(%dma_wait3A_131 : memref<79x128xi32, #tpu.memory_space<hbm>>) dst(%arg8 : memref<79x128xi32, #tpu.memory_space<vmem>>)
      tpu.yield
    }) : () -> ()
    %barrier3A = arith.constant 0 : index
    tpu.barrier barrier_id(%barrier3A)
    %dma_start3A = arith.constant 0 : i32
    %dma_start3A_11 = tpu.memref_slice %arg7[%dma_start3A] : memref<10112xi32, #tpu.memory_space<vmem>> -> memref<128xi32, #tpu.memory_space<vmem>>
    %dma_start3A_12 = arith.constant 0 : i32
    %dma_start3A_13 = arith.constant 0 : i32
    %dma_start3A_14 = tpu.memref_slice %arg22[%dma_start3A_12, %dma_start3A_13] : memref<10240x16xf32, #tpu.memory_space<vmem_shared>> -> memref<10240x16xf32, #tpu.memory_space<vmem_shared>>
    tpu.enqueue_indirect_dma source(%dma_start3A_14 : memref<10240x16xf32, #tpu.memory_space<vmem_shared>>) target(%arg9 : memref<128x16xf32, #tpu.memory_space<vmem>>) offsets(%dma_start3A_11 : memref<128xi32, #tpu.memory_space<vmem>>) semaphore(%arg15 : memref<!tpu.dma_semaphore, #tpu.memory_space<semaphore_mem>>)
    %dma_start3A_15 = arith.constant 128 : i32
    %dma_start3A_16 = tpu.memref_slice %arg7[%dma_start3A_15] : memref<10112xi32, #tpu.memory_space<vmem>> -> memref<128xi32, #tpu.memory_space<vmem>>
    %dma_start3A_17 = arith.constant 0 : i32
    %dma_start3A_18 = arith.constant 0 : i32
    %dma_start3A_19 = tpu.memref_slice %arg22[%dma_start3A_17, %dma_start3A_18] : memref<10240x16xf32, #tpu.memory_space<vmem_shared>> -> memref<10240x16xf32, #tpu.memory_space<vmem_shared>>
    tpu.enqueue_indirect_dma source(%dma_start3A_19 : memref<10240x16xf32, #tpu.memory_space<vmem_shared>>) target(%arg10 : memref<128x16xf32, #tpu.memory_space<vmem>>) offsets(%dma_start3A_16 : memref<128xi32, #tpu.memory_space<vmem>>) semaphore(%arg16 : memref<!tpu.dma_semaphore, #tpu.memory_space<semaphore_mem>>)
    %dma_start3A_20 = arith.constant 256 : i32
    %dma_start3A_21 = tpu.memref_slice %arg7[%dma_start3A_20] : memref<10112xi32, #tpu.memory_space<vmem>> -> memref<128xi32, #tpu.memory_space<vmem>>
    %dma_start3A_22 = arith.constant 0 : i32
    %dma_start3A_23 = arith.constant 0 : i32
    %dma_start3A_24 = tpu.memref_slice %arg22[%dma_start3A_22, %dma_start3A_23] : memref<10240x16xf32, #tpu.memory_space<vmem_shared>> -> memref<10240x16xf32, #tpu.memory_space<vmem_shared>>
    tpu.enqueue_indirect_dma source(%dma_start3A_24 : memref<10240x16xf32, #tpu.memory_space<vmem_shared>>) target(%arg11 : memref<128x16xf32, #tpu.memory_space<vmem>>) offsets(%dma_start3A_21 : memref<128xi32, #tpu.memory_space<vmem>>) semaphore(%arg17 : memref<!tpu.dma_semaphore, #tpu.memory_space<semaphore_mem>>)
    %dma_start3A_25 = arith.constant 384 : i32
    %dma_start3A_26 = tpu.memref_slice %arg7[%dma_start3A_25] : memref<10112xi32, #tpu.memory_space<vmem>> -> memref<128xi32, #tpu.memory_space<vmem>>
    %dma_start3A_27 = arith.constant 0 : i32
    %dma_start3A_28 = arith.constant 0 : i32
    %dma_start3A_29 = tpu.memref_slice %arg22[%dma_start3A_27, %dma_start3A_28] : memref<10240x16xf32, #tpu.memory_space<vmem_shared>> -> memref<10240x16xf32, #tpu.memory_space<vmem_shared>>
    tpu.enqueue_indirect_dma source(%dma_start3A_29 : memref<10240x16xf32, #tpu.memory_space<vmem_shared>>) target(%arg12 : memref<128x16xf32, #tpu.memory_space<vmem>>) offsets(%dma_start3A_26 : memref<128xi32, #tpu.memory_space<vmem>>) semaphore(%arg18 : memref<!tpu.dma_semaphore, #tpu.memory_space<semaphore_mem>>)
    %dma_start3A_30 = arith.constant 512 : i32
    %dma_start3A_31 = tpu.memref_slice %arg7[%dma_start3A_30] : memref<10112xi32, #tpu.memory_space<vmem>> -> memref<128xi32, #tpu.memory_space<vmem>>
    %dma_start3A_32 = arith.constant 0 : i32
    %dma_start3A_33 = arith.constant 0 : i32
    %dma_start3A_34 = tpu.memref_slice %arg22[%dma_start3A_32, %dma_start3A_33] : memref<10240x16xf32, #tpu.memory_space<vmem_shared>> -> memref<10240x16xf32, #tpu.memory_space<vmem_shared>>
    tpu.enqueue_indirect_dma source(%dma_start3A_34 : memref<10240x16xf32, #tpu.memory_space<vmem_shared>>) target(%arg13 : memref<128x16xf32, #tpu.memory_space<vmem>>) offsets(%dma_start3A_31 : memref<128xi32, #tpu.memory_space<vmem>>) semaphore(%arg19 : memref<!tpu.dma_semaphore, #tpu.memory_space<semaphore_mem>>)
    %dma_wait3A = arith.constant 0 : i32
    %dma_wait3A_35 = tpu.memref_slice %arg7[%dma_wait3A] : memref<10112xi32, #tpu.memory_space<vmem>> -> memref<128xi32, #tpu.memory_space<vmem>>
    %dma_wait3A_36 = arith.constant 0 : i32
    %dma_wait3A_37 = arith.constant 0 : i32
    %dma_wait3A_38 = tpu.memref_slice %arg22[%dma_wait3A_36, %dma_wait3A_37] : memref<10240x16xf32, #tpu.memory_space<vmem_shared>> -> memref<10240x16xf32, #tpu.memory_space<vmem_shared>>
    tpu.wait_indirect_dma semaphore(%arg15 : memref<!tpu.dma_semaphore, #tpu.memory_space<semaphore_mem>>) src(%dma_wait3A_38 : memref<10240x16xf32, #tpu.memory_space<vmem_shared>>) dst(%arg9 : memref<128x16xf32, #tpu.memory_space<vmem>>)
    %run_scoped3A = arith.constant 0 : i32
    "tpu.region"() ({
      %run_scoped3A_115 = tpu.sem_alloc : memref<!tpu.dma_semaphore, #tpu.memory_space<semaphore_mem>>
      %dma_start3A_116 = arith.constant 0 : i32
      %dma_start3A_117 = tpu.memref_slice %arg8[%run_scoped3A, %dma_start3A_116] : memref<79x128xi32, #tpu.memory_space<vmem>> -> memref<1x128xi32, #tpu.memory_space<vmem>>
      %dma_start3A_118 = tpu.memref_squeeze %dma_start3A_117 : memref<1x128xi32, #tpu.memory_space<vmem>> -> memref<128xi32, #tpu.memory_space<vmem>>
      %dma_start3A_119 = arith.constant 0 : i32
      %dma_start3A_120 = arith.constant 0 : i32
      %dma_start3A_121 = tpu.memref_slice %arg21[%dma_start3A_119, %dma_start3A_120] : memref<10240x16xf32, #tpu.memory_space<vmem_shared>> -> memref<10240x16xf32, #tpu.memory_space<vmem_shared>>
      tpu.enqueue_indirect_dma source(%arg9 : memref<128x16xf32, #tpu.memory_space<vmem>>) target(%dma_start3A_121 : memref<10240x16xf32, #tpu.memory_space<vmem_shared>>) offsets(%dma_start3A_118 : memref<128xi32, #tpu.memory_space<vmem>>) semaphore(%run_scoped3A_115 : memref<!tpu.dma_semaphore, #tpu.memory_space<semaphore_mem>>) {add = true}
      %dma_wait3A_122 = arith.constant 0 : i32
      %dma_wait3A_123 = tpu.memref_slice %arg8[%run_scoped3A, %dma_wait3A_122] : memref<79x128xi32, #tpu.memory_space<vmem>> -> memref<1x128xi32, #tpu.memory_space<vmem>>
      %dma_wait3A_124 = tpu.memref_squeeze %dma_wait3A_123 : memref<1x128xi32, #tpu.memory_space<vmem>> -> memref<128xi32, #tpu.memory_space<vmem>>
      %dma_wait3A_125 = arith.constant 0 : i32
      %dma_wait3A_126 = arith.constant 0 : i32
      %dma_wait3A_127 = tpu.memref_slice %arg21[%dma_wait3A_125, %dma_wait3A_126] : memref<10240x16xf32, #tpu.memory_space<vmem_shared>> -> memref<10240x16xf32, #tpu.memory_space<vmem_shared>>
      tpu.wait_indirect_dma semaphore(%run_scoped3A_115 : memref<!tpu.dma_semaphore, #tpu.memory_space<semaphore_mem>>) src(%arg9 : memref<128x16xf32, #tpu.memory_space<vmem>>) dst(%dma_wait3A_127 : memref<10240x16xf32, #tpu.memory_space<vmem_shared>>)
      tpu.yield
    }) : () -> ()
    %dma_start3A_39 = arith.constant 640 : i32
    %dma_start3A_40 = tpu.memref_slice %arg7[%dma_start3A_39] : memref<10112xi32, #tpu.memory_space<vmem>> -> memref<128xi32, #tpu.memory_space<vmem>>
    %dma_start3A_41 = arith.constant 0 : i32
    %dma_start3A_42 = arith.constant 0 : i32
    %dma_start3A_43 = tpu.memref_slice %arg22[%dma_start3A_41, %dma_start3A_42] : memref<10240x16xf32, #tpu.memory_space<vmem_shared>> -> memref<10240x16xf32, #tpu.memory_space<vmem_shared>>
    tpu.enqueue_indirect_dma source(%dma_start3A_43 : memref<10240x16xf32, #tpu.memory_space<vmem_shared>>) target(%arg14 : memref<128x16xf32, #tpu.memory_space<vmem>>) offsets(%dma_start3A_40 : memref<128xi32, #tpu.memory_space<vmem>>) semaphore(%arg20 : memref<!tpu.dma_semaphore, #tpu.memory_space<semaphore_mem>>)
    %dma_wait3A_44 = arith.constant 128 : i32
    %dma_wait3A_45 = tpu.memref_slice %arg7[%dma_wait3A_44] : memref<10112xi32, #tpu.memory_space<vmem>> -> memref<128xi32, #tpu.memory_space<vmem>>
    %dma_wait3A_46 = arith.constant 0 : i32
    %dma_wait3A_47 = arith.constant 0 : i32
    %dma_wait3A_48 = tpu.memref_slice %arg22[%dma_wait3A_46, %dma_wait3A_47] : memref<10240x16xf32, #tpu.memory_space<vmem_shared>> -> memref<10240x16xf32, #tpu.memory_space<vmem_shared>>
    tpu.wait_indirect_dma semaphore(%arg16 : memref<!tpu.dma_semaphore, #tpu.memory_space<semaphore_mem>>) src(%dma_wait3A_48 : memref<10240x16xf32, #tpu.memory_space<vmem_shared>>) dst(%arg10 : memref<128x16xf32, #tpu.memory_space<vmem>>)
    %run_scoped3A_49 = arith.constant 1 : i32
    "tpu.region"() ({
      %run_scoped3A_115 = tpu.sem_alloc : memref<!tpu.dma_semaphore, #tpu.memory_space<semaphore_mem>>
      %dma_start3A_116 = arith.constant 0 : i32
      %dma_start3A_117 = tpu.memref_slice %arg8[%run_scoped3A_49, %dma_start3A_116] : memref<79x128xi32, #tpu.memory_space<vmem>> -> memref<1x128xi32, #tpu.memory_space<vmem>>
      %dma_start3A_118 = tpu.memref_squeeze %dma_start3A_117 : memref<1x128xi32, #tpu.memory_space<vmem>> -> memref<128xi32, #tpu.memory_space<vmem>>
      %dma_start3A_119 = arith.constant 0 : i32
      %dma_start3A_120 = arith.constant 0 : i32
      %dma_start3A_121 = tpu.memref_slice %arg21[%dma_start3A_119, %dma_start3A_120] : memref<10240x16xf32, #tpu.memory_space<vmem_shared>> -> memref<10240x16xf32, #tpu.memory_space<vmem_shared>>
      tpu.enqueue_indirect_dma source(%arg10 : memref<128x16xf32, #tpu.memory_space<vmem>>) target(%dma_start3A_121 : memref<10240x16xf32, #tpu.memory_space<vmem_shared>>) offsets(%dma_start3A_118 : memref<128xi32, #tpu.memory_space<vmem>>) semaphore(%run_scoped3A_115 : memref<!tpu.dma_semaphore, #tpu.memory_space<semaphore_mem>>) {add = true}
      %dma_wait3A_122 = arith.constant 0 : i32
      %dma_wait3A_123 = tpu.memref_slice %arg8[%run_scoped3A_49, %dma_wait3A_122] : memref<79x128xi32, #tpu.memory_space<vmem>> -> memref<1x128xi32, #tpu.memory_space<vmem>>
      %dma_wait3A_124 = tpu.memref_squeeze %dma_wait3A_123 : memref<1x128xi32, #tpu.memory_space<vmem>> -> memref<128xi32, #tpu.memory_space<vmem>>
      %dma_wait3A_125 = arith.constant 0 : i32
      %dma_wait3A_126 = arith.constant 0 : i32
      %dma_wait3A_127 = tpu.memref_slice %arg21[%dma_wait3A_125, %dma_wait3A_126] : memref<10240x16xf32, #tpu.memory_space<vmem_shared>> -> memref<10240x16xf32, #tpu.memory_space<vmem_shared>>
      tpu.wait_indirect_dma semaphore(%run_scoped3A_115 : memref<!tpu.dma_semaphore, #tpu.memory_space<semaphore_mem>>) src(%arg10 : memref<128x16xf32, #tpu.memory_space<vmem>>) dst(%dma_wait3A_127 : memref<10240x16xf32, #tpu.memory_space<vmem_shared>>)
      tpu.yield
    }) : () -> ()
    %dma_start3A_50 = arith.constant 768 : i32
    %dma_start3A_51 = tpu.memref_slice %arg7[%dma_start3A_50] : memref<10112xi32, #tpu.memory_space<vmem>> -> memref<128xi32, #tpu.memory_space<vmem>>
    %dma_start3A_52 = arith.constant 0 : i32
    %dma_start3A_53 = arith.constant 0 : i32
    %dma_start3A_54 = tpu.memref_slice %arg22[%dma_start3A_52, %dma_start3A_53] : memref<10240x16xf32, #tpu.memory_space<vmem_shared>> -> memref<10240x16xf32, #tpu.memory_space<vmem_shared>>
    tpu.enqueue_indirect_dma source(%dma_start3A_54 : memref<10240x16xf32, #tpu.memory_space<vmem_shared>>) target(%arg9 : memref<128x16xf32, #tpu.memory_space<vmem>>) offsets(%dma_start3A_51 : memref<128xi32, #tpu.memory_space<vmem>>) semaphore(%arg15 : memref<!tpu.dma_semaphore, #tpu.memory_space<semaphore_mem>>)
    %dma_wait3A_55 = arith.constant 256 : i32
    %dma_wait3A_56 = tpu.memref_slice %arg7[%dma_wait3A_55] : memref<10112xi32, #tpu.memory_space<vmem>> -> memref<128xi32, #tpu.memory_space<vmem>>
    %dma_wait3A_57 = arith.constant 0 : i32
    %dma_wait3A_58 = arith.constant 0 : i32
    %dma_wait3A_59 = tpu.memref_slice %arg22[%dma_wait3A_57, %dma_wait3A_58] : memref<10240x16xf32, #tpu.memory_space<vmem_shared>> -> memref<10240x16xf32, #tpu.memory_space<vmem_shared>>
    tpu.wait_indirect_dma semaphore(%arg17 : memref<!tpu.dma_semaphore, #tpu.memory_space<semaphore_mem>>) src(%dma_wait3A_59 : memref<10240x16xf32, #tpu.memory_space<vmem_shared>>) dst(%arg11 : memref<128x16xf32, #tpu.memory_space<vmem>>)
    %run_scoped3A_60 = arith.constant 2 : i32
    "tpu.region"() ({
      %run_scoped3A_115 = tpu.sem_alloc : memref<!tpu.dma_semaphore, #tpu.memory_space<semaphore_mem>>
      %dma_start3A_116 = arith.constant 0 : i32
      %dma_start3A_117 = tpu.memref_slice %arg8[%run_scoped3A_60, %dma_start3A_116] : memref<79x128xi32, #tpu.memory_space<vmem>> -> memref<1x128xi32, #tpu.memory_space<vmem>>
      %dma_start3A_118 = tpu.memref_squeeze %dma_start3A_117 : memref<1x128xi32, #tpu.memory_space<vmem>> -> memref<128xi32, #tpu.memory_space<vmem>>
      %dma_start3A_119 = arith.constant 0 : i32
      %dma_start3A_120 = arith.constant 0 : i32
      %dma_start3A_121 = tpu.memref_slice %arg21[%dma_start3A_119, %dma_start3A_120] : memref<10240x16xf32, #tpu.memory_space<vmem_shared>> -> memref<10240x16xf32, #tpu.memory_space<vmem_shared>>
      tpu.enqueue_indirect_dma source(%arg11 : memref<128x16xf32, #tpu.memory_space<vmem>>) target(%dma_start3A_121 : memref<10240x16xf32, #tpu.memory_space<vmem_shared>>) offsets(%dma_start3A_118 : memref<128xi32, #tpu.memory_space<vmem>>) semaphore(%run_scoped3A_115 : memref<!tpu.dma_semaphore, #tpu.memory_space<semaphore_mem>>) {add = true}
      %dma_wait3A_122 = arith.constant 0 : i32
      %dma_wait3A_123 = tpu.memref_slice %arg8[%run_scoped3A_60, %dma_wait3A_122] : memref<79x128xi32, #tpu.memory_space<vmem>> -> memref<1x128xi32, #tpu.memory_space<vmem>>
      %dma_wait3A_124 = tpu.memref_squeeze %dma_wait3A_123 : memref<1x128xi32, #tpu.memory_space<vmem>> -> memref<128xi32, #tpu.memory_space<vmem>>
      %dma_wait3A_125 = arith.constant 0 : i32
      %dma_wait3A_126 = arith.constant 0 : i32
      %dma_wait3A_127 = tpu.memref_slice %arg21[%dma_wait3A_125, %dma_wait3A_126] : memref<10240x16xf32, #tpu.memory_space<vmem_shared>> -> memref<10240x16xf32, #tpu.memory_space<vmem_shared>>
      tpu.wait_indirect_dma semaphore(%run_scoped3A_115 : memref<!tpu.dma_semaphore, #tpu.memory_space<semaphore_mem>>) src(%arg11 : memref<128x16xf32, #tpu.memory_space<vmem>>) dst(%dma_wait3A_127 : memref<10240x16xf32, #tpu.memory_space<vmem_shared>>)
      tpu.yield
    }) : () -> ()
    %dma_start3A_61 = arith.constant 896 : i32
    %dma_start3A_62 = tpu.memref_slice %arg7[%dma_start3A_61] : memref<10112xi32, #tpu.memory_space<vmem>> -> memref<128xi32, #tpu.memory_space<vmem>>
    %dma_start3A_63 = arith.constant 0 : i32
    %dma_start3A_64 = arith.constant 0 : i32
    %dma_start3A_65 = tpu.memref_slice %arg22[%dma_start3A_63, %dma_start3A_64] : memref<10240x16xf32, #tpu.memory_space<vmem_shared>> -> memref<10240x16xf32, #tpu.memory_space<vmem_shared>>
    tpu.enqueue_indirect_dma source(%dma_start3A_65 : memref<10240x16xf32, #tpu.memory_space<vmem_shared>>) target(%arg10 : memref<128x16xf32, #tpu.memory_space<vmem>>) offsets(%dma_start3A_62 : memref<128xi32, #tpu.memory_space<vmem>>) semaphore(%arg16 : memref<!tpu.dma_semaphore, #tpu.memory_space<semaphore_mem>>)
    %dma_wait3A_66 = arith.constant 384 : i32
    %dma_wait3A_67 = tpu.memref_slice %arg7[%dma_wait3A_66] : memref<10112xi32, #tpu.memory_space<vmem>> -> memref<128xi32, #tpu.memory_space<vmem>>
    %dma_wait3A_68 = arith.constant 0 : i32
    %dma_wait3A_69 = arith.constant 0 : i32
    %dma_wait3A_70 = tpu.memref_slice %arg22[%dma_wait3A_68, %dma_wait3A_69] : memref<10240x16xf32, #tpu.memory_space<vmem_shared>> -> memref<10240x16xf32, #tpu.memory_space<vmem_shared>>
    tpu.wait_indirect_dma semaphore(%arg18 : memref<!tpu.dma_semaphore, #tpu.memory_space<semaphore_mem>>) src(%dma_wait3A_70 : memref<10240x16xf32, #tpu.memory_space<vmem_shared>>) dst(%arg12 : memref<128x16xf32, #tpu.memory_space<vmem>>)
    %run_scoped3A_71 = arith.constant 3 : i32
    "tpu.region"() ({
      %run_scoped3A_115 = tpu.sem_alloc : memref<!tpu.dma_semaphore, #tpu.memory_space<semaphore_mem>>
      %dma_start3A_116 = arith.constant 0 : i32
      %dma_start3A_117 = tpu.memref_slice %arg8[%run_scoped3A_71, %dma_start3A_116] : memref<79x128xi32, #tpu.memory_space<vmem>> -> memref<1x128xi32, #tpu.memory_space<vmem>>
      %dma_start3A_118 = tpu.memref_squeeze %dma_start3A_117 : memref<1x128xi32, #tpu.memory_space<vmem>> -> memref<128xi32, #tpu.memory_space<vmem>>
      %dma_start3A_119 = arith.constant 0 : i32
      %dma_start3A_120 = arith.constant 0 : i32
      %dma_start3A_121 = tpu.memref_slice %arg21[%dma_start3A_119, %dma_start3A_120] : memref<10240x16xf32, #tpu.memory_space<vmem_shared>> -> memref<10240x16xf32, #tpu.memory_space<vmem_shared>>
      tpu.enqueue_indirect_dma source(%arg12 : memref<128x16xf32, #tpu.memory_space<vmem>>) target(%dma_start3A_121 : memref<10240x16xf32, #tpu.memory_space<vmem_shared>>) offsets(%dma_start3A_118 : memref<128xi32, #tpu.memory_space<vmem>>) semaphore(%run_scoped3A_115 : memref<!tpu.dma_semaphore, #tpu.memory_space<semaphore_mem>>) {add = true}
      %dma_wait3A_122 = arith.constant 0 : i32
      %dma_wait3A_123 = tpu.memref_slice %arg8[%run_scoped3A_71, %dma_wait3A_122] : memref<79x128xi32, #tpu.memory_space<vmem>> -> memref<1x128xi32, #tpu.memory_space<vmem>>
      %dma_wait3A_124 = tpu.memref_squeeze %dma_wait3A_123 : memref<1x128xi32, #tpu.memory_space<vmem>> -> memref<128xi32, #tpu.memory_space<vmem>>
      %dma_wait3A_125 = arith.constant 0 : i32
      %dma_wait3A_126 = arith.constant 0 : i32
      %dma_wait3A_127 = tpu.memref_slice %arg21[%dma_wait3A_125, %dma_wait3A_126] : memref<10240x16xf32, #tpu.memory_space<vmem_shared>> -> memref<10240x16xf32, #tpu.memory_space<vmem_shared>>
      tpu.wait_indirect_dma semaphore(%run_scoped3A_115 : memref<!tpu.dma_semaphore, #tpu.memory_space<semaphore_mem>>) src(%arg12 : memref<128x16xf32, #tpu.memory_space<vmem>>) dst(%dma_wait3A_127 : memref<10240x16xf32, #tpu.memory_space<vmem_shared>>)
      tpu.yield
    }) : () -> ()
    %dma_start3A_72 = arith.constant 1024 : i32
    %dma_start3A_73 = tpu.memref_slice %arg7[%dma_start3A_72] : memref<10112xi32, #tpu.memory_space<vmem>> -> memref<128xi32, #tpu.memory_space<vmem>>
    %dma_start3A_74 = arith.constant 0 : i32
    %dma_start3A_75 = arith.constant 0 : i32
    %dma_start3A_76 = tpu.memref_slice %arg22[%dma_start3A_74, %dma_start3A_75] : memref<10240x16xf32, #tpu.memory_space<vmem_shared>> -> memref<10240x16xf32, #tpu.memory_space<vmem_shared>>
    tpu.enqueue_indirect_dma source(%dma_start3A_76 : memref<10240x16xf32, #tpu.memory_space<vmem_shared>>) target(%arg11 : memref<128x16xf32, #tpu.memory_space<vmem>>) offsets(%dma_start3A_73 : memref<128xi32, #tpu.memory_space<vmem>>) semaphore(%arg17 : memref<!tpu.dma_semaphore, #tpu.memory_space<semaphore_mem>>)
    %dma_wait3A_77 = arith.constant 512 : i32
    %dma_wait3A_78 = tpu.memref_slice %arg7[%dma_wait3A_77] : memref<10112xi32, #tpu.memory_space<vmem>> -> memref<128xi32, #tpu.memory_space<vmem>>
    %dma_wait3A_79 = arith.constant 0 : i32
    %dma_wait3A_80 = arith.constant 0 : i32
    %dma_wait3A_81 = tpu.memref_slice %arg22[%dma_wait3A_79, %dma_wait3A_80] : memref<10240x16xf32, #tpu.memory_space<vmem_shared>> -> memref<10240x16xf32, #tpu.memory_space<vmem_shared>>
    tpu.wait_indirect_dma semaphore(%arg19 : memref<!tpu.dma_semaphore, #tpu.memory_space<semaphore_mem>>) src(%dma_wait3A_81 : memref<10240x16xf32, #tpu.memory_space<vmem_shared>>) dst(%arg13 : memref<128x16xf32, #tpu.memory_space<vmem>>)
    %run_scoped3A_82 = arith.constant 4 : i32
    "tpu.region"() ({
      %run_scoped3A_115 = tpu.sem_alloc : memref<!tpu.dma_semaphore, #tpu.memory_space<semaphore_mem>>
      %dma_start3A_116 = arith.constant 0 : i32
      %dma_start3A_117 = tpu.memref_slice %arg8[%run_scoped3A_82, %dma_start3A_116] : memref<79x128xi32, #tpu.memory_space<vmem>> -> memref<1x128xi32, #tpu.memory_space<vmem>>
      %dma_start3A_118 = tpu.memref_squeeze %dma_start3A_117 : memref<1x128xi32, #tpu.memory_space<vmem>> -> memref<128xi32, #tpu.memory_space<vmem>>
      %dma_start3A_119 = arith.constant 0 : i32
      %dma_start3A_120 = arith.constant 0 : i32
      %dma_start3A_121 = tpu.memref_slice %arg21[%dma_start3A_119, %dma_start3A_120] : memref<10240x16xf32, #tpu.memory_space<vmem_shared>> -> memref<10240x16xf32, #tpu.memory_space<vmem_shared>>
      tpu.enqueue_indirect_dma source(%arg13 : memref<128x16xf32, #tpu.memory_space<vmem>>) target(%dma_start3A_121 : memref<10240x16xf32, #tpu.memory_space<vmem_shared>>) offsets(%dma_start3A_118 : memref<128xi32, #tpu.memory_space<vmem>>) semaphore(%run_scoped3A_115 : memref<!tpu.dma_semaphore, #tpu.memory_space<semaphore_mem>>) {add = true}
      %dma_wait3A_122 = arith.constant 0 : i32
      %dma_wait3A_123 = tpu.memref_slice %arg8[%run_scoped3A_82, %dma_wait3A_122] : memref<79x128xi32, #tpu.memory_space<vmem>> -> memref<1x128xi32, #tpu.memory_space<vmem>>
      %dma_wait3A_124 = tpu.memref_squeeze %dma_wait3A_123 : memref<1x128xi32, #tpu.memory_space<vmem>> -> memref<128xi32, #tpu.memory_space<vmem>>
      %dma_wait3A_125 = arith.constant 0 : i32
      %dma_wait3A_126 = arith.constant 0 : i32
      %dma_wait3A_127 = tpu.memref_slice %arg21[%dma_wait3A_125, %dma_wait3A_126] : memref<10240x16xf32, #tpu.memory_space<vmem_shared>> -> memref<10240x16xf32, #tpu.memory_space<vmem_shared>>
      tpu.wait_indirect_dma semaphore(%run_scoped3A_115 : memref<!tpu.dma_semaphore, #tpu.memory_space<semaphore_mem>>) src(%arg13 : memref<128x16xf32, #tpu.memory_space<vmem>>) dst(%dma_wait3A_127 : memref<10240x16xf32, #tpu.memory_space<vmem_shared>>)
      tpu.yield
    }) : () -> ()
    %dma_start3A_83 = arith.constant 1152 : i32
    %dma_start3A_84 = tpu.memref_slice %arg7[%dma_start3A_83] : memref<10112xi32, #tpu.memory_space<vmem>> -> memref<128xi32, #tpu.memory_space<vmem>>
    %dma_start3A_85 = arith.constant 0 : i32
    %dma_start3A_86 = arith.constant 0 : i32
    %dma_start3A_87 = tpu.memref_slice %arg22[%dma_start3A_85, %dma_start3A_86] : memref<10240x16xf32, #tpu.memory_space<vmem_shared>> -> memref<10240x16xf32, #tpu.memory_space<vmem_shared>>
    tpu.enqueue_indirect_dma source(%dma_start3A_87 : memref<10240x16xf32, #tpu.memory_space<vmem_shared>>) target(%arg12 : memref<128x16xf32, #tpu.memory_space<vmem>>) offsets(%dma_start3A_84 : memref<128xi32, #tpu.memory_space<vmem>>) semaphore(%arg18 : memref<!tpu.dma_semaphore, #tpu.memory_space<semaphore_mem>>)
    %dma_wait3A_88 = arith.constant 640 : i32
    %dma_wait3A_89 = tpu.memref_slice %arg7[%dma_wait3A_88] : memref<10112xi32, #tpu.memory_space<vmem>> -> memref<128xi32, #tpu.memory_space<vmem>>
    %dma_wait3A_90 = arith.constant 0 : i32
    %dma_wait3A_91 = arith.constant 0 : i32
    %dma_wait3A_92 = tpu.memref_slice %arg22[%dma_wait3A_90, %dma_wait3A_91] : memref<10240x16xf32, #tpu.memory_space<vmem_shared>> -> memref<10240x16xf32, #tpu.memory_space<vmem_shared>>
    tpu.wait_indirect_dma semaphore(%arg20 : memref<!tpu.dma_semaphore, #tpu.memory_space<semaphore_mem>>) src(%dma_wait3A_92 : memref<10240x16xf32, #tpu.memory_space<vmem_shared>>) dst(%arg14 : memref<128x16xf32, #tpu.memory_space<vmem>>)
    %run_scoped3A_93 = arith.constant 5 : i32
    "tpu.region"() ({
      %run_scoped3A_115 = tpu.sem_alloc : memref<!tpu.dma_semaphore, #tpu.memory_space<semaphore_mem>>
      %dma_start3A_116 = arith.constant 0 : i32
      %dma_start3A_117 = tpu.memref_slice %arg8[%run_scoped3A_93, %dma_start3A_116] : memref<79x128xi32, #tpu.memory_space<vmem>> -> memref<1x128xi32, #tpu.memory_space<vmem>>
      %dma_start3A_118 = tpu.memref_squeeze %dma_start3A_117 : memref<1x128xi32, #tpu.memory_space<vmem>> -> memref<128xi32, #tpu.memory_space<vmem>>
      %dma_start3A_119 = arith.constant 0 : i32
      %dma_start3A_120 = arith.constant 0 : i32
      %dma_start3A_121 = tpu.memref_slice %arg21[%dma_start3A_119, %dma_start3A_120] : memref<10240x16xf32, #tpu.memory_space<vmem_shared>> -> memref<10240x16xf32, #tpu.memory_space<vmem_shared>>
      tpu.enqueue_indirect_dma source(%arg14 : memref<128x16xf32, #tpu.memory_space<vmem>>) target(%dma_start3A_121 : memref<10240x16xf32, #tpu.memory_space<vmem_shared>>) offsets(%dma_start3A_118 : memref<128xi32, #tpu.memory_space<vmem>>) semaphore(%run_scoped3A_115 : memref<!tpu.dma_semaphore, #tpu.memory_space<semaphore_mem>>) {add = true}
      %dma_wait3A_122 = arith.constant 0 : i32
      %dma_wait3A_123 = tpu.memref_slice %arg8[%run_scoped3A_93, %dma_wait3A_122] : memref<79x128xi32, #tpu.memory_space<vmem>> -> memref<1x128xi32, #tpu.memory_space<vmem>>
      %dma_wait3A_124 = tpu.memref_squeeze %dma_wait3A_123 : memref<1x128xi32, #tpu.memory_space<vmem>> -> memref<128xi32, #tpu.memory_space<vmem>>
      %dma_wait3A_125 = arith.constant 0 : i32
      %dma_wait3A_126 = arith.constant 0 : i32
      %dma_wait3A_127 = tpu.memref_slice %arg21[%dma_wait3A_125, %dma_wait3A_126] : memref<10240x16xf32, #tpu.memory_space<vmem_shared>> -> memref<10240x16xf32, #tpu.memory_space<vmem_shared>>
      tpu.wait_indirect_dma semaphore(%run_scoped3A_115 : memref<!tpu.dma_semaphore, #tpu.memory_space<semaphore_mem>>) src(%arg14 : memref<128x16xf32, #tpu.memory_space<vmem>>) dst(%dma_wait3A_127 : memref<10240x16xf32, #tpu.memory_space<vmem_shared>>)
      tpu.yield
    }) : () -> ()
    %dma_start3A_94 = arith.constant 1280 : i32
    %dma_start3A_95 = tpu.memref_slice %arg7[%dma_start3A_94] : memref<10112xi32, #tpu.memory_space<vmem>> -> memref<128xi32, #tpu.memory_space<vmem>>
    %dma_start3A_96 = arith.constant 0 : i32
    %dma_start3A_97 = arith.constant 0 : i32
    %dma_start3A_98 = tpu.memref_slice %arg22[%dma_start3A_96, %dma_start3A_97] : memref<10240x16xf32, #tpu.memory_space<vmem_shared>> -> memref<10240x16xf32, #tpu.memory_space<vmem_shared>>
    tpu.enqueue_indirect_dma source(%dma_start3A_98 : memref<10240x16xf32, #tpu.memory_space<vmem_shared>>) target(%arg13 : memref<128x16xf32, #tpu.memory_space<vmem>>) offsets(%dma_start3A_95 : memref<128xi32, #tpu.memory_space<vmem>>) semaphore(%arg19 : memref<!tpu.dma_semaphore, #tpu.memory_space<semaphore_mem>>)
    %scan3A = arith.constant 0 : i32
    %scan3A_99 = arith.constant 1 : i32
    %scan3A_100 = arith.constant 12 : i32
    %scan3A_101 = arith.addi %scan3A_99, %scan3A_100 : i32
    %scan3A_102 = arith.constant 1 : i32
    scf.for %scan3A_115 = %scan3A_99 to %scan3A_101 step %scan3A_102  : i32 {
      %mul3A_116 = arith.constant 6 : i32
      %mul3A_117 = arith.muli %scan3A_115, %mul3A_116 : i32
      %add3A_118 = arith.constant 0 : i32
      %add3A_119 = arith.addi %mul3A_117, %add3A_118 : i32
      %mul3A_120 = arith.constant 128 : i32
      %mul3A_121 = arith.muli %add3A_119, %mul3A_120 : i32
      %dma_wait3A_122 = tpu.memref_slice %arg7[%mul3A_121] : memref<10112xi32, #tpu.memory_space<vmem>> -> memref<128xi32, #tpu.memory_space<vmem>>
      %dma_wait3A_123 = arith.constant 0 : i32
      %dma_wait3A_124 = arith.constant 0 : i32
      %dma_wait3A_125 = tpu.memref_slice %arg22[%dma_wait3A_123, %dma_wait3A_124] : memref<10240x16xf32, #tpu.memory_space<vmem_shared>> -> memref<10240x16xf32, #tpu.memory_space<vmem_shared>>
      tpu.wait_indirect_dma semaphore(%arg15 : memref<!tpu.dma_semaphore, #tpu.memory_space<semaphore_mem>>) src(%dma_wait3A_125 : memref<10240x16xf32, #tpu.memory_space<vmem_shared>>) dst(%arg9 : memref<128x16xf32, #tpu.memory_space<vmem>>)
      "tpu.region"() ({
        %run_scoped3A_205 = tpu.sem_alloc : memref<!tpu.dma_semaphore, #tpu.memory_space<semaphore_mem>>
        %dma_start3A_206 = arith.constant 0 : i32
        %dma_start3A_207 = tpu.memref_slice %arg8[%add3A_119, %dma_start3A_206] : memref<79x128xi32, #tpu.memory_space<vmem>> -> memref<1x128xi32, #tpu.memory_space<vmem>>
        %dma_start3A_208 = tpu.memref_squeeze %dma_start3A_207 : memref<1x128xi32, #tpu.memory_space<vmem>> -> memref<128xi32, #tpu.memory_space<vmem>>
        %dma_start3A_209 = arith.constant 0 : i32
        %dma_start3A_210 = arith.constant 0 : i32
        %dma_start3A_211 = tpu.memref_slice %arg21[%dma_start3A_209, %dma_start3A_210] : memref<10240x16xf32, #tpu.memory_space<vmem_shared>> -> memref<10240x16xf32, #tpu.memory_space<vmem_shared>>
        tpu.enqueue_indirect_dma source(%arg9 : memref<128x16xf32, #tpu.memory_space<vmem>>) target(%dma_start3A_211 : memref<10240x16xf32, #tpu.memory_space<vmem_shared>>) offsets(%dma_start3A_208 : memref<128xi32, #tpu.memory_space<vmem>>) semaphore(%run_scoped3A_205 : memref<!tpu.dma_semaphore, #tpu.memory_space<semaphore_mem>>) {add = true}
        %dma_wait3A_212 = arith.constant 0 : i32
        %dma_wait3A_213 = tpu.memref_slice %arg8[%add3A_119, %dma_wait3A_212] : memref<79x128xi32, #tpu.memory_space<vmem>> -> memref<1x128xi32, #tpu.memory_space<vmem>>
        %dma_wait3A_214 = tpu.memref_squeeze %dma_wait3A_213 : memref<1x128xi32, #tpu.memory_space<vmem>> -> memref<128xi32, #tpu.memory_space<vmem>>
        %dma_wait3A_215 = arith.constant 0 : i32
        %dma_wait3A_216 = arith.constant 0 : i32
        %dma_wait3A_217 = tpu.memref_slice %arg21[%dma_wait3A_215, %dma_wait3A_216] : memref<10240x16xf32, #tpu.memory_space<vmem_shared>> -> memref<10240x16xf32, #tpu.memory_space<vmem_shared>>
        tpu.wait_indirect_dma semaphore(%run_scoped3A_205 : memref<!tpu.dma_semaphore, #tpu.memory_space<semaphore_mem>>) src(%arg9 : memref<128x16xf32, #tpu.memory_space<vmem>>) dst(%dma_wait3A_217 : memref<10240x16xf32, #tpu.memory_space<vmem_shared>>)
        tpu.yield
      }) : () -> ()
      %add3A_126 = arith.constant 5 : i32
      %add3A_127 = arith.addi %add3A_119, %add3A_126 : i32
      %lt3A = arith.constant 79 : i32
      %lt3A_128 = arith.cmpi slt, %add3A_127, %lt3A : i32
      %convert_element_type3A = arith.extui %lt3A_128 : i1 to i32
      %cond3A = arith.constant 0 : i32
      %cond3A_129 = arith.cmpi ne, %convert_element_type3A, %cond3A : i32
      scf.if %cond3A_129 {
        %add3A_205 = arith.constant 5 : i32
        %add3A_206 = arith.addi %add3A_119, %add3A_205 : i32
        %mul3A_207 = arith.constant 128 : i32
        %mul3A_208 = arith.muli %add3A_206, %mul3A_207 : i32
        %dma_start3A_209 = tpu.memref_slice %arg7[%mul3A_208] : memref<10112xi32, #tpu.memory_space<vmem>> -> memref<128xi32, #tpu.memory_space<vmem>>
        %dma_start3A_210 = arith.constant 0 : i32
        %dma_start3A_211 = arith.constant 0 : i32
        %dma_start3A_212 = tpu.memref_slice %arg22[%dma_start3A_210, %dma_start3A_211] : memref<10240x16xf32, #tpu.memory_space<vmem_shared>> -> memref<10240x16xf32, #tpu.memory_space<vmem_shared>>
        tpu.enqueue_indirect_dma source(%dma_start3A_212 : memref<10240x16xf32, #tpu.memory_space<vmem_shared>>) target(%arg14 : memref<128x16xf32, #tpu.memory_space<vmem>>) offsets(%dma_start3A_209 : memref<128xi32, #tpu.memory_space<vmem>>) semaphore(%arg20 : memref<!tpu.dma_semaphore, #tpu.memory_space<semaphore_mem>>)
      } else {
      }
      %add3A_130 = arith.constant 1 : i32
      %add3A_131 = arith.addi %mul3A_117, %add3A_130 : i32
      %mul3A_132 = arith.constant 128 : i32
      %mul3A_133 = arith.muli %add3A_131, %mul3A_132 : i32
      %dma_wait3A_134 = tpu.memref_slice %arg7[%mul3A_133] : memref<10112xi32, #tpu.memory_space<vmem>> -> memref<128xi32, #tpu.memory_space<vmem>>
      %dma_wait3A_135 = arith.constant 0 : i32
      %dma_wait3A_136 = arith.constant 0 : i32
      %dma_wait3A_137 = tpu.memref_slice %arg22[%dma_wait3A_135, %dma_wait3A_136] : memref<10240x16xf32, #tpu.memory_space<vmem_shared>> -> memref<10240x16xf32, #tpu.memory_space<vmem_shared>>
      tpu.wait_indirect_dma semaphore(%arg16 : memref<!tpu.dma_semaphore, #tpu.memory_space<semaphore_mem>>) src(%dma_wait3A_137 : memref<10240x16xf32, #tpu.memory_space<vmem_shared>>) dst(%arg10 : memref<128x16xf32, #tpu.memory_space<vmem>>)
      "tpu.region"() ({
        %run_scoped3A_205 = tpu.sem_alloc : memref<!tpu.dma_semaphore, #tpu.memory_space<semaphore_mem>>
        %dma_start3A_206 = arith.constant 0 : i32
        %dma_start3A_207 = tpu.memref_slice %arg8[%add3A_131, %dma_start3A_206] : memref<79x128xi32, #tpu.memory_space<vmem>> -> memref<1x128xi32, #tpu.memory_space<vmem>>
        %dma_start3A_208 = tpu.memref_squeeze %dma_start3A_207 : memref<1x128xi32, #tpu.memory_space<vmem>> -> memref<128xi32, #tpu.memory_space<vmem>>
        %dma_start3A_209 = arith.constant 0 : i32
        %dma_start3A_210 = arith.constant 0 : i32
        %dma_start3A_211 = tpu.memref_slice %arg21[%dma_start3A_209, %dma_start3A_210] : memref<10240x16xf32, #tpu.memory_space<vmem_shared>> -> memref<10240x16xf32, #tpu.memory_space<vmem_shared>>
        tpu.enqueue_indirect_dma source(%arg10 : memref<128x16xf32, #tpu.memory_space<vmem>>) target(%dma_start3A_211 : memref<10240x16xf32, #tpu.memory_space<vmem_shared>>) offsets(%dma_start3A_208 : memref<128xi32, #tpu.memory_space<vmem>>) semaphore(%run_scoped3A_205 : memref<!tpu.dma_semaphore, #tpu.memory_space<semaphore_mem>>) {add = true}
        %dma_wait3A_212 = arith.constant 0 : i32
        %dma_wait3A_213 = tpu.memref_slice %arg8[%add3A_131, %dma_wait3A_212] : memref<79x128xi32, #tpu.memory_space<vmem>> -> memref<1x128xi32, #tpu.memory_space<vmem>>
        %dma_wait3A_214 = tpu.memref_squeeze %dma_wait3A_213 : memref<1x128xi32, #tpu.memory_space<vmem>> -> memref<128xi32, #tpu.memory_space<vmem>>
        %dma_wait3A_215 = arith.constant 0 : i32
        %dma_wait3A_216 = arith.constant 0 : i32
        %dma_wait3A_217 = tpu.memref_slice %arg21[%dma_wait3A_215, %dma_wait3A_216] : memref<10240x16xf32, #tpu.memory_space<vmem_shared>> -> memref<10240x16xf32, #tpu.memory_space<vmem_shared>>
        tpu.wait_indirect_dma semaphore(%run_scoped3A_205 : memref<!tpu.dma_semaphore, #tpu.memory_space<semaphore_mem>>) src(%arg10 : memref<128x16xf32, #tpu.memory_space<vmem>>) dst(%dma_wait3A_217 : memref<10240x16xf32, #tpu.memory_space<vmem_shared>>)
        tpu.yield
      }) : () -> ()
      %add3A_138 = arith.constant 5 : i32
      %add3A_139 = arith.addi %add3A_131, %add3A_138 : i32
      %lt3A_140 = arith.constant 79 : i32
      %lt3A_141 = arith.cmpi slt, %add3A_139, %lt3A_140 : i32
      %convert_element_type3A_142 = arith.extui %lt3A_141 : i1 to i32
      %cond3A_143 = arith.constant 0 : i32
      %cond3A_144 = arith.cmpi ne, %convert_element_type3A_142, %cond3A_143 : i32
      scf.if %cond3A_144 {
        %add3A_205 = arith.constant 5 : i32
        %add3A_206 = arith.addi %add3A_131, %add3A_205 : i32
        %mul3A_207 = arith.constant 128 : i32
        %mul3A_208 = arith.muli %add3A_206, %mul3A_207 : i32
        %dma_start3A_209 = tpu.memref_slice %arg7[%mul3A_208] : memref<10112xi32, #tpu.memory_space<vmem>> -> memref<128xi32, #tpu.memory_space<vmem>>
        %dma_start3A_210 = arith.constant 0 : i32
        %dma_start3A_211 = arith.constant 0 : i32
        %dma_start3A_212 = tpu.memref_slice %arg22[%dma_start3A_210, %dma_start3A_211] : memref<10240x16xf32, #tpu.memory_space<vmem_shared>> -> memref<10240x16xf32, #tpu.memory_space<vmem_shared>>
        tpu.enqueue_indirect_dma source(%dma_start3A_212 : memref<10240x16xf32, #tpu.memory_space<vmem_shared>>) target(%arg9 : memref<128x16xf32, #tpu.memory_space<vmem>>) offsets(%dma_start3A_209 : memref<128xi32, #tpu.memory_space<vmem>>) semaphore(%arg15 : memref<!tpu.dma_semaphore, #tpu.memory_space<semaphore_mem>>)
      } else {
      }
      %add3A_145 = arith.constant 2 : i32
      %add3A_146 = arith.addi %mul3A_117, %add3A_145 : i32
      %mul3A_147 = arith.constant 128 : i32
      %mul3A_148 = arith.muli %add3A_146, %mul3A_147 : i32
      %dma_wait3A_149 = tpu.memref_slice %arg7[%mul3A_148] : memref<10112xi32, #tpu.memory_space<vmem>> -> memref<128xi32, #tpu.memory_space<vmem>>
      %dma_wait3A_150 = arith.constant 0 : i32
      %dma_wait3A_151 = arith.constant 0 : i32
      %dma_wait3A_152 = tpu.memref_slice %arg22[%dma_wait3A_150, %dma_wait3A_151] : memref<10240x16xf32, #tpu.memory_space<vmem_shared>> -> memref<10240x16xf32, #tpu.memory_space<vmem_shared>>
      tpu.wait_indirect_dma semaphore(%arg17 : memref<!tpu.dma_semaphore, #tpu.memory_space<semaphore_mem>>) src(%dma_wait3A_152 : memref<10240x16xf32, #tpu.memory_space<vmem_shared>>) dst(%arg11 : memref<128x16xf32, #tpu.memory_space<vmem>>)
      "tpu.region"() ({
        %run_scoped3A_205 = tpu.sem_alloc : memref<!tpu.dma_semaphore, #tpu.memory_space<semaphore_mem>>
        %dma_start3A_206 = arith.constant 0 : i32
        %dma_start3A_207 = tpu.memref_slice %arg8[%add3A_146, %dma_start3A_206] : memref<79x128xi32, #tpu.memory_space<vmem>> -> memref<1x128xi32, #tpu.memory_space<vmem>>
        %dma_start3A_208 = tpu.memref_squeeze %dma_start3A_207 : memref<1x128xi32, #tpu.memory_space<vmem>> -> memref<128xi32, #tpu.memory_space<vmem>>
        %dma_start3A_209 = arith.constant 0 : i32
        %dma_start3A_210 = arith.constant 0 : i32
        %dma_start3A_211 = tpu.memref_slice %arg21[%dma_start3A_209, %dma_start3A_210] : memref<10240x16xf32, #tpu.memory_space<vmem_shared>> -> memref<10240x16xf32, #tpu.memory_space<vmem_shared>>
        tpu.enqueue_indirect_dma source(%arg11 : memref<128x16xf32, #tpu.memory_space<vmem>>) target(%dma_start3A_211 : memref<10240x16xf32, #tpu.memory_space<vmem_shared>>) offsets(%dma_start3A_208 : memref<128xi32, #tpu.memory_space<vmem>>) semaphore(%run_scoped3A_205 : memref<!tpu.dma_semaphore, #tpu.memory_space<semaphore_mem>>) {add = true}
        %dma_wait3A_212 = arith.constant 0 : i32
        %dma_wait3A_213 = tpu.memref_slice %arg8[%add3A_146, %dma_wait3A_212] : memref<79x128xi32, #tpu.memory_space<vmem>> -> memref<1x128xi32, #tpu.memory_space<vmem>>
        %dma_wait3A_214 = tpu.memref_squeeze %dma_wait3A_213 : memref<1x128xi32, #tpu.memory_space<vmem>> -> memref<128xi32, #tpu.memory_space<vmem>>
        %dma_wait3A_215 = arith.constant 0 : i32
        %dma_wait3A_216 = arith.constant 0 : i32
        %dma_wait3A_217 = tpu.memref_slice %arg21[%dma_wait3A_215, %dma_wait3A_216] : memref<10240x16xf32, #tpu.memory_space<vmem_shared>> -> memref<10240x16xf32, #tpu.memory_space<vmem_shared>>
        tpu.wait_indirect_dma semaphore(%run_scoped3A_205 : memref<!tpu.dma_semaphore, #tpu.memory_space<semaphore_mem>>) src(%arg11 : memref<128x16xf32, #tpu.memory_space<vmem>>) dst(%dma_wait3A_217 : memref<10240x16xf32, #tpu.memory_space<vmem_shared>>)
        tpu.yield
      }) : () -> ()
      %add3A_153 = arith.constant 5 : i32
      %add3A_154 = arith.addi %add3A_146, %add3A_153 : i32
      %lt3A_155 = arith.constant 79 : i32
      %lt3A_156 = arith.cmpi slt, %add3A_154, %lt3A_155 : i32
      %convert_element_type3A_157 = arith.extui %lt3A_156 : i1 to i32
      %cond3A_158 = arith.constant 0 : i32
      %cond3A_159 = arith.cmpi ne, %convert_element_type3A_157, %cond3A_158 : i32
      scf.if %cond3A_159 {
        %add3A_205 = arith.constant 5 : i32
        %add3A_206 = arith.addi %add3A_146, %add3A_205 : i32
        %mul3A_207 = arith.constant 128 : i32
        %mul3A_208 = arith.muli %add3A_206, %mul3A_207 : i32
        %dma_start3A_209 = tpu.memref_slice %arg7[%mul3A_208] : memref<10112xi32, #tpu.memory_space<vmem>> -> memref<128xi32, #tpu.memory_space<vmem>>
        %dma_start3A_210 = arith.constant 0 : i32
        %dma_start3A_211 = arith.constant 0 : i32
        %dma_start3A_212 = tpu.memref_slice %arg22[%dma_start3A_210, %dma_start3A_211] : memref<10240x16xf32, #tpu.memory_space<vmem_shared>> -> memref<10240x16xf32, #tpu.memory_space<vmem_shared>>
        tpu.enqueue_indirect_dma source(%dma_start3A_212 : memref<10240x16xf32, #tpu.memory_space<vmem_shared>>) target(%arg10 : memref<128x16xf32, #tpu.memory_space<vmem>>) offsets(%dma_start3A_209 : memref<128xi32, #tpu.memory_space<vmem>>) semaphore(%arg16 : memref<!tpu.dma_semaphore, #tpu.memory_space<semaphore_mem>>)
      } else {
      }
      %add3A_160 = arith.constant 3 : i32
      %add3A_161 = arith.addi %mul3A_117, %add3A_160 : i32
      %mul3A_162 = arith.constant 128 : i32
      %mul3A_163 = arith.muli %add3A_161, %mul3A_162 : i32
      %dma_wait3A_164 = tpu.memref_slice %arg7[%mul3A_163] : memref<10112xi32, #tpu.memory_space<vmem>> -> memref<128xi32, #tpu.memory_space<vmem>>
      %dma_wait3A_165 = arith.constant 0 : i32
      %dma_wait3A_166 = arith.constant 0 : i32
      %dma_wait3A_167 = tpu.memref_slice %arg22[%dma_wait3A_165, %dma_wait3A_166] : memref<10240x16xf32, #tpu.memory_space<vmem_shared>> -> memref<10240x16xf32, #tpu.memory_space<vmem_shared>>
      tpu.wait_indirect_dma semaphore(%arg18 : memref<!tpu.dma_semaphore, #tpu.memory_space<semaphore_mem>>) src(%dma_wait3A_167 : memref<10240x16xf32, #tpu.memory_space<vmem_shared>>) dst(%arg12 : memref<128x16xf32, #tpu.memory_space<vmem>>)
      "tpu.region"() ({
        %run_scoped3A_205 = tpu.sem_alloc : memref<!tpu.dma_semaphore, #tpu.memory_space<semaphore_mem>>
        %dma_start3A_206 = arith.constant 0 : i32
        %dma_start3A_207 = tpu.memref_slice %arg8[%add3A_161, %dma_start3A_206] : memref<79x128xi32, #tpu.memory_space<vmem>> -> memref<1x128xi32, #tpu.memory_space<vmem>>
        %dma_start3A_208 = tpu.memref_squeeze %dma_start3A_207 : memref<1x128xi32, #tpu.memory_space<vmem>> -> memref<128xi32, #tpu.memory_space<vmem>>
        %dma_start3A_209 = arith.constant 0 : i32
        %dma_start3A_210 = arith.constant 0 : i32
        %dma_start3A_211 = tpu.memref_slice %arg21[%dma_start3A_209, %dma_start3A_210] : memref<10240x16xf32, #tpu.memory_space<vmem_shared>> -> memref<10240x16xf32, #tpu.memory_space<vmem_shared>>
        tpu.enqueue_indirect_dma source(%arg12 : memref<128x16xf32, #tpu.memory_space<vmem>>) target(%dma_start3A_211 : memref<10240x16xf32, #tpu.memory_space<vmem_shared>>) offsets(%dma_start3A_208 : memref<128xi32, #tpu.memory_space<vmem>>) semaphore(%run_scoped3A_205 : memref<!tpu.dma_semaphore, #tpu.memory_space<semaphore_mem>>) {add = true}
        %dma_wait3A_212 = arith.constant 0 : i32
        %dma_wait3A_213 = tpu.memref_slice %arg8[%add3A_161, %dma_wait3A_212] : memref<79x128xi32, #tpu.memory_space<vmem>> -> memref<1x128xi32, #tpu.memory_space<vmem>>
        %dma_wait3A_214 = tpu.memref_squeeze %dma_wait3A_213 : memref<1x128xi32, #tpu.memory_space<vmem>> -> memref<128xi32, #tpu.memory_space<vmem>>
        %dma_wait3A_215 = arith.constant 0 : i32
        %dma_wait3A_216 = arith.constant 0 : i32
        %dma_wait3A_217 = tpu.memref_slice %arg21[%dma_wait3A_215, %dma_wait3A_216] : memref<10240x16xf32, #tpu.memory_space<vmem_shared>> -> memref<10240x16xf32, #tpu.memory_space<vmem_shared>>
        tpu.wait_indirect_dma semaphore(%run_scoped3A_205 : memref<!tpu.dma_semaphore, #tpu.memory_space<semaphore_mem>>) src(%arg12 : memref<128x16xf32, #tpu.memory_space<vmem>>) dst(%dma_wait3A_217 : memref<10240x16xf32, #tpu.memory_space<vmem_shared>>)
        tpu.yield
      }) : () -> ()
      %add3A_168 = arith.constant 5 : i32
      %add3A_169 = arith.addi %add3A_161, %add3A_168 : i32
      %lt3A_170 = arith.constant 79 : i32
      %lt3A_171 = arith.cmpi slt, %add3A_169, %lt3A_170 : i32
      %convert_element_type3A_172 = arith.extui %lt3A_171 : i1 to i32
      %cond3A_173 = arith.constant 0 : i32
      %cond3A_174 = arith.cmpi ne, %convert_element_type3A_172, %cond3A_173 : i32
      scf.if %cond3A_174 {
        %add3A_205 = arith.constant 5 : i32
        %add3A_206 = arith.addi %add3A_161, %add3A_205 : i32
        %mul3A_207 = arith.constant 128 : i32
        %mul3A_208 = arith.muli %add3A_206, %mul3A_207 : i32
        %dma_start3A_209 = tpu.memref_slice %arg7[%mul3A_208] : memref<10112xi32, #tpu.memory_space<vmem>> -> memref<128xi32, #tpu.memory_space<vmem>>
        %dma_start3A_210 = arith.constant 0 : i32
        %dma_start3A_211 = arith.constant 0 : i32
        %dma_start3A_212 = tpu.memref_slice %arg22[%dma_start3A_210, %dma_start3A_211] : memref<10240x16xf32, #tpu.memory_space<vmem_shared>> -> memref<10240x16xf32, #tpu.memory_space<vmem_shared>>
        tpu.enqueue_indirect_dma source(%dma_start3A_212 : memref<10240x16xf32, #tpu.memory_space<vmem_shared>>) target(%arg11 : memref<128x16xf32, #tpu.memory_space<vmem>>) offsets(%dma_start3A_209 : memref<128xi32, #tpu.memory_space<vmem>>) semaphore(%arg17 : memref<!tpu.dma_semaphore, #tpu.memory_space<semaphore_mem>>)
      } else {
      }
      %add3A_175 = arith.constant 4 : i32
      %add3A_176 = arith.addi %mul3A_117, %add3A_175 : i32
      %mul3A_177 = arith.constant 128 : i32
      %mul3A_178 = arith.muli %add3A_176, %mul3A_177 : i32
      %dma_wait3A_179 = tpu.memref_slice %arg7[%mul3A_178] : memref<10112xi32, #tpu.memory_space<vmem>> -> memref<128xi32, #tpu.memory_space<vmem>>
      %dma_wait3A_180 = arith.constant 0 : i32
      %dma_wait3A_181 = arith.constant 0 : i32
      %dma_wait3A_182 = tpu.memref_slice %arg22[%dma_wait3A_180, %dma_wait3A_181] : memref<10240x16xf32, #tpu.memory_space<vmem_shared>> -> memref<10240x16xf32, #tpu.memory_space<vmem_shared>>
      tpu.wait_indirect_dma semaphore(%arg19 : memref<!tpu.dma_semaphore, #tpu.memory_space<semaphore_mem>>) src(%dma_wait3A_182 : memref<10240x16xf32, #tpu.memory_space<vmem_shared>>) dst(%arg13 : memref<128x16xf32, #tpu.memory_space<vmem>>)
      "tpu.region"() ({
        %run_scoped3A_205 = tpu.sem_alloc : memref<!tpu.dma_semaphore, #tpu.memory_space<semaphore_mem>>
        %dma_start3A_206 = arith.constant 0 : i32
        %dma_start3A_207 = tpu.memref_slice %arg8[%add3A_176, %dma_start3A_206] : memref<79x128xi32, #tpu.memory_space<vmem>> -> memref<1x128xi32, #tpu.memory_space<vmem>>
        %dma_start3A_208 = tpu.memref_squeeze %dma_start3A_207 : memref<1x128xi32, #tpu.memory_space<vmem>> -> memref<128xi32, #tpu.memory_space<vmem>>
        %dma_start3A_209 = arith.constant 0 : i32
        %dma_start3A_210 = arith.constant 0 : i32
        %dma_start3A_211 = tpu.memref_slice %arg21[%dma_start3A_209, %dma_start3A_210] : memref<10240x16xf32, #tpu.memory_space<vmem_shared>> -> memref<10240x16xf32, #tpu.memory_space<vmem_shared>>
        tpu.enqueue_indirect_dma source(%arg13 : memref<128x16xf32, #tpu.memory_space<vmem>>) target(%dma_start3A_211 : memref<10240x16xf32, #tpu.memory_space<vmem_shared>>) offsets(%dma_start3A_208 : memref<128xi32, #tpu.memory_space<vmem>>) semaphore(%run_scoped3A_205 : memref<!tpu.dma_semaphore, #tpu.memory_space<semaphore_mem>>) {add = true}
        %dma_wait3A_212 = arith.constant 0 : i32
        %dma_wait3A_213 = tpu.memref_slice %arg8[%add3A_176, %dma_wait3A_212] : memref<79x128xi32, #tpu.memory_space<vmem>> -> memref<1x128xi32, #tpu.memory_space<vmem>>
        %dma_wait3A_214 = tpu.memref_squeeze %dma_wait3A_213 : memref<1x128xi32, #tpu.memory_space<vmem>> -> memref<128xi32, #tpu.memory_space<vmem>>
        %dma_wait3A_215 = arith.constant 0 : i32
        %dma_wait3A_216 = arith.constant 0 : i32
        %dma_wait3A_217 = tpu.memref_slice %arg21[%dma_wait3A_215, %dma_wait3A_216] : memref<10240x16xf32, #tpu.memory_space<vmem_shared>> -> memref<10240x16xf32, #tpu.memory_space<vmem_shared>>
        tpu.wait_indirect_dma semaphore(%run_scoped3A_205 : memref<!tpu.dma_semaphore, #tpu.memory_space<semaphore_mem>>) src(%arg13 : memref<128x16xf32, #tpu.memory_space<vmem>>) dst(%dma_wait3A_217 : memref<10240x16xf32, #tpu.memory_space<vmem_shared>>)
        tpu.yield
      }) : () -> ()
      %add3A_183 = arith.constant 5 : i32
      %add3A_184 = arith.addi %add3A_176, %add3A_183 : i32
      %lt3A_185 = arith.constant 79 : i32
      %lt3A_186 = arith.cmpi slt, %add3A_184, %lt3A_185 : i32
      %convert_element_type3A_187 = arith.extui %lt3A_186 : i1 to i32
      %cond3A_188 = arith.constant 0 : i32
      %cond3A_189 = arith.cmpi ne, %convert_element_type3A_187, %cond3A_188 : i32
      scf.if %cond3A_189 {
        %add3A_205 = arith.constant 5 : i32
        %add3A_206 = arith.addi %add3A_176, %add3A_205 : i32
        %mul3A_207 = arith.constant 128 : i32
        %mul3A_208 = arith.muli %add3A_206, %mul3A_207 : i32
        %dma_start3A_209 = tpu.memref_slice %arg7[%mul3A_208] : memref<10112xi32, #tpu.memory_space<vmem>> -> memref<128xi32, #tpu.memory_space<vmem>>
        %dma_start3A_210 = arith.constant 0 : i32
        %dma_start3A_211 = arith.constant 0 : i32
        %dma_start3A_212 = tpu.memref_slice %arg22[%dma_start3A_210, %dma_start3A_211] : memref<10240x16xf32, #tpu.memory_space<vmem_shared>> -> memref<10240x16xf32, #tpu.memory_space<vmem_shared>>
        tpu.enqueue_indirect_dma source(%dma_start3A_212 : memref<10240x16xf32, #tpu.memory_space<vmem_shared>>) target(%arg12 : memref<128x16xf32, #tpu.memory_space<vmem>>) offsets(%dma_start3A_209 : memref<128xi32, #tpu.memory_space<vmem>>) semaphore(%arg18 : memref<!tpu.dma_semaphore, #tpu.memory_space<semaphore_mem>>)
      } else {
      }
      %add3A_190 = arith.constant 5 : i32
      %add3A_191 = arith.addi %mul3A_117, %add3A_190 : i32
      %mul3A_192 = arith.constant 128 : i32
      %mul3A_193 = arith.muli %add3A_191, %mul3A_192 : i32
      %dma_wait3A_194 = tpu.memref_slice %arg7[%mul3A_193] : memref<10112xi32, #tpu.memory_space<vmem>> -> memref<128xi32, #tpu.memory_space<vmem>>
      %dma_wait3A_195 = arith.constant 0 : i32
      %dma_wait3A_196 = arith.constant 0 : i32
      %dma_wait3A_197 = tpu.memref_slice %arg22[%dma_wait3A_195, %dma_wait3A_196] : memref<10240x16xf32, #tpu.memory_space<vmem_shared>> -> memref<10240x16xf32, #tpu.memory_space<vmem_shared>>
      tpu.wait_indirect_dma semaphore(%arg20 : memref<!tpu.dma_semaphore, #tpu.memory_space<semaphore_mem>>) src(%dma_wait3A_197 : memref<10240x16xf32, #tpu.memory_space<vmem_shared>>) dst(%arg14 : memref<128x16xf32, #tpu.memory_space<vmem>>)
      "tpu.region"() ({
        %run_scoped3A_205 = tpu.sem_alloc : memref<!tpu.dma_semaphore, #tpu.memory_space<semaphore_mem>>
        %dma_start3A_206 = arith.constant 0 : i32
        %dma_start3A_207 = tpu.memref_slice %arg8[%add3A_191, %dma_start3A_206] : memref<79x128xi32, #tpu.memory_space<vmem>> -> memref<1x128xi32, #tpu.memory_space<vmem>>
        %dma_start3A_208 = tpu.memref_squeeze %dma_start3A_207 : memref<1x128xi32, #tpu.memory_space<vmem>> -> memref<128xi32, #tpu.memory_space<vmem>>
        %dma_start3A_209 = arith.constant 0 : i32
        %dma_start3A_210 = arith.constant 0 : i32
        %dma_start3A_211 = tpu.memref_slice %arg21[%dma_start3A_209, %dma_start3A_210] : memref<10240x16xf32, #tpu.memory_space<vmem_shared>> -> memref<10240x16xf32, #tpu.memory_space<vmem_shared>>
        tpu.enqueue_indirect_dma source(%arg14 : memref<128x16xf32, #tpu.memory_space<vmem>>) target(%dma_start3A_211 : memref<10240x16xf32, #tpu.memory_space<vmem_shared>>) offsets(%dma_start3A_208 : memref<128xi32, #tpu.memory_space<vmem>>) semaphore(%run_scoped3A_205 : memref<!tpu.dma_semaphore, #tpu.memory_space<semaphore_mem>>) {add = true}
        %dma_wait3A_212 = arith.constant 0 : i32
        %dma_wait3A_213 = tpu.memref_slice %arg8[%add3A_191, %dma_wait3A_212] : memref<79x128xi32, #tpu.memory_space<vmem>> -> memref<1x128xi32, #tpu.memory_space<vmem>>
        %dma_wait3A_214 = tpu.memref_squeeze %dma_wait3A_213 : memref<1x128xi32, #tpu.memory_space<vmem>> -> memref<128xi32, #tpu.memory_space<vmem>>
        %dma_wait3A_215 = arith.constant 0 : i32
        %dma_wait3A_216 = arith.constant 0 : i32
        %dma_wait3A_217 = tpu.memref_slice %arg21[%dma_wait3A_215, %dma_wait3A_216] : memref<10240x16xf32, #tpu.memory_space<vmem_shared>> -> memref<10240x16xf32, #tpu.memory_space<vmem_shared>>
        tpu.wait_indirect_dma semaphore(%run_scoped3A_205 : memref<!tpu.dma_semaphore, #tpu.memory_space<semaphore_mem>>) src(%arg14 : memref<128x16xf32, #tpu.memory_space<vmem>>) dst(%dma_wait3A_217 : memref<10240x16xf32, #tpu.memory_space<vmem_shared>>)
        tpu.yield
      }) : () -> ()
      %add3A_198 = arith.constant 5 : i32
      %add3A_199 = arith.addi %add3A_191, %add3A_198 : i32
      %lt3A_200 = arith.constant 79 : i32
      %lt3A_201 = arith.cmpi slt, %add3A_199, %lt3A_200 : i32
      %convert_element_type3A_202 = arith.extui %lt3A_201 : i1 to i32
      %cond3A_203 = arith.constant 0 : i32
      %cond3A_204 = arith.cmpi ne, %convert_element_type3A_202, %cond3A_203 : i32
      scf.if %cond3A_204 {
        %add3A_205 = arith.constant 5 : i32
        %add3A_206 = arith.addi %add3A_191, %add3A_205 : i32
        %mul3A_207 = arith.constant 128 : i32
        %mul3A_208 = arith.muli %add3A_206, %mul3A_207 : i32
        %dma_start3A_209 = tpu.memref_slice %arg7[%mul3A_208] : memref<10112xi32, #tpu.memory_space<vmem>> -> memref<128xi32, #tpu.memory_space<vmem>>
        %dma_start3A_210 = arith.constant 0 : i32
        %dma_start3A_211 = arith.constant 0 : i32
        %dma_start3A_212 = tpu.memref_slice %arg22[%dma_start3A_210, %dma_start3A_211] : memref<10240x16xf32, #tpu.memory_space<vmem_shared>> -> memref<10240x16xf32, #tpu.memory_space<vmem_shared>>
        tpu.enqueue_indirect_dma source(%dma_start3A_212 : memref<10240x16xf32, #tpu.memory_space<vmem_shared>>) target(%arg13 : memref<128x16xf32, #tpu.memory_space<vmem>>) offsets(%dma_start3A_209 : memref<128xi32, #tpu.memory_space<vmem>>) semaphore(%arg19 : memref<!tpu.dma_semaphore, #tpu.memory_space<semaphore_mem>>)
      } else {
      }
    }
    %scan3A_103 = arith.constant 12 : i32
    %dma_wait3A_104 = arith.constant 9984 : i32
    %dma_wait3A_105 = tpu.memref_slice %arg7[%dma_wait3A_104] : memref<10112xi32, #tpu.memory_space<vmem>> -> memref<128xi32, #tpu.memory_space<vmem>>
    %dma_wait3A_106 = arith.constant 0 : i32
    %dma_wait3A_107 = arith.constant 0 : i32
    %dma_wait3A_108 = tpu.memref_slice %arg22[%dma_wait3A_106, %dma_wait3A_107] : memref<10240x16xf32, #tpu.memory_space<vmem_shared>> -> memref<10240x16xf32, #tpu.memory_space<vmem_shared>>
    tpu.wait_indirect_dma semaphore(%arg15 : memref<!tpu.dma_semaphore, #tpu.memory_space<semaphore_mem>>) src(%dma_wait3A_108 : memref<10240x16xf32, #tpu.memory_space<vmem_shared>>) dst(%arg9 : memref<128x16xf32, #tpu.memory_space<vmem>>)
    %run_scoped3A_109 = arith.constant 78 : i32
    "tpu.region"() ({
      %run_scoped3A_115 = tpu.sem_alloc : memref<!tpu.dma_semaphore, #tpu.memory_space<semaphore_mem>>
      %dma_start3A_116 = arith.constant 0 : i32
      %dma_start3A_117 = tpu.memref_slice %arg8[%run_scoped3A_109, %dma_start3A_116] : memref<79x128xi32, #tpu.memory_space<vmem>> -> memref<1x128xi32, #tpu.memory_space<vmem>>
      %dma_start3A_118 = tpu.memref_squeeze %dma_start3A_117 : memref<1x128xi32, #tpu.memory_space<vmem>> -> memref<128xi32, #tpu.memory_space<vmem>>
      %dma_start3A_119 = arith.constant 0 : i32
      %dma_start3A_120 = arith.constant 0 : i32
      %dma_start3A_121 = tpu.memref_slice %arg21[%dma_start3A_119, %dma_start3A_120] : memref<10240x16xf32, #tpu.memory_space<vmem_shared>> -> memref<10240x16xf32, #tpu.memory_space<vmem_shared>>
      tpu.enqueue_indirect_dma source(%arg9 : memref<128x16xf32, #tpu.memory_space<vmem>>) target(%dma_start3A_121 : memref<10240x16xf32, #tpu.memory_space<vmem_shared>>) offsets(%dma_start3A_118 : memref<128xi32, #tpu.memory_space<vmem>>) semaphore(%run_scoped3A_115 : memref<!tpu.dma_semaphore, #tpu.memory_space<semaphore_mem>>) {add = true}
      %dma_wait3A_122 = arith.constant 0 : i32
      %dma_wait3A_123 = tpu.memref_slice %arg8[%run_scoped3A_109, %dma_wait3A_122] : memref<79x128xi32, #tpu.memory_space<vmem>> -> memref<1x128xi32, #tpu.memory_space<vmem>>
      %dma_wait3A_124 = tpu.memref_squeeze %dma_wait3A_123 : memref<1x128xi32, #tpu.memory_space<vmem>> -> memref<128xi32, #tpu.memory_space<vmem>>
      %dma_wait3A_125 = arith.constant 0 : i32
      %dma_wait3A_126 = arith.constant 0 : i32
      %dma_wait3A_127 = tpu.memref_slice %arg21[%dma_wait3A_125, %dma_wait3A_126] : memref<10240x16xf32, #tpu.memory_space<vmem_shared>> -> memref<10240x16xf32, #tpu.memory_space<vmem_shared>>
      tpu.wait_indirect_dma semaphore(%run_scoped3A_115 : memref<!tpu.dma_semaphore, #tpu.memory_space<semaphore_mem>>) src(%arg9 : memref<128x16xf32, #tpu.memory_space<vmem>>) dst(%dma_wait3A_127 : memref<10240x16xf32, #tpu.memory_space<vmem_shared>>)
      tpu.yield
    }) : () -> ()
    %barrier3A_110 = arith.constant 0 : index
    tpu.barrier barrier_id(%barrier3A_110)
    %mul3A_111 = arith.constant 640 : i32
    %mul3A_112 = arith.muli %arg1, %mul3A_111 : i32
    %mul3A_113 = arith.constant 640 : i32
    %mul3A_114 = arith.muli %arg1, %mul3A_113 : i32
    "tpu.region"() ({
      %run_scoped3A_115 = tpu.sem_alloc : memref<!tpu.dma_semaphore, #tpu.memory_space<semaphore_mem>>
      %dma_start3A_116 = arith.constant 0 : i32
      %dma_start3A_117 = tpu.memref_slice %arg6[%arg0, %mul3A_114, %dma_start3A_116] : memref<2x10240x16xf32, #tpu.memory_space<hbm>> -> memref<1x640x16xf32, #tpu.memory_space<hbm>>
      %dma_start3A_118 = tpu.memref_squeeze %dma_start3A_117 : memref<1x640x16xf32, #tpu.memory_space<hbm>> -> memref<640x16xf32, #tpu.memory_space<hbm>>
      %dma_start3A_119 = arith.constant 0 : i32
      %dma_start3A_120 = tpu.memref_slice %arg21[%mul3A_112, %dma_start3A_119] : memref<10240x16xf32, #tpu.memory_space<vmem_shared>> -> memref<640x16xf32, #tpu.memory_space<vmem_shared>>
      tpu.enqueue_dma source(%dma_start3A_120 : memref<640x16xf32, #tpu.memory_space<vmem_shared>>) target(%dma_start3A_118 : memref<640x16xf32, #tpu.memory_space<hbm>>) target_semaphore(%run_scoped3A_115 : memref<!tpu.dma_semaphore, #tpu.memory_space<semaphore_mem>>)
      %dma_wait3A_121 = arith.constant 0 : i32
      %dma_wait3A_122 = tpu.memref_slice %arg6[%arg0, %mul3A_114, %dma_wait3A_121] : memref<2x10240x16xf32, #tpu.memory_space<hbm>> -> memref<1x640x16xf32, #tpu.memory_space<hbm>>
      %dma_wait3A_123 = tpu.memref_squeeze %dma_wait3A_122 : memref<1x640x16xf32, #tpu.memory_space<hbm>> -> memref<640x16xf32, #tpu.memory_space<hbm>>
      %dma_wait3A_124 = arith.constant 0 : i32
      %dma_wait3A_125 = tpu.memref_slice %arg21[%mul3A_112, %dma_wait3A_124] : memref<10240x16xf32, #tpu.memory_space<vmem_shared>> -> memref<640x16xf32, #tpu.memory_space<vmem_shared>>
      tpu.wait_dma2 semaphore(%run_scoped3A_115 : memref<!tpu.dma_semaphore, #tpu.memory_space<semaphore_mem>>) src(%dma_wait3A_125 : memref<640x16xf32, #tpu.memory_space<vmem_shared>>) dst(%dma_wait3A_123 : memref<640x16xf32, #tpu.memory_space<hbm>>)
      tpu.yield
    }) : () -> ()
    return
  }
}

module attributes {stable_mosaic.version = 14 : i64} {
  func.func @body(%arg0: i32, %arg1: memref<256x16xf32, #tpu.memory_space<vmem>>, %arg2: memref<256x16xf32, #tpu.memory_space<vmem>>, %arg3: memref<256x128xf32, #tpu.memory_space<vmem>>, %arg4: memref<128x64xf32, #tpu.memory_space<vmem>>, %arg5: memref<256x32xf32, #tpu.memory_space<vmem>>, %arg6: memref<256x32xf32, #tpu.memory_space<vmem>>, %arg7: memref<256x1xf32, #tpu.memory_space<vmem>>) attributes {dimension_semantics = [#tpu.dimension_semantics<arbitrary>], iteration_bounds = array<i64: 40>, scalar_prefetch = 0 : i64, scratch_operands = 0 : i64, tpu.core_type = #tpu.core_type<tc>, window_params = [{transform_indices = @transform_0, window_bounds = array<i64: 256, 16>}, {transform_indices = @transform_1, window_bounds = array<i64: 256, 16>}, {transform_indices = @transform_2, window_bounds = array<i64: 256, 128>}, {pipeline_mode = #tpu.pipeline_mode<synchronous>, transform_indices = @transform_3, window_bounds = array<i64: 128, 64>}, {transform_indices = @transform_4, window_bounds = array<i64: 256, 32>}, {transform_indices = @transform_5, window_bounds = array<i64: 256, 32>}, {transform_indices = @transform_6, window_bounds = array<i64: 256, 1>}]} {
    %get3A = arith.constant 0 : index
    %get3A_0 = arith.constant 0 : index
    %get3A_1 = vector.load %arg1[%get3A, %get3A_0] : memref<256x16xf32, #tpu.memory_space<vmem>>, vector<256x1xf32>
    %get3A_2 = arith.constant 0 : index
    %get3A_3 = arith.constant 0 : index
    %get3A_4 = vector.load %arg2[%get3A_2, %get3A_3] : memref<256x16xf32, #tpu.memory_space<vmem>>, vector<256x1xf32>
    %add3A = arith.addf %get3A_1, %get3A_4 : vector<256x1xf32>
    %add3A_5 = arith.constant 1.000000e+00 : f32
    %add3A_6 = vector.broadcast %add3A_5 : f32 to vector<256x1xf32>
    %add3A_7 = arith.addf %add3A, %add3A_6 : vector<256x1xf32>
    %rsqrt3A = math.rsqrt %add3A_7 : vector<256x1xf32>
    %get3A_8 = arith.constant 0 : index
    %get3A_9 = arith.constant 0 : index
    %get3A_10 = vector.load %arg3[%get3A_8, %get3A_9] : memref<256x128xf32, #tpu.memory_space<vmem>>, vector<256x128xf32>
    %get3A_11 = arith.constant 0 : index
    %get3A_12 = arith.constant 0 : index
    %get3A_13 = vector.load %arg4[%get3A_11, %get3A_12] : memref<128x64xf32, #tpu.memory_space<vmem>>, vector<128x64xf32>
    %dot_general3A = arith.constant dense<0.000000e+00> : vector<256x64xf32>
    %dot_general3A_14 = tpu.matmul %get3A_10, %get3A_13, %dot_general3A {dimension_numbers = #tpu.dot_dimension_numbers<[1], [0], [0], [1], [0, 0, 1, 1], [], []>, transpose_lhs_hint = false} : vector<256x128xf32>, vector<128x64xf32>, vector<256x64xf32> -> vector<256x64xf32>
    %mul3A = vector.broadcast %rsqrt3A : vector<256x1xf32> to vector<256x64xf32>
    %mul3A_15 = arith.mulf %dot_general3A_14, %mul3A : vector<256x64xf32>
    %slice3A = vector.extract_strided_slice %mul3A_15 {offsets = [0, 0], sizes = [256, 32], strides = [1, 1]} : vector<256x64xf32> to vector<256x32xf32>
    %swap3A = arith.constant 0 : index
    %swap3A_16 = arith.constant 0 : index
    %swap3A_17 = vector.load %arg5[%swap3A, %swap3A_16] : memref<256x32xf32, #tpu.memory_space<vmem>>, vector<256x32xf32>
    tpu.vector_store %arg5[%swap3A, %swap3A_16], %slice3A {strides = array<i32>} : memref<256x32xf32, #tpu.memory_space<vmem>>, vector<256x32xf32>,
    %slice3A_18 = vector.extract_strided_slice %mul3A_15 {offsets = [0, 32], sizes = [256, 32], strides = [1, 1]} : vector<256x64xf32> to vector<256x32xf32>
    %swap3A_19 = arith.constant 0 : index
    %swap3A_20 = arith.constant 0 : index
    %swap3A_21 = vector.load %arg6[%swap3A_19, %swap3A_20] : memref<256x32xf32, #tpu.memory_space<vmem>>, vector<256x32xf32>
    tpu.vector_store %arg6[%swap3A_19, %swap3A_20], %slice3A_18 {strides = array<i32>} : memref<256x32xf32, #tpu.memory_space<vmem>>, vector<256x32xf32>,
    %swap3A_22 = arith.constant 0 : index
    %swap3A_23 = arith.constant 0 : index
    %swap3A_24 = vector.load %arg7[%swap3A_22, %swap3A_23] : memref<256x1xf32, #tpu.memory_space<vmem>>, vector<256x1xf32>
    tpu.vector_store %arg7[%swap3A_22, %swap3A_23], %rsqrt3A {strides = array<i32>} : memref<256x1xf32, #tpu.memory_space<vmem>>, vector<256x1xf32>,
    return
  }
  func.func @transform_0(%arg0: i32) -> (i32, i32) {
    %c0_i32 = arith.constant 0 : i32
    %c0_i32_0 = arith.constant 0 : i32
    return %arg0, %c0_i32 : i32, i32
  }
  func.func @transform_1(%arg0: i32) -> (i32, i32) {
    %c0_i32 = arith.constant 0 : i32
    %c0_i32_0 = arith.constant 0 : i32
    return %arg0, %c0_i32 : i32, i32
  }
  func.func @transform_2(%arg0: i32) -> (i32, i32) {
    %c0_i32 = arith.constant 0 : i32
    %c0_i32_0 = arith.constant 0 : i32
    return %arg0, %c0_i32 : i32, i32
  }
  func.func @transform_3(%arg0: i32) -> (i32, i32) {
    %c0_i32 = arith.constant 0 : i32
    %c0_i32_0 = arith.constant 0 : i32
    %c0_i32_1 = arith.constant 0 : i32
    return %c0_i32, %c0_i32_0 : i32, i32
  }
  func.func @transform_4(%arg0: i32) -> (i32, i32) {
    %c0_i32 = arith.constant 0 : i32
    %c0_i32_0 = arith.constant 0 : i32
    return %arg0, %c0_i32 : i32, i32
  }
  func.func @transform_5(%arg0: i32) -> (i32, i32) {
    %c0_i32 = arith.constant 0 : i32
    %c0_i32_0 = arith.constant 0 : i32
    return %arg0, %c0_i32 : i32, i32
  }
  func.func @transform_6(%arg0: i32) -> (i32, i32) {
    %c0_i32 = arith.constant 0 : i32
    %c0_i32_0 = arith.constant 0 : i32
    return %arg0, %c0_i32 : i32, i32
  }
}

module attributes {stable_mosaic.version = 14 : i64} {
  func.func @body(%arg0: i32, %arg1: memref<256x32xf32, #tpu.memory_space<vmem>>, %arg2: memref<256x32xf32, #tpu.memory_space<vmem>>, %arg3: memref<256x32xf32, #tpu.memory_space<vmem>>, %arg4: memref<256x32xf32, #tpu.memory_space<vmem>>, %arg5: memref<256x1xf32, #tpu.memory_space<vmem>>, %arg6: memref<1x64xf32, #tpu.memory_space<vmem>>, %arg7: memref<64x32xf32, #tpu.memory_space<vmem>>, %arg8: memref<256x64xf32, #tpu.memory_space<vmem>>, %arg9: memref<256x16xf32, #tpu.memory_space<vmem>>, %arg10: memref<256x16xf32, #tpu.memory_space<vmem>>) attributes {dimension_semantics = [#tpu.dimension_semantics<arbitrary>], iteration_bounds = array<i64: 40>, scalar_prefetch = 0 : i64, scratch_operands = 0 : i64, tpu.core_type = #tpu.core_type<tc>, window_params = [{transform_indices = @transform_0, window_bounds = array<i64: 256, 32>}, {transform_indices = @transform_1, window_bounds = array<i64: 256, 32>}, {transform_indices = @transform_2, window_bounds = array<i64: 256, 32>}, {transform_indices = @transform_3, window_bounds = array<i64: 256, 32>}, {transform_indices = @transform_4, window_bounds = array<i64: 256, 1>}, {pipeline_mode = #tpu.pipeline_mode<synchronous>, transform_indices = @transform_5, window_bounds = array<i64: 1, 64>}, {pipeline_mode = #tpu.pipeline_mode<synchronous>, transform_indices = @transform_6, window_bounds = array<i64: 64, 32>}, {transform_indices = @transform_7, window_bounds = array<i64: 256, 64>}, {transform_indices = @transform_8, window_bounds = array<i64: 256, 16>}, {transform_indices = @transform_9, window_bounds = array<i64: 256, 16>}]} {
    %get3A = arith.constant 0 : index
    %get3A_0 = arith.constant 0 : index
    %get3A_1 = vector.load %arg5[%get3A, %get3A_0] : memref<256x1xf32, #tpu.memory_space<vmem>>, vector<256x1xf32>
    %get3A_2 = arith.constant 0 : index
    %get3A_3 = arith.constant 0 : index
    %get3A_4 = vector.load %arg1[%get3A_2, %get3A_3] : memref<256x32xf32, #tpu.memory_space<vmem>>, vector<256x32xf32>
    %get3A_5 = arith.constant 0 : index
    %get3A_6 = arith.constant 0 : index
    %get3A_7 = vector.load %arg3[%get3A_5, %get3A_6] : memref<256x32xf32, #tpu.memory_space<vmem>>, vector<256x32xf32>
    %add3A = arith.addf %get3A_4, %get3A_7 : vector<256x32xf32>
    %get3A_8 = arith.constant 0 : index
    %get3A_9 = arith.constant 0 : index
    %get3A_10 = vector.load %arg2[%get3A_8, %get3A_9] : memref<256x32xf32, #tpu.memory_space<vmem>>, vector<256x32xf32>
    %get3A_11 = arith.constant 0 : index
    %get3A_12 = arith.constant 0 : index
    %get3A_13 = vector.load %arg4[%get3A_11, %get3A_12] : memref<256x32xf32, #tpu.memory_space<vmem>>, vector<256x32xf32>
    %add3A_14 = arith.addf %get3A_10, %get3A_13 : vector<256x32xf32>
    %concatenate3A = tpu.concatenate %add3A, %add3A_14 in 1 : vector<256x32xf32>, vector<256x32xf32> -> vector<256x64xf32>
    %mul3A = vector.broadcast %get3A_1 : vector<256x1xf32> to vector<256x64xf32>
    %mul3A_15 = arith.mulf %concatenate3A, %mul3A : vector<256x64xf32>
    %get3A_16 = arith.constant 0 : index
    %get3A_17 = arith.constant 0 : index
    %get3A_18 = vector.load %arg6[%get3A_16, %get3A_17] : memref<1x64xf32, #tpu.memory_space<vmem>>, vector<1x64xf32>
    %add3A_19 = vector.broadcast %get3A_18 : vector<1x64xf32> to vector<256x64xf32>
    %add3A_20 = arith.addf %mul3A_15, %add3A_19 : vector<256x64xf32>
    %max3A = arith.constant 0.000000e+00 : f32
    %max3A_21 = vector.broadcast %max3A : f32 to vector<256x64xf32>
    %max3A_22 = arith.maximumf %add3A_20, %max3A_21 : vector<256x64xf32>
    %swap3A = arith.constant 0 : index
    %swap3A_23 = arith.constant 0 : index
    %swap3A_24 = vector.load %arg8[%swap3A, %swap3A_23] : memref<256x64xf32, #tpu.memory_space<vmem>>, vector<256x64xf32>
    tpu.vector_store %arg8[%swap3A, %swap3A_23], %max3A_22 {strides = array<i32>} : memref<256x64xf32, #tpu.memory_space<vmem>>, vector<256x64xf32>,
    %get3A_25 = arith.constant 0 : index
    %get3A_26 = arith.constant 0 : index
    %get3A_27 = vector.load %arg7[%get3A_25, %get3A_26] : memref<64x32xf32, #tpu.memory_space<vmem>>, vector<64x32xf32>
    %dot_general3A = arith.constant dense<0.000000e+00> : vector<256x32xf32>
    %dot_general3A_28 = tpu.matmul %max3A_22, %get3A_27, %dot_general3A {dimension_numbers = #tpu.dot_dimension_numbers<[1], [0], [0], [1], [0, 0, 1, 1], [], []>, transpose_lhs_hint = false} : vector<256x64xf32>, vector<64x32xf32>, vector<256x32xf32> -> vector<256x32xf32>
    %mul3A_29 = vector.broadcast %get3A_1 : vector<256x1xf32> to vector<256x32xf32>
    %mul3A_30 = arith.mulf %dot_general3A_28, %mul3A_29 : vector<256x32xf32>
    %slice3A = vector.extract_strided_slice %mul3A_30 {offsets = [0, 0], sizes = [256, 16], strides = [1, 1]} : vector<256x32xf32> to vector<256x16xf32>
    %swap3A_31 = arith.constant 0 : index
    %swap3A_32 = arith.constant 0 : index
    %swap3A_33 = vector.load %arg9[%swap3A_31, %swap3A_32] : memref<256x16xf32, #tpu.memory_space<vmem>>, vector<256x16xf32>
    tpu.vector_store %arg9[%swap3A_31, %swap3A_32], %slice3A {strides = array<i32>} : memref<256x16xf32, #tpu.memory_space<vmem>>, vector<256x16xf32>,
    %slice3A_34 = vector.extract_strided_slice %mul3A_30 {offsets = [0, 16], sizes = [256, 16], strides = [1, 1]} : vector<256x32xf32> to vector<256x16xf32>
    %swap3A_35 = arith.constant 0 : index
    %swap3A_36 = arith.constant 0 : index
    %swap3A_37 = vector.load %arg10[%swap3A_35, %swap3A_36] : memref<256x16xf32, #tpu.memory_space<vmem>>, vector<256x16xf32>
    tpu.vector_store %arg10[%swap3A_35, %swap3A_36], %slice3A_34 {strides = array<i32>} : memref<256x16xf32, #tpu.memory_space<vmem>>, vector<256x16xf32>,
    return
  }
  func.func @transform_0(%arg0: i32) -> (i32, i32) {
    %c0_i32 = arith.constant 0 : i32
    %c0_i32_0 = arith.constant 0 : i32
    return %arg0, %c0_i32 : i32, i32
  }
  func.func @transform_1(%arg0: i32) -> (i32, i32) {
    %c0_i32 = arith.constant 0 : i32
    %c0_i32_0 = arith.constant 0 : i32
    return %arg0, %c0_i32 : i32, i32
  }
  func.func @transform_2(%arg0: i32) -> (i32, i32) {
    %c0_i32 = arith.constant 0 : i32
    %c0_i32_0 = arith.constant 0 : i32
    return %arg0, %c0_i32 : i32, i32
  }
  func.func @transform_3(%arg0: i32) -> (i32, i32) {
    %c0_i32 = arith.constant 0 : i32
    %c0_i32_0 = arith.constant 0 : i32
    return %arg0, %c0_i32 : i32, i32
  }
  func.func @transform_4(%arg0: i32) -> (i32, i32) {
    %c0_i32 = arith.constant 0 : i32
    %c0_i32_0 = arith.constant 0 : i32
    return %arg0, %c0_i32 : i32, i32
  }
  func.func @transform_5(%arg0: i32) -> (i32, i32) {
    %c0_i32 = arith.constant 0 : i32
    %c0_i32_0 = arith.constant 0 : i32
    %c0_i32_1 = arith.constant 0 : i32
    return %c0_i32, %c0_i32_0 : i32, i32
  }
  func.func @transform_6(%arg0: i32) -> (i32, i32) {
    %c0_i32 = arith.constant 0 : i32
    %c0_i32_0 = arith.constant 0 : i32
    %c0_i32_1 = arith.constant 0 : i32
    return %c0_i32, %c0_i32_0 : i32, i32
  }
  func.func @transform_7(%arg0: i32) -> (i32, i32) {
    %c0_i32 = arith.constant 0 : i32
    %c0_i32_0 = arith.constant 0 : i32
    return %arg0, %c0_i32 : i32, i32
  }
  func.func @transform_8(%arg0: i32) -> (i32, i32) {
    %c0_i32 = arith.constant 0 : i32
    %c0_i32_0 = arith.constant 0 : i32
    return %arg0, %c0_i32 : i32, i32
  }
  func.func @transform_9(%arg0: i32) -> (i32, i32) {
    %c0_i32 = arith.constant 0 : i32
    %c0_i32_0 = arith.constant 0 : i32
    return %arg0, %c0_i32 : i32, i32
  }
}

module attributes {stable_mosaic.version = 14 : i64} {
  func.func @body(%arg0: i32, %arg1: memref<256x16xf32, #tpu.memory_space<vmem>>, %arg2: memref<256x16xf32, #tpu.memory_space<vmem>>, %arg3: memref<256x16xf32, #tpu.memory_space<vmem>>, %arg4: memref<256x16xf32, #tpu.memory_space<vmem>>, %arg5: memref<256x1xf32, #tpu.memory_space<vmem>>, %arg6: memref<1x32xf32, #tpu.memory_space<vmem>>, %arg7: memref<32x16xf32, #tpu.memory_space<vmem>>, %arg8: memref<256x32xf32, #tpu.memory_space<vmem>>, %arg9: memref<256x16xf32, #tpu.memory_space<vmem>>) attributes {dimension_semantics = [#tpu.dimension_semantics<arbitrary>], iteration_bounds = array<i64: 40>, scalar_prefetch = 0 : i64, scratch_operands = 0 : i64, tpu.core_type = #tpu.core_type<tc>, window_params = [{transform_indices = @transform_0, window_bounds = array<i64: 256, 16>}, {transform_indices = @transform_1, window_bounds = array<i64: 256, 16>}, {transform_indices = @transform_2, window_bounds = array<i64: 256, 16>}, {transform_indices = @transform_3, window_bounds = array<i64: 256, 16>}, {transform_indices = @transform_4, window_bounds = array<i64: 256, 1>}, {pipeline_mode = #tpu.pipeline_mode<synchronous>, transform_indices = @transform_5, window_bounds = array<i64: 1, 32>}, {pipeline_mode = #tpu.pipeline_mode<synchronous>, transform_indices = @transform_6, window_bounds = array<i64: 32, 16>}, {transform_indices = @transform_7, window_bounds = array<i64: 256, 32>}, {transform_indices = @transform_8, window_bounds = array<i64: 256, 16>}]} {
    %get3A = arith.constant 0 : index
    %get3A_0 = arith.constant 0 : index
    %get3A_1 = vector.load %arg5[%get3A, %get3A_0] : memref<256x1xf32, #tpu.memory_space<vmem>>, vector<256x1xf32>
    %get3A_2 = arith.constant 0 : index
    %get3A_3 = arith.constant 0 : index
    %get3A_4 = vector.load %arg1[%get3A_2, %get3A_3] : memref<256x16xf32, #tpu.memory_space<vmem>>, vector<256x16xf32>
    %get3A_5 = arith.constant 0 : index
    %get3A_6 = arith.constant 0 : index
    %get3A_7 = vector.load %arg3[%get3A_5, %get3A_6] : memref<256x16xf32, #tpu.memory_space<vmem>>, vector<256x16xf32>
    %add3A = arith.addf %get3A_4, %get3A_7 : vector<256x16xf32>
    %get3A_8 = arith.constant 0 : index
    %get3A_9 = arith.constant 0 : index
    %get3A_10 = vector.load %arg2[%get3A_8, %get3A_9] : memref<256x16xf32, #tpu.memory_space<vmem>>, vector<256x16xf32>
    %get3A_11 = arith.constant 0 : index
    %get3A_12 = arith.constant 0 : index
    %get3A_13 = vector.load %arg4[%get3A_11, %get3A_12] : memref<256x16xf32, #tpu.memory_space<vmem>>, vector<256x16xf32>
    %add3A_14 = arith.addf %get3A_10, %get3A_13 : vector<256x16xf32>
    %concatenate3A = tpu.concatenate %add3A, %add3A_14 in 1 : vector<256x16xf32>, vector<256x16xf32> -> vector<256x32xf32>
    %mul3A = vector.broadcast %get3A_1 : vector<256x1xf32> to vector<256x32xf32>
    %mul3A_15 = arith.mulf %concatenate3A, %mul3A : vector<256x32xf32>
    %get3A_16 = arith.constant 0 : index
    %get3A_17 = arith.constant 0 : index
    %get3A_18 = vector.load %arg6[%get3A_16, %get3A_17] : memref<1x32xf32, #tpu.memory_space<vmem>>, vector<1x32xf32>
    %add3A_19 = vector.broadcast %get3A_18 : vector<1x32xf32> to vector<256x32xf32>
    %add3A_20 = arith.addf %mul3A_15, %add3A_19 : vector<256x32xf32>
    %max3A = arith.constant 0.000000e+00 : f32
    %max3A_21 = vector.broadcast %max3A : f32 to vector<256x32xf32>
    %max3A_22 = arith.maximumf %add3A_20, %max3A_21 : vector<256x32xf32>
    %swap3A = arith.constant 0 : index
    %swap3A_23 = arith.constant 0 : index
    %swap3A_24 = vector.load %arg8[%swap3A, %swap3A_23] : memref<256x32xf32, #tpu.memory_space<vmem>>, vector<256x32xf32>
    tpu.vector_store %arg8[%swap3A, %swap3A_23], %max3A_22 {strides = array<i32>} : memref<256x32xf32, #tpu.memory_space<vmem>>, vector<256x32xf32>,
    %get3A_25 = arith.constant 0 : index
    %get3A_26 = arith.constant 0 : index
    %get3A_27 = vector.load %arg7[%get3A_25, %get3A_26] : memref<32x16xf32, #tpu.memory_space<vmem>>, vector<32x16xf32>
    %dot_general3A = arith.constant dense<0.000000e+00> : vector<256x16xf32>
    %dot_general3A_28 = tpu.matmul %max3A_22, %get3A_27, %dot_general3A {dimension_numbers = #tpu.dot_dimension_numbers<[1], [0], [0], [1], [0, 0, 1, 1], [], []>, transpose_lhs_hint = false} : vector<256x32xf32>, vector<32x16xf32>, vector<256x16xf32> -> vector<256x16xf32>
    %mul3A_29 = vector.broadcast %get3A_1 : vector<256x1xf32> to vector<256x16xf32>
    %mul3A_30 = arith.mulf %dot_general3A_28, %mul3A_29 : vector<256x16xf32>
    %swap3A_31 = arith.constant 0 : index
    %swap3A_32 = arith.constant 0 : index
    %swap3A_33 = vector.load %arg9[%swap3A_31, %swap3A_32] : memref<256x16xf32, #tpu.memory_space<vmem>>, vector<256x16xf32>
    tpu.vector_store %arg9[%swap3A_31, %swap3A_32], %mul3A_30 {strides = array<i32>} : memref<256x16xf32, #tpu.memory_space<vmem>>, vector<256x16xf32>,
    return
  }
  func.func @transform_0(%arg0: i32) -> (i32, i32) {
    %c0_i32 = arith.constant 0 : i32
    %c0_i32_0 = arith.constant 0 : i32
    return %arg0, %c0_i32 : i32, i32
  }
  func.func @transform_1(%arg0: i32) -> (i32, i32) {
    %c0_i32 = arith.constant 0 : i32
    %c0_i32_0 = arith.constant 0 : i32
    return %arg0, %c0_i32 : i32, i32
  }
  func.func @transform_2(%arg0: i32) -> (i32, i32) {
    %c0_i32 = arith.constant 0 : i32
    %c0_i32_0 = arith.constant 0 : i32
    return %arg0, %c0_i32 : i32, i32
  }
  func.func @transform_3(%arg0: i32) -> (i32, i32) {
    %c0_i32 = arith.constant 0 : i32
    %c0_i32_0 = arith.constant 0 : i32
    return %arg0, %c0_i32 : i32, i32
  }
  func.func @transform_4(%arg0: i32) -> (i32, i32) {
    %c0_i32 = arith.constant 0 : i32
    %c0_i32_0 = arith.constant 0 : i32
    return %arg0, %c0_i32 : i32, i32
  }
  func.func @transform_5(%arg0: i32) -> (i32, i32) {
    %c0_i32 = arith.constant 0 : i32
    %c0_i32_0 = arith.constant 0 : i32
    %c0_i32_1 = arith.constant 0 : i32
    return %c0_i32, %c0_i32_0 : i32, i32
  }
  func.func @transform_6(%arg0: i32) -> (i32, i32) {
    %c0_i32 = arith.constant 0 : i32
    %c0_i32_0 = arith.constant 0 : i32
    %c0_i32_1 = arith.constant 0 : i32
    return %c0_i32, %c0_i32_0 : i32, i32
  }
  func.func @transform_7(%arg0: i32) -> (i32, i32) {
    %c0_i32 = arith.constant 0 : i32
    %c0_i32_0 = arith.constant 0 : i32
    return %arg0, %c0_i32 : i32, i32
  }
  func.func @transform_8(%arg0: i32) -> (i32, i32) {
    %c0_i32 = arith.constant 0 : i32
    %c0_i32_0 = arith.constant 0 : i32
    return %arg0, %c0_i32 : i32, i32
  }
}

module attributes {stable_mosaic.version = 14 : i64} {
  func.func @body(%arg0: i32, %arg1: memref<256x16xf32, #tpu.memory_space<vmem>>, %arg2: memref<256x16xf32, #tpu.memory_space<vmem>>, %arg3: memref<256x16xf32, #tpu.memory_space<vmem>>, %arg4: memref<256x1xf32, #tpu.memory_space<vmem>>, %arg5: memref<1x16xf32, #tpu.memory_space<vmem>>, %arg6: memref<256x64xf32, #tpu.memory_space<vmem>>, %arg7: memref<256x32xf32, #tpu.memory_space<vmem>>, %arg8: memref<64x16xf32, #tpu.memory_space<vmem>>, %arg9: memref<32x16xf32, #tpu.memory_space<vmem>>, %arg10: memref<16x16xf32, #tpu.memory_space<vmem>>, %arg11: memref<1x16xf32, #tpu.memory_space<vmem>>, %arg12: memref<256x16xf32, #tpu.memory_space<vmem>>) attributes {dimension_semantics = [#tpu.dimension_semantics<arbitrary>], iteration_bounds = array<i64: 40>, scalar_prefetch = 0 : i64, scratch_operands = 0 : i64, tpu.core_type = #tpu.core_type<tc>, window_params = [{transform_indices = @transform_0, window_bounds = array<i64: 256, 16>}, {transform_indices = @transform_1, window_bounds = array<i64: 256, 16>}, {transform_indices = @transform_2, window_bounds = array<i64: 256, 16>}, {transform_indices = @transform_3, window_bounds = array<i64: 256, 1>}, {pipeline_mode = #tpu.pipeline_mode<synchronous>, transform_indices = @transform_4, window_bounds = array<i64: 1, 16>}, {transform_indices = @transform_5, window_bounds = array<i64: 256, 64>}, {transform_indices = @transform_6, window_bounds = array<i64: 256, 32>}, {pipeline_mode = #tpu.pipeline_mode<synchronous>, transform_indices = @transform_7, window_bounds = array<i64: 64, 16>}, {pipeline_mode = #tpu.pipeline_mode<synchronous>, transform_indices = @transform_8, window_bounds = array<i64: 32, 16>}, {pipeline_mode = #tpu.pipeline_mode<synchronous>, transform_indices = @transform_9, window_bounds = array<i64: 16, 16>}, {pipeline_mode = #tpu.pipeline_mode<synchronous>, transform_indices = @transform_10, window_bounds = array<i64: 1, 16>}, {transform_indices = @transform_11, window_bounds = array<i64: 256, 16>}]} {
    %get3A = arith.constant 0 : index
    %get3A_0 = arith.constant 0 : index
    %get3A_1 = vector.load %arg1[%get3A, %get3A_0] : memref<256x16xf32, #tpu.memory_space<vmem>>, vector<256x16xf32>
    %get3A_2 = arith.constant 0 : index
    %get3A_3 = arith.constant 0 : index
    %get3A_4 = vector.load %arg2[%get3A_2, %get3A_3] : memref<256x16xf32, #tpu.memory_space<vmem>>, vector<256x16xf32>
    %add3A = arith.addf %get3A_1, %get3A_4 : vector<256x16xf32>
    %get3A_5 = arith.constant 0 : index
    %get3A_6 = arith.constant 0 : index
    %get3A_7 = vector.load %arg3[%get3A_5, %get3A_6] : memref<256x16xf32, #tpu.memory_space<vmem>>, vector<256x16xf32>
    %add3A_8 = arith.addf %add3A, %get3A_7 : vector<256x16xf32>
    %get3A_9 = arith.constant 0 : index
    %get3A_10 = arith.constant 0 : index
    %get3A_11 = vector.load %arg4[%get3A_9, %get3A_10] : memref<256x1xf32, #tpu.memory_space<vmem>>, vector<256x1xf32>
    %mul3A = vector.broadcast %get3A_11 : vector<256x1xf32> to vector<256x16xf32>
    %mul3A_12 = arith.mulf %add3A_8, %mul3A : vector<256x16xf32>
    %get3A_13 = arith.constant 0 : index
    %get3A_14 = arith.constant 0 : index
    %get3A_15 = vector.load %arg5[%get3A_13, %get3A_14] : memref<1x16xf32, #tpu.memory_space<vmem>>, vector<1x16xf32>
    %add3A_16 = vector.broadcast %get3A_15 : vector<1x16xf32> to vector<256x16xf32>
    %add3A_17 = arith.addf %mul3A_12, %add3A_16 : vector<256x16xf32>
    %max3A = arith.constant 0.000000e+00 : f32
    %max3A_18 = vector.broadcast %max3A : f32 to vector<256x16xf32>
    %max3A_19 = arith.maximumf %add3A_17, %max3A_18 : vector<256x16xf32>
    %get3A_20 = arith.constant 0 : index
    %get3A_21 = arith.constant 0 : index
    %get3A_22 = vector.load %arg6[%get3A_20, %get3A_21] : memref<256x64xf32, #tpu.memory_space<vmem>>, vector<256x64xf32>
    %get3A_23 = arith.constant 0 : index
    %get3A_24 = arith.constant 0 : index
    %get3A_25 = vector.load %arg8[%get3A_23, %get3A_24] : memref<64x16xf32, #tpu.memory_space<vmem>>, vector<64x16xf32>
    %dot_general3A = arith.constant dense<0.000000e+00> : vector<256x16xf32>
    %dot_general3A_26 = tpu.matmul %get3A_22, %get3A_25, %dot_general3A {dimension_numbers = #tpu.dot_dimension_numbers<[1], [0], [0], [1], [0, 0, 1, 1], [], []>, transpose_lhs_hint = false} : vector<256x64xf32>, vector<64x16xf32>, vector<256x16xf32> -> vector<256x16xf32>
    %get3A_27 = arith.constant 0 : index
    %get3A_28 = arith.constant 0 : index
    %get3A_29 = vector.load %arg7[%get3A_27, %get3A_28] : memref<256x32xf32, #tpu.memory_space<vmem>>, vector<256x32xf32>
    %get3A_30 = arith.constant 0 : index
    %get3A_31 = arith.constant 0 : index
    %get3A_32 = vector.load %arg9[%get3A_30, %get3A_31] : memref<32x16xf32, #tpu.memory_space<vmem>>, vector<32x16xf32>
    %dot_general3A_33 = arith.constant dense<0.000000e+00> : vector<256x16xf32>
    %dot_general3A_34 = tpu.matmul %get3A_29, %get3A_32, %dot_general3A_33 {dimension_numbers = #tpu.dot_dimension_numbers<[1], [0], [0], [1], [0, 0, 1, 1], [], []>, transpose_lhs_hint = false} : vector<256x32xf32>, vector<32x16xf32>, vector<256x16xf32> -> vector<256x16xf32>
    %add3A_35 = arith.addf %dot_general3A_26, %dot_general3A_34 : vector<256x16xf32>
    %get3A_36 = arith.constant 0 : index
    %get3A_37 = arith.constant 0 : index
    %get3A_38 = vector.load %arg10[%get3A_36, %get3A_37] : memref<16x16xf32, #tpu.memory_space<vmem>>, vector<16x16xf32>
    %dot_general3A_39 = arith.constant dense<0.000000e+00> : vector<256x16xf32>
    %dot_general3A_40 = tpu.matmul %max3A_19, %get3A_38, %dot_general3A_39 {dimension_numbers = #tpu.dot_dimension_numbers<[1], [0], [0], [1], [0, 0, 1, 1], [], []>, transpose_lhs_hint = false} : vector<256x16xf32>, vector<16x16xf32>, vector<256x16xf32> -> vector<256x16xf32>
    %add3A_41 = arith.addf %add3A_35, %dot_general3A_40 : vector<256x16xf32>
    %get3A_42 = arith.constant 0 : index
    %get3A_43 = arith.constant 0 : index
    %get3A_44 = vector.load %arg11[%get3A_42, %get3A_43] : memref<1x16xf32, #tpu.memory_space<vmem>>, vector<1x16xf32>
    %add3A_45 = vector.broadcast %get3A_44 : vector<1x16xf32> to vector<256x16xf32>
    %add3A_46 = arith.addf %add3A_41, %add3A_45 : vector<256x16xf32>
    %max3A_47 = arith.constant 0.000000e+00 : f32
    %max3A_48 = vector.broadcast %max3A_47 : f32 to vector<256x16xf32>
    %max3A_49 = arith.maximumf %add3A_46, %max3A_48 : vector<256x16xf32>
    %swap3A = arith.constant 0 : index
    %swap3A_50 = arith.constant 0 : index
    %swap3A_51 = vector.load %arg12[%swap3A, %swap3A_50] : memref<256x16xf32, #tpu.memory_space<vmem>>, vector<256x16xf32>
    tpu.vector_store %arg12[%swap3A, %swap3A_50], %max3A_49 {strides = array<i32>} : memref<256x16xf32, #tpu.memory_space<vmem>>, vector<256x16xf32>,
    return
  }
  func.func @transform_0(%arg0: i32) -> (i32, i32) {
    %c0_i32 = arith.constant 0 : i32
    %c0_i32_0 = arith.constant 0 : i32
    return %arg0, %c0_i32 : i32, i32
  }
  func.func @transform_1(%arg0: i32) -> (i32, i32) {
    %c0_i32 = arith.constant 0 : i32
    %c0_i32_0 = arith.constant 0 : i32
    return %arg0, %c0_i32 : i32, i32
  }
  func.func @transform_2(%arg0: i32) -> (i32, i32) {
    %c0_i32 = arith.constant 0 : i32
    %c0_i32_0 = arith.constant 0 : i32
    return %arg0, %c0_i32 : i32, i32
  }
  func.func @transform_3(%arg0: i32) -> (i32, i32) {
    %c0_i32 = arith.constant 0 : i32
    %c0_i32_0 = arith.constant 0 : i32
    return %arg0, %c0_i32 : i32, i32
  }
  func.func @transform_4(%arg0: i32) -> (i32, i32) {
    %c0_i32 = arith.constant 0 : i32
    %c0_i32_0 = arith.constant 0 : i32
    %c0_i32_1 = arith.constant 0 : i32
    return %c0_i32, %c0_i32_0 : i32, i32
  }
  func.func @transform_5(%arg0: i32) -> (i32, i32) {
    %c0_i32 = arith.constant 0 : i32
    %c0_i32_0 = arith.constant 0 : i32
    return %arg0, %c0_i32 : i32, i32
  }
  func.func @transform_6(%arg0: i32) -> (i32, i32) {
    %c0_i32 = arith.constant 0 : i32
    %c0_i32_0 = arith.constant 0 : i32
    return %arg0, %c0_i32 : i32, i32
  }
  func.func @transform_7(%arg0: i32) -> (i32, i32) {
    %c0_i32 = arith.constant 0 : i32
    %c0_i32_0 = arith.constant 0 : i32
    %c0_i32_1 = arith.constant 0 : i32
    return %c0_i32, %c0_i32_0 : i32, i32
  }
  func.func @transform_8(%arg0: i32) -> (i32, i32) {
    %c0_i32 = arith.constant 0 : i32
    %c0_i32_0 = arith.constant 0 : i32
    %c0_i32_1 = arith.constant 0 : i32
    return %c0_i32, %c0_i32_0 : i32, i32
  }
  func.func @transform_9(%arg0: i32) -> (i32, i32) {
    %c0_i32 = arith.constant 0 : i32
    %c0_i32_0 = arith.constant 0 : i32
    %c0_i32_1 = arith.constant 0 : i32
    return %c0_i32, %c0_i32_0 : i32, i32
  }
  func.func @transform_10(%arg0: i32) -> (i32, i32) {
    %c0_i32 = arith.constant 0 : i32
    %c0_i32_0 = arith.constant 0 : i32
    %c0_i32_1 = arith.constant 0 : i32
    return %c0_i32, %c0_i32_0 : i32, i32
  }
  func.func @transform_11(%arg0: i32) -> (i32, i32) {
    %c0_i32 = arith.constant 0 : i32
    %c0_i32_0 = arith.constant 0 : i32
    return %arg0, %c0_i32 : i32, i32
  }
}

</mosaic_0001>

<sc_bundles>
// kernel: kernel.10.cloned.1.call-start
scs
__scs_entry_jumppad:
0x0: {  	(pc) =	sbr.rel $0x88, $3  }
0x1: {  	(tag) =	ssettag $0x0;
	lr =	simm.s32 $0x1  }
0x2: {  	[smem:$0x3F97] =	sst lr;
	_ =	strace $0xD0000000  }
0x3: {  	_ = 	snop  }
0x4: {  	_ = 	snop  }
0x5: {  	_ = 	snop  }
0x6: {  	_ = 	snop  }
0x7: {  	_ = 	snop  }
__scs_overlays_trampoline_lowered:
0x8: {  	[smem:$0x3FA6] =	sst s0  }
0x9: {  	[smem:$0x3FA7] =	sst s1  }
0xa: {  	[smem:$0x3FA8] =	sst s2  }
0xb: {  	[smem:$0x3FA9] =	sst s3  }
0xc: {  	[smem:$0x3FAA] =	sst s4  }
0xd: {  	[smem:$0x3FAB] =	sst s5  }
0xe: {  	[smem:$0x3FAC] =	sst s6  }
0xf: {  	[smem:$0x3FAD] =	sst s7  }
0x10: {  	[smem:$0x3FAE] =	sst s8  }
0x11: {  	[smem:$0x3FAF] =	sst s9;
	s0 =	simm.s32 @!p0 $0x0  }
0x12: {  	s1 =	sld [smem:$0x3F95];
	s0 =	simm.s32 @p0 $0x1  }
0x13: {  	[smem:$0x3FB0] =	sst s0;
	s0 =	simm.s32 @!p1 $0x0  }
0x14: {  	s2 =	sld [smem:$0x3F94];
	s0 =	simm.s32 @p1 $0x1  }
0x15: {  	[smem:$0x3FB1] =	sst s0;
	s0 =	simm.s32 @!p2 $0x0  }
0x16: {  	s3 =	sld [smem:$0x3FDB];
	s0 =	simm.s32 @p2 $0x1  }
0x17: {  	s4 =	simm.s32 $0x1BF5;
	[smem:$0x3FB3] =	sst s0  }
0x18: {  	s0 =	sld [smem:$0x3F96];
	_ =	swait.ge [sflag:s4], $0x0  }
0x19: {  	s7 =	sld [smem:$0x3F97]  }
0x1a: {  	s8 =	sadd.s32 $0xFFFFE003, lr  }
0x1b: {  	s9 =	sadd.s32 $0xFFFFFEF7, lr;
	s5 =	simm.s32 $0xFFFFFFFF;
	p2 =	slt.u32 s8, $0xFFFFF086  }
0x1c: {  	p1 =	slt.u32 s9, $0xF7A;
	s5 =	simm.s32 @!p2 $0x0  }
0x1d: {  	s5 =	simm.s32 @p1 $0x1;
	p0 =	seq.s32 s7, s2  }
0x1e: {  	s7 =	smul.u32 @!p0 $0xF7A, s2;
	p2 =	seq.s32 @!p0 s5, $0x0  }
0x1f: {  	s9 =	smul.u32 $0xF7A, s1;
	s8 =	simm.s32 @!p0 $0x1BF5;
	p2 =	por !p2, p0  }
0x20: {  	[sflag:s8] =	ssyncset.s32 @!p0 $0xFFFFF086;
	s6 =	sadd.s32 @!p0 s3, s7;
	s7 =	simm.s32 @!p0 $0x108  }
0x21: {  	s3 =	sadd.s32 s3, s9;
	s6 =	sadd.s32 @!p0 $0x88, s6;
	s7 =	simm.s32 @p2 $0x1082  }
0x22: {  	[simem:s7], [sflag:s8] =	dma.local @!p0 [hbm:s6], $0xF7A  }
0x23: {  	s9 =	sor.u32 $0xD0000000, s2;
	s6 =	simm.s32 $0x108;
	_ =	swait.ge @!p0 [sflag:s8], $0x0  }
0x24: {  	s3 =	sadd.s32 $0x88, s3;
	s6 =	simm.s32 @!p1 $0x1082;
	[sflag:s4] =	ssyncset.s32 $0xFFFFF086  }
0x25: {  	[simem:s6], [sflag:s4] =	dma.local [hbm:s3], $0xF7A  }
0x26: {  	[smem:$0x3F97] =	sst s1;
	(tag) =	ssettag s2;
	_ =	strace s9  }
0x27: {  	s1 =	sld [smem:$0x3FA7]  }
0x28: {  	s2 =	sld [smem:$0x3FA8]  }
0x29: {  	s4 =	sld [smem:$0x3FAA]  }
0x2a: {  	p0 =	seq.s32 s5, $0x0;
	s5 =	sld [smem:$0x3FAB]  }
0x2b: {  	s6 =	sld [smem:$0x3FAC]  }
0x2c: {  	s7 =	sld [smem:$0x3FAD]  }
0x2d: {  	s3 =	simm.s32 $0x108;
	s8 =	sld [smem:$0x3FAE]  }
0x2e: {  	s3 =	simm.s32 @!p0 $0x1082;
	s9 =	sld [smem:$0x3FAF]  }
0x2f: {  	lr =	sadd.s32 s0, s3;
	s0 =	sld [smem:$0x3FA6]  }
0x30: {  	s3 =	sld [smem:$0x3FA9]  }
0x31: {  	[smem:$0x3FB2] =	sst s10  }
0x32: {  	s10 =	sld [smem:$0x3FB0];
	_ =	sdelay $0x3  }
0x33: {  	p0 =	seq.s32 s10, $0x1;
	s10 =	sld [smem:$0x3FB2];
	_ =	sdelay $0x3  }
0x34: {  	[smem:$0x3FB2] =	sst s10  }
0x35: {  	s10 =	sld [smem:$0x3FB1];
	_ =	sdelay $0x3  }
0x36: {  	p1 =	seq.s32 s10, $0x1;
	s10 =	sld [smem:$0x3FB2];
	_ =	sdelay $0x3  }
0x37: {  	[smem:$0x3FB2] =	sst s10  }
0x38: {  	s10 =	sld [smem:$0x3FB3]  }
0x39: {  	_ = 	snop;
	(pc) =	sbr.ind lr, $3  }
0x3a: {  	_ = 	snop  }
0x3b: {  	_ = 	snop  }
0x3c: {  	p2 =	seq.s32 s10, $0x1;
	s10 =	sld [smem:$0x3FB2]  }
0x3d: {  	_ =	shalt  }
0x3e: {  	_ =	shalt  }
0x3f: {  	_ =	shalt  }
0x40: {  	_ =	shalt  }
0x41: {  	_ =	shalt  }
0x42: {  	_ =	shalt  }
0x43: {  	_ =	shalt  }
0x44: {  	_ =	shalt  }
0x45: {  	_ =	shalt  }
0x46: {  	_ =	shalt  }
0x47: {  	_ =	shalt  }
0x48: {  	_ =	shalt  }
0x49: {  	_ =	shalt  }
0x4a: {  	_ =	shalt  }
0x4b: {  	_ =	shalt  }
0x4c: {  	_ =	shalt  }
0x4d: {  	_ =	shalt  }
0x4e: {  	_ =	shalt  }
0x4f: {  	_ =	shalt  }
0x50: {  	_ =	shalt  }
0x51: {  	_ =	shalt  }
0x52: {  	_ =	shalt  }
0x53: {  	_ =	shalt  }
0x54: {  	_ =	shalt  }
0x55: {  	_ =	shalt  }
0x56: {  	_ =	shalt  }
0x57: {  	_ =	shalt  }
0x58: {  	_ =	shalt  }
0x59: {  	_ =	shalt  }
0x5a: {  	_ =	shalt  }
0x5b: {  	_ =	shalt  }
0x5c: {  	_ =	shalt  }
0x5d: {  	_ =	shalt  }
0x5e: {  	_ =	shalt  }
0x5f: {  	_ =	shalt  }
0x60: {  	_ =	shalt  }
0x61: {  	_ =	shalt  }
0x62: {  	_ =	shalt  }
0x63: {  	_ =	shalt  }
0x64: {  	_ =	shalt  }
0x65: {  	_ =	shalt  }
0x66: {  	_ =	shalt  }
0x67: {  	_ =	shalt  }
0x68: {  	_ =	shalt  }
0x69: {  	_ =	shalt  }
0x6a: {  	_ =	shalt  }
0x6b: {  	_ =	shalt  }
0x6c: {  	_ =	shalt  }
0x6d: {  	_ =	shalt  }
0x6e: {  	_ =	shalt  }
0x6f: {  	_ =	shalt  }
0x70: {  	_ =	shalt  }
0x71: {  	_ =	shalt  }
0x72: {  	_ =	shalt  }
0x73: {  	_ =	shalt  }
0x74: {  	_ =	shalt  }
0x75: {  	_ =	shalt  }
0x76: {  	_ =	shalt  }
0x77: {  	_ =	shalt  }
0x78: {  	_ =	shalt  }
0x79: {  	_ =	shalt  }
0x7a: {  	_ =	shalt  }
0x7b: {  	_ =	shalt  }
0x7c: {  	_ =	shalt  }
0x7d: {  	_ =	shalt  }
0x7e: {  	_ =	shalt  }
0x7f: {  	_ =	shalt  }
0x80: {  	_ =	shalt  }
0x81: {  	_ =	shalt  }
0x82: {  	_ =	shalt  }
0x83: {  	_ =	shalt  }
0x84: {  	_ =	shalt  }
0x85: {  	_ =	shalt  }
0x86: {  	_ =	shalt  }
0x87: {  	_ =	shalt  }
.Lfunc_end0:
.L_simem_size_0:
called_computation_lowered:
.L_overlay_start_0:
0x88: {  	s2 =	sld [smem:$0x3FD9]  }
0x89: {  	s3 =	sld [smem:$0x3FFE];
	_ =	sdelay $0x1  }
0x8a: {  	s1 =	srdreg.scid  }
0x8b: {  	s0 =	sand.u32 $0x1, s1  }
0x8c: {  	s17 =	sshll.u32 s0, $0xA;
	s2 =	sadd.s32 s3, s2  }
0x8d: {  	s2 =	sadd.s32 s2, s17  }
0x8e: {  	[smem:$0x3FBE] =	sst s2  }
0x8f: {  	_ = 	snop  }
0x90: {  	s2 =	sld [smem:$0x3FD0];
	(tm) =	ssettm $0x1  }
0x91: {  	s18 =	sld [smem:$0x3FFB];
	_ =	sdelay $0x3  }
0x92: {  	_ =	strace s18  }
0x93: {  	s3 =	sld [smem:$0x3FFC];
	_ =	sdelay $0x3  }
0x94: {  	_ =	strace s3  }
0x95: {  	s3 =	sld [smem:$0x3FFD];
	_ =	sdelay $0x3  }
0x96: {  	_ =	strace s3  }
0x97: {  	_ =	strace $0x8FFFFFFF  }
0x98: {  	s19 =	sld [smem:$0x3FDB];
	_ =	sdelay $0x1  }
0x99: {  	s4 =	simm.s32 $_scs_section_size  }
0x9a: {  	s5 =	simm.s32 $_size__tile_overlayer_lowered;
	s6 =	simm.s32 $_tile_overlayer_lowered  }
0x9b: {  	s22 =	simm.s32 $0x1BFF;
	s21 =	sshll.u32 s6, $0x1;
	s3 =	sadd.s32 s4, s19  }
0x9c: {  	s7 =	simm.s32 $0x0;
	s20 =	sshll.u32 s5, $0x1;
	s5 =	sadd.s32 s21, s3  }
0x9d: {  	[timem:s7], [sflag:s22] =	dma.local [hbm:s5], s20  }
0x9e: {  	_ =	swait.ge [sflag:s22], s20  }
0x9f: {  	s4 =	ssub.s32 $0x0, s20;
	[sflag:s22] =	ssyncset.done $0x0  }
0xa0: {  	[sflag:s22] =	ssyncadd.s32 s4;
	_ =	sdelay $0x1  }
0xa1: {  	s23 =	simm.s32 $0x1B8B  }
0xa2: {  	_ =	swait.ge [sflag:s23], $0x1  }
0xa3: {  	[sflag:s23] =	ssyncset.done $0x0  }
0xa4: {  	s25 =	simm.s32 $0x1B8E;
	s24 =	sld [smem:$0x3FFE];
	[sflag:s23] =	ssyncadd.s32 $0xFFFFFFFF  }
0xa5: {  	s26 =	simm.s32 $execute0_lowered;
	[smem:$0x3FD2] =	sst s25  }
0xa6: {  	s5 =	sshll.u32 s26, $0x1;
	_ =	strace $0x80000046;
	[dreg:$0x1] =	wrdreg $0xFFFFFFFF  }
0xa7: {  	s28 =	simm.s32 $_size_execute0_lowered;
	s3 =	sadd.s32 s3, s5;
	[dreg:$0x0] =	wrdreg $0x0  }
0xa8: {  	s5 =	sshll.u32 s28, $0x1;
	[dreg:$0x2] =	wrdreg s3  }
0xa9: {  	[dreg:$0x3] =	wrdreg s5  }
0xaa: {  	[dreg:$0x4] =	wrdreg $0xC0  }
0xab: {  	_ =	task [dreg:s7], $0x5FFFF  }
0xac: {  	[dreg:$0x1] =	wrdreg $0xFFFFFFFF  }
0xad: {  	[dreg:$0x0] =	wrdreg $0x60  }
0xae: {  	[dreg:$0x2] =	wrdreg s24  }
0xaf: {  	[dreg:$0x3] =	wrdreg s2  }
0xb0: {  	[dreg:$0x4] =	wrdreg $0x2F800  }
0xb1: {  	[dreg:$0x5] =	wrdreg $0x9  }
0xb2: {  	_ =	task.clear_ibuf [dreg:s7], $0x6FFFF;
	_ =	strace $0x90000046  }
0xb3: {  	s29 =	simm.s32 $0x9;
	_ =	strace $0x80000048  }
0xb4: {  	_ =	swait.ge [sflag:s29], $0x1  }
0xb5: {  	[sflag:s29] =	ssyncadd.s32 $0xFFFFFFFF  }
0xb6: {  	_ =	strace $0x90000048  }
0xb7: {  	_ =	sfence  }
0xb8: {  	s30 =	sld [smem:$0x0];
	_ =	sdelay $0x2  }
0xb9: {  	s31 =	sshll.u32 s1, $0xD;
	s1 =	sshrl.u32 s1, $0x2  }
0xba: {  	s3 =	sand.u32 $0x4000, s31;
	s1 =	sadd.s32 s1, s30  }
0xbb: {  	s0 =	sor.u32 s3, s0;
	s1 =	sshll.u32 s1, $0x11  }
0xbc: {  	s0 =	sor.u32 s1, s0  }
0xbd: {  	s0 =	sadd.s32 $0x8F2B, s0  }
0xbe: {  	[sflag:s0] =	ssyncadd.remote.s32 $0x1  }
0xbf: {  	_ =	sfence.sel $0xFFFF  }
0xc0: {  	[dreg:$0x0] =	wrdreg $0xFFFFFFFF;
	(pc) =	sbr.abs _section_cstart, $3  }
0xc1: {  	[dreg:$0x1] =	wrdreg $0xFFFFFFFF  }
0xc2: {  	_ =	task.clear_ibuf [dreg:s7], $0x2FFFF;
	_ =	strace $0x9FFFFFFF  }
0xc3: {  	(tm) =	ssettm $0x7FFFFFFF  }
tec
execute0_lowered:
.L_overlay_start_1:
0x0: {  	(tag) =	ssettag $0x1  }
0x1: {  	s5 =	rddreg [dreg:$0x0]  }
0x2: {  	s1 =	srdreg.scid;
	s2 =	rddreg [dreg:$0x1]  }
0x3: {  	s0 =	stileid.u32;
	s3 =	rddreg [dreg:$0x2];
	s4 =	simm.s32 $0x0  }
0x4: {  	s13 =	simm.s32 $0x80;
	s14 =	simm.s32 $0x0;
	s6 =	sand.u32 $0x1, s1  }
0x5: {  	s30 =	sshll.u32 s0, $0x1;
	s8 =	smul.u32 $0x2800, s0;
	[smem:$0x7FF] =	sst s4  }
0x6: {  	s31 =	sshll.u32 s0, $0x6;
	s1 =	sor.u32 s6, s30;
	s9 =	smul.u32 $0x28000, s6  }
0x7: {  	s6 =	ssub.s32 $0x2, s6;
	s7 =	smul.u32 $0x4F0, s1;
	s1 =	rddreg [dreg:$0x3]  }
0x8: {  	_ =	strace $0x80000047;
	s10 =	sshrl.u32 s8, $0x3;
	s11 =	sshrl.u32 s6, $0x1  }
0x9: {  	s12 =	sadd.s32 s8, s3;
	s9 =	sadd.s32 s8, s9;
	s10 =	sadd.s32 s10, s5  }
0xa: {  	s11 =	ssub.s32 s6, s11;
	s6 =	sor.u32 $0x1C01, s31;
	s9 =	sshrl.u32 s9, $0x3  }
0xb: {  	s7 =	sadd.s32 s7, s5;
	s9 =	sadd.s32 s9, s5;
	s5 =	sadd.s32 $0xE200, s10  }
0xc: {  	s7 =	sadd.s32 $0x4400, s7;
	s10 =	sshrl.u32 s12, $0x3;
	s12 =	simm.s32 $0x2780  }
0xd: {  	s8 =	sadd.s32 $0x13200, s9;
	s9 =	smax.u32 s11, $0x1;
	s11 =	simm.s32 $0x1  }
.LBB2_1:
0xe: {  	[spmem:s10], [sflag:s6] =	dma.local [hbm:s5], $0x500  }
0xf: {  	_ =	swait.ge [sflag:s11], $0x500  }
0x10: {  	[sflag:s11] =	ssyncset.done $0x0  }
0x11: {  	[sflag:s11] =	ssyncadd.s32 $0xFFFFFB00  }
0x12: {  	[tilespmem:s4], [sflag:$0x1] =	stream.linear.gather [hbm4b:s7+s4], $0x2780, $0x38;
	[tilespmem:$0x5780] =	vst v63  }
0x13: {  	_ =	swait.ge [sflag:s11], $0x2780  }
0x14: {  	[sflag:s11] =	ssyncset.done $0x0  }
0x15: {  	[sflag:s11] =	ssyncadd.s32 $0xFFFFD880  }
0x16: {  	[tilespmem:s12], [sflag:$0x1] =	stream.linear.gather [hbm4b:s2+s4], $0x800, $0x38;
	[tilespmem:$0x5780] =	vst v63  }
0x17: {  	_ =	swait.ge [sflag:s11], $0x800  }
0x18: {  	[sflag:s11] =	ssyncset.done $0x0  }
0x19: {  	[sflag:s11] =	ssyncadd.s32 $0xFFFFF800  }
0x1a: {  	s15 =	simm.s32 $0x0;
	[bflag:$0x0] =	sbarrier.arrive $0xFFFF  }
0x1b: {  	[spmem:s3] =	stream.indirect.scatter.add.f32 [tilespmem:s12], [sflag:$0x1], $0x10, s15, s13, $0xb8;
	[tilespmem:$0x5780] =	vst v63  }
0x1c: {  	_ =	swait.ge [sflag:s11], $0x800  }
0x1d: {  	s15 =	simm.s32 $0x200;
	[sflag:s11] =	ssyncset.done $0x0  }
.LBB2_2:
0x1e: {  	s16 =	sshra.s32 s15, $0x2;
	[sflag:s11] =	ssyncadd.s32 $0xFFFFF800;
	p0 =	sne.s32 s15, $0x9C00  }
0x1f: {  	[spmem:s3] =	stream.indirect.scatter.add.f32 [tilespmem:s12], [sflag:$0x1], $0x10, s16, s13, $0xb8;
	[tilespmem:$0x5780] =	vst v63  }
.Ltmp0:
0x20: {  	_ = 	snop;
	(pc) =	sbr.rel @p0 .LBB2_2-.Ltmp0, $4  }
0x21: {  	_ = 	snop  }
0x22: {  	s15 =	sadd.s32 $0x200, s15  }
0x23: {  	_ =	swait.ge [sflag:s11], $0x800  }
0x24: {  	[sflag:s11] =	ssyncset.done $0x0  }
0x25: {  	s14 =	sadd.s32 $0x1, s14  }
0x26: {  	[sflag:s11] =	ssyncadd.s32 $0xFFFFF800;
	p0 =	sne.s32 s14, s9  }
.Ltmp1:
0x27: {  	[bflag:$0x0] =	sbarrier.arrive $0xFFFF;
	(pc) =	sbr.rel @p0 .LBB2_1-.Ltmp1, $4  }
0x28: {  	[hbm:s8], [sflag:s6] =	dma.local [spmem:s10], $0x500  }
0x29: {  	_ =	swait.ge [sflag:s11], $0x500  }
0x2a: {  	[sflag:s11] =	ssyncset.done $0x0  }
0x2b: {  	[sflag:s11] =	ssyncadd.s32 $0xFFFFFB00  }
0x2c: {  	_ =	sfence.sel $0x180000  }
0x2d: {  	[bflag:$0x0] =	sbarrier.arrive $0xFFFF  }
0x2e: {  	p0 =	sne.s32 s0, $0x0;
	_ =	strace $0x90000047  }
0x2f: {  	s0 =	sadd.s32 @!p0 $0x100000, s1;
	[bflag:$0x2] =	sbarrier.arrive $0xFFFF  }
0x30: {  	[sflag:s0] =	ssyncadd.tile.s32 @!p0 $0x1;
	_ =	shalt  }
.Lfunc_end2:
_tile_overlayer_lowered:
.L_overlay_start_2:
0x31: {  	(tag) =	ssettag $0x2  }
0x32: {  	s0 =	rddreg [dreg:$0x0];
	s2 =	stileid.u32  }
0x33: {  	s1 =	rddreg [dreg:$0x1];
	p0 =	sne.s32 s2, $0x0  }
0x34: {  	s3 =	rddreg [dreg:$0x2];
	[bflag:$0x3] =	sbarrier.arrive $0xFFFF;
	s2 =	simm.s32 @!p0 $0x1C01  }
0x35: {  	[timem:s3], [sflag:s2] =	dma.local @!p0 [hbm:s0], s1  }
0x36: {  	s0 =	simm.s32 @!p0 $0x1  }
0x37: {  	_ =	swait.ge @!p0 [sflag:s0], s1  }
0x38: {  	s1 =	ssub.s32 @!p0 $0x0, s1;
	[sflag:s0] =	ssyncset.done @!p0 $0x0  }
0x39: {  	[sflag:s0] =	ssyncadd.s32 @!p0 s1  }
0x3a: {  	[bflag:$0x3] =	sbarrier.arrive $0xFFFF  }
0x3b: {  	_ =	shalt  }

// kernel: kernel.13.cloned.1.call-start
scs
__scs_entry_jumppad:
0x0: {  	(pc) =	sbr.rel $0x88, $3  }
0x1: {  	(tag) =	ssettag $0x0;
	lr =	simm.s32 $0x1  }
0x2: {  	[smem:$0x3F97] =	sst lr;
	_ =	strace $0xD0000000  }
0x3: {  	_ = 	snop  }
0x4: {  	_ = 	snop  }
0x5: {  	_ = 	snop  }
0x6: {  	_ = 	snop  }
0x7: {  	_ = 	snop  }
__scs_overlays_trampoline_lowered:
0x8: {  	[smem:$0x3FA6] =	sst s0  }
0x9: {  	[smem:$0x3FA7] =	sst s1  }
0xa: {  	[smem:$0x3FA8] =	sst s2  }
0xb: {  	[smem:$0x3FA9] =	sst s3  }
0xc: {  	[smem:$0x3FAA] =	sst s4  }
0xd: {  	[smem:$0x3FAB] =	sst s5  }
0xe: {  	[smem:$0x3FAC] =	sst s6  }
0xf: {  	[smem:$0x3FAD] =	sst s7  }
0x10: {  	[smem:$0x3FAE] =	sst s8  }
0x11: {  	[smem:$0x3FAF] =	sst s9;
	s0 =	simm.s32 @!p0 $0x0  }
0x12: {  	s1 =	sld [smem:$0x3F95];
	s0 =	simm.s32 @p0 $0x1  }
0x13: {  	[smem:$0x3FB0] =	sst s0;
	s0 =	simm.s32 @!p1 $0x0  }
0x14: {  	s2 =	sld [smem:$0x3F94];
	s0 =	simm.s32 @p1 $0x1  }
0x15: {  	[smem:$0x3FB1] =	sst s0;
	s0 =	simm.s32 @!p2 $0x0  }
0x16: {  	s3 =	sld [smem:$0x3FDB];
	s0 =	simm.s32 @p2 $0x1  }
0x17: {  	s4 =	simm.s32 $0x1BF5;
	[smem:$0x3FB3] =	sst s0  }
0x18: {  	s0 =	sld [smem:$0x3F96];
	_ =	swait.ge [sflag:s4], $0x0  }
0x19: {  	s7 =	sld [smem:$0x3F97]  }
0x1a: {  	s8 =	sadd.s32 $0xFFFFE003, lr  }
0x1b: {  	s9 =	sadd.s32 $0xFFFFFEF7, lr;
	s5 =	simm.s32 $0xFFFFFFFF;
	p2 =	slt.u32 s8, $0xFFFFF086  }
0x1c: {  	p1 =	slt.u32 s9, $0xF7A;
	s5 =	simm.s32 @!p2 $0x0  }
0x1d: {  	s5 =	simm.s32 @p1 $0x1;
	p0 =	seq.s32 s7, s2  }
0x1e: {  	s7 =	smul.u32 @!p0 $0xF7A, s2;
	p2 =	seq.s32 @!p0 s5, $0x0  }
0x1f: {  	s9 =	smul.u32 $0xF7A, s1;
	s8 =	simm.s32 @!p0 $0x1BF5;
	p2 =	por !p2, p0  }
0x20: {  	[sflag:s8] =	ssyncset.s32 @!p0 $0xFFFFF086;
	s6 =	sadd.s32 @!p0 s3, s7;
	s7 =	simm.s32 @!p0 $0x108  }
0x21: {  	s3 =	sadd.s32 s3, s9;
	s6 =	sadd.s32 @!p0 $0x88, s6;
	s7 =	simm.s32 @p2 $0x1082  }
0x22: {  	[simem:s7], [sflag:s8] =	dma.local @!p0 [hbm:s6], $0xF7A  }
0x23: {  	s9 =	sor.u32 $0xD0000000, s2;
	s6 =	simm.s32 $0x108;
	_ =	swait.ge @!p0 [sflag:s8], $0x0  }
0x24: {  	s3 =	sadd.s32 $0x88, s3;
	s6 =	simm.s32 @!p1 $0x1082;
	[sflag:s4] =	ssyncset.s32 $0xFFFFF086  }
0x25: {  	[simem:s6], [sflag:s4] =	dma.local [hbm:s3], $0xF7A  }
0x26: {  	[smem:$0x3F97] =	sst s1;
	(tag) =	ssettag s2;
	_ =	strace s9  }
0x27: {  	s1 =	sld [smem:$0x3FA7]  }
0x28: {  	s2 =	sld [smem:$0x3FA8]  }
0x29: {  	s4 =	sld [smem:$0x3FAA]  }
0x2a: {  	p0 =	seq.s32 s5, $0x0;
	s5 =	sld [smem:$0x3FAB]  }
0x2b: {  	s6 =	sld [smem:$0x3FAC]  }
0x2c: {  	s7 =	sld [smem:$0x3FAD]  }
0x2d: {  	s3 =	simm.s32 $0x108;
	s8 =	sld [smem:$0x3FAE]  }
0x2e: {  	s3 =	simm.s32 @!p0 $0x1082;
	s9 =	sld [smem:$0x3FAF]  }
0x2f: {  	lr =	sadd.s32 s0, s3;
	s0 =	sld [smem:$0x3FA6]  }
0x30: {  	s3 =	sld [smem:$0x3FA9]  }
0x31: {  	[smem:$0x3FB2] =	sst s10  }
0x32: {  	s10 =	sld [smem:$0x3FB0];
	_ =	sdelay $0x3  }
0x33: {  	p0 =	seq.s32 s10, $0x1;
	s10 =	sld [smem:$0x3FB2];
	_ =	sdelay $0x3  }
0x34: {  	[smem:$0x3FB2] =	sst s10  }
0x35: {  	s10 =	sld [smem:$0x3FB1];
	_ =	sdelay $0x3  }
0x36: {  	p1 =	seq.s32 s10, $0x1;
	s10 =	sld [smem:$0x3FB2];
	_ =	sdelay $0x3  }
0x37: {  	[smem:$0x3FB2] =	sst s10  }
0x38: {  	s10 =	sld [smem:$0x3FB3]  }
0x39: {  	_ = 	snop;
	(pc) =	sbr.ind lr, $3  }
0x3a: {  	_ = 	snop  }
0x3b: {  	_ = 	snop  }
0x3c: {  	p2 =	seq.s32 s10, $0x1;
	s10 =	sld [smem:$0x3FB2]  }
0x3d: {  	_ =	shalt  }
0x3e: {  	_ =	shalt  }
0x3f: {  	_ =	shalt  }
0x40: {  	_ =	shalt  }
0x41: {  	_ =	shalt  }
0x42: {  	_ =	shalt  }
0x43: {  	_ =	shalt  }
0x44: {  	_ =	shalt  }
0x45: {  	_ =	shalt  }
0x46: {  	_ =	shalt  }
0x47: {  	_ =	shalt  }
0x48: {  	_ =	shalt  }
0x49: {  	_ =	shalt  }
0x4a: {  	_ =	shalt  }
0x4b: {  	_ =	shalt  }
0x4c: {  	_ =	shalt  }
0x4d: {  	_ =	shalt  }
0x4e: {  	_ =	shalt  }
0x4f: {  	_ =	shalt  }
0x50: {  	_ =	shalt  }
0x51: {  	_ =	shalt  }
0x52: {  	_ =	shalt  }
0x53: {  	_ =	shalt  }
0x54: {  	_ =	shalt  }
0x55: {  	_ =	shalt  }
0x56: {  	_ =	shalt  }
0x57: {  	_ =	shalt  }
0x58: {  	_ =	shalt  }
0x59: {  	_ =	shalt  }
0x5a: {  	_ =	shalt  }
0x5b: {  	_ =	shalt  }
0x5c: {  	_ =	shalt  }
0x5d: {  	_ =	shalt  }
0x5e: {  	_ =	shalt  }
0x5f: {  	_ =	shalt  }
0x60: {  	_ =	shalt  }
0x61: {  	_ =	shalt  }
0x62: {  	_ =	shalt  }
0x63: {  	_ =	shalt  }
0x64: {  	_ =	shalt  }
0x65: {  	_ =	shalt  }
0x66: {  	_ =	shalt  }
0x67: {  	_ =	shalt  }
0x68: {  	_ =	shalt  }
0x69: {  	_ =	shalt  }
0x6a: {  	_ =	shalt  }
0x6b: {  	_ =	shalt  }
0x6c: {  	_ =	shalt  }
0x6d: {  	_ =	shalt  }
0x6e: {  	_ =	shalt  }
0x6f: {  	_ =	shalt  }
0x70: {  	_ =	shalt  }
0x71: {  	_ =	shalt  }
0x72: {  	_ =	shalt  }
0x73: {  	_ =	shalt  }
0x74: {  	_ =	shalt  }
0x75: {  	_ =	shalt  }
0x76: {  	_ =	shalt  }
0x77: {  	_ =	shalt  }
0x78: {  	_ =	shalt  }
0x79: {  	_ =	shalt  }
0x7a: {  	_ =	shalt  }
0x7b: {  	_ =	shalt  }
0x7c: {  	_ =	shalt  }
0x7d: {  	_ =	shalt  }
0x7e: {  	_ =	shalt  }
0x7f: {  	_ =	shalt  }
0x80: {  	_ =	shalt  }
0x81: {  	_ =	shalt  }
0x82: {  	_ =	shalt  }
0x83: {  	_ =	shalt  }
0x84: {  	_ =	shalt  }
0x85: {  	_ =	shalt  }
0x86: {  	_ =	shalt  }
0x87: {  	_ =	shalt  }
.Lfunc_end0:
.L_simem_size_0:
called_computation.1_lowered:
.L_overlay_start_0:
0x88: {  	s2 =	sld [smem:$0x3FD9]  }
0x89: {  	s3 =	sld [smem:$0x3FFE];
	_ =	sdelay $0x1  }
0x8a: {  	s1 =	srdreg.scid  }
0x8b: {  	s0 =	sand.u32 $0x1, s1  }
0x8c: {  	s16 =	sshll.u32 s0, $0xA;
	s2 =	sadd.s32 s3, s2  }
0x8d: {  	s2 =	sadd.s32 s2, s16  }
0x8e: {  	[smem:$0x3FBE] =	sst s2  }
0x8f: {  	_ = 	snop  }
0x90: {  	(tm) =	ssettm $0x1  }
0x91: {  	s17 =	sld [smem:$0x3FFB];
	_ =	sdelay $0x3  }
0x92: {  	_ =	strace s17  }
0x93: {  	s2 =	sld [smem:$0x3FFC];
	_ =	sdelay $0x3  }
0x94: {  	_ =	strace s2  }
0x95: {  	s2 =	sld [smem:$0x3FFD];
	_ =	sdelay $0x3  }
0x96: {  	_ =	strace s2  }
0x97: {  	_ =	strace $0x8FFFFFFF  }
0x98: {  	s18 =	sld [smem:$0x3FDB];
	_ =	sdelay $0x1  }
0x99: {  	s19 =	simm.s32 $_scs_section_size  }
0x9a: {  	s4 =	simm.s32 $_size__tile_overlayer_lowered;
	s5 =	simm.s32 $_tile_overlayer_lowered  }
0x9b: {  	s22 =	simm.s32 $0x1BFF;
	s21 =	sshll.u32 s5, $0x1;
	s2 =	sadd.s32 s19, s18  }
0x9c: {  	s6 =	simm.s32 $0x0;
	s20 =	sshll.u32 s4, $0x1;
	s4 =	sadd.s32 s21, s2  }
0x9d: {  	[timem:s6], [sflag:s22] =	dma.local [hbm:s4], s20  }
0x9e: {  	_ =	swait.ge [sflag:s22], s20  }
0x9f: {  	s3 =	ssub.s32 $0x0, s20;
	[sflag:s22] =	ssyncset.done $0x0  }
0xa0: {  	[sflag:s22] =	ssyncadd.s32 s3;
	_ =	sdelay $0x1  }
0xa1: {  	s23 =	simm.s32 $0x1B8B  }
0xa2: {  	_ =	swait.ge [sflag:s23], $0x1  }
0xa3: {  	[sflag:s23] =	ssyncset.done $0x0  }
0xa4: {  	s25 =	simm.s32 $0x1B8E;
	s24 =	sld [smem:$0x3FFE];
	[sflag:s23] =	ssyncadd.s32 $0xFFFFFFFF  }
0xa5: {  	s26 =	simm.s32 $execute0_lowered;
	[smem:$0x3FD2] =	sst s25  }
0xa6: {  	s4 =	sshll.u32 s26, $0x1;
	_ =	strace $0x80000049;
	[dreg:$0x1] =	wrdreg $0xFFFFFFFF  }
0xa7: {  	s28 =	simm.s32 $_size_execute0_lowered;
	s2 =	sadd.s32 s2, s4;
	[dreg:$0x0] =	wrdreg $0x0  }
0xa8: {  	s4 =	sshll.u32 s28, $0x1;
	[dreg:$0x2] =	wrdreg s2  }
0xa9: {  	[dreg:$0x3] =	wrdreg s4  }
0xaa: {  	[dreg:$0x4] =	wrdreg $0xC0  }
0xab: {  	_ =	task [dreg:s6], $0x5FFFF  }
0xac: {  	[dreg:$0x1] =	wrdreg $0xFFFFFFFF  }
0xad: {  	[dreg:$0x0] =	wrdreg $0x60  }
0xae: {  	[dreg:$0x2] =	wrdreg s24  }
0xaf: {  	[dreg:$0x3] =	wrdreg $0x14E000  }
0xb0: {  	[dreg:$0x4] =	wrdreg $0xFE000  }
0xb1: {  	[dreg:$0x5] =	wrdreg $0x9  }
0xb2: {  	_ =	task.clear_ibuf [dreg:s6], $0x6FFFF;
	_ =	strace $0x90000049  }
0xb3: {  	s29 =	simm.s32 $0x9;
	_ =	strace $0x8000004B  }
0xb4: {  	_ =	swait.ge [sflag:s29], $0x1  }
0xb5: {  	[sflag:s29] =	ssyncadd.s32 $0xFFFFFFFF  }
0xb6: {  	_ =	strace $0x9000004B  }
0xb7: {  	_ =	sfence  }
0xb8: {  	s30 =	sld [smem:$0x0];
	_ =	sdelay $0x2  }
0xb9: {  	s31 =	sshll.u32 s1, $0xD;
	s1 =	sshrl.u32 s1, $0x2  }
0xba: {  	s3 =	sand.u32 $0x4000, s31;
	s1 =	sadd.s32 s1, s30  }
0xbb: {  	s0 =	sor.u32 s3, s0;
	s1 =	sshll.u32 s1, $0x11  }
0xbc: {  	s0 =	sor.u32 s1, s0  }
0xbd: {  	s0 =	sadd.s32 $0x8F2B, s0  }
0xbe: {  	[sflag:s0] =	ssyncadd.remote.s32 $0x1  }
0xbf: {  	_ =	sfence.sel $0xFFFF  }
0xc0: {  	[dreg:$0x0] =	wrdreg $0xFFFFFFFF;
	(pc) =	sbr.abs _section_cstart, $3  }
0xc1: {  	[dreg:$0x1] =	wrdreg $0xFFFFFFFF  }
0xc2: {  	_ =	task.clear_ibuf [dreg:s6], $0x2FFFF;
	_ =	strace $0x9FFFFFFF  }
0xc3: {  	(tm) =	ssettm $0x7FFFFFFF  }
tec
execute0_lowered:
.L_overlay_start_1:
0x0: {  	(tag) =	ssettag $0x1  }
0x1: {  	s0 =	rddreg [dreg:$0x0]  }
0x2: {  	s1 =	rddreg [dreg:$0x1]  }
0x3: {  	s3 =	rddreg [dreg:$0x2];
	s4 =	simm.s32 $0x0  }
0x4: {  	s14 =	stileid.u32;
	s6 =	srdreg.scid;
	s15 =	simm.s32 $0x4F00  }
0x5: {  	s16 =	simm.s32 $0x80;
	s17 =	simm.s32 $0x9E00;
	s18 =	simm.s32 $0xAE00  }
0x6: {  	s20 =	simm.s32 $0xBE00;
	s22 =	simm.s32 $0xCE00;
	s24 =	simm.s32 $0xDE00  }
0x7: {  	s28 =	simm.s32 $0xEE00;
	s29 =	simm.s32 $0x2;
	s21 =	simm.s32 $0x4  }
0x8: {  	s30 =	simm.s32 $0x5;
	s19 =	simm.s32 $0x6;
	s2 =	smul.u32 $0x5000, s14  }
0x9: {  	[smem:$0x7FF] =	sst s4;
	s9 =	sadd.s32 $0x9F000, s0;
	s5 =	smul.u32 $0x9E0, s14  }
0xa: {  	s10 =	sadd.s32 $0x3B200, s0;
	s6 =	sand.u32 $0x1, s6;
	s12 =	sadd.s32 $0xBD000, s0  }
0xb: {  	s31 =	sshll.u32 s14, $0x6;
	_ =	strace $0x8000004A;
	s8 =	ssub.s32 $0x2, s6  }
0xc: {  	p0 =	seq.s32 s6, $0x0;
	s11 =	sshrl.u32 s2, $0x3;
	s7 =	sadd.s32 s5, s0  }
0xd: {  	s13 =	sshrl.u32 s8, $0x1;
	s26 =	sadd.s32 s2, s1;
	s2 =	sadd.s32 s2, s3  }
0xe: {  	s10 =	smov.u32 @p0 s9;
	s25 =	sadd.s32 s11, s0;
	s0 =	sadd.s32 $0xB3000, s0  }
0xf: {  	s8 =	ssub.s32 s8, s13;
	s6 =	sadd.s32 $0x45200, s7;
	s7 =	sadd.s32 $0x4400, s7  }
0x10: {  	s9 =	sadd.s32 s10, s11;
	s10 =	sor.u32 $0x1C07, s31;
	s13 =	simm.s32 $0x7  }
0x11: {  	s14 =	sshrl.u32 s2, $0x3;
	s5 =	sadd.s32 $0xA9000, s25;
	s8 =	smax.u32 s8, $0x1  }
0x12: {  	s0 =	smov.u32 @p0 s12;
	s12 =	sshrl.u32 s26, $0x3;
	s25 =	simm.s32 $0x1  }
0x13: {  	s26 =	simm.s32 $0x0;
	s11 =	sadd.s32 s0, s11;
	s0 =	simm.s32 $0x3  }
.LBB2_1:
0x14: {  	[spmem:s12], [sflag:s10] =	dma.local [hbm:s9], $0xA00  }
0x15: {  	_ =	swait.ge [sflag:s13], $0xA00  }
0x16: {  	[sflag:s13] =	ssyncset.done $0x0  }
0x17: {  	[sflag:s13] =	ssyncadd.s32 $0xFFFFF600  }
0x18: {  	[spmem:s14], [sflag:s10] =	dma.local [hbm:s5], $0xA00  }
0x19: {  	_ =	swait.ge [sflag:s13], $0xA00  }
0x1a: {  	[sflag:s13] =	ssyncset.done $0x0  }
0x1b: {  	[sflag:s13] =	ssyncadd.s32 $0xFFFFF600  }
0x1c: {  	[tilespmem:s4], [sflag:$0x7] =	stream.linear.gather [hbm4b:s6+s4], $0x4F00, $0x38;
	[tilespmem:$0x19E00] =	vst v63  }
0x1d: {  	_ =	swait.ge [sflag:s13], $0x4F00  }
0x1e: {  	[sflag:s13] =	ssyncset.done $0x0  }
0x1f: {  	[sflag:s13] =	ssyncadd.s32 $0xFFFFB100  }
0x20: {  	[tilespmem:s15], [sflag:$0x7] =	stream.linear.gather [hbm4b:s7+s4], $0x4F00, $0x38;
	[tilespmem:$0x19E00] =	vst v63  }
0x21: {  	_ =	swait.ge [sflag:s13], $0x4F00  }
0x22: {  	[sflag:s13] =	ssyncset.done $0x0  }
0x23: {  	[sflag:s13] =	ssyncadd.s32 $0xFFFFB100  }
0x24: {  	[bflag:$0x0] =	sbarrier.arrive $0xFFFF  }
0x25: {  	[tilespmem:s17], [sflag:$0x1] =	stream.indirect.gather [spmem:s1], $0x20, s4, s16, $0xb8;
	[tilespmem:$0x19E00] =	vst v63  }
0x26: {  	_ = 	snop  }
0x27: {  	[tilespmem:s18], [sflag:$0x2] =	stream.indirect.gather [spmem:s1], $0x20, s16, s16, $0xb8;
	[tilespmem:$0x19E00] =	vst v63  }
0x28: {  	s2 =	simm.s32 $0x100  }
0x29: {  	[tilespmem:s20], [sflag:$0x3] =	stream.indirect.gather [spmem:s1], $0x20, s2, s16, $0xb8;
	[tilespmem:$0x19E00] =	vst v63  }
0x2a: {  	s23 =	simm.s32 $0x180  }
0x2b: {  	[tilespmem:s22], [sflag:$0x4] =	stream.indirect.gather [spmem:s1], $0x20, s23, s16, $0xb8;
	[tilespmem:$0x19E00] =	vst v63  }
0x2c: {  	s23 =	simm.s32 $0x200  }
0x2d: {  	[tilespmem:s24], [sflag:$0x5] =	stream.indirect.gather [spmem:s1], $0x20, s23, s16, $0xb8;
	[tilespmem:$0x19E00] =	vst v63  }
0x2e: {  	_ =	swait.ge [sflag:s25], $0x1000  }
0x2f: {  	[sflag:s25] =	ssyncset.done $0x0  }
0x30: {  	[sflag:s25] =	ssyncadd.s32 $0xFFFFF000  }
0x31: {  	[spmem:s3] =	stream.indirect.scatter.add.f32 [tilespmem:s17], [sflag:$0x7], $0x20, s15, s16, $0xb8;
	[tilespmem:$0x19E00] =	vst v63  }
0x32: {  	_ =	swait.ge [sflag:s13], $0x1000  }
0x33: {  	[sflag:s13] =	ssyncset.done $0x0  }
0x34: {  	s23 =	simm.s32 $0x280;
	[sflag:s13] =	ssyncadd.s32 $0xFFFFF000  }
0x35: {  	[tilespmem:s28], [sflag:$0x6] =	stream.indirect.gather [spmem:s1], $0x20, s23, s16, $0xb8;
	[tilespmem:$0x19E00] =	vst v63  }
0x36: {  	_ =	swait.ge [sflag:s29], $0x1000  }
0x37: {  	[sflag:s29] =	ssyncset.done $0x0  }
0x38: {  	s23 =	simm.s32 $0x4F80;
	[sflag:s29] =	ssyncadd.s32 $0xFFFFF000  }
0x39: {  	[spmem:s3] =	stream.indirect.scatter.add.f32 [tilespmem:s18], [sflag:$0x7], $0x20, s23, s16, $0xb8;
	[tilespmem:$0x19E00] =	vst v63  }
0x3a: {  	_ =	swait.ge [sflag:s13], $0x1000  }
0x3b: {  	[sflag:s13] =	ssyncset.done $0x0  }
0x3c: {  	s23 =	simm.s32 $0x300;
	[sflag:s13] =	ssyncadd.s32 $0xFFFFF000  }
0x3d: {  	[tilespmem:s17], [sflag:$0x1] =	stream.indirect.gather [spmem:s1], $0x20, s23, s16, $0xb8;
	[tilespmem:$0x19E00] =	vst v63  }
0x3e: {  	_ =	swait.ge [sflag:s0], $0x1000  }
0x3f: {  	[sflag:s0] =	ssyncset.done $0x0  }
0x40: {  	s23 =	simm.s32 $0x5000;
	[sflag:s0] =	ssyncadd.s32 $0xFFFFF000  }
0x41: {  	[spmem:s3] =	stream.indirect.scatter.add.f32 [tilespmem:s20], [sflag:$0x7], $0x20, s23, s16, $0xb8;
	[tilespmem:$0x19E00] =	vst v63  }
0x42: {  	_ =	swait.ge [sflag:s13], $0x1000  }
0x43: {  	[sflag:s13] =	ssyncset.done $0x0  }
0x44: {  	s23 =	simm.s32 $0x380;
	[sflag:s13] =	ssyncadd.s32 $0xFFFFF000  }
0x45: {  	[tilespmem:s18], [sflag:$0x2] =	stream.indirect.gather [spmem:s1], $0x20, s23, s16, $0xb8;
	[tilespmem:$0x19E00] =	vst v63  }
0x46: {  	_ =	swait.ge [sflag:s21], $0x1000  }
0x47: {  	[sflag:s21] =	ssyncset.done $0x0  }
0x48: {  	s23 =	simm.s32 $0x5080;
	[sflag:s21] =	ssyncadd.s32 $0xFFFFF000  }
0x49: {  	[spmem:s3] =	stream.indirect.scatter.add.f32 [tilespmem:s22], [sflag:$0x7], $0x20, s23, s16, $0xb8;
	[tilespmem:$0x19E00] =	vst v63  }
0x4a: {  	_ =	swait.ge [sflag:s13], $0x1000  }
0x4b: {  	[sflag:s13] =	ssyncset.done $0x0  }
0x4c: {  	s23 =	simm.s32 $0x400;
	[sflag:s13] =	ssyncadd.s32 $0xFFFFF000  }
0x4d: {  	[tilespmem:s20], [sflag:$0x3] =	stream.indirect.gather [spmem:s1], $0x20, s23, s16, $0xb8;
	[tilespmem:$0x19E00] =	vst v63  }
0x4e: {  	_ =	swait.ge [sflag:s30], $0x1000  }
0x4f: {  	[sflag:s30] =	ssyncset.done $0x0  }
0x50: {  	s23 =	simm.s32 $0x5100;
	[sflag:s30] =	ssyncadd.s32 $0xFFFFF000  }
0x51: {  	[spmem:s3] =	stream.indirect.scatter.add.f32 [tilespmem:s24], [sflag:$0x7], $0x20, s23, s16, $0xb8;
	[tilespmem:$0x19E00] =	vst v63  }
0x52: {  	_ =	swait.ge [sflag:s13], $0x1000  }
0x53: {  	[sflag:s13] =	ssyncset.done $0x0  }
0x54: {  	s23 =	simm.s32 $0x480;
	[sflag:s13] =	ssyncadd.s32 $0xFFFFF000  }
0x55: {  	[tilespmem:s22], [sflag:$0x4] =	stream.indirect.gather [spmem:s1], $0x20, s23, s16, $0xb8;
	[tilespmem:$0x19E00] =	vst v63  }
0x56: {  	_ =	swait.ge [sflag:s19], $0x1000  }
0x57: {  	[sflag:s19] =	ssyncset.done $0x0  }
0x58: {  	s23 =	simm.s32 $0x5180;
	[sflag:s19] =	ssyncadd.s32 $0xFFFFF000  }
0x59: {  	[spmem:s3] =	stream.indirect.scatter.add.f32 [tilespmem:s28], [sflag:$0x7], $0x20, s23, s16, $0xb8;
	[tilespmem:$0x19E00] =	vst v63  }
0x5a: {  	_ =	swait.ge [sflag:s13], $0x1000  }
0x5b: {  	[sflag:s13] =	ssyncset.done $0x0  }
0x5c: {  	s23 =	simm.s32 $0x500;
	[sflag:s13] =	ssyncadd.s32 $0xFFFFF000  }
0x5d: {  	[tilespmem:s24], [sflag:$0x5] =	stream.indirect.gather [spmem:s1], $0x20, s23, s16, $0xb8;
	[tilespmem:$0x19E00] =	vst v63  }
0x5e: {  	_ =	swait.ge [sflag:s25], $0x1000  }
0x5f: {  	[sflag:s25] =	ssyncset.done $0x0  }
0x60: {  	s23 =	simm.s32 $0x5200;
	[sflag:s25] =	ssyncadd.s32 $0xFFFFF000  }
0x61: {  	[spmem:s3] =	stream.indirect.scatter.add.f32 [tilespmem:s17], [sflag:$0x7], $0x20, s23, s16, $0xb8;
	[tilespmem:$0x19E00] =	vst v63  }
0x62: {  	_ =	swait.ge [sflag:s13], $0x1000  }
0x63: {  	[sflag:s13] =	ssyncset.done $0x0  }
0x64: {  	s23 =	simm.s32 $0x580;
	[sflag:s13] =	ssyncadd.s32 $0xFFFFF000  }
0x65: {  	[tilespmem:s28], [sflag:$0x6] =	stream.indirect.gather [spmem:s1], $0x20, s23, s16, $0xb8;
	[tilespmem:$0x19E00] =	vst v63  }
0x66: {  	_ =	swait.ge [sflag:s29], $0x1000  }
0x67: {  	[sflag:s29] =	ssyncset.done $0x0  }
0x68: {  	s23 =	simm.s32 $0x5280;
	[sflag:s29] =	ssyncadd.s32 $0xFFFFF000  }
0x69: {  	[spmem:s3] =	stream.indirect.scatter.add.f32 [tilespmem:s18], [sflag:$0x7], $0x20, s23, s16, $0xb8;
	[tilespmem:$0x19E00] =	vst v63  }
0x6a: {  	_ =	swait.ge [sflag:s13], $0x1000  }
0x6b: {  	[sflag:s13] =	ssyncset.done $0x0  }
0x6c: {  	s23 =	simm.s32 $0x600;
	[sflag:s13] =	ssyncadd.s32 $0xFFFFF000  }
0x6d: {  	[tilespmem:s17], [sflag:$0x1] =	stream.indirect.gather [spmem:s1], $0x20, s23, s16, $0xb8;
	[tilespmem:$0x19E00] =	vst v63  }
0x6e: {  	_ =	swait.ge [sflag:s0], $0x1000  }
0x6f: {  	[sflag:s0] =	ssyncset.done $0x0  }
0x70: {  	s23 =	simm.s32 $0x5300;
	[sflag:s0] =	ssyncadd.s32 $0xFFFFF000  }
0x71: {  	[spmem:s3] =	stream.indirect.scatter.add.f32 [tilespmem:s20], [sflag:$0x7], $0x20, s23, s16, $0xb8;
	[tilespmem:$0x19E00] =	vst v63  }
0x72: {  	_ =	swait.ge [sflag:s13], $0x1000  }
0x73: {  	[sflag:s13] =	ssyncset.done $0x0  }
0x74: {  	s23 =	simm.s32 $0x680;
	[sflag:s13] =	ssyncadd.s32 $0xFFFFF000  }
0x75: {  	[tilespmem:s18], [sflag:$0x2] =	stream.indirect.gather [spmem:s1], $0x20, s23, s16, $0xb8;
	[tilespmem:$0x19E00] =	vst v63  }
0x76: {  	_ =	swait.ge [sflag:s21], $0x1000  }
0x77: {  	[sflag:s21] =	ssyncset.done $0x0  }
0x78: {  	s23 =	simm.s32 $0x5380;
	[sflag:s21] =	ssyncadd.s32 $0xFFFFF000  }
0x79: {  	[spmem:s3] =	stream.indirect.scatter.add.f32 [tilespmem:s22], [sflag:$0x7], $0x20, s23, s16, $0xb8;
	[tilespmem:$0x19E00] =	vst v63  }
0x7a: {  	_ =	swait.ge [sflag:s13], $0x1000  }
0x7b: {  	[sflag:s13] =	ssyncset.done $0x0  }
0x7c: {  	s23 =	simm.s32 $0x700;
	[sflag:s13] =	ssyncadd.s32 $0xFFFFF000  }
0x7d: {  	[tilespmem:s20], [sflag:$0x3] =	stream.indirect.gather [spmem:s1], $0x20, s23, s16, $0xb8;
	[tilespmem:$0x19E00] =	vst v63  }
0x7e: {  	_ =	swait.ge [sflag:s30], $0x1000  }
0x7f: {  	[sflag:s30] =	ssyncset.done $0x0  }
0x80: {  	s23 =	simm.s32 $0x5400;
	[sflag:s30] =	ssyncadd.s32 $0xFFFFF000  }
0x81: {  	[spmem:s3] =	stream.indirect.scatter.add.f32 [tilespmem:s24], [sflag:$0x7], $0x20, s23, s16, $0xb8;
	[tilespmem:$0x19E00] =	vst v63  }
0x82: {  	_ =	swait.ge [sflag:s13], $0x1000  }
0x83: {  	[sflag:s13] =	ssyncset.done $0x0  }
0x84: {  	s23 =	simm.s32 $0x780;
	[sflag:s13] =	ssyncadd.s32 $0xFFFFF000  }
0x85: {  	[tilespmem:s22], [sflag:$0x4] =	stream.indirect.gather [spmem:s1], $0x20, s23, s16, $0xb8;
	[tilespmem:$0x19E00] =	vst v63  }
0x86: {  	_ =	swait.ge [sflag:s19], $0x1000  }
0x87: {  	[sflag:s19] =	ssyncset.done $0x0  }
0x88: {  	s23 =	simm.s32 $0x5480;
	[sflag:s19] =	ssyncadd.s32 $0xFFFFF000  }
0x89: {  	[spmem:s3] =	stream.indirect.scatter.add.f32 [tilespmem:s28], [sflag:$0x7], $0x20, s23, s16, $0xb8;
	[tilespmem:$0x19E00] =	vst v63  }
0x8a: {  	_ =	swait.ge [sflag:s13], $0x1000  }
0x8b: {  	[sflag:s13] =	ssyncset.done $0x0  }
0x8c: {  	s31 =	simm.s32 $0xC00;
	s2 =	simm.s32 $0x800;
	[sflag:s13] =	ssyncadd.s32 $0xFFFFF000  }
.LBB2_2:
0x8d: {  	[tilespmem:s24], [sflag:$0x5] =	stream.indirect.gather [spmem:s1], $0x20, s2, s16, $0xb8;
	[tilespmem:$0x19E00] =	vst v63  }
0x8e: {  	s2 =	smov.u32 s31  }
0x8f: {  	p0 =	sne.s32 s31, $0x11400;
	s31 =	sadd.s32 $0xC00, s31;
	_ =	swait.ge [sflag:s25], $0x1000  }
0x90: {  	s2 =	sshra.s32 s2, $0x2;
	[sflag:s25] =	ssyncset.done $0x0  }
0x91: {  	s23 =	sadd.s32 $0x5200, s2;
	[sflag:s25] =	ssyncadd.s32 $0xFFFFF000  }
0x92: {  	[spmem:s3] =	stream.indirect.scatter.add.f32 [tilespmem:s17], [sflag:$0x7], $0x20, s23, s16, $0xb8;
	[tilespmem:$0x19E00] =	vst v63  }
0x93: {  	_ =	swait.ge [sflag:s13], $0x1000  }
0x94: {  	[sflag:s13] =	ssyncset.done $0x0  }
0x95: {  	s23 =	sadd.s32 $0x580, s2;
	[sflag:s13] =	ssyncadd.s32 $0xFFFFF000  }
0x96: {  	[tilespmem:s28], [sflag:$0x6] =	stream.indirect.gather [spmem:s1], $0x20, s23, s16, $0xb8;
	[tilespmem:$0x19E00] =	vst v63  }
0x97: {  	_ =	swait.ge [sflag:s29], $0x1000  }
0x98: {  	[sflag:s29] =	ssyncset.done $0x0  }
0x99: {  	s23 =	sadd.s32 $0x5280, s2;
	[sflag:s29] =	ssyncadd.s32 $0xFFFFF000  }
0x9a: {  	[spmem:s3] =	stream.indirect.scatter.add.f32 [tilespmem:s18], [sflag:$0x7], $0x20, s23, s16, $0xb8;
	[tilespmem:$0x19E00] =	vst v63  }
0x9b: {  	_ =	swait.ge [sflag:s13], $0x1000  }
0x9c: {  	[sflag:s13] =	ssyncset.done $0x0  }
0x9d: {  	s23 =	sadd.s32 $0x600, s2;
	[sflag:s13] =	ssyncadd.s32 $0xFFFFF000  }
0x9e: {  	[tilespmem:s17], [sflag:$0x1] =	stream.indirect.gather [spmem:s1], $0x20, s23, s16, $0xb8;
	[tilespmem:$0x19E00] =	vst v63  }
0x9f: {  	_ =	swait.ge [sflag:s0], $0x1000  }
0xa0: {  	[sflag:s0] =	ssyncset.done $0x0  }
0xa1: {  	s23 =	sadd.s32 $0x5300, s2;
	[sflag:s0] =	ssyncadd.s32 $0xFFFFF000  }
0xa2: {  	[spmem:s3] =	stream.indirect.scatter.add.f32 [tilespmem:s20], [sflag:$0x7], $0x20, s23, s16, $0xb8;
	[tilespmem:$0x19E00] =	vst v63  }
0xa3: {  	_ =	swait.ge [sflag:s13], $0x1000  }
0xa4: {  	[sflag:s13] =	ssyncset.done $0x0  }
0xa5: {  	s23 =	sadd.s32 $0x680, s2;
	[sflag:s13] =	ssyncadd.s32 $0xFFFFF000  }
0xa6: {  	[tilespmem:s18], [sflag:$0x2] =	stream.indirect.gather [spmem:s1], $0x20, s23, s16, $0xb8;
	[tilespmem:$0x19E00] =	vst v63  }
0xa7: {  	_ =	swait.ge [sflag:s21], $0x1000  }
0xa8: {  	[sflag:s21] =	ssyncset.done $0x0  }
0xa9: {  	s23 =	sadd.s32 $0x5380, s2;
	[sflag:s21] =	ssyncadd.s32 $0xFFFFF000  }
0xaa: {  	[spmem:s3] =	stream.indirect.scatter.add.f32 [tilespmem:s22], [sflag:$0x7], $0x20, s23, s16, $0xb8;
	[tilespmem:$0x19E00] =	vst v63  }
0xab: {  	_ =	swait.ge [sflag:s13], $0x1000  }
0xac: {  	[sflag:s13] =	ssyncset.done $0x0  }
0xad: {  	s23 =	sadd.s32 $0x700, s2;
	[sflag:s13] =	ssyncadd.s32 $0xFFFFF000  }
0xae: {  	[tilespmem:s20], [sflag:$0x3] =	stream.indirect.gather [spmem:s1], $0x20, s23, s16, $0xb8;
	[tilespmem:$0x19E00] =	vst v63  }
0xaf: {  	_ =	swait.ge [sflag:s30], $0x1000  }
0xb0: {  	[sflag:s30] =	ssyncset.done $0x0  }
0xb1: {  	s23 =	sadd.s32 $0x5400, s2;
	[sflag:s30] =	ssyncadd.s32 $0xFFFFF000  }
0xb2: {  	[spmem:s3] =	stream.indirect.scatter.add.f32 [tilespmem:s24], [sflag:$0x7], $0x20, s23, s16, $0xb8;
	[tilespmem:$0x19E00] =	vst v63  }
0xb3: {  	_ =	swait.ge [sflag:s13], $0x1000  }
0xb4: {  	[sflag:s13] =	ssyncset.done $0x0  }
0xb5: {  	s23 =	sadd.s32 $0x780, s2;
	[sflag:s13] =	ssyncadd.s32 $0xFFFFF000  }
0xb6: {  	[tilespmem:s22], [sflag:$0x4] =	stream.indirect.gather [spmem:s1], $0x20, s23, s16, $0xb8;
	[tilespmem:$0x19E00] =	vst v63  }
0xb7: {  	_ =	swait.ge [sflag:s19], $0x1000  }
0xb8: {  	[sflag:s19] =	ssyncset.done $0x0  }
.Ltmp0:
0xb9: {  	s23 =	sadd.s32 $0x5480, s2;
	[sflag:s19] =	ssyncadd.s32 $0xFFFFF000;
	(pc) =	sbr.rel @p0 .LBB2_2-.Ltmp0, $4  }
0xba: {  	[spmem:s3] =	stream.indirect.scatter.add.f32 [tilespmem:s28], [sflag:$0x7], $0x20, s23, s16, $0xb8;
	[tilespmem:$0x19E00] =	vst v63  }
0xbb: {  	_ =	swait.ge [sflag:s13], $0x1000  }
0xbc: {  	[sflag:s13] =	ssyncset.done $0x0  }
0xbd: {  	s2 =	sadd.s32 $0x800, s2;
	[sflag:s13] =	ssyncadd.s32 $0xFFFFF000  }
0xbe: {  	[tilespmem:s24], [sflag:$0x5] =	stream.indirect.gather [spmem:s1], $0x20, s2, s16, $0xb8;
	[tilespmem:$0x19E00] =	vst v63  }
0xbf: {  	_ =	swait.ge [sflag:s25], $0x1000  }
0xc0: {  	[sflag:s25] =	ssyncset.done $0x0  }
0xc1: {  	s31 =	simm.s32 $0x9A00;
	[sflag:s25] =	ssyncadd.s32 $0xFFFFF000  }
0xc2: {  	[spmem:s3] =	stream.indirect.scatter.add.f32 [tilespmem:s17], [sflag:$0x7], $0x20, s31, s16, $0xb8;
	[tilespmem:$0x19E00] =	vst v63  }
0xc3: {  	_ =	swait.ge [sflag:s13], $0x1000  }
0xc4: {  	[sflag:s13] =	ssyncset.done $0x0  }
0xc5: {  	s23 =	simm.s32 $0x4D80;
	[sflag:s13] =	ssyncadd.s32 $0xFFFFF000  }
0xc6: {  	[tilespmem:s28], [sflag:$0x6] =	stream.indirect.gather [spmem:s1], $0x20, s23, s16, $0xb8;
	[tilespmem:$0x19E00] =	vst v63  }
0xc7: {  	_ =	swait.ge [sflag:s29], $0x1000  }
0xc8: {  	[sflag:s29] =	ssyncset.done $0x0  }
0xc9: {  	s31 =	simm.s32 $0x9A80;
	[sflag:s29] =	ssyncadd.s32 $0xFFFFF000  }
0xca: {  	[spmem:s3] =	stream.indirect.scatter.add.f32 [tilespmem:s18], [sflag:$0x7], $0x20, s31, s16, $0xb8;
	[tilespmem:$0x19E00] =	vst v63  }
0xcb: {  	_ =	swait.ge [sflag:s13], $0x1000  }
0xcc: {  	[sflag:s13] =	ssyncset.done $0x0  }
0xcd: {  	s23 =	simm.s32 $0x4E00;
	[sflag:s13] =	ssyncadd.s32 $0xFFFFF000  }
0xce: {  	[tilespmem:s17], [sflag:$0x1] =	stream.indirect.gather [spmem:s1], $0x20, s23, s16, $0xb8;
	[tilespmem:$0x19E00] =	vst v63  }
0xcf: {  	_ =	swait.ge [sflag:s0], $0x1000  }
0xd0: {  	[sflag:s0] =	ssyncset.done $0x0  }
0xd1: {  	s31 =	simm.s32 $0x9B00;
	[sflag:s0] =	ssyncadd.s32 $0xFFFFF000  }
0xd2: {  	[spmem:s3] =	stream.indirect.scatter.add.f32 [tilespmem:s20], [sflag:$0x7], $0x20, s31, s16, $0xb8;
	[tilespmem:$0x19E00] =	vst v63  }
0xd3: {  	_ =	swait.ge [sflag:s13], $0x1000  }
0xd4: {  	[sflag:s13] =	ssyncset.done $0x0  }
0xd5: {  	s23 =	simm.s32 $0x4E80;
	[sflag:s13] =	ssyncadd.s32 $0xFFFFF000  }
0xd6: {  	[tilespmem:s18], [sflag:$0x2] =	stream.indirect.gather [spmem:s1], $0x20, s23, s16, $0xb8;
	[tilespmem:$0x19E00] =	vst v63  }
0xd7: {  	_ =	swait.ge [sflag:s21], $0x1000  }
0xd8: {  	[sflag:s21] =	ssyncset.done $0x0  }
0xd9: {  	s31 =	simm.s32 $0x9B80;
	[sflag:s21] =	ssyncadd.s32 $0xFFFFF000  }
0xda: {  	[spmem:s3] =	stream.indirect.scatter.add.f32 [tilespmem:s22], [sflag:$0x7], $0x20, s31, s16, $0xb8;
	[tilespmem:$0x19E00] =	vst v63  }
0xdb: {  	_ =	swait.ge [sflag:s13], $0x1000  }
0xdc: {  	[sflag:s13] =	ssyncset.done $0x0  }
0xdd: {  	[sflag:s13] =	ssyncadd.s32 $0xFFFFF000  }
0xde: {  	_ =	swait.ge [sflag:s30], $0x1000  }
0xdf: {  	[sflag:s30] =	ssyncset.done $0x0  }
0xe0: {  	s23 =	simm.s32 $0x9C00;
	[sflag:s30] =	ssyncadd.s32 $0xFFFFF000  }
0xe1: {  	[spmem:s3] =	stream.indirect.scatter.add.f32 [tilespmem:s24], [sflag:$0x7], $0x20, s23, s16, $0xb8;
	[tilespmem:$0x19E00] =	vst v63  }
0xe2: {  	_ =	swait.ge [sflag:s13], $0x1000  }
0xe3: {  	[sflag:s13] =	ssyncset.done $0x0  }
0xe4: {  	[sflag:s13] =	ssyncadd.s32 $0xFFFFF000  }
0xe5: {  	_ =	swait.ge [sflag:s19], $0x1000  }
0xe6: {  	[sflag:s19] =	ssyncset.done $0x0  }
0xe7: {  	s31 =	simm.s32 $0x9C80;
	[sflag:s19] =	ssyncadd.s32 $0xFFFFF000  }
0xe8: {  	[spmem:s3] =	stream.indirect.scatter.add.f32 [tilespmem:s28], [sflag:$0x7], $0x20, s31, s16, $0xb8;
	[tilespmem:$0x19E00] =	vst v63  }
0xe9: {  	_ =	swait.ge [sflag:s13], $0x1000  }
0xea: {  	[sflag:s13] =	ssyncset.done $0x0  }
0xeb: {  	[sflag:s13] =	ssyncadd.s32 $0xFFFFF000  }
0xec: {  	_ =	swait.ge [sflag:s25], $0x1000  }
0xed: {  	[sflag:s25] =	ssyncset.done $0x0  }
0xee: {  	s23 =	simm.s32 $0x9D00;
	[sflag:s25] =	ssyncadd.s32 $0xFFFFF000  }
0xef: {  	[spmem:s3] =	stream.indirect.scatter.add.f32 [tilespmem:s17], [sflag:$0x7], $0x20, s23, s16, $0xb8;
	[tilespmem:$0x19E00] =	vst v63  }
0xf0: {  	_ =	swait.ge [sflag:s13], $0x1000  }
0xf1: {  	[sflag:s13] =	ssyncset.done $0x0  }
0xf2: {  	[sflag:s13] =	ssyncadd.s32 $0xFFFFF000  }
0xf3: {  	_ =	swait.ge [sflag:s29], $0x1000  }
0xf4: {  	[sflag:s29] =	ssyncset.done $0x0  }
0xf5: {  	s31 =	simm.s32 $0x9D80;
	[sflag:s29] =	ssyncadd.s32 $0xFFFFF000  }
0xf6: {  	[spmem:s3] =	stream.indirect.scatter.add.f32 [tilespmem:s18], [sflag:$0x7], $0x20, s31, s16, $0xb8;
	[tilespmem:$0x19E00] =	vst v63  }
0xf7: {  	_ =	swait.ge [sflag:s13], $0x1000  }
0xf8: {  	s26 =	sadd.s32 $0x1, s26;
	[sflag:s13] =	ssyncset.done $0x0  }
0xf9: {  	p0 =	sne.s32 s26, s8;
	[sflag:s13] =	ssyncadd.s32 $0xFFFFF000  }
.Ltmp1:
0xfa: {  	[bflag:$0x0] =	sbarrier.arrive $0xFFFF;
	(pc) =	sbr.rel @p0 .LBB2_1-.Ltmp1, $4  }
0xfb: {  	[hbm:s11], [sflag:s10] =	dma.local [spmem:s14], $0xA00  }
0xfc: {  	_ =	swait.ge [sflag:s13], $0xA00  }
0xfd: {  	[sflag:s13] =	ssyncset.done $0x0  }
0xfe: {  	[sflag:s13] =	ssyncadd.s32 $0xFFFFF600  }
0xff: {  	_ =	sfence.sel $0x180000  }
0x100: {  	[bflag:$0x0] =	sbarrier.arrive $0xFFFF  }
0x101: {  	_ =	strace $0x9000004A  }
0x102: {  	s0 =	stileid.u32;
	[bflag:$0x2] =	sbarrier.arrive $0xFFFF  }
0x103: {  	p0 =	sne.s32 s0, $0x0;
	s0 =	rddreg [dreg:$0x3]  }
0x104: {  	s0 =	sadd.s32 @!p0 $0x100000, s0  }
0x105: {  	[sflag:s0] =	ssyncadd.tile.s32 @!p0 $0x1;
	_ =	shalt  }
.Lfunc_end2:
_tile_overlayer_lowered:
.L_overlay_start_2:
0x106: {  	(tag) =	ssettag $0x2  }
0x107: {  	s0 =	rddreg [dreg:$0x0];
	s2 =	stileid.u32  }
0x108: {  	s1 =	rddreg [dreg:$0x1];
	p0 =	sne.s32 s2, $0x0  }
0x109: {  	s3 =	rddreg [dreg:$0x2];
	[bflag:$0x3] =	sbarrier.arrive $0xFFFF;
	s2 =	simm.s32 @!p0 $0x1C07  }
0x10a: {  	[timem:s3], [sflag:s2] =	dma.local @!p0 [hbm:s0], s1  }
0x10b: {  	s0 =	simm.s32 @!p0 $0x7  }
0x10c: {  	_ =	swait.ge @!p0 [sflag:s0], s1  }
0x10d: {  	s1 =	ssub.s32 @!p0 $0x0, s1;
	[sflag:s0] =	ssyncset.done @!p0 $0x0  }
0x10e: {  	[sflag:s0] =	ssyncadd.s32 @!p0 s1  }
0x10f: {  	[bflag:$0x3] =	sbarrier.arrive $0xFFFF  }
0x110: {  	_ =	shalt  }

// kernel: kernel.16.cloned.1.call-start
scs
__scs_entry_jumppad:
0x0: {  	(pc) =	sbr.rel $0x88, $3  }
0x1: {  	(tag) =	ssettag $0x0;
	lr =	simm.s32 $0x1  }
0x2: {  	[smem:$0x3F97] =	sst lr;
	_ =	strace $0xD0000000  }
0x3: {  	_ = 	snop  }
0x4: {  	_ = 	snop  }
0x5: {  	_ = 	snop  }
0x6: {  	_ = 	snop  }
0x7: {  	_ = 	snop  }
__scs_overlays_trampoline_lowered:
0x8: {  	[smem:$0x3FA6] =	sst s0  }
0x9: {  	[smem:$0x3FA7] =	sst s1  }
0xa: {  	[smem:$0x3FA8] =	sst s2  }
0xb: {  	[smem:$0x3FA9] =	sst s3  }
0xc: {  	[smem:$0x3FAA] =	sst s4  }
0xd: {  	[smem:$0x3FAB] =	sst s5  }
0xe: {  	[smem:$0x3FAC] =	sst s6  }
0xf: {  	[smem:$0x3FAD] =	sst s7  }
0x10: {  	[smem:$0x3FAE] =	sst s8  }
0x11: {  	[smem:$0x3FAF] =	sst s9;
	s0 =	simm.s32 @!p0 $0x0  }
0x12: {  	s1 =	sld [smem:$0x3F95];
	s0 =	simm.s32 @p0 $0x1  }
0x13: {  	[smem:$0x3FB0] =	sst s0;
	s0 =	simm.s32 @!p1 $0x0  }
0x14: {  	s2 =	sld [smem:$0x3F94];
	s0 =	simm.s32 @p1 $0x1  }
0x15: {  	[smem:$0x3FB1] =	sst s0;
	s0 =	simm.s32 @!p2 $0x0  }
0x16: {  	s3 =	sld [smem:$0x3FDB];
	s0 =	simm.s32 @p2 $0x1  }
0x17: {  	s4 =	simm.s32 $0x1BF5;
	[smem:$0x3FB3] =	sst s0  }
0x18: {  	s0 =	sld [smem:$0x3F96];
	_ =	swait.ge [sflag:s4], $0x0  }
0x19: {  	s7 =	sld [smem:$0x3F97]  }
0x1a: {  	s8 =	sadd.s32 $0xFFFFE003, lr  }
0x1b: {  	s9 =	sadd.s32 $0xFFFFFEF7, lr;
	s5 =	simm.s32 $0xFFFFFFFF;
	p2 =	slt.u32 s8, $0xFFFFF086  }
0x1c: {  	p1 =	slt.u32 s9, $0xF7A;
	s5 =	simm.s32 @!p2 $0x0  }
0x1d: {  	s5 =	simm.s32 @p1 $0x1;
	p0 =	seq.s32 s7, s2  }
0x1e: {  	s7 =	smul.u32 @!p0 $0xF7A, s2;
	p2 =	seq.s32 @!p0 s5, $0x0  }
0x1f: {  	s9 =	smul.u32 $0xF7A, s1;
	s8 =	simm.s32 @!p0 $0x1BF5;
	p2 =	por !p2, p0  }
0x20: {  	[sflag:s8] =	ssyncset.s32 @!p0 $0xFFFFF086;
	s6 =	sadd.s32 @!p0 s3, s7;
	s7 =	simm.s32 @!p0 $0x108  }
0x21: {  	s3 =	sadd.s32 s3, s9;
	s6 =	sadd.s32 @!p0 $0x88, s6;
	s7 =	simm.s32 @p2 $0x1082  }
0x22: {  	[simem:s7], [sflag:s8] =	dma.local @!p0 [hbm:s6], $0xF7A  }
0x23: {  	s9 =	sor.u32 $0xD0000000, s2;
	s6 =	simm.s32 $0x108;
	_ =	swait.ge @!p0 [sflag:s8], $0x0  }
0x24: {  	s3 =	sadd.s32 $0x88, s3;
	s6 =	simm.s32 @!p1 $0x1082;
	[sflag:s4] =	ssyncset.s32 $0xFFFFF086  }
0x25: {  	[simem:s6], [sflag:s4] =	dma.local [hbm:s3], $0xF7A  }
0x26: {  	[smem:$0x3F97] =	sst s1;
	(tag) =	ssettag s2;
	_ =	strace s9  }
0x27: {  	s1 =	sld [smem:$0x3FA7]  }
0x28: {  	s2 =	sld [smem:$0x3FA8]  }
0x29: {  	s4 =	sld [smem:$0x3FAA]  }
0x2a: {  	p0 =	seq.s32 s5, $0x0;
	s5 =	sld [smem:$0x3FAB]  }
0x2b: {  	s6 =	sld [smem:$0x3FAC]  }
0x2c: {  	s7 =	sld [smem:$0x3FAD]  }
0x2d: {  	s3 =	simm.s32 $0x108;
	s8 =	sld [smem:$0x3FAE]  }
0x2e: {  	s3 =	simm.s32 @!p0 $0x1082;
	s9 =	sld [smem:$0x3FAF]  }
0x2f: {  	lr =	sadd.s32 s0, s3;
	s0 =	sld [smem:$0x3FA6]  }
0x30: {  	s3 =	sld [smem:$0x3FA9]  }
0x31: {  	[smem:$0x3FB2] =	sst s10  }
0x32: {  	s10 =	sld [smem:$0x3FB0];
	_ =	sdelay $0x3  }
0x33: {  	p0 =	seq.s32 s10, $0x1;
	s10 =	sld [smem:$0x3FB2];
	_ =	sdelay $0x3  }
0x34: {  	[smem:$0x3FB2] =	sst s10  }
0x35: {  	s10 =	sld [smem:$0x3FB1];
	_ =	sdelay $0x3  }
0x36: {  	p1 =	seq.s32 s10, $0x1;
	s10 =	sld [smem:$0x3FB2];
	_ =	sdelay $0x3  }
0x37: {  	[smem:$0x3FB2] =	sst s10  }
0x38: {  	s10 =	sld [smem:$0x3FB3]  }
0x39: {  	_ = 	snop;
	(pc) =	sbr.ind lr, $3  }
0x3a: {  	_ = 	snop  }
0x3b: {  	_ = 	snop  }
0x3c: {  	p2 =	seq.s32 s10, $0x1;
	s10 =	sld [smem:$0x3FB2]  }
0x3d: {  	_ =	shalt  }
0x3e: {  	_ =	shalt  }
0x3f: {  	_ =	shalt  }
0x40: {  	_ =	shalt  }
0x41: {  	_ =	shalt  }
0x42: {  	_ =	shalt  }
0x43: {  	_ =	shalt  }
0x44: {  	_ =	shalt  }
0x45: {  	_ =	shalt  }
0x46: {  	_ =	shalt  }
0x47: {  	_ =	shalt  }
0x48: {  	_ =	shalt  }
0x49: {  	_ =	shalt  }
0x4a: {  	_ =	shalt  }
0x4b: {  	_ =	shalt  }
0x4c: {  	_ =	shalt  }
0x4d: {  	_ =	shalt  }
0x4e: {  	_ =	shalt  }
0x4f: {  	_ =	shalt  }
0x50: {  	_ =	shalt  }
0x51: {  	_ =	shalt  }
0x52: {  	_ =	shalt  }
0x53: {  	_ =	shalt  }
0x54: {  	_ =	shalt  }
0x55: {  	_ =	shalt  }
0x56: {  	_ =	shalt  }
0x57: {  	_ =	shalt  }
0x58: {  	_ =	shalt  }
0x59: {  	_ =	shalt  }
0x5a: {  	_ =	shalt  }
0x5b: {  	_ =	shalt  }
0x5c: {  	_ =	shalt  }
0x5d: {  	_ =	shalt  }
0x5e: {  	_ =	shalt  }
0x5f: {  	_ =	shalt  }
0x60: {  	_ =	shalt  }
0x61: {  	_ =	shalt  }
0x62: {  	_ =	shalt  }
0x63: {  	_ =	shalt  }
0x64: {  	_ =	shalt  }
0x65: {  	_ =	shalt  }
0x66: {  	_ =	shalt  }
0x67: {  	_ =	shalt  }
0x68: {  	_ =	shalt  }
0x69: {  	_ =	shalt  }
0x6a: {  	_ =	shalt  }
0x6b: {  	_ =	shalt  }
0x6c: {  	_ =	shalt  }
0x6d: {  	_ =	shalt  }
0x6e: {  	_ =	shalt  }
0x6f: {  	_ =	shalt  }
0x70: {  	_ =	shalt  }
0x71: {  	_ =	shalt  }
0x72: {  	_ =	shalt  }
0x73: {  	_ =	shalt  }
0x74: {  	_ =	shalt  }
0x75: {  	_ =	shalt  }
0x76: {  	_ =	shalt  }
0x77: {  	_ =	shalt  }
0x78: {  	_ =	shalt  }
0x79: {  	_ =	shalt  }
0x7a: {  	_ =	shalt  }
0x7b: {  	_ =	shalt  }
0x7c: {  	_ =	shalt  }
0x7d: {  	_ =	shalt  }
0x7e: {  	_ =	shalt  }
0x7f: {  	_ =	shalt  }
0x80: {  	_ =	shalt  }
0x81: {  	_ =	shalt  }
0x82: {  	_ =	shalt  }
0x83: {  	_ =	shalt  }
0x84: {  	_ =	shalt  }
0x85: {  	_ =	shalt  }
0x86: {  	_ =	shalt  }
0x87: {  	_ =	shalt  }
.Lfunc_end0:
.L_simem_size_0:
called_computation.2_lowered:
.L_overlay_start_0:
0x88: {  	s2 =	sld [smem:$0x3FD9]  }
0x89: {  	s3 =	sld [smem:$0x3FFE];
	_ =	sdelay $0x1  }
0x8a: {  	s1 =	srdreg.scid  }
0x8b: {  	s0 =	sand.u32 $0x1, s1  }
0x8c: {  	s16 =	sshll.u32 s0, $0xA;
	s2 =	sadd.s32 s3, s2  }
0x8d: {  	s2 =	sadd.s32 s2, s16  }
0x8e: {  	[smem:$0x3FBE] =	sst s2  }
0x8f: {  	_ = 	snop  }
0x90: {  	(tm) =	ssettm $0x1  }
0x91: {  	s17 =	sld [smem:$0x3FFB];
	_ =	sdelay $0x3  }
0x92: {  	_ =	strace s17  }
0x93: {  	s2 =	sld [smem:$0x3FFC];
	_ =	sdelay $0x3  }
0x94: {  	_ =	strace s2  }
0x95: {  	s2 =	sld [smem:$0x3FFD];
	_ =	sdelay $0x3  }
0x96: {  	_ =	strace s2  }
0x97: {  	_ =	strace $0x8FFFFFFF  }
0x98: {  	s18 =	sld [smem:$0x3FDB];
	_ =	sdelay $0x1  }
0x99: {  	s19 =	simm.s32 $_scs_section_size  }
0x9a: {  	s4 =	simm.s32 $_size__tile_overlayer_lowered;
	s5 =	simm.s32 $_tile_overlayer_lowered  }
0x9b: {  	s22 =	simm.s32 $0x1BFF;
	s21 =	sshll.u32 s5, $0x1;
	s2 =	sadd.s32 s19, s18  }
0x9c: {  	s6 =	simm.s32 $0x0;
	s20 =	sshll.u32 s4, $0x1;
	s4 =	sadd.s32 s21, s2  }
0x9d: {  	[timem:s6], [sflag:s22] =	dma.local [hbm:s4], s20  }
0x9e: {  	_ =	swait.ge [sflag:s22], s20  }
0x9f: {  	s3 =	ssub.s32 $0x0, s20;
	[sflag:s22] =	ssyncset.done $0x0  }
0xa0: {  	[sflag:s22] =	ssyncadd.s32 s3;
	_ =	sdelay $0x1  }
0xa1: {  	s23 =	simm.s32 $0x1B8B  }
0xa2: {  	_ =	swait.ge [sflag:s23], $0x1  }
0xa3: {  	[sflag:s23] =	ssyncset.done $0x0  }
0xa4: {  	s25 =	simm.s32 $0x1B8E;
	s24 =	sld [smem:$0x3FFE];
	[sflag:s23] =	ssyncadd.s32 $0xFFFFFFFF  }
0xa5: {  	s26 =	simm.s32 $execute0_lowered;
	[smem:$0x3FD2] =	sst s25  }
0xa6: {  	s4 =	sshll.u32 s26, $0x1;
	_ =	strace $0x8000004C;
	[dreg:$0x1] =	wrdreg $0xFFFFFFFF  }
0xa7: {  	s28 =	simm.s32 $_size_execute0_lowered;
	s2 =	sadd.s32 s2, s4;
	[dreg:$0x0] =	wrdreg $0x0  }
0xa8: {  	s4 =	sshll.u32 s28, $0x1;
	[dreg:$0x2] =	wrdreg s2  }
0xa9: {  	[dreg:$0x3] =	wrdreg s4  }
0xaa: {  	[dreg:$0x4] =	wrdreg $0xC0  }
0xab: {  	_ =	task [dreg:s6], $0x5FFFF  }
0xac: {  	[dreg:$0x1] =	wrdreg $0xFFFFFFFF  }
0xad: {  	[dreg:$0x0] =	wrdreg $0x60  }
0xae: {  	[dreg:$0x2] =	wrdreg s24  }
0xaf: {  	[dreg:$0x3] =	wrdreg $0xF6000  }
0xb0: {  	[dreg:$0x4] =	wrdreg $0xCE000  }
0xb1: {  	[dreg:$0x5] =	wrdreg $0x9  }
0xb2: {  	_ =	task.clear_ibuf [dreg:s6], $0x6FFFF;
	_ =	strace $0x9000004C  }
0xb3: {  	s29 =	simm.s32 $0x9;
	_ =	strace $0x8000004E  }
0xb4: {  	_ =	swait.ge [sflag:s29], $0x1  }
0xb5: {  	[sflag:s29] =	ssyncadd.s32 $0xFFFFFFFF  }
0xb6: {  	_ =	strace $0x9000004E  }
0xb7: {  	_ =	sfence  }
0xb8: {  	s30 =	sld [smem:$0x0];
	_ =	sdelay $0x2  }
0xb9: {  	s31 =	sshll.u32 s1, $0xD;
	s1 =	sshrl.u32 s1, $0x2  }
0xba: {  	s3 =	sand.u32 $0x4000, s31;
	s1 =	sadd.s32 s1, s30  }
0xbb: {  	s0 =	sor.u32 s3, s0;
	s1 =	sshll.u32 s1, $0x11  }
0xbc: {  	s0 =	sor.u32 s1, s0  }
0xbd: {  	s0 =	sadd.s32 $0x8F2B, s0  }
0xbe: {  	[sflag:s0] =	ssyncadd.remote.s32 $0x1  }
0xbf: {  	_ =	sfence.sel $0xFFFF  }
0xc0: {  	[dreg:$0x0] =	wrdreg $0xFFFFFFFF;
	(pc) =	sbr.abs _section_cstart, $3  }
0xc1: {  	[dreg:$0x1] =	wrdreg $0xFFFFFFFF  }
0xc2: {  	_ =	task.clear_ibuf [dreg:s6], $0x2FFFF;
	_ =	strace $0x9FFFFFFF  }
0xc3: {  	(tm) =	ssettm $0x7FFFFFFF  }
tec
execute0_lowered:
.L_overlay_start_1:
0x0: {  	(tag) =	ssettag $0x1  }
0x1: {  	s0 =	rddreg [dreg:$0x0]  }
0x2: {  	s1 =	rddreg [dreg:$0x1]  }
0x3: {  	s3 =	rddreg [dreg:$0x2];
	s4 =	simm.s32 $0x0  }
0x4: {  	s14 =	stileid.u32;
	s6 =	srdreg.scid;
	s15 =	simm.s32 $0x4F00  }
0x5: {  	s16 =	simm.s32 $0x80;
	s17 =	simm.s32 $0x9E00;
	s18 =	simm.s32 $0xA600  }
0x6: {  	s20 =	simm.s32 $0xAE00;
	s22 =	simm.s32 $0xB600;
	s24 =	simm.s32 $0xBE00  }
0x7: {  	s28 =	simm.s32 $0xC600;
	s29 =	simm.s32 $0x2;
	s21 =	simm.s32 $0x4  }
0x8: {  	s30 =	simm.s32 $0x5;
	s19 =	simm.s32 $0x6;
	s2 =	smul.u32 $0x2800, s14  }
0x9: {  	[smem:$0x7FF] =	sst s4;
	s9 =	sadd.s32 $0x40200, s0;
	s5 =	smul.u32 $0x9E0, s14  }
0xa: {  	s10 =	sadd.s32 $0x3B200, s0;
	s6 =	sand.u32 $0x1, s6;
	s12 =	sadd.s32 $0xCC000, s0  }
0xb: {  	s31 =	sshll.u32 s14, $0x6;
	_ =	strace $0x8000004D;
	s8 =	ssub.s32 $0x2, s6  }
0xc: {  	p0 =	seq.s32 s6, $0x0;
	s11 =	sshrl.u32 s2, $0x3;
	s7 =	sadd.s32 s5, s0  }
0xd: {  	s13 =	sshrl.u32 s8, $0x1;
	s26 =	sadd.s32 s2, s1;
	s2 =	sadd.s32 s2, s3  }
0xe: {  	s10 =	smov.u32 @p0 s9;
	s25 =	sadd.s32 s11, s0;
	s0 =	sadd.s32 $0xC7000, s0  }
0xf: {  	s8 =	ssub.s32 s8, s13;
	s6 =	sadd.s32 $0x45200, s7;
	s7 =	sadd.s32 $0x4400, s7  }
0x10: {  	s9 =	sadd.s32 s10, s11;
	s10 =	sor.u32 $0x1C07, s31;
	s13 =	simm.s32 $0x7  }
0x11: {  	s14 =	sshrl.u32 s2, $0x3;
	s5 =	sadd.s32 $0xE200, s25;
	s8 =	smax.u32 s8, $0x1  }
0x12: {  	s0 =	smov.u32 @p0 s12;
	s12 =	sshrl.u32 s26, $0x3;
	s25 =	simm.s32 $0x1  }
0x13: {  	s26 =	simm.s32 $0x0;
	s11 =	sadd.s32 s0, s11;
	s0 =	simm.s32 $0x3  }
.LBB2_1:
0x14: {  	[spmem:s12], [sflag:s10] =	dma.local [hbm:s9], $0x500  }
0x15: {  	_ =	swait.ge [sflag:s13], $0x500  }
0x16: {  	[sflag:s13] =	ssyncset.done $0x0  }
0x17: {  	[sflag:s13] =	ssyncadd.s32 $0xFFFFFB00  }
0x18: {  	[spmem:s14], [sflag:s10] =	dma.local [hbm:s5], $0x500  }
0x19: {  	_ =	swait.ge [sflag:s13], $0x500  }
0x1a: {  	[sflag:s13] =	ssyncset.done $0x0  }
0x1b: {  	[sflag:s13] =	ssyncadd.s32 $0xFFFFFB00  }
0x1c: {  	[tilespmem:s4], [sflag:$0x7] =	stream.linear.gather [hbm4b:s6+s4], $0x4F00, $0x38;
	[tilespmem:$0x11E00] =	vst v63  }
0x1d: {  	_ =	swait.ge [sflag:s13], $0x4F00  }
0x1e: {  	[sflag:s13] =	ssyncset.done $0x0  }
0x1f: {  	[sflag:s13] =	ssyncadd.s32 $0xFFFFB100  }
0x20: {  	[tilespmem:s15], [sflag:$0x7] =	stream.linear.gather [hbm4b:s7+s4], $0x4F00, $0x38;
	[tilespmem:$0x11E00] =	vst v63  }
0x21: {  	_ =	swait.ge [sflag:s13], $0x4F00  }
0x22: {  	[sflag:s13] =	ssyncset.done $0x0  }
0x23: {  	[sflag:s13] =	ssyncadd.s32 $0xFFFFB100  }
0x24: {  	[bflag:$0x0] =	sbarrier.arrive $0xFFFF  }
0x25: {  	[tilespmem:s17], [sflag:$0x1] =	stream.indirect.gather [spmem:s1], $0x10, s4, s16, $0xb8;
	[tilespmem:$0x11E00] =	vst v63  }
0x26: {  	_ = 	snop  }
0x27: {  	[tilespmem:s18], [sflag:$0x2] =	stream.indirect.gather [spmem:s1], $0x10, s16, s16, $0xb8;
	[tilespmem:$0x11E00] =	vst v63  }
0x28: {  	s2 =	simm.s32 $0x100  }
0x29: {  	[tilespmem:s20], [sflag:$0x3] =	stream.indirect.gather [spmem:s1], $0x10, s2, s16, $0xb8;
	[tilespmem:$0x11E00] =	vst v63  }
0x2a: {  	s23 =	simm.s32 $0x180  }
0x2b: {  	[tilespmem:s22], [sflag:$0x4] =	stream.indirect.gather [spmem:s1], $0x10, s23, s16, $0xb8;
	[tilespmem:$0x11E00] =	vst v63  }
0x2c: {  	s23 =	simm.s32 $0x200  }
0x2d: {  	[tilespmem:s24], [sflag:$0x5] =	stream.indirect.gather [spmem:s1], $0x10, s23, s16, $0xb8;
	[tilespmem:$0x11E00] =	vst v63  }
0x2e: {  	_ =	swait.ge [sflag:s25], $0x800  }
0x2f: {  	[sflag:s25] =	ssyncset.done $0x0  }
0x30: {  	[sflag:s25] =	ssyncadd.s32 $0xFFFFF800  }
0x31: {  	[spmem:s3] =	stream.indirect.scatter.add.f32 [tilespmem:s17], [sflag:$0x7], $0x10, s15, s16, $0xb8;
	[tilespmem:$0x11E00] =	vst v63  }
0x32: {  	_ =	swait.ge [sflag:s13], $0x800  }
0x33: {  	[sflag:s13] =	ssyncset.done $0x0  }
0x34: {  	s23 =	simm.s32 $0x280;
	[sflag:s13] =	ssyncadd.s32 $0xFFFFF800  }
0x35: {  	[tilespmem:s28], [sflag:$0x6] =	stream.indirect.gather [spmem:s1], $0x10, s23, s16, $0xb8;
	[tilespmem:$0x11E00] =	vst v63  }
0x36: {  	_ =	swait.ge [sflag:s29], $0x800  }
0x37: {  	[sflag:s29] =	ssyncset.done $0x0  }
0x38: {  	s23 =	simm.s32 $0x4F80;
	[sflag:s29] =	ssyncadd.s32 $0xFFFFF800  }
0x39: {  	[spmem:s3] =	stream.indirect.scatter.add.f32 [tilespmem:s18], [sflag:$0x7], $0x10, s23, s16, $0xb8;
	[tilespmem:$0x11E00] =	vst v63  }
0x3a: {  	_ =	swait.ge [sflag:s13], $0x800  }
0x3b: {  	[sflag:s13] =	ssyncset.done $0x0  }
0x3c: {  	s23 =	simm.s32 $0x300;
	[sflag:s13] =	ssyncadd.s32 $0xFFFFF800  }
0x3d: {  	[tilespmem:s17], [sflag:$0x1] =	stream.indirect.gather [spmem:s1], $0x10, s23, s16, $0xb8;
	[tilespmem:$0x11E00] =	vst v63  }
0x3e: {  	_ =	swait.ge [sflag:s0], $0x800  }
0x3f: {  	[sflag:s0] =	ssyncset.done $0x0  }
0x40: {  	s23 =	simm.s32 $0x5000;
	[sflag:s0] =	ssyncadd.s32 $0xFFFFF800  }
0x41: {  	[spmem:s3] =	stream.indirect.scatter.add.f32 [tilespmem:s20], [sflag:$0x7], $0x10, s23, s16, $0xb8;
	[tilespmem:$0x11E00] =	vst v63  }
0x42: {  	_ =	swait.ge [sflag:s13], $0x800  }
0x43: {  	[sflag:s13] =	ssyncset.done $0x0  }
0x44: {  	s23 =	simm.s32 $0x380;
	[sflag:s13] =	ssyncadd.s32 $0xFFFFF800  }
0x45: {  	[tilespmem:s18], [sflag:$0x2] =	stream.indirect.gather [spmem:s1], $0x10, s23, s16, $0xb8;
	[tilespmem:$0x11E00] =	vst v63  }
0x46: {  	_ =	swait.ge [sflag:s21], $0x800  }
0x47: {  	[sflag:s21] =	ssyncset.done $0x0  }
0x48: {  	s23 =	simm.s32 $0x5080;
	[sflag:s21] =	ssyncadd.s32 $0xFFFFF800  }
0x49: {  	[spmem:s3] =	stream.indirect.scatter.add.f32 [tilespmem:s22], [sflag:$0x7], $0x10, s23, s16, $0xb8;
	[tilespmem:$0x11E00] =	vst v63  }
0x4a: {  	_ =	swait.ge [sflag:s13], $0x800  }
0x4b: {  	[sflag:s13] =	ssyncset.done $0x0  }
0x4c: {  	s23 =	simm.s32 $0x400;
	[sflag:s13] =	ssyncadd.s32 $0xFFFFF800  }
0x4d: {  	[tilespmem:s20], [sflag:$0x3] =	stream.indirect.gather [spmem:s1], $0x10, s23, s16, $0xb8;
	[tilespmem:$0x11E00] =	vst v63  }
0x4e: {  	_ =	swait.ge [sflag:s30], $0x800  }
0x4f: {  	[sflag:s30] =	ssyncset.done $0x0  }
0x50: {  	s23 =	simm.s32 $0x5100;
	[sflag:s30] =	ssyncadd.s32 $0xFFFFF800  }
0x51: {  	[spmem:s3] =	stream.indirect.scatter.add.f32 [tilespmem:s24], [sflag:$0x7], $0x10, s23, s16, $0xb8;
	[tilespmem:$0x11E00] =	vst v63  }
0x52: {  	_ =	swait.ge [sflag:s13], $0x800  }
0x53: {  	[sflag:s13] =	ssyncset.done $0x0  }
0x54: {  	s23 =	simm.s32 $0x480;
	[sflag:s13] =	ssyncadd.s32 $0xFFFFF800  }
0x55: {  	[tilespmem:s22], [sflag:$0x4] =	stream.indirect.gather [spmem:s1], $0x10, s23, s16, $0xb8;
	[tilespmem:$0x11E00] =	vst v63  }
0x56: {  	_ =	swait.ge [sflag:s19], $0x800  }
0x57: {  	[sflag:s19] =	ssyncset.done $0x0  }
0x58: {  	s23 =	simm.s32 $0x5180;
	[sflag:s19] =	ssyncadd.s32 $0xFFFFF800  }
0x59: {  	[spmem:s3] =	stream.indirect.scatter.add.f32 [tilespmem:s28], [sflag:$0x7], $0x10, s23, s16, $0xb8;
	[tilespmem:$0x11E00] =	vst v63  }
0x5a: {  	_ =	swait.ge [sflag:s13], $0x800  }
0x5b: {  	[sflag:s13] =	ssyncset.done $0x0  }
0x5c: {  	s23 =	simm.s32 $0x500;
	[sflag:s13] =	ssyncadd.s32 $0xFFFFF800  }
0x5d: {  	[tilespmem:s24], [sflag:$0x5] =	stream.indirect.gather [spmem:s1], $0x10, s23, s16, $0xb8;
	[tilespmem:$0x11E00] =	vst v63  }
0x5e: {  	_ =	swait.ge [sflag:s25], $0x800  }
0x5f: {  	[sflag:s25] =	ssyncset.done $0x0  }
0x60: {  	s23 =	simm.s32 $0x5200;
	[sflag:s25] =	ssyncadd.s32 $0xFFFFF800  }
0x61: {  	[spmem:s3] =	stream.indirect.scatter.add.f32 [tilespmem:s17], [sflag:$0x7], $0x10, s23, s16, $0xb8;
	[tilespmem:$0x11E00] =	vst v63  }
0x62: {  	_ =	swait.ge [sflag:s13], $0x800  }
0x63: {  	[sflag:s13] =	ssyncset.done $0x0  }
0x64: {  	s23 =	simm.s32 $0x580;
	[sflag:s13] =	ssyncadd.s32 $0xFFFFF800  }
0x65: {  	[tilespmem:s28], [sflag:$0x6] =	stream.indirect.gather [spmem:s1], $0x10, s23, s16, $0xb8;
	[tilespmem:$0x11E00] =	vst v63  }
0x66: {  	_ =	swait.ge [sflag:s29], $0x800  }
0x67: {  	[sflag:s29] =	ssyncset.done $0x0  }
0x68: {  	s23 =	simm.s32 $0x5280;
	[sflag:s29] =	ssyncadd.s32 $0xFFFFF800  }
0x69: {  	[spmem:s3] =	stream.indirect.scatter.add.f32 [tilespmem:s18], [sflag:$0x7], $0x10, s23, s16, $0xb8;
	[tilespmem:$0x11E00] =	vst v63  }
0x6a: {  	_ =	swait.ge [sflag:s13], $0x800  }
0x6b: {  	[sflag:s13] =	ssyncset.done $0x0  }
0x6c: {  	s23 =	simm.s32 $0x600;
	[sflag:s13] =	ssyncadd.s32 $0xFFFFF800  }
0x6d: {  	[tilespmem:s17], [sflag:$0x1] =	stream.indirect.gather [spmem:s1], $0x10, s23, s16, $0xb8;
	[tilespmem:$0x11E00] =	vst v63  }
0x6e: {  	_ =	swait.ge [sflag:s0], $0x800  }
0x6f: {  	[sflag:s0] =	ssyncset.done $0x0  }
0x70: {  	s23 =	simm.s32 $0x5300;
	[sflag:s0] =	ssyncadd.s32 $0xFFFFF800  }
0x71: {  	[spmem:s3] =	stream.indirect.scatter.add.f32 [tilespmem:s20], [sflag:$0x7], $0x10, s23, s16, $0xb8;
	[tilespmem:$0x11E00] =	vst v63  }
0x72: {  	_ =	swait.ge [sflag:s13], $0x800  }
0x73: {  	[sflag:s13] =	ssyncset.done $0x0  }
0x74: {  	s23 =	simm.s32 $0x680;
	[sflag:s13] =	ssyncadd.s32 $0xFFFFF800  }
0x75: {  	[tilespmem:s18], [sflag:$0x2] =	stream.indirect.gather [spmem:s1], $0x10, s23, s16, $0xb8;
	[tilespmem:$0x11E00] =	vst v63  }
0x76: {  	_ =	swait.ge [sflag:s21], $0x800  }
0x77: {  	[sflag:s21] =	ssyncset.done $0x0  }
0x78: {  	s23 =	simm.s32 $0x5380;
	[sflag:s21] =	ssyncadd.s32 $0xFFFFF800  }
0x79: {  	[spmem:s3] =	stream.indirect.scatter.add.f32 [tilespmem:s22], [sflag:$0x7], $0x10, s23, s16, $0xb8;
	[tilespmem:$0x11E00] =	vst v63  }
0x7a: {  	_ =	swait.ge [sflag:s13], $0x800  }
0x7b: {  	[sflag:s13] =	ssyncset.done $0x0  }
0x7c: {  	s23 =	simm.s32 $0x700;
	[sflag:s13] =	ssyncadd.s32 $0xFFFFF800  }
0x7d: {  	[tilespmem:s20], [sflag:$0x3] =	stream.indirect.gather [spmem:s1], $0x10, s23, s16, $0xb8;
	[tilespmem:$0x11E00] =	vst v63  }
0x7e: {  	_ =	swait.ge [sflag:s30], $0x800  }
0x7f: {  	[sflag:s30] =	ssyncset.done $0x0  }
0x80: {  	s23 =	simm.s32 $0x5400;
	[sflag:s30] =	ssyncadd.s32 $0xFFFFF800  }
0x81: {  	[spmem:s3] =	stream.indirect.scatter.add.f32 [tilespmem:s24], [sflag:$0x7], $0x10, s23, s16, $0xb8;
	[tilespmem:$0x11E00] =	vst v63  }
0x82: {  	_ =	swait.ge [sflag:s13], $0x800  }
0x83: {  	[sflag:s13] =	ssyncset.done $0x0  }
0x84: {  	s23 =	simm.s32 $0x780;
	[sflag:s13] =	ssyncadd.s32 $0xFFFFF800  }
0x85: {  	[tilespmem:s22], [sflag:$0x4] =	stream.indirect.gather [spmem:s1], $0x10, s23, s16, $0xb8;
	[tilespmem:$0x11E00] =	vst v63  }
0x86: {  	_ =	swait.ge [sflag:s19], $0x800  }
0x87: {  	[sflag:s19] =	ssyncset.done $0x0  }
0x88: {  	s23 =	simm.s32 $0x5480;
	[sflag:s19] =	ssyncadd.s32 $0xFFFFF800  }
0x89: {  	[spmem:s3] =	stream.indirect.scatter.add.f32 [tilespmem:s28], [sflag:$0x7], $0x10, s23, s16, $0xb8;
	[tilespmem:$0x11E00] =	vst v63  }
0x8a: {  	_ =	swait.ge [sflag:s13], $0x800  }
0x8b: {  	[sflag:s13] =	ssyncset.done $0x0  }
0x8c: {  	s31 =	simm.s32 $0xC00;
	s2 =	simm.s32 $0x800;
	[sflag:s13] =	ssyncadd.s32 $0xFFFFF800  }
.LBB2_2:
0x8d: {  	[tilespmem:s24], [sflag:$0x5] =	stream.indirect.gather [spmem:s1], $0x10, s2, s16, $0xb8;
	[tilespmem:$0x11E00] =	vst v63  }
0x8e: {  	s2 =	smov.u32 s31  }
0x8f: {  	p0 =	sne.s32 s31, $0x11400;
	s31 =	sadd.s32 $0xC00, s31;
	_ =	swait.ge [sflag:s25], $0x800  }
0x90: {  	s2 =	sshra.s32 s2, $0x2;
	[sflag:s25] =	ssyncset.done $0x0  }
0x91: {  	s23 =	sadd.s32 $0x5200, s2;
	[sflag:s25] =	ssyncadd.s32 $0xFFFFF800  }
0x92: {  	[spmem:s3] =	stream.indirect.scatter.add.f32 [tilespmem:s17], [sflag:$0x7], $0x10, s23, s16, $0xb8;
	[tilespmem:$0x11E00] =	vst v63  }
0x93: {  	_ =	swait.ge [sflag:s13], $0x800  }
0x94: {  	[sflag:s13] =	ssyncset.done $0x0  }
0x95: {  	s23 =	sadd.s32 $0x580, s2;
	[sflag:s13] =	ssyncadd.s32 $0xFFFFF800  }
0x96: {  	[tilespmem:s28], [sflag:$0x6] =	stream.indirect.gather [spmem:s1], $0x10, s23, s16, $0xb8;
	[tilespmem:$0x11E00] =	vst v63  }
0x97: {  	_ =	swait.ge [sflag:s29], $0x800  }
0x98: {  	[sflag:s29] =	ssyncset.done $0x0  }
0x99: {  	s23 =	sadd.s32 $0x5280, s2;
	[sflag:s29] =	ssyncadd.s32 $0xFFFFF800  }
0x9a: {  	[spmem:s3] =	stream.indirect.scatter.add.f32 [tilespmem:s18], [sflag:$0x7], $0x10, s23, s16, $0xb8;
	[tilespmem:$0x11E00] =	vst v63  }
0x9b: {  	_ =	swait.ge [sflag:s13], $0x800  }
0x9c: {  	[sflag:s13] =	ssyncset.done $0x0  }
0x9d: {  	s23 =	sadd.s32 $0x600, s2;
	[sflag:s13] =	ssyncadd.s32 $0xFFFFF800  }
0x9e: {  	[tilespmem:s17], [sflag:$0x1] =	stream.indirect.gather [spmem:s1], $0x10, s23, s16, $0xb8;
	[tilespmem:$0x11E00] =	vst v63  }
0x9f: {  	_ =	swait.ge [sflag:s0], $0x800  }
0xa0: {  	[sflag:s0] =	ssyncset.done $0x0  }
0xa1: {  	s23 =	sadd.s32 $0x5300, s2;
	[sflag:s0] =	ssyncadd.s32 $0xFFFFF800  }
0xa2: {  	[spmem:s3] =	stream.indirect.scatter.add.f32 [tilespmem:s20], [sflag:$0x7], $0x10, s23, s16, $0xb8;
	[tilespmem:$0x11E00] =	vst v63  }
0xa3: {  	_ =	swait.ge [sflag:s13], $0x800  }
0xa4: {  	[sflag:s13] =	ssyncset.done $0x0  }
0xa5: {  	s23 =	sadd.s32 $0x680, s2;
	[sflag:s13] =	ssyncadd.s32 $0xFFFFF800  }
0xa6: {  	[tilespmem:s18], [sflag:$0x2] =	stream.indirect.gather [spmem:s1], $0x10, s23, s16, $0xb8;
	[tilespmem:$0x11E00] =	vst v63  }
0xa7: {  	_ =	swait.ge [sflag:s21], $0x800  }
0xa8: {  	[sflag:s21] =	ssyncset.done $0x0  }
0xa9: {  	s23 =	sadd.s32 $0x5380, s2;
	[sflag:s21] =	ssyncadd.s32 $0xFFFFF800  }
0xaa: {  	[spmem:s3] =	stream.indirect.scatter.add.f32 [tilespmem:s22], [sflag:$0x7], $0x10, s23, s16, $0xb8;
	[tilespmem:$0x11E00] =	vst v63  }
0xab: {  	_ =	swait.ge [sflag:s13], $0x800  }
0xac: {  	[sflag:s13] =	ssyncset.done $0x0  }
0xad: {  	s23 =	sadd.s32 $0x700, s2;
	[sflag:s13] =	ssyncadd.s32 $0xFFFFF800  }
0xae: {  	[tilespmem:s20], [sflag:$0x3] =	stream.indirect.gather [spmem:s1], $0x10, s23, s16, $0xb8;
	[tilespmem:$0x11E00] =	vst v63  }
0xaf: {  	_ =	swait.ge [sflag:s30], $0x800  }
0xb0: {  	[sflag:s30] =	ssyncset.done $0x0  }
0xb1: {  	s23 =	sadd.s32 $0x5400, s2;
	[sflag:s30] =	ssyncadd.s32 $0xFFFFF800  }
0xb2: {  	[spmem:s3] =	stream.indirect.scatter.add.f32 [tilespmem:s24], [sflag:$0x7], $0x10, s23, s16, $0xb8;
	[tilespmem:$0x11E00] =	vst v63  }
0xb3: {  	_ =	swait.ge [sflag:s13], $0x800  }
0xb4: {  	[sflag:s13] =	ssyncset.done $0x0  }
0xb5: {  	s23 =	sadd.s32 $0x780, s2;
	[sflag:s13] =	ssyncadd.s32 $0xFFFFF800  }
0xb6: {  	[tilespmem:s22], [sflag:$0x4] =	stream.indirect.gather [spmem:s1], $0x10, s23, s16, $0xb8;
	[tilespmem:$0x11E00] =	vst v63  }
0xb7: {  	_ =	swait.ge [sflag:s19], $0x800  }
0xb8: {  	[sflag:s19] =	ssyncset.done $0x0  }
.Ltmp0:
0xb9: {  	s23 =	sadd.s32 $0x5480, s2;
	[sflag:s19] =	ssyncadd.s32 $0xFFFFF800;
	(pc) =	sbr.rel @p0 .LBB2_2-.Ltmp0, $4  }
0xba: {  	[spmem:s3] =	stream.indirect.scatter.add.f32 [tilespmem:s28], [sflag:$0x7], $0x10, s23, s16, $0xb8;
	[tilespmem:$0x11E00] =	vst v63  }
0xbb: {  	_ =	swait.ge [sflag:s13], $0x800  }
0xbc: {  	[sflag:s13] =	ssyncset.done $0x0  }
0xbd: {  	s2 =	sadd.s32 $0x800, s2;
	[sflag:s13] =	ssyncadd.s32 $0xFFFFF800  }
0xbe: {  	[tilespmem:s24], [sflag:$0x5] =	stream.indirect.gather [spmem:s1], $0x10, s2, s16, $0xb8;
	[tilespmem:$0x11E00] =	vst v63  }
0xbf: {  	_ =	swait.ge [sflag:s25], $0x800  }
0xc0: {  	[sflag:s25] =	ssyncset.done $0x0  }
0xc1: {  	s31 =	simm.s32 $0x9A00;
	[sflag:s25] =	ssyncadd.s32 $0xFFFFF800  }
0xc2: {  	[spmem:s3] =	stream.indirect.scatter.add.f32 [tilespmem:s17], [sflag:$0x7], $0x10, s31, s16, $0xb8;
	[tilespmem:$0x11E00] =	vst v63  }
0xc3: {  	_ =	swait.ge [sflag:s13], $0x800  }
0xc4: {  	[sflag:s13] =	ssyncset.done $0x0  }
0xc5: {  	s23 =	simm.s32 $0x4D80;
	[sflag:s13] =	ssyncadd.s32 $0xFFFFF800  }
0xc6: {  	[tilespmem:s28], [sflag:$0x6] =	stream.indirect.gather [spmem:s1], $0x10, s23, s16, $0xb8;
	[tilespmem:$0x11E00] =	vst v63  }
0xc7: {  	_ =	swait.ge [sflag:s29], $0x800  }
0xc8: {  	[sflag:s29] =	ssyncset.done $0x0  }
0xc9: {  	s31 =	simm.s32 $0x9A80;
	[sflag:s29] =	ssyncadd.s32 $0xFFFFF800  }
0xca: {  	[spmem:s3] =	stream.indirect.scatter.add.f32 [tilespmem:s18], [sflag:$0x7], $0x10, s31, s16, $0xb8;
	[tilespmem:$0x11E00] =	vst v63  }
0xcb: {  	_ =	swait.ge [sflag:s13], $0x800  }
0xcc: {  	[sflag:s13] =	ssyncset.done $0x0  }
0xcd: {  	s23 =	simm.s32 $0x4E00;
	[sflag:s13] =	ssyncadd.s32 $0xFFFFF800  }
0xce: {  	[tilespmem:s17], [sflag:$0x1] =	stream.indirect.gather [spmem:s1], $0x10, s23, s16, $0xb8;
	[tilespmem:$0x11E00] =	vst v63  }
0xcf: {  	_ =	swait.ge [sflag:s0], $0x800  }
0xd0: {  	[sflag:s0] =	ssyncset.done $0x0  }
0xd1: {  	s31 =	simm.s32 $0x9B00;
	[sflag:s0] =	ssyncadd.s32 $0xFFFFF800  }
0xd2: {  	[spmem:s3] =	stream.indirect.scatter.add.f32 [tilespmem:s20], [sflag:$0x7], $0x10, s31, s16, $0xb8;
	[tilespmem:$0x11E00] =	vst v63  }
0xd3: {  	_ =	swait.ge [sflag:s13], $0x800  }
0xd4: {  	[sflag:s13] =	ssyncset.done $0x0  }
0xd5: {  	s23 =	simm.s32 $0x4E80;
	[sflag:s13] =	ssyncadd.s32 $0xFFFFF800  }
0xd6: {  	[tilespmem:s18], [sflag:$0x2] =	stream.indirect.gather [spmem:s1], $0x10, s23, s16, $0xb8;
	[tilespmem:$0x11E00] =	vst v63  }
0xd7: {  	_ =	swait.ge [sflag:s21], $0x800  }
0xd8: {  	[sflag:s21] =	ssyncset.done $0x0  }
0xd9: {  	s31 =	simm.s32 $0x9B80;
	[sflag:s21] =	ssyncadd.s32 $0xFFFFF800  }
0xda: {  	[spmem:s3] =	stream.indirect.scatter.add.f32 [tilespmem:s22], [sflag:$0x7], $0x10, s31, s16, $0xb8;
	[tilespmem:$0x11E00] =	vst v63  }
0xdb: {  	_ =	swait.ge [sflag:s13], $0x800  }
0xdc: {  	[sflag:s13] =	ssyncset.done $0x0  }
0xdd: {  	[sflag:s13] =	ssyncadd.s32 $0xFFFFF800  }
0xde: {  	_ =	swait.ge [sflag:s30], $0x800  }
0xdf: {  	[sflag:s30] =	ssyncset.done $0x0  }
0xe0: {  	s23 =	simm.s32 $0x9C00;
	[sflag:s30] =	ssyncadd.s32 $0xFFFFF800  }
0xe1: {  	[spmem:s3] =	stream.indirect.scatter.add.f32 [tilespmem:s24], [sflag:$0x7], $0x10, s23, s16, $0xb8;
	[tilespmem:$0x11E00] =	vst v63  }
0xe2: {  	_ =	swait.ge [sflag:s13], $0x800  }
0xe3: {  	[sflag:s13] =	ssyncset.done $0x0  }
0xe4: {  	[sflag:s13] =	ssyncadd.s32 $0xFFFFF800  }
0xe5: {  	_ =	swait.ge [sflag:s19], $0x800  }
0xe6: {  	[sflag:s19] =	ssyncset.done $0x0  }
0xe7: {  	s31 =	simm.s32 $0x9C80;
	[sflag:s19] =	ssyncadd.s32 $0xFFFFF800  }
0xe8: {  	[spmem:s3] =	stream.indirect.scatter.add.f32 [tilespmem:s28], [sflag:$0x7], $0x10, s31, s16, $0xb8;
	[tilespmem:$0x11E00] =	vst v63  }
0xe9: {  	_ =	swait.ge [sflag:s13], $0x800  }
0xea: {  	[sflag:s13] =	ssyncset.done $0x0  }
0xeb: {  	[sflag:s13] =	ssyncadd.s32 $0xFFFFF800  }
0xec: {  	_ =	swait.ge [sflag:s25], $0x800  }
0xed: {  	[sflag:s25] =	ssyncset.done $0x0  }
0xee: {  	s23 =	simm.s32 $0x9D00;
	[sflag:s25] =	ssyncadd.s32 $0xFFFFF800  }
0xef: {  	[spmem:s3] =	stream.indirect.scatter.add.f32 [tilespmem:s17], [sflag:$0x7], $0x10, s23, s16, $0xb8;
	[tilespmem:$0x11E00] =	vst v63  }
0xf0: {  	_ =	swait.ge [sflag:s13], $0x800  }
0xf1: {  	[sflag:s13] =	ssyncset.done $0x0  }
0xf2: {  	[sflag:s13] =	ssyncadd.s32 $0xFFFFF800  }
0xf3: {  	_ =	swait.ge [sflag:s29], $0x800  }
0xf4: {  	[sflag:s29] =	ssyncset.done $0x0  }
0xf5: {  	s31 =	simm.s32 $0x9D80;
	[sflag:s29] =	ssyncadd.s32 $0xFFFFF800  }
0xf6: {  	[spmem:s3] =	stream.indirect.scatter.add.f32 [tilespmem:s18], [sflag:$0x7], $0x10, s31, s16, $0xb8;
	[tilespmem:$0x11E00] =	vst v63  }
0xf7: {  	_ =	swait.ge [sflag:s13], $0x800  }
0xf8: {  	s26 =	sadd.s32 $0x1, s26;
	[sflag:s13] =	ssyncset.done $0x0  }
0xf9: {  	p0 =	sne.s32 s26, s8;
	[sflag:s13] =	ssyncadd.s32 $0xFFFFF800  }
.Ltmp1:
0xfa: {  	[bflag:$0x0] =	sbarrier.arrive $0xFFFF;
	(pc) =	sbr.rel @p0 .LBB2_1-.Ltmp1, $4  }
0xfb: {  	[hbm:s11], [sflag:s10] =	dma.local [spmem:s14], $0x500  }
0xfc: {  	_ =	swait.ge [sflag:s13], $0x500  }
0xfd: {  	[sflag:s13] =	ssyncset.done $0x0  }
0xfe: {  	[sflag:s13] =	ssyncadd.s32 $0xFFFFFB00  }
0xff: {  	_ =	sfence.sel $0x180000  }
0x100: {  	[bflag:$0x0] =	sbarrier.arrive $0xFFFF  }
0x101: {  	_ =	strace $0x9000004D  }
0x102: {  	s0 =	stileid.u32;
	[bflag:$0x2] =	sbarrier.arrive $0xFFFF  }
0x103: {  	p0 =	sne.s32 s0, $0x0;
	s0 =	rddreg [dreg:$0x3]  }
0x104: {  	s0 =	sadd.s32 @!p0 $0x100000, s0  }
0x105: {  	[sflag:s0] =	ssyncadd.tile.s32 @!p0 $0x1;
	_ =	shalt  }
.Lfunc_end2:
_tile_overlayer_lowered:
.L_overlay_start_2:
0x106: {  	(tag) =	ssettag $0x2  }
0x107: {  	s0 =	rddreg [dreg:$0x0];
	s2 =	stileid.u32  }
0x108: {  	s1 =	rddreg [dreg:$0x1];
	p0 =	sne.s32 s2, $0x0  }
0x109: {  	s3 =	rddreg [dreg:$0x2];
	[bflag:$0x3] =	sbarrier.arrive $0xFFFF;
	s2 =	simm.s32 @!p0 $0x1C07  }
0x10a: {  	[timem:s3], [sflag:s2] =	dma.local @!p0 [hbm:s0], s1  }
0x10b: {  	s0 =	simm.s32 @!p0 $0x7  }
0x10c: {  	_ =	swait.ge @!p0 [sflag:s0], s1  }
0x10d: {  	s1 =	ssub.s32 @!p0 $0x0, s1;
	[sflag:s0] =	ssyncset.done @!p0 $0x0  }
0x10e: {  	[sflag:s0] =	ssyncadd.s32 @!p0 s1  }
0x10f: {  	[bflag:$0x3] =	sbarrier.arrive $0xFFFF  }
0x110: {  	_ =	shalt  }

// kernel: kernel.19.cloned.1.call-start
scs
__scs_entry_jumppad:
0x0: {  	(pc) =	sbr.rel $0x88, $3  }
0x1: {  	(tag) =	ssettag $0x0;
	lr =	simm.s32 $0x1  }
0x2: {  	[smem:$0x3F97] =	sst lr;
	_ =	strace $0xD0000000  }
0x3: {  	_ = 	snop  }
0x4: {  	_ = 	snop  }
0x5: {  	_ = 	snop  }
0x6: {  	_ = 	snop  }
0x7: {  	_ = 	snop  }
__scs_overlays_trampoline_lowered:
0x8: {  	[smem:$0x3FA6] =	sst s0  }
0x9: {  	[smem:$0x3FA7] =	sst s1  }
0xa: {  	[smem:$0x3FA8] =	sst s2  }
0xb: {  	[smem:$0x3FA9] =	sst s3  }
0xc: {  	[smem:$0x3FAA] =	sst s4  }
0xd: {  	[smem:$0x3FAB] =	sst s5  }
0xe: {  	[smem:$0x3FAC] =	sst s6  }
0xf: {  	[smem:$0x3FAD] =	sst s7  }
0x10: {  	[smem:$0x3FAE] =	sst s8  }
0x11: {  	[smem:$0x3FAF] =	sst s9;
	s0 =	simm.s32 @!p0 $0x0  }
0x12: {  	s1 =	sld [smem:$0x3F95];
	s0 =	simm.s32 @p0 $0x1  }
0x13: {  	[smem:$0x3FB0] =	sst s0;
	s0 =	simm.s32 @!p1 $0x0  }
0x14: {  	s2 =	sld [smem:$0x3F94];
	s0 =	simm.s32 @p1 $0x1  }
0x15: {  	[smem:$0x3FB1] =	sst s0;
	s0 =	simm.s32 @!p2 $0x0  }
0x16: {  	s3 =	sld [smem:$0x3FDB];
	s0 =	simm.s32 @p2 $0x1  }
0x17: {  	s4 =	simm.s32 $0x1BF5;
	[smem:$0x3FB3] =	sst s0  }
0x18: {  	s0 =	sld [smem:$0x3F96];
	_ =	swait.ge [sflag:s4], $0x0  }
0x19: {  	s7 =	sld [smem:$0x3F97]  }
0x1a: {  	s8 =	sadd.s32 $0xFFFFE003, lr  }
0x1b: {  	s9 =	sadd.s32 $0xFFFFFEF7, lr;
	s5 =	simm.s32 $0xFFFFFFFF;
	p2 =	slt.u32 s8, $0xFFFFF086  }
0x1c: {  	p1 =	slt.u32 s9, $0xF7A;
	s5 =	simm.s32 @!p2 $0x0  }
0x1d: {  	s5 =	simm.s32 @p1 $0x1;
	p0 =	seq.s32 s7, s2  }
0x1e: {  	s7 =	smul.u32 @!p0 $0xF7A, s2;
	p2 =	seq.s32 @!p0 s5, $0x0  }
0x1f: {  	s9 =	smul.u32 $0xF7A, s1;
	s8 =	simm.s32 @!p0 $0x1BF5;
	p2 =	por !p2, p0  }
0x20: {  	[sflag:s8] =	ssyncset.s32 @!p0 $0xFFFFF086;
	s6 =	sadd.s32 @!p0 s3, s7;
	s7 =	simm.s32 @!p0 $0x108  }
0x21: {  	s3 =	sadd.s32 s3, s9;
	s6 =	sadd.s32 @!p0 $0x88, s6;
	s7 =	simm.s32 @p2 $0x1082  }
0x22: {  	[simem:s7], [sflag:s8] =	dma.local @!p0 [hbm:s6], $0xF7A  }
0x23: {  	s9 =	sor.u32 $0xD0000000, s2;
	s6 =	simm.s32 $0x108;
	_ =	swait.ge @!p0 [sflag:s8], $0x0  }
0x24: {  	s3 =	sadd.s32 $0x88, s3;
	s6 =	simm.s32 @!p1 $0x1082;
	[sflag:s4] =	ssyncset.s32 $0xFFFFF086  }
0x25: {  	[simem:s6], [sflag:s4] =	dma.local [hbm:s3], $0xF7A  }
0x26: {  	[smem:$0x3F97] =	sst s1;
	(tag) =	ssettag s2;
	_ =	strace s9  }
0x27: {  	s1 =	sld [smem:$0x3FA7]  }
0x28: {  	s2 =	sld [smem:$0x3FA8]  }
0x29: {  	s4 =	sld [smem:$0x3FAA]  }
0x2a: {  	p0 =	seq.s32 s5, $0x0;
	s5 =	sld [smem:$0x3FAB]  }
0x2b: {  	s6 =	sld [smem:$0x3FAC]  }
0x2c: {  	s7 =	sld [smem:$0x3FAD]  }
0x2d: {  	s3 =	simm.s32 $0x108;
	s8 =	sld [smem:$0x3FAE]  }
0x2e: {  	s3 =	simm.s32 @!p0 $0x1082;
	s9 =	sld [smem:$0x3FAF]  }
0x2f: {  	lr =	sadd.s32 s0, s3;
	s0 =	sld [smem:$0x3FA6]  }
0x30: {  	s3 =	sld [smem:$0x3FA9]  }
0x31: {  	[smem:$0x3FB2] =	sst s10  }
0x32: {  	s10 =	sld [smem:$0x3FB0];
	_ =	sdelay $0x3  }
0x33: {  	p0 =	seq.s32 s10, $0x1;
	s10 =	sld [smem:$0x3FB2];
	_ =	sdelay $0x3  }
0x34: {  	[smem:$0x3FB2] =	sst s10  }
0x35: {  	s10 =	sld [smem:$0x3FB1];
	_ =	sdelay $0x3  }
0x36: {  	p1 =	seq.s32 s10, $0x1;
	s10 =	sld [smem:$0x3FB2];
	_ =	sdelay $0x3  }
0x37: {  	[smem:$0x3FB2] =	sst s10  }
0x38: {  	s10 =	sld [smem:$0x3FB3]  }
0x39: {  	_ = 	snop;
	(pc) =	sbr.ind lr, $3  }
0x3a: {  	_ = 	snop  }
0x3b: {  	_ = 	snop  }
0x3c: {  	p2 =	seq.s32 s10, $0x1;
	s10 =	sld [smem:$0x3FB2]  }
0x3d: {  	_ =	shalt  }
0x3e: {  	_ =	shalt  }
0x3f: {  	_ =	shalt  }
0x40: {  	_ =	shalt  }
0x41: {  	_ =	shalt  }
0x42: {  	_ =	shalt  }
0x43: {  	_ =	shalt  }
0x44: {  	_ =	shalt  }
0x45: {  	_ =	shalt  }
0x46: {  	_ =	shalt  }
0x47: {  	_ =	shalt  }
0x48: {  	_ =	shalt  }
0x49: {  	_ =	shalt  }
0x4a: {  	_ =	shalt  }
0x4b: {  	_ =	shalt  }
0x4c: {  	_ =	shalt  }
0x4d: {  	_ =	shalt  }
0x4e: {  	_ =	shalt  }
0x4f: {  	_ =	shalt  }
0x50: {  	_ =	shalt  }
0x51: {  	_ =	shalt  }
0x52: {  	_ =	shalt  }
0x53: {  	_ =	shalt  }
0x54: {  	_ =	shalt  }
0x55: {  	_ =	shalt  }
0x56: {  	_ =	shalt  }
0x57: {  	_ =	shalt  }
0x58: {  	_ =	shalt  }
0x59: {  	_ =	shalt  }
0x5a: {  	_ =	shalt  }
0x5b: {  	_ =	shalt  }
0x5c: {  	_ =	shalt  }
0x5d: {  	_ =	shalt  }
0x5e: {  	_ =	shalt  }
0x5f: {  	_ =	shalt  }
0x60: {  	_ =	shalt  }
0x61: {  	_ =	shalt  }
0x62: {  	_ =	shalt  }
0x63: {  	_ =	shalt  }
0x64: {  	_ =	shalt  }
0x65: {  	_ =	shalt  }
0x66: {  	_ =	shalt  }
0x67: {  	_ =	shalt  }
0x68: {  	_ =	shalt  }
0x69: {  	_ =	shalt  }
0x6a: {  	_ =	shalt  }
0x6b: {  	_ =	shalt  }
0x6c: {  	_ =	shalt  }
0x6d: {  	_ =	shalt  }
0x6e: {  	_ =	shalt  }
0x6f: {  	_ =	shalt  }
0x70: {  	_ =	shalt  }
0x71: {  	_ =	shalt  }
0x72: {  	_ =	shalt  }
0x73: {  	_ =	shalt  }
0x74: {  	_ =	shalt  }
0x75: {  	_ =	shalt  }
0x76: {  	_ =	shalt  }
0x77: {  	_ =	shalt  }
0x78: {  	_ =	shalt  }
0x79: {  	_ =	shalt  }
0x7a: {  	_ =	shalt  }
0x7b: {  	_ =	shalt  }
0x7c: {  	_ =	shalt  }
0x7d: {  	_ =	shalt  }
0x7e: {  	_ =	shalt  }
0x7f: {  	_ =	shalt  }
0x80: {  	_ =	shalt  }
0x81: {  	_ =	shalt  }
0x82: {  	_ =	shalt  }
0x83: {  	_ =	shalt  }
0x84: {  	_ =	shalt  }
0x85: {  	_ =	shalt  }
0x86: {  	_ =	shalt  }
0x87: {  	_ =	shalt  }
.Lfunc_end0:
.L_simem_size_0:
called_computation.3_lowered:
.L_overlay_start_0:
0x88: {  	s2 =	sld [smem:$0x3FD9]  }
0x89: {  	s3 =	sld [smem:$0x3FFE];
	_ =	sdelay $0x1  }
0x8a: {  	s1 =	srdreg.scid  }
0x8b: {  	s0 =	sand.u32 $0x1, s1  }
0x8c: {  	s16 =	sshll.u32 s0, $0xA;
	s2 =	sadd.s32 s3, s2  }
0x8d: {  	s2 =	sadd.s32 s2, s16  }
0x8e: {  	[smem:$0x3FBE] =	sst s2  }
0x8f: {  	_ = 	snop  }
0x90: {  	(tm) =	ssettm $0x1  }
0x91: {  	s17 =	sld [smem:$0x3FFB];
	_ =	sdelay $0x3  }
0x92: {  	_ =	strace s17  }
0x93: {  	s2 =	sld [smem:$0x3FFC];
	_ =	sdelay $0x3  }
0x94: {  	_ =	strace s2  }
0x95: {  	s2 =	sld [smem:$0x3FFD];
	_ =	sdelay $0x3  }
0x96: {  	_ =	strace s2  }
0x97: {  	_ =	strace $0x8FFFFFFF  }
0x98: {  	s18 =	sld [smem:$0x3FDB];
	_ =	sdelay $0x1  }
0x99: {  	s19 =	simm.s32 $_scs_section_size  }
0x9a: {  	s4 =	simm.s32 $_size__tile_overlayer_lowered;
	s5 =	simm.s32 $_tile_overlayer_lowered  }
0x9b: {  	s22 =	simm.s32 $0x1BFF;
	s21 =	sshll.u32 s5, $0x1;
	s2 =	sadd.s32 s19, s18  }
0x9c: {  	s6 =	simm.s32 $0x0;
	s20 =	sshll.u32 s4, $0x1;
	s4 =	sadd.s32 s21, s2  }
0x9d: {  	[timem:s6], [sflag:s22] =	dma.local [hbm:s4], s20  }
0x9e: {  	_ =	swait.ge [sflag:s22], s20  }
0x9f: {  	s3 =	ssub.s32 $0x0, s20;
	[sflag:s22] =	ssyncset.done $0x0  }
0xa0: {  	[sflag:s22] =	ssyncadd.s32 s3;
	_ =	sdelay $0x1  }
0xa1: {  	s23 =	simm.s32 $0x1B8B  }
0xa2: {  	_ =	swait.ge [sflag:s23], $0x1  }
0xa3: {  	[sflag:s23] =	ssyncset.done $0x0  }
0xa4: {  	s25 =	simm.s32 $0x1B8E;
	s24 =	sld [smem:$0x3FFE];
	[sflag:s23] =	ssyncadd.s32 $0xFFFFFFFF  }
0xa5: {  	s26 =	simm.s32 $execute0_lowered;
	[smem:$0x3FD2] =	sst s25  }
0xa6: {  	s4 =	sshll.u32 s26, $0x1;
	_ =	strace $0x8000004F;
	[dreg:$0x1] =	wrdreg $0xFFFFFFFF  }
0xa7: {  	s28 =	simm.s32 $_size_execute0_lowered;
	s2 =	sadd.s32 s2, s4;
	[dreg:$0x0] =	wrdreg $0x0  }
0xa8: {  	s4 =	sshll.u32 s28, $0x1;
	[dreg:$0x2] =	wrdreg s2  }
0xa9: {  	[dreg:$0x3] =	wrdreg s4  }
0xaa: {  	[dreg:$0x4] =	wrdreg $0xC0  }
0xab: {  	_ =	task [dreg:s6], $0x5FFFF  }
0xac: {  	[dreg:$0x1] =	wrdreg $0xFFFFFFFF  }
0xad: {  	[dreg:$0x0] =	wrdreg $0x60  }
0xae: {  	[dreg:$0x2] =	wrdreg s24  }
0xaf: {  	[dreg:$0x3] =	wrdreg $0xA7000  }
0xb0: {  	[dreg:$0x4] =	wrdreg $0x7F000  }
0xb1: {  	[dreg:$0x5] =	wrdreg $0x9  }
0xb2: {  	_ =	task.clear_ibuf [dreg:s6], $0x6FFFF;
	_ =	strace $0x9000004F  }
0xb3: {  	s29 =	simm.s32 $0x9;
	_ =	strace $0x80000051  }
0xb4: {  	_ =	swait.ge [sflag:s29], $0x1  }
0xb5: {  	[sflag:s29] =	ssyncadd.s32 $0xFFFFFFFF  }
0xb6: {  	_ =	strace $0x90000051  }
0xb7: {  	_ =	sfence  }
0xb8: {  	s30 =	sld [smem:$0x0];
	_ =	sdelay $0x2  }
0xb9: {  	s31 =	sshll.u32 s1, $0xD;
	s1 =	sshrl.u32 s1, $0x2  }
0xba: {  	s3 =	sand.u32 $0x4000, s31;
	s1 =	sadd.s32 s1, s30  }
0xbb: {  	s0 =	sor.u32 s3, s0;
	s1 =	sshll.u32 s1, $0x11  }
0xbc: {  	s0 =	sor.u32 s1, s0  }
0xbd: {  	s0 =	sadd.s32 $0x8F2B, s0  }
0xbe: {  	[sflag:s0] =	ssyncadd.remote.s32 $0x1  }
0xbf: {  	_ =	sfence.sel $0xFFFF  }
0xc0: {  	[dreg:$0x0] =	wrdreg $0xFFFFFFFF;
	(pc) =	sbr.abs _section_cstart, $3  }
0xc1: {  	[dreg:$0x1] =	wrdreg $0xFFFFFFFF  }
0xc2: {  	_ =	task.clear_ibuf [dreg:s6], $0x2FFFF;
	_ =	strace $0x9FFFFFFF  }
0xc3: {  	(tm) =	ssettm $0x7FFFFFFF  }
tec
execute0_lowered:
.L_overlay_start_1:
0x0: {  	(tag) =	ssettag $0x1  }
0x1: {  	s0 =	srdreg.scid  }
0x2: {  	s11 =	stileid.u32;
	s1 =	rddreg [dreg:$0x0]  }
0x3: {  	s2 =	rddreg [dreg:$0x1];
	s13 =	simm.s32 $0x7;
	s15 =	simm.s32 $0x2780  }
0x4: {  	s16 =	simm.s32 $0x80;
	s17 =	simm.s32 $0x4F00;
	s18 =	simm.s32 $0x5700  }
0x5: {  	s20 =	simm.s32 $0x5F00;
	s22 =	simm.s32 $0x6700;
	s24 =	simm.s32 $0x6F00  }
0x6: {  	s28 =	simm.s32 $0x7700;
	s29 =	simm.s32 $0x2;
	s21 =	simm.s32 $0x4  }
0x7: {  	s30 =	simm.s32 $0x5;
	s19 =	simm.s32 $0x6;
	s0 =	sand.u32 $0x1, s0  }
0x8: {  	s3 =	sshll.u32 s11, $0x1;
	s7 =	smul.u32 $0x2800, s11;
	s31 =	sshll.u32 s11, $0x6  }
0x9: {  	s4 =	sor.u32 s0, s3;
	s3 =	rddreg [dreg:$0x2];
	s6 =	smul.u32 $0x28000, s0  }
0xa: {  	s0 =	ssub.s32 $0x2, s0;
	s5 =	smul.u32 $0x4F0, s4;
	s4 =	simm.s32 $0x0  }
0xb: {  	s26 =	sshrl.u32 s7, $0x3;
	s8 =	sshrl.u32 s0, $0x1;
	s12 =	sadd.s32 s7, s2  }
0xc: {  	s14 =	sadd.s32 s7, s3;
	[smem:$0x7FF] =	sst s4;
	s25 =	sadd.s32 s7, s6  }
0xd: {  	s10 =	sadd.s32 s26, s1;
	s0 =	ssub.s32 s0, s8;
	s6 =	sor.u32 $0x1C07, s31  }
0xe: {  	s12 =	sshrl.u32 s12, $0x3;
	s14 =	sshrl.u32 s14, $0x3;
	_ =	strace $0x80000050  }
0xf: {  	s9 =	sadd.s32 s5, s1;
	s5 =	sshrl.u32 s25, $0x3;
	s7 =	sadd.s32 $0xE200, s10  }
0x10: {  	s11 =	smax.u32 s0, $0x1;
	s25 =	simm.s32 $0x1;
	s0 =	simm.s32 $0x0  }
0x11: {  	s1 =	sadd.s32 s5, s1;
	s5 =	sadd.s32 $0x3B200, s10;
	s8 =	sadd.s32 $0x45200, s9  }
0x12: {  	s9 =	sadd.s32 $0x4400, s9;
	s10 =	sadd.s32 $0x9F000, s1;
	s1 =	simm.s32 $0x3  }
.LBB2_1:
0x13: {  	[spmem:s12], [sflag:s6] =	dma.local [hbm:s5], $0x500  }
0x14: {  	_ =	swait.ge [sflag:s13], $0x500  }
0x15: {  	[sflag:s13] =	ssyncset.done $0x0  }
0x16: {  	[sflag:s13] =	ssyncadd.s32 $0xFFFFFB00  }
0x17: {  	[spmem:s14], [sflag:s6] =	dma.local [hbm:s7], $0x500  }
0x18: {  	_ =	swait.ge [sflag:s13], $0x500  }
0x19: {  	[sflag:s13] =	ssyncset.done $0x0  }
0x1a: {  	[sflag:s13] =	ssyncadd.s32 $0xFFFFFB00  }
0x1b: {  	[tilespmem:s4], [sflag:$0x7] =	stream.linear.gather [hbm4b:s8+s4], $0x2780, $0x38;
	[tilespmem:$0xCF00] =	vst v63  }
0x1c: {  	_ =	swait.ge [sflag:s13], $0x2780  }
0x1d: {  	[sflag:s13] =	ssyncset.done $0x0  }
0x1e: {  	[sflag:s13] =	ssyncadd.s32 $0xFFFFD880  }
0x1f: {  	[tilespmem:s15], [sflag:$0x7] =	stream.linear.gather [hbm4b:s9+s4], $0x2780, $0x38;
	[tilespmem:$0xCF00] =	vst v63  }
0x20: {  	_ =	swait.ge [sflag:s13], $0x2780  }
0x21: {  	[sflag:s13] =	ssyncset.done $0x0  }
0x22: {  	[sflag:s13] =	ssyncadd.s32 $0xFFFFD880  }
0x23: {  	[bflag:$0x0] =	sbarrier.arrive $0xFFFF  }
0x24: {  	[tilespmem:s17], [sflag:$0x1] =	stream.indirect.gather [spmem:s2], $0x10, s4, s16, $0xb8;
	[tilespmem:$0xCF00] =	vst v63  }
0x25: {  	_ = 	snop  }
0x26: {  	[tilespmem:s18], [sflag:$0x2] =	stream.indirect.gather [spmem:s2], $0x10, s16, s16, $0xb8;
	[tilespmem:$0xCF00] =	vst v63  }
0x27: {  	s23 =	simm.s32 $0x100  }
0x28: {  	[tilespmem:s20], [sflag:$0x3] =	stream.indirect.gather [spmem:s2], $0x10, s23, s16, $0xb8;
	[tilespmem:$0xCF00] =	vst v63  }
0x29: {  	s26 =	simm.s32 $0x180  }
0x2a: {  	[tilespmem:s22], [sflag:$0x4] =	stream.indirect.gather [spmem:s2], $0x10, s26, s16, $0xb8;
	[tilespmem:$0xCF00] =	vst v63  }
0x2b: {  	s31 =	simm.s32 $0x200  }
0x2c: {  	[tilespmem:s24], [sflag:$0x5] =	stream.indirect.gather [spmem:s2], $0x10, s31, s16, $0xb8;
	[tilespmem:$0xCF00] =	vst v63  }
0x2d: {  	_ =	swait.ge [sflag:s25], $0x800  }
0x2e: {  	[sflag:s25] =	ssyncset.done $0x0  }
0x2f: {  	[sflag:s25] =	ssyncadd.s32 $0xFFFFF800  }
0x30: {  	[spmem:s3] =	stream.indirect.scatter.add.f32 [tilespmem:s17], [sflag:$0x7], $0x10, s15, s16, $0xb8;
	[tilespmem:$0xCF00] =	vst v63  }
0x31: {  	_ =	swait.ge [sflag:s13], $0x800  }
0x32: {  	[sflag:s13] =	ssyncset.done $0x0  }
0x33: {  	s26 =	simm.s32 $0x280;
	[sflag:s13] =	ssyncadd.s32 $0xFFFFF800  }
0x34: {  	[tilespmem:s28], [sflag:$0x6] =	stream.indirect.gather [spmem:s2], $0x10, s26, s16, $0xb8;
	[tilespmem:$0xCF00] =	vst v63  }
0x35: {  	_ =	swait.ge [sflag:s29], $0x800  }
0x36: {  	[sflag:s29] =	ssyncset.done $0x0  }
0x37: {  	s31 =	simm.s32 $0x2800;
	[sflag:s29] =	ssyncadd.s32 $0xFFFFF800  }
0x38: {  	[spmem:s3] =	stream.indirect.scatter.add.f32 [tilespmem:s18], [sflag:$0x7], $0x10, s31, s16, $0xb8;
	[tilespmem:$0xCF00] =	vst v63  }
0x39: {  	_ =	swait.ge [sflag:s13], $0x800  }
0x3a: {  	[sflag:s13] =	ssyncset.done $0x0  }
0x3b: {  	s26 =	simm.s32 $0x300;
	[sflag:s13] =	ssyncadd.s32 $0xFFFFF800  }
0x3c: {  	[tilespmem:s17], [sflag:$0x1] =	stream.indirect.gather [spmem:s2], $0x10, s26, s16, $0xb8;
	[tilespmem:$0xCF00] =	vst v63  }
0x3d: {  	_ =	swait.ge [sflag:s1], $0x800  }
0x3e: {  	[sflag:s1] =	ssyncset.done $0x0  }
0x3f: {  	s31 =	simm.s32 $0x2880;
	[sflag:s1] =	ssyncadd.s32 $0xFFFFF800  }
0x40: {  	[spmem:s3] =	stream.indirect.scatter.add.f32 [tilespmem:s20], [sflag:$0x7], $0x10, s31, s16, $0xb8;
	[tilespmem:$0xCF00] =	vst v63  }
0x41: {  	_ =	swait.ge [sflag:s13], $0x800  }
0x42: {  	[sflag:s13] =	ssyncset.done $0x0  }
0x43: {  	s26 =	simm.s32 $0x380;
	[sflag:s13] =	ssyncadd.s32 $0xFFFFF800  }
0x44: {  	[tilespmem:s18], [sflag:$0x2] =	stream.indirect.gather [spmem:s2], $0x10, s26, s16, $0xb8;
	[tilespmem:$0xCF00] =	vst v63  }
0x45: {  	_ =	swait.ge [sflag:s21], $0x800  }
0x46: {  	[sflag:s21] =	ssyncset.done $0x0  }
0x47: {  	s31 =	simm.s32 $0x2900;
	[sflag:s21] =	ssyncadd.s32 $0xFFFFF800  }
0x48: {  	[spmem:s3] =	stream.indirect.scatter.add.f32 [tilespmem:s22], [sflag:$0x7], $0x10, s31, s16, $0xb8;
	[tilespmem:$0xCF00] =	vst v63  }
0x49: {  	_ =	swait.ge [sflag:s13], $0x800  }
0x4a: {  	[sflag:s13] =	ssyncset.done $0x0  }
0x4b: {  	s26 =	simm.s32 $0x400;
	[sflag:s13] =	ssyncadd.s32 $0xFFFFF800  }
0x4c: {  	[tilespmem:s20], [sflag:$0x3] =	stream.indirect.gather [spmem:s2], $0x10, s26, s16, $0xb8;
	[tilespmem:$0xCF00] =	vst v63  }
0x4d: {  	_ =	swait.ge [sflag:s30], $0x800  }
0x4e: {  	[sflag:s30] =	ssyncset.done $0x0  }
0x4f: {  	s31 =	simm.s32 $0x2980;
	[sflag:s30] =	ssyncadd.s32 $0xFFFFF800  }
0x50: {  	[spmem:s3] =	stream.indirect.scatter.add.f32 [tilespmem:s24], [sflag:$0x7], $0x10, s31, s16, $0xb8;
	[tilespmem:$0xCF00] =	vst v63  }
0x51: {  	_ =	swait.ge [sflag:s13], $0x800  }
0x52: {  	[sflag:s13] =	ssyncset.done $0x0  }
0x53: {  	s26 =	simm.s32 $0x480;
	[sflag:s13] =	ssyncadd.s32 $0xFFFFF800  }
0x54: {  	[tilespmem:s22], [sflag:$0x4] =	stream.indirect.gather [spmem:s2], $0x10, s26, s16, $0xb8;
	[tilespmem:$0xCF00] =	vst v63  }
0x55: {  	_ =	swait.ge [sflag:s19], $0x800  }
0x56: {  	[sflag:s19] =	ssyncset.done $0x0  }
0x57: {  	s31 =	simm.s32 $0x2A00;
	[sflag:s19] =	ssyncadd.s32 $0xFFFFF800  }
0x58: {  	[spmem:s3] =	stream.indirect.scatter.add.f32 [tilespmem:s28], [sflag:$0x7], $0x10, s31, s16, $0xb8;
	[tilespmem:$0xCF00] =	vst v63  }
0x59: {  	_ =	swait.ge [sflag:s13], $0x800  }
0x5a: {  	[sflag:s13] =	ssyncset.done $0x0  }
0x5b: {  	s26 =	simm.s32 $0x500;
	[sflag:s13] =	ssyncadd.s32 $0xFFFFF800  }
0x5c: {  	[tilespmem:s24], [sflag:$0x5] =	stream.indirect.gather [spmem:s2], $0x10, s26, s16, $0xb8;
	[tilespmem:$0xCF00] =	vst v63  }
0x5d: {  	_ =	swait.ge [sflag:s25], $0x800  }
0x5e: {  	[sflag:s25] =	ssyncset.done $0x0  }
0x5f: {  	s31 =	simm.s32 $0x2A80;
	[sflag:s25] =	ssyncadd.s32 $0xFFFFF800  }
0x60: {  	[spmem:s3] =	stream.indirect.scatter.add.f32 [tilespmem:s17], [sflag:$0x7], $0x10, s31, s16, $0xb8;
	[tilespmem:$0xCF00] =	vst v63  }
0x61: {  	_ =	swait.ge [sflag:s13], $0x800  }
0x62: {  	[sflag:s13] =	ssyncset.done $0x0  }
0x63: {  	s26 =	simm.s32 $0x580;
	[sflag:s13] =	ssyncadd.s32 $0xFFFFF800  }
0x64: {  	[tilespmem:s28], [sflag:$0x6] =	stream.indirect.gather [spmem:s2], $0x10, s26, s16, $0xb8;
	[tilespmem:$0xCF00] =	vst v63  }
0x65: {  	_ =	swait.ge [sflag:s29], $0x800  }
0x66: {  	[sflag:s29] =	ssyncset.done $0x0  }
0x67: {  	s31 =	simm.s32 $0x2B00;
	[sflag:s29] =	ssyncadd.s32 $0xFFFFF800  }
0x68: {  	[spmem:s3] =	stream.indirect.scatter.add.f32 [tilespmem:s18], [sflag:$0x7], $0x10, s31, s16, $0xb8;
	[tilespmem:$0xCF00] =	vst v63  }
0x69: {  	_ =	swait.ge [sflag:s13], $0x800  }
0x6a: {  	[sflag:s13] =	ssyncset.done $0x0  }
0x6b: {  	s26 =	simm.s32 $0x600;
	[sflag:s13] =	ssyncadd.s32 $0xFFFFF800  }
0x6c: {  	[tilespmem:s17], [sflag:$0x1] =	stream.indirect.gather [spmem:s2], $0x10, s26, s16, $0xb8;
	[tilespmem:$0xCF00] =	vst v63  }
0x6d: {  	_ =	swait.ge [sflag:s1], $0x800  }
0x6e: {  	[sflag:s1] =	ssyncset.done $0x0  }
0x6f: {  	s31 =	simm.s32 $0x2B80;
	[sflag:s1] =	ssyncadd.s32 $0xFFFFF800  }
0x70: {  	[spmem:s3] =	stream.indirect.scatter.add.f32 [tilespmem:s20], [sflag:$0x7], $0x10, s31, s16, $0xb8;
	[tilespmem:$0xCF00] =	vst v63  }
0x71: {  	_ =	swait.ge [sflag:s13], $0x800  }
0x72: {  	[sflag:s13] =	ssyncset.done $0x0  }
0x73: {  	s26 =	simm.s32 $0x680;
	[sflag:s13] =	ssyncadd.s32 $0xFFFFF800  }
0x74: {  	[tilespmem:s18], [sflag:$0x2] =	stream.indirect.gather [spmem:s2], $0x10, s26, s16, $0xb8;
	[tilespmem:$0xCF00] =	vst v63  }
0x75: {  	_ =	swait.ge [sflag:s21], $0x800  }
0x76: {  	[sflag:s21] =	ssyncset.done $0x0  }
0x77: {  	s31 =	simm.s32 $0x2C00;
	[sflag:s21] =	ssyncadd.s32 $0xFFFFF800  }
0x78: {  	[spmem:s3] =	stream.indirect.scatter.add.f32 [tilespmem:s22], [sflag:$0x7], $0x10, s31, s16, $0xb8;
	[tilespmem:$0xCF00] =	vst v63  }
0x79: {  	_ =	swait.ge [sflag:s13], $0x800  }
0x7a: {  	[sflag:s13] =	ssyncset.done $0x0  }
0x7b: {  	s26 =	simm.s32 $0x700;
	[sflag:s13] =	ssyncadd.s32 $0xFFFFF800  }
0x7c: {  	[tilespmem:s20], [sflag:$0x3] =	stream.indirect.gather [spmem:s2], $0x10, s26, s16, $0xb8;
	[tilespmem:$0xCF00] =	vst v63  }
0x7d: {  	_ =	swait.ge [sflag:s30], $0x800  }
0x7e: {  	[sflag:s30] =	ssyncset.done $0x0  }
0x7f: {  	s31 =	simm.s32 $0x2C80;
	[sflag:s30] =	ssyncadd.s32 $0xFFFFF800  }
0x80: {  	[spmem:s3] =	stream.indirect.scatter.add.f32 [tilespmem:s24], [sflag:$0x7], $0x10, s31, s16, $0xb8;
	[tilespmem:$0xCF00] =	vst v63  }
0x81: {  	_ =	swait.ge [sflag:s13], $0x800  }
0x82: {  	[sflag:s13] =	ssyncset.done $0x0  }
0x83: {  	s26 =	simm.s32 $0x780;
	[sflag:s13] =	ssyncadd.s32 $0xFFFFF800  }
0x84: {  	[tilespmem:s22], [sflag:$0x4] =	stream.indirect.gather [spmem:s2], $0x10, s26, s16, $0xb8;
	[tilespmem:$0xCF00] =	vst v63  }
0x85: {  	_ =	swait.ge [sflag:s19], $0x800  }
0x86: {  	[sflag:s19] =	ssyncset.done $0x0  }
0x87: {  	s31 =	simm.s32 $0x2D00;
	[sflag:s19] =	ssyncadd.s32 $0xFFFFF800  }
0x88: {  	[spmem:s3] =	stream.indirect.scatter.add.f32 [tilespmem:s28], [sflag:$0x7], $0x10, s31, s16, $0xb8;
	[tilespmem:$0xCF00] =	vst v63  }
0x89: {  	_ =	swait.ge [sflag:s13], $0x800  }
0x8a: {  	[sflag:s13] =	ssyncset.done $0x0  }
0x8b: {  	s23 =	simm.s32 $0xC00;
	s26 =	simm.s32 $0x800;
	[sflag:s13] =	ssyncadd.s32 $0xFFFFF800  }
.LBB2_2:
0x8c: {  	[tilespmem:s24], [sflag:$0x5] =	stream.indirect.gather [spmem:s2], $0x10, s26, s16, $0xb8;
	[tilespmem:$0xCF00] =	vst v63  }
0x8d: {  	s26 =	smov.u32 s23  }
0x8e: {  	p0 =	sne.s32 s23, $0x7800;
	s23 =	sadd.s32 $0xC00, s23;
	_ =	swait.ge [sflag:s25], $0x800  }
0x8f: {  	s26 =	sshra.s32 s26, $0x2;
	[sflag:s25] =	ssyncset.done $0x0  }
0x90: {  	s31 =	sadd.s32 $0x2A80, s26;
	[sflag:s25] =	ssyncadd.s32 $0xFFFFF800  }
0x91: {  	[spmem:s3] =	stream.indirect.scatter.add.f32 [tilespmem:s17], [sflag:$0x7], $0x10, s31, s16, $0xb8;
	[tilespmem:$0xCF00] =	vst v63  }
0x92: {  	_ =	swait.ge [sflag:s13], $0x800  }
0x93: {  	[sflag:s13] =	ssyncset.done $0x0  }
0x94: {  	s31 =	sadd.s32 $0x580, s26;
	[sflag:s13] =	ssyncadd.s32 $0xFFFFF800  }
0x95: {  	[tilespmem:s28], [sflag:$0x6] =	stream.indirect.gather [spmem:s2], $0x10, s31, s16, $0xb8;
	[tilespmem:$0xCF00] =	vst v63  }
0x96: {  	_ =	swait.ge [sflag:s29], $0x800  }
0x97: {  	[sflag:s29] =	ssyncset.done $0x0  }
0x98: {  	s31 =	sadd.s32 $0x2B00, s26;
	[sflag:s29] =	ssyncadd.s32 $0xFFFFF800  }
0x99: {  	[spmem:s3] =	stream.indirect.scatter.add.f32 [tilespmem:s18], [sflag:$0x7], $0x10, s31, s16, $0xb8;
	[tilespmem:$0xCF00] =	vst v63  }
0x9a: {  	_ =	swait.ge [sflag:s13], $0x800  }
0x9b: {  	[sflag:s13] =	ssyncset.done $0x0  }
0x9c: {  	s31 =	sadd.s32 $0x600, s26;
	[sflag:s13] =	ssyncadd.s32 $0xFFFFF800  }
0x9d: {  	[tilespmem:s17], [sflag:$0x1] =	stream.indirect.gather [spmem:s2], $0x10, s31, s16, $0xb8;
	[tilespmem:$0xCF00] =	vst v63  }
0x9e: {  	_ =	swait.ge [sflag:s1], $0x800  }
0x9f: {  	[sflag:s1] =	ssyncset.done $0x0  }
0xa0: {  	s31 =	sadd.s32 $0x2B80, s26;
	[sflag:s1] =	ssyncadd.s32 $0xFFFFF800  }
0xa1: {  	[spmem:s3] =	stream.indirect.scatter.add.f32 [tilespmem:s20], [sflag:$0x7], $0x10, s31, s16, $0xb8;
	[tilespmem:$0xCF00] =	vst v63  }
0xa2: {  	_ =	swait.ge [sflag:s13], $0x800  }
0xa3: {  	[sflag:s13] =	ssyncset.done $0x0  }
0xa4: {  	s31 =	sadd.s32 $0x680, s26;
	[sflag:s13] =	ssyncadd.s32 $0xFFFFF800  }
0xa5: {  	[tilespmem:s18], [sflag:$0x2] =	stream.indirect.gather [spmem:s2], $0x10, s31, s16, $0xb8;
	[tilespmem:$0xCF00] =	vst v63  }
0xa6: {  	_ =	swait.ge [sflag:s21], $0x800  }
0xa7: {  	[sflag:s21] =	ssyncset.done $0x0  }
0xa8: {  	s31 =	sadd.s32 $0x2C00, s26;
	[sflag:s21] =	ssyncadd.s32 $0xFFFFF800  }
0xa9: {  	[spmem:s3] =	stream.indirect.scatter.add.f32 [tilespmem:s22], [sflag:$0x7], $0x10, s31, s16, $0xb8;
	[tilespmem:$0xCF00] =	vst v63  }
0xaa: {  	_ =	swait.ge [sflag:s13], $0x800  }
0xab: {  	[sflag:s13] =	ssyncset.done $0x0  }
0xac: {  	s31 =	sadd.s32 $0x700, s26;
	[sflag:s13] =	ssyncadd.s32 $0xFFFFF800  }
0xad: {  	[tilespmem:s20], [sflag:$0x3] =	stream.indirect.gather [spmem:s2], $0x10, s31, s16, $0xb8;
	[tilespmem:$0xCF00] =	vst v63  }
0xae: {  	_ =	swait.ge [sflag:s30], $0x800  }
0xaf: {  	[sflag:s30] =	ssyncset.done $0x0  }
0xb0: {  	s31 =	sadd.s32 $0x2C80, s26;
	[sflag:s30] =	ssyncadd.s32 $0xFFFFF800  }
0xb1: {  	[spmem:s3] =	stream.indirect.scatter.add.f32 [tilespmem:s24], [sflag:$0x7], $0x10, s31, s16, $0xb8;
	[tilespmem:$0xCF00] =	vst v63  }
0xb2: {  	_ =	swait.ge [sflag:s13], $0x800  }
0xb3: {  	[sflag:s13] =	ssyncset.done $0x0  }
0xb4: {  	s31 =	sadd.s32 $0x780, s26;
	[sflag:s13] =	ssyncadd.s32 $0xFFFFF800  }
0xb5: {  	[tilespmem:s22], [sflag:$0x4] =	stream.indirect.gather [spmem:s2], $0x10, s31, s16, $0xb8;
	[tilespmem:$0xCF00] =	vst v63  }
0xb6: {  	_ =	swait.ge [sflag:s19], $0x800  }
0xb7: {  	[sflag:s19] =	ssyncset.done $0x0  }
.Ltmp0:
0xb8: {  	s31 =	sadd.s32 $0x2D00, s26;
	[sflag:s19] =	ssyncadd.s32 $0xFFFFF800;
	(pc) =	sbr.rel @p0 .LBB2_2-.Ltmp0, $4  }
0xb9: {  	[spmem:s3] =	stream.indirect.scatter.add.f32 [tilespmem:s28], [sflag:$0x7], $0x10, s31, s16, $0xb8;
	[tilespmem:$0xCF00] =	vst v63  }
0xba: {  	_ =	swait.ge [sflag:s13], $0x800  }
0xbb: {  	[sflag:s13] =	ssyncset.done $0x0  }
0xbc: {  	s26 =	sadd.s32 $0x800, s26;
	[sflag:s13] =	ssyncadd.s32 $0xFFFFF800  }
0xbd: {  	[tilespmem:s24], [sflag:$0x5] =	stream.indirect.gather [spmem:s2], $0x10, s26, s16, $0xb8;
	[tilespmem:$0xCF00] =	vst v63  }
0xbe: {  	_ =	swait.ge [sflag:s25], $0x800  }
0xbf: {  	[sflag:s25] =	ssyncset.done $0x0  }
0xc0: {  	s23 =	simm.s32 $0x4B80;
	[sflag:s25] =	ssyncadd.s32 $0xFFFFF800  }
0xc1: {  	[spmem:s3] =	stream.indirect.scatter.add.f32 [tilespmem:s17], [sflag:$0x7], $0x10, s23, s16, $0xb8;
	[tilespmem:$0xCF00] =	vst v63  }
0xc2: {  	_ =	swait.ge [sflag:s13], $0x800  }
0xc3: {  	[sflag:s13] =	ssyncset.done $0x0  }
0xc4: {  	s26 =	simm.s32 $0x2680;
	[sflag:s13] =	ssyncadd.s32 $0xFFFFF800  }
0xc5: {  	[tilespmem:s28], [sflag:$0x6] =	stream.indirect.gather [spmem:s2], $0x10, s26, s16, $0xb8;
	[tilespmem:$0xCF00] =	vst v63  }
0xc6: {  	_ =	swait.ge [sflag:s29], $0x800  }
0xc7: {  	[sflag:s29] =	ssyncset.done $0x0  }
0xc8: {  	s31 =	simm.s32 $0x4C00;
	[sflag:s29] =	ssyncadd.s32 $0xFFFFF800  }
0xc9: {  	[spmem:s3] =	stream.indirect.scatter.add.f32 [tilespmem:s18], [sflag:$0x7], $0x10, s31, s16, $0xb8;
	[tilespmem:$0xCF00] =	vst v63  }
0xca: {  	_ =	swait.ge [sflag:s13], $0x800  }
0xcb: {  	[sflag:s13] =	ssyncset.done $0x0  }
0xcc: {  	s26 =	simm.s32 $0x2700;
	[sflag:s13] =	ssyncadd.s32 $0xFFFFF800  }
0xcd: {  	[tilespmem:s17], [sflag:$0x1] =	stream.indirect.gather [spmem:s2], $0x10, s26, s16, $0xb8;
	[tilespmem:$0xCF00] =	vst v63  }
0xce: {  	_ =	swait.ge [sflag:s1], $0x800  }
0xcf: {  	[sflag:s1] =	ssyncset.done $0x0  }
0xd0: {  	s31 =	simm.s32 $0x4C80;
	[sflag:s1] =	ssyncadd.s32 $0xFFFFF800  }
0xd1: {  	[spmem:s3] =	stream.indirect.scatter.add.f32 [tilespmem:s20], [sflag:$0x7], $0x10, s31, s16, $0xb8;
	[tilespmem:$0xCF00] =	vst v63  }
0xd2: {  	_ =	swait.ge [sflag:s13], $0x800  }
0xd3: {  	[sflag:s13] =	ssyncset.done $0x0  }
0xd4: {  	[sflag:s13] =	ssyncadd.s32 $0xFFFFF800  }
0xd5: {  	_ =	swait.ge [sflag:s21], $0x800  }
0xd6: {  	[sflag:s21] =	ssyncset.done $0x0  }
0xd7: {  	s26 =	simm.s32 $0x4D00;
	[sflag:s21] =	ssyncadd.s32 $0xFFFFF800  }
0xd8: {  	[spmem:s3] =	stream.indirect.scatter.add.f32 [tilespmem:s22], [sflag:$0x7], $0x10, s26, s16, $0xb8;
	[tilespmem:$0xCF00] =	vst v63  }
0xd9: {  	_ =	swait.ge [sflag:s13], $0x800  }
0xda: {  	[sflag:s13] =	ssyncset.done $0x0  }
0xdb: {  	[sflag:s13] =	ssyncadd.s32 $0xFFFFF800  }
0xdc: {  	_ =	swait.ge [sflag:s30], $0x800  }
0xdd: {  	[sflag:s30] =	ssyncset.done $0x0  }
0xde: {  	s31 =	simm.s32 $0x4D80;
	[sflag:s30] =	ssyncadd.s32 $0xFFFFF800  }
0xdf: {  	[spmem:s3] =	stream.indirect.scatter.add.f32 [tilespmem:s24], [sflag:$0x7], $0x10, s31, s16, $0xb8;
	[tilespmem:$0xCF00] =	vst v63  }
0xe0: {  	_ =	swait.ge [sflag:s13], $0x800  }
0xe1: {  	[sflag:s13] =	ssyncset.done $0x0  }
0xe2: {  	[sflag:s13] =	ssyncadd.s32 $0xFFFFF800  }
0xe3: {  	_ =	swait.ge [sflag:s19], $0x800  }
0xe4: {  	[sflag:s19] =	ssyncset.done $0x0  }
0xe5: {  	s26 =	simm.s32 $0x4E00;
	[sflag:s19] =	ssyncadd.s32 $0xFFFFF800  }
0xe6: {  	[spmem:s3] =	stream.indirect.scatter.add.f32 [tilespmem:s28], [sflag:$0x7], $0x10, s26, s16, $0xb8;
	[tilespmem:$0xCF00] =	vst v63  }
0xe7: {  	_ =	swait.ge [sflag:s13], $0x800  }
0xe8: {  	[sflag:s13] =	ssyncset.done $0x0  }
0xe9: {  	[sflag:s13] =	ssyncadd.s32 $0xFFFFF800  }
0xea: {  	_ =	swait.ge [sflag:s25], $0x800  }
0xeb: {  	[sflag:s25] =	ssyncset.done $0x0  }
0xec: {  	s31 =	simm.s32 $0x4E80;
	[sflag:s25] =	ssyncadd.s32 $0xFFFFF800  }
0xed: {  	[spmem:s3] =	stream.indirect.scatter.add.f32 [tilespmem:s17], [sflag:$0x7], $0x10, s31, s16, $0xb8;
	[tilespmem:$0xCF00] =	vst v63  }
0xee: {  	_ =	swait.ge [sflag:s13], $0x800  }
0xef: {  	s0 =	sadd.s32 $0x1, s0;
	[sflag:s13] =	ssyncset.done $0x0  }
0xf0: {  	p0 =	sne.s32 s0, s11;
	[sflag:s13] =	ssyncadd.s32 $0xFFFFF800  }
.Ltmp1:
0xf1: {  	[bflag:$0x0] =	sbarrier.arrive $0xFFFF;
	(pc) =	sbr.rel @p0 .LBB2_1-.Ltmp1, $4  }
0xf2: {  	[hbm:s10], [sflag:s6] =	dma.local [spmem:s14], $0x500  }
0xf3: {  	_ =	swait.ge [sflag:s13], $0x500  }
0xf4: {  	[sflag:s13] =	ssyncset.done $0x0  }
0xf5: {  	[sflag:s13] =	ssyncadd.s32 $0xFFFFFB00  }
0xf6: {  	_ =	sfence.sel $0x180000  }
0xf7: {  	[bflag:$0x0] =	sbarrier.arrive $0xFFFF  }
0xf8: {  	_ =	strace $0x90000050  }
0xf9: {  	s0 =	stileid.u32;
	[bflag:$0x2] =	sbarrier.arrive $0xFFFF  }
0xfa: {  	p0 =	sne.s32 s0, $0x0;
	s0 =	rddreg [dreg:$0x3]  }
0xfb: {  	s0 =	sadd.s32 @!p0 $0x100000, s0  }
0xfc: {  	[sflag:s0] =	ssyncadd.tile.s32 @!p0 $0x1;
	_ =	shalt  }
.Lfunc_end2:
_tile_overlayer_lowered:
.L_overlay_start_2:
0xfd: {  	(tag) =	ssettag $0x2  }
0xfe: {  	s0 =	rddreg [dreg:$0x0];
	s2 =	stileid.u32  }
0xff: {  	s1 =	rddreg [dreg:$0x1];
	p0 =	sne.s32 s2, $0x0  }
0x100: {  	s3 =	rddreg [dreg:$0x2];
	[bflag:$0x3] =	sbarrier.arrive $0xFFFF;
	s2 =	simm.s32 @!p0 $0x1C07  }
0x101: {  	[timem:s3], [sflag:s2] =	dma.local @!p0 [hbm:s0], s1  }
0x102: {  	s0 =	simm.s32 @!p0 $0x7  }
0x103: {  	_ =	swait.ge @!p0 [sflag:s0], s1  }
0x104: {  	s1 =	ssub.s32 @!p0 $0x0, s1;
	[sflag:s0] =	ssyncset.done @!p0 $0x0  }
0x105: {  	[sflag:s0] =	ssyncadd.s32 @!p0 s1  }
0x106: {  	[bflag:$0x3] =	sbarrier.arrive $0xFFFF  }
0x107: {  	_ =	shalt  }

</sc_bundles>
